<compile_context>
chip_gen: v7x
topology: tpu7x:2x2x1
jax: 0.10.2.dev20260603
libtpu: 0.0.44.dev20260713+nightly
codegen_flags: <defaults>
</compile_context>

<pallas_src>
import functools

import jax
import jax.numpy as jnp
from jax import lax
from jax.experimental import pallas as pl
from jax.experimental.pallas import tpu as pltpu
from jax.experimental.pallas import tpu_sc as plsc

_GRID = 24
_PADW = 26
_NB = 768
_NCOLS = 704
_NPTS = 16 * 2048
_NC, _NS = 2, 16
_NW = _NC * _NS
_PER = _NPTS // _NW
_SLAB = _PER * 4
_HW = 2 * _NB


def _sc_hist_kernel(x_hbm, y_hbm, w_hbm, out_hbm, xv, yv, wv, hist):
    wid = lax.axis_index("s") * _NC + lax.axis_index("c")
    base = wid * _PER
    pltpu.sync_copy(x_hbm.at[pl.ds(base, _PER)], xv)
    pltpu.sync_copy(y_hbm.at[pl.ds(base, _PER)], yv)
    pltpu.sync_copy(w_hbm.at[pl.ds(base, _PER)], wv)
    zero16 = jnp.zeros((16,), jnp.float32)
    for i in range(_HW // 16):
        hist[pl.ds(i * 16, 16)] = zero16
    for c in range(_PER // 16):
        x = xv[pl.ds(c * 16, 16)]
        y = yv[pl.ds(c * 16, 16)]
        w = wv[pl.ds(c * 16, 16)]
        cx = ((x + 3.0) * 4.0).astype(jnp.int32)
        cy = ((y + 3.0) * 4.0).astype(jnp.int32)
        m = (cx >= 0) & (cx < _GRID) & (cy >= 0) & (cy < _GRID)
        plane = jnp.where(w < 0.0, _NB, 0)
        s = jnp.where(m, cx * _PADW + cy + (_PADW + 1) + plane, 0)
        plsc.addupdate_scatter(hist, [s], jnp.abs(w), mask=m)
    pltpu.sync_copy(hist, out_hbm.at[wid])


def _sc_hist(vflat):
    mesh = plsc.VectorSubcoreMesh(core_axis_name="c", subcore_axis_name="s")
    k = functools.partial(
        pl.kernel,
        mesh=mesh,
        compiler_params=pltpu.CompilerParams(needs_layout_passes=False),
        out_type=jax.ShapeDtypeStruct((_NW, _HW), jnp.float32),
        scratch_types=[
            pltpu.VMEM((_PER,), jnp.float32),
            pltpu.VMEM((_PER,), jnp.float32),
            pltpu.VMEM((_PER,), jnp.float32),
            pltpu.VMEM((_HW,), jnp.float32),
        ],
    )(_sc_hist_kernel)
    return k(*vflat)




def _dense_body(part_ref, wt_ref, w1_ref, b1_ref, w2_ref, b2_ref,
                hw1_ref, hb1_ref, hw2_ref, hb2_ref, w3_ref, b3_ref,
                o_out):
    hip = lax.Precision.HIGHEST
    dfl = lax.Precision.DEFAULT
    f32 = jnp.float32
    hsum = jnp.sum(part_ref[...], axis=0, keepdims=True)
    hpos = hsum[:, :_NB]
    hneg = hsum[:, _NB:]
    wt = wt_ref[...]
    grid = (jnp.maximum(wt, 0.0) * hpos
            + jnp.maximum(-wt, 0.0) * hneg)

    acc1 = jnp.zeros((64, _NCOLS), f32)
    for k in range(9):
        d = (k // 3) * _PADW + (k % 3)
        acc1 = acc1 + jnp.dot(w1_ref[k], grid[:, d:d + _NCOLS],
                              preferred_element_type=f32, precision=dfl)
    jj = lax.broadcasted_iota(jnp.int32, (1, _NCOLS), 1)
    vm = ((jj % _PADW < _GRID) & (jj < _GRID * _PADW)).astype(f32)
    h1 = jnp.maximum(acc1 + b1_ref[...], 0.0) * vm
    gp2 = jnp.concatenate(
        [jnp.zeros((64, _PADW + 1), f32), h1,
         jnp.zeros((64, _NB - _NCOLS - _PADW - 1), f32)], axis=1)

    acc2 = jnp.zeros((32, _NCOLS), f32)
    for k in range(9):
        d = (k // 3) * _PADW + (k % 3)
        acc2 = acc2 + jnp.dot(w2_ref[k], gp2[:, d:d + _NCOLS],
                              preferred_element_type=f32, precision=dfl)
    h2 = jnp.maximum(acc2 + b2_ref[...], 0.0) * vm

    jr = lax.broadcasted_iota(jnp.int32, (_NCOLS, 36), 0)
    pc = lax.broadcasted_iota(jnp.int32, (_NCOLS, 36), 1)
    pt = jnp.where(((jr // (4 * _PADW)) * 6 + (jr % _PADW) // 4 == pc)
                   & (jr % _PADW < _GRID), 1.0 / 16.0, 0.0)
    pooled = jnp.dot(h2, pt,
                     preferred_element_type=f32, precision=hip)
    emb = jnp.concatenate([pooled[c:c + 1, :] for c in range(32)], axis=1)

    o128 = b3_ref[...]
    for i in range(4):
        a = jnp.maximum(jnp.dot(emb, hw1_ref[i],
                                preferred_element_type=f32, precision=dfl)
                        + hb1_ref[i], 0.0)
        a = jnp.maximum(jnp.dot(a, hw2_ref[i],
                                preferred_element_type=f32, precision=dfl)
                        + hb2_ref[i], 0.0)
        o128 = o128 + jnp.dot(a, w3_ref[i],
                              preferred_element_type=f32, precision=dfl)
    cix = lax.broadcasted_iota(jnp.int32, (1, 128), 1)
    o_out[...] = jnp.where((cix >= 14) & (cix < 16), jnp.tanh(o128), o128)

def _tc_dense(*args):
    return pl.pallas_call(
        _dense_body,
        out_shape=jax.ShapeDtypeStruct((1, 128), jnp.float32),
    )(*args)


def kernel(ventana, params):
    pts = ventana.reshape(-1, 4)
    part = _sc_hist((pts[:, 0], pts[:, 1], pts[:, 3]))

    wt = params["enc"][0].reshape(128, 1)
    w1s = params["conv1"][0].transpose(2, 3, 0, 1).reshape(9, 64, 128)
    b1 = params["conv1"][1].reshape(64, 1)
    w2s = params["conv2"][0].transpose(2, 3, 0, 1).reshape(9, 32, 64)
    b2 = params["conv2"][1].reshape(32, 1)

    hs = [params[name] for name in ("clf", "reg", "sin", "cos")]
    hw1 = jnp.stack([h[0][0] for h in hs])
    hb1 = jnp.stack([h[0][1] for h in hs]).reshape(4, 1, 128)
    hw2 = jnp.stack([h[1][0] for h in hs])
    hb2 = jnp.stack([h[1][1] for h in hs]).reshape(4, 1, 32)
    lohi = ((0, 8), (8, 14), (14, 15), (15, 16))
    w3 = jnp.stack([jnp.zeros((32, 128), jnp.float32).at[:, lo:hi].set(h[2][0])
                    for h, (lo, hi) in zip(hs, lohi)])
    b3 = jnp.zeros((1, 128), jnp.float32).at[:, 0:16].set(
        jnp.concatenate([h[2][1] for h in hs]).reshape(1, 16))

    o = _tc_dense(part, wt, w1s, b1, w2s, b2, hw1, hb1, hw2, hb2, w3, b3)
    return (o[:, 0:8], o[:, 8:14], o[:, 14:16])

# --- scband reference (transcript-rebuilt; emitter-appended) ---
"""Pipeline reference for scband-ptv3-deteccion-10041633538850 (READ-ONLY COPY).

The authoritative reference and input builder live on the scoring server;
editing this copy changes nothing except your own understanding.
"""

import jax, jax.numpy as jnp
import numpy as np

GRID = 24
RES = 0.25
HALF = GRID * RES / 2.0

def _lin(k, fin, fout):
    return (jax.random.normal(k, (fin, fout), dtype=jnp.float32) / np.sqrt(fin), jnp.zeros((fout,), dtype=jnp.float32))

def _conv(k, cout, cin):
    return (jax.random.normal(k, (cout, cin, 3, 3), dtype=jnp.float32) / np.sqrt(cin * 9.0), jnp.zeros((cout,), dtype=jnp.float32))

def _mlp(keys, dims):
    return [_lin(keys[i], dims[i], dims[i + 1]) for i in range(len(dims) - 1)]

def setup_inputs(seed: int = 0):
    key = jax.random.key(seed)
    ks = jax.random.split(key, 24)
    ventana = jax.random.normal(ks[0], (16, 2048, 4), dtype=jnp.float32)
    params = {
        "enc": _lin(ks[1], 1, 128),
        "conv1": _conv(ks[2], 64, 128),
        "conv2": _conv(ks[3], 32, 64),
        "clf": _mlp(ks[4:7], [1152, 128, 32, 8]),
        "reg": _mlp(ks[7:10], [1152, 128, 32, 6]),
        "sin": _mlp(ks[10:13], [1152, 128, 32, 1]),
        "cos": _mlp(ks[13:16], [1152, 128, 32, 1]),
    }
    return {"ventana": ventana, "params": params}

def _head(x, layers):
    h = x
    n = len(layers)
    for i, (W, b) in enumerate(layers):
        h = h @ W + b
        if i < n - 1:
            h = jax.nn.relu(h)
    return h

def reference(ventana, params):
    pts = ventana.reshape(-1, 4)
    coord = pts[:, :3]
    feat = jax.nn.relu(pts[:, 3:] @ params["enc"][0] + params["enc"][1])
    coord = jax.lax.stop_gradient(coord)
    feat = jax.lax.stop_gradient(feat)
    x = coord[:, 0]
    y = coord[:, 1]
    cx = ((x + HALF) / RES).astype(jnp.int32)
    cy = ((y + HALF) / RES).astype(jnp.int32)
    mask = (cx >= 0) & (cx < GRID) & (cy >= 0) & (cy < GRID)
    idx = jnp.where(mask, cx * GRID + cy, GRID * GRID)
    fm = jnp.where(mask[:, None], feat, 0.0)
    F = feat.shape[1]
    grid = jnp.zeros((F, GRID * GRID + 1), dtype=jnp.float32).at[:, idx].add(fm.T)
    grid = grid[:, : GRID * GRID].reshape(1, F, GRID, GRID)
    dn = ('NCHW', 'OIHW', 'NCHW')
    h = jax.lax.conv_general_dilated(grid, params["conv1"][0], (1, 1), 'SAME', dimension_numbers=dn) + params["conv1"][1][None, :, None, None]
    h = jax.nn.relu(h)
    h = jax.lax.conv_general_dilated(h, params["conv2"][0], (1, 1), 'SAME', dimension_numbers=dn) + params["conv2"][1][None, :, None, None]
    h = jax.nn.relu(h)
    h = h.reshape(1, 32, 6, 4, 6, 4).mean(axis=(3, 5))
    emb = h.reshape(1, -1)
    logits = _head(emb, params["clf"])
    reg_out = _head(emb, params["reg"])
    sin_out = jnp.tanh(_head(emb, params["sin"]))
    cos_out = jnp.tanh(_head(emb, params["cos"]))
    cyc_out = jnp.concatenate([sin_out, cos_out], axis=1)
    return (logits, reg_out, cyc_out)

if __name__ == "__main__":
    import jax
    _d = setup_inputs()
    print(jax.jit(kernel)(*tuple(_d.values())))

</pallas_src>

<mosaic_0001>
#map = affine_map<(d0, d1) -> (0)>
#map1 = affine_map<(d0, d1) -> (0, 0)>
module attributes {stable_mosaic.version = 14 : i64} {
  func.func @_sc_hist_kernel(%arg0: i32, %arg1: i32, %arg2: memref<32768xf32, #tpu.memory_space<hbm>>, %arg3: memref<32768xf32, #tpu.memory_space<hbm>>, %arg4: memref<32768xf32, #tpu.memory_space<hbm>>, %arg5: memref<32x1536xf32, #tpu.memory_space<hbm>>, %arg6: memref<1024xf32, #tpu.memory_space<vmem>>, %arg7: memref<1024xf32, #tpu.memory_space<vmem>>, %arg8: memref<1024xf32, #tpu.memory_space<vmem>>, %arg9: memref<1536xf32, #tpu.memory_space<vmem>>) attributes {dimension_semantics = [#tpu.dimension_semantics<core_parallel>, #tpu.dimension_semantics<subcore_parallel>], iteration_bounds = array<i64: 2, 16>, scalar_prefetch = 0 : i64, scratch_operands = 4 : i64, tpu.core_type = #tpu.core_type<sc_vector_subcore>, window_params = [{transform_indices = #map}, {transform_indices = #map}, {transform_indices = #map}, {transform_indices = #map1}]} {
    %mul3A = arith.constant 2 : i32
    %mul3A_0 = arith.muli %arg1, %mul3A : i32
    %add3A = arith.addi %mul3A_0, %arg0 : i32
    %mul3A_1 = arith.constant 1024 : i32
    %mul3A_2 = arith.muli %add3A, %mul3A_1 : i32
    "tpu.region"() ({
      %run_scoped3A = tpu.sem_alloc : memref<!tpu.dma_semaphore, #tpu.memory_space<semaphore_mem>>
      %dma_start3A = tpu.memref_slice %arg2[%mul3A_2] : memref<32768xf32, #tpu.memory_space<hbm>> -> memref<1024xf32, #tpu.memory_space<hbm>>
      %dma_start3A_3707 = tpu.memref_slice %arg2[%mul3A_2] : memref<32768xf32, #tpu.memory_space<hbm>> -> memref<1024xf32, #tpu.memory_space<hbm>>
      tpu.enqueue_dma source(%dma_start3A_3707 : memref<1024xf32, #tpu.memory_space<hbm>>) target(%arg6 : memref<1024xf32, #tpu.memory_space<vmem>>) target_semaphore(%run_scoped3A : memref<!tpu.dma_semaphore, #tpu.memory_space<semaphore_mem>>)
      %dma_wait3A = tpu.memref_slice %arg2[%mul3A_2] : memref<32768xf32, #tpu.memory_space<hbm>> -> memref<1024xf32, #tpu.memory_space<hbm>>
      %dma_wait3A_3708 = tpu.memref_slice %arg2[%mul3A_2] : memref<32768xf32, #tpu.memory_space<hbm>> -> memref<1024xf32, #tpu.memory_space<hbm>>
      tpu.wait_dma2 semaphore(%run_scoped3A : memref<!tpu.dma_semaphore, #tpu.memory_space<semaphore_mem>>) src(%dma_wait3A_3708 : memref<1024xf32, #tpu.memory_space<hbm>>) dst(%arg6 : memref<1024xf32, #tpu.memory_space<vmem>>)
      tpu.yield
    }) : () -> ()
    "tpu.region"() ({
      %run_scoped3A = tpu.sem_alloc : memref<!tpu.dma_semaphore, #tpu.memory_space<semaphore_mem>>
      %dma_start3A = tpu.memref_slice %arg3[%mul3A_2] : memref<32768xf32, #tpu.memory_space<hbm>> -> memref<1024xf32, #tpu.memory_space<hbm>>
      %dma_start3A_3707 = tpu.memref_slice %arg3[%mul3A_2] : memref<32768xf32, #tpu.memory_space<hbm>> -> memref<1024xf32, #tpu.memory_space<hbm>>
      tpu.enqueue_dma source(%dma_start3A_3707 : memref<1024xf32, #tpu.memory_space<hbm>>) target(%arg7 : memref<1024xf32, #tpu.memory_space<vmem>>) target_semaphore(%run_scoped3A : memref<!tpu.dma_semaphore, #tpu.memory_space<semaphore_mem>>)
      %dma_wait3A = tpu.memref_slice %arg3[%mul3A_2] : memref<32768xf32, #tpu.memory_space<hbm>> -> memref<1024xf32, #tpu.memory_space<hbm>>
      %dma_wait3A_3708 = tpu.memref_slice %arg3[%mul3A_2] : memref<32768xf32, #tpu.memory_space<hbm>> -> memref<1024xf32, #tpu.memory_space<hbm>>
      tpu.wait_dma2 semaphore(%run_scoped3A : memref<!tpu.dma_semaphore, #tpu.memory_space<semaphore_mem>>) src(%dma_wait3A_3708 : memref<1024xf32, #tpu.memory_space<hbm>>) dst(%arg7 : memref<1024xf32, #tpu.memory_space<vmem>>)
      tpu.yield
    }) : () -> ()
    "tpu.region"() ({
      %run_scoped3A = tpu.sem_alloc : memref<!tpu.dma_semaphore, #tpu.memory_space<semaphore_mem>>
      %dma_start3A = tpu.memref_slice %arg4[%mul3A_2] : memref<32768xf32, #tpu.memory_space<hbm>> -> memref<1024xf32, #tpu.memory_space<hbm>>
      %dma_start3A_3707 = tpu.memref_slice %arg4[%mul3A_2] : memref<32768xf32, #tpu.memory_space<hbm>> -> memref<1024xf32, #tpu.memory_space<hbm>>
      tpu.enqueue_dma source(%dma_start3A_3707 : memref<1024xf32, #tpu.memory_space<hbm>>) target(%arg8 : memref<1024xf32, #tpu.memory_space<vmem>>) target_semaphore(%run_scoped3A : memref<!tpu.dma_semaphore, #tpu.memory_space<semaphore_mem>>)
      %dma_wait3A = tpu.memref_slice %arg4[%mul3A_2] : memref<32768xf32, #tpu.memory_space<hbm>> -> memref<1024xf32, #tpu.memory_space<hbm>>
      %dma_wait3A_3708 = tpu.memref_slice %arg4[%mul3A_2] : memref<32768xf32, #tpu.memory_space<hbm>> -> memref<1024xf32, #tpu.memory_space<hbm>>
      tpu.wait_dma2 semaphore(%run_scoped3A : memref<!tpu.dma_semaphore, #tpu.memory_space<semaphore_mem>>) src(%dma_wait3A_3708 : memref<1024xf32, #tpu.memory_space<hbm>>) dst(%arg8 : memref<1024xf32, #tpu.memory_space<vmem>>)
      tpu.yield
    }) : () -> ()
    %broadcast_in_dim3A = arith.constant 0.000000e+00 : f32
    %broadcast_in_dim3A_3 = vector.broadcast %broadcast_in_dim3A : f32 to vector<16xf32>
    %swap3A = arith.constant 0 : index
    %swap3A_4 = tpu.vector_load %arg9[%swap3A] {strides = array<i32>} : memref<1536xf32, #tpu.memory_space<vmem>>, vector<16xf32>,
    tpu.vector_store %arg9[%swap3A], %broadcast_in_dim3A_3 {strides = array<i32>} : memref<1536xf32, #tpu.memory_space<vmem>>, vector<16xf32>,
    %swap3A_5 = arith.constant 16 : index
    %swap3A_6 = tpu.vector_load %arg9[%swap3A_5] {strides = array<i32>} : memref<1536xf32, #tpu.memory_space<vmem>>, vector<16xf32>,
    tpu.vector_store %arg9[%swap3A_5], %broadcast_in_dim3A_3 {strides = array<i32>} : memref<1536xf32, #tpu.memory_space<vmem>>, vector<16xf32>,
    %swap3A_7 = arith.constant 32 : index
    %swap3A_8 = tpu.vector_load %arg9[%swap3A_7] {strides = array<i32>} : memref<1536xf32, #tpu.memory_space<vmem>>, vector<16xf32>,
    tpu.vector_store %arg9[%swap3A_7], %broadcast_in_dim3A_3 {strides = array<i32>} : memref<1536xf32, #tpu.memory_space<vmem>>, vector<16xf32>,
    %swap3A_9 = arith.constant 48 : index
    %swap3A_10 = tpu.vector_load %arg9[%swap3A_9] {strides = array<i32>} : memref<1536xf32, #tpu.memory_space<vmem>>, vector<16xf32>,
    tpu.vector_store %arg9[%swap3A_9], %broadcast_in_dim3A_3 {strides = array<i32>} : memref<1536xf32, #tpu.memory_space<vmem>>, vector<16xf32>,
    %swap3A_11 = arith.constant 64 : index
    %swap3A_12 = tpu.vector_load %arg9[%swap3A_11] {strides = array<i32>} : memref<1536xf32, #tpu.memory_space<vmem>>, vector<16xf32>,
    tpu.vector_store %arg9[%swap3A_11], %broadcast_in_dim3A_3 {strides = array<i32>} : memref<1536xf32, #tpu.memory_space<vmem>>, vector<16xf32>,
    %swap3A_13 = arith.constant 80 : index
    %swap3A_14 = tpu.vector_load %arg9[%swap3A_13] {strides = array<i32>} : memref<1536xf32, #tpu.memory_space<vmem>>, vector<16xf32>,
    tpu.vector_store %arg9[%swap3A_13], %broadcast_in_dim3A_3 {strides = array<i32>} : memref<1536xf32, #tpu.memory_space<vmem>>, vector<16xf32>,
    %swap3A_15 = arith.constant 96 : index
    %swap3A_16 = tpu.vector_load %arg9[%swap3A_15] {strides = array<i32>} : memref<1536xf32, #tpu.memory_space<vmem>>, vector<16xf32>,
    tpu.vector_store %arg9[%swap3A_15], %broadcast_in_dim3A_3 {strides = array<i32>} : memref<1536xf32, #tpu.memory_space<vmem>>, vector<16xf32>,
    %swap3A_17 = arith.constant 112 : index
    %swap3A_18 = tpu.vector_load %arg9[%swap3A_17] {strides = array<i32>} : memref<1536xf32, #tpu.memory_space<vmem>>, vector<16xf32>,
    tpu.vector_store %arg9[%swap3A_17], %broadcast_in_dim3A_3 {strides = array<i32>} : memref<1536xf32, #tpu.memory_space<vmem>>, vector<16xf32>,
    %swap3A_19 = arith.constant 128 : index
    %swap3A_20 = tpu.vector_load %arg9[%swap3A_19] {strides = array<i32>} : memref<1536xf32, #tpu.memory_space<vmem>>, vector<16xf32>,
    tpu.vector_store %arg9[%swap3A_19], %broadcast_in_dim3A_3 {strides = array<i32>} : memref<1536xf32, #tpu.memory_space<vmem>>, vector<16xf32>,
    %swap3A_21 = arith.constant 144 : index
    %swap3A_22 = tpu.vector_load %arg9[%swap3A_21] {strides = array<i32>} : memref<1536xf32, #tpu.memory_space<vmem>>, vector<16xf32>,
    tpu.vector_store %arg9[%swap3A_21], %broadcast_in_dim3A_3 {strides = array<i32>} : memref<1536xf32, #tpu.memory_space<vmem>>, vector<16xf32>,
    %swap3A_23 = arith.constant 160 : index
    %swap3A_24 = tpu.vector_load %arg9[%swap3A_23] {strides = array<i32>} : memref<1536xf32, #tpu.memory_space<vmem>>, vector<16xf32>,
    tpu.vector_store %arg9[%swap3A_23], %broadcast_in_dim3A_3 {strides = array<i32>} : memref<1536xf32, #tpu.memory_space<vmem>>, vector<16xf32>,
    %swap3A_25 = arith.constant 176 : index
    %swap3A_26 = tpu.vector_load %arg9[%swap3A_25] {strides = array<i32>} : memref<1536xf32, #tpu.memory_space<vmem>>, vector<16xf32>,
    tpu.vector_store %arg9[%swap3A_25], %broadcast_in_dim3A_3 {strides = array<i32>} : memref<1536xf32, #tpu.memory_space<vmem>>, vector<16xf32>,
    %swap3A_27 = arith.constant 192 : index
    %swap3A_28 = tpu.vector_load %arg9[%swap3A_27] {strides = array<i32>} : memref<1536xf32, #tpu.memory_space<vmem>>, vector<16xf32>,
    tpu.vector_store %arg9[%swap3A_27], %broadcast_in_dim3A_3 {strides = array<i32>} : memref<1536xf32, #tpu.memory_space<vmem>>, vector<16xf32>,
    %swap3A_29 = arith.constant 208 : index
    %swap3A_30 = tpu.vector_load %arg9[%swap3A_29] {strides = array<i32>} : memref<1536xf32, #tpu.memory_space<vmem>>, vector<16xf32>,
    tpu.vector_store %arg9[%swap3A_29], %broadcast_in_dim3A_3 {strides = array<i32>} : memref<1536xf32, #tpu.memory_space<vmem>>, vector<16xf32>,
    %swap3A_31 = arith.constant 224 : index
    %swap3A_32 = tpu.vector_load %arg9[%swap3A_31] {strides = array<i32>} : memref<1536xf32, #tpu.memory_space<vmem>>, vector<16xf32>,
    tpu.vector_store %arg9[%swap3A_31], %broadcast_in_dim3A_3 {strides = array<i32>} : memref<1536xf32, #tpu.memory_space<vmem>>, vector<16xf32>,
    %swap3A_33 = arith.constant 240 : index
    %swap3A_34 = tpu.vector_load %arg9[%swap3A_33] {strides = array<i32>} : memref<1536xf32, #tpu.memory_space<vmem>>, vector<16xf32>,
    tpu.vector_store %arg9[%swap3A_33], %broadcast_in_dim3A_3 {strides = array<i32>} : memref<1536xf32, #tpu.memory_space<vmem>>, vector<16xf32>,
    %swap3A_35 = arith.constant 256 : index
    %swap3A_36 = tpu.vector_load %arg9[%swap3A_35] {strides = array<i32>} : memref<1536xf32, #tpu.memory_space<vmem>>, vector<16xf32>,
    tpu.vector_store %arg9[%swap3A_35], %broadcast_in_dim3A_3 {strides = array<i32>} : memref<1536xf32, #tpu.memory_space<vmem>>, vector<16xf32>,
    %swap3A_37 = arith.constant 272 : index
    %swap3A_38 = tpu.vector_load %arg9[%swap3A_37] {strides = array<i32>} : memref<1536xf32, #tpu.memory_space<vmem>>, vector<16xf32>,
    tpu.vector_store %arg9[%swap3A_37], %broadcast_in_dim3A_3 {strides = array<i32>} : memref<1536xf32, #tpu.memory_space<vmem>>, vector<16xf32>,
    %swap3A_39 = arith.constant 288 : index
    %swap3A_40 = tpu.vector_load %arg9[%swap3A_39] {strides = array<i32>} : memref<1536xf32, #tpu.memory_space<vmem>>, vector<16xf32>,
    tpu.vector_store %arg9[%swap3A_39], %broadcast_in_dim3A_3 {strides = array<i32>} : memref<1536xf32, #tpu.memory_space<vmem>>, vector<16xf32>,
    %swap3A_41 = arith.constant 304 : index
    %swap3A_42 = tpu.vector_load %arg9[%swap3A_41] {strides = array<i32>} : memref<1536xf32, #tpu.memory_space<vmem>>, vector<16xf32>,
    tpu.vector_store %arg9[%swap3A_41], %broadcast_in_dim3A_3 {strides = array<i32>} : memref<1536xf32, #tpu.memory_space<vmem>>, vector<16xf32>,
    %swap3A_43 = arith.constant 320 : index
    %swap3A_44 = tpu.vector_load %arg9[%swap3A_43] {strides = array<i32>} : memref<1536xf32, #tpu.memory_space<vmem>>, vector<16xf32>,
    tpu.vector_store %arg9[%swap3A_43], %broadcast_in_dim3A_3 {strides = array<i32>} : memref<1536xf32, #tpu.memory_space<vmem>>, vector<16xf32>,
    %swap3A_45 = arith.constant 336 : index
    %swap3A_46 = tpu.vector_load %arg9[%swap3A_45] {strides = array<i32>} : memref<1536xf32, #tpu.memory_space<vmem>>, vector<16xf32>,
    tpu.vector_store %arg9[%swap3A_45], %broadcast_in_dim3A_3 {strides = array<i32>} : memref<1536xf32, #tpu.memory_space<vmem>>, vector<16xf32>,
    %swap3A_47 = arith.constant 352 : index
    %swap3A_48 = tpu.vector_load %arg9[%swap3A_47] {strides = array<i32>} : memref<1536xf32, #tpu.memory_space<vmem>>, vector<16xf32>,
    tpu.vector_store %arg9[%swap3A_47], %broadcast_in_dim3A_3 {strides = array<i32>} : memref<1536xf32, #tpu.memory_space<vmem>>, vector<16xf32>,
    %swap3A_49 = arith.constant 368 : index
    %swap3A_50 = tpu.vector_load %arg9[%swap3A_49] {strides = array<i32>} : memref<1536xf32, #tpu.memory_space<vmem>>, vector<16xf32>,
    tpu.vector_store %arg9[%swap3A_49], %broadcast_in_dim3A_3 {strides = array<i32>} : memref<1536xf32, #tpu.memory_space<vmem>>, vector<16xf32>,
    %swap3A_51 = arith.constant 384 : index
    %swap3A_52 = tpu.vector_load %arg9[%swap3A_51] {strides = array<i32>} : memref<1536xf32, #tpu.memory_space<vmem>>, vector<16xf32>,
    tpu.vector_store %arg9[%swap3A_51], %broadcast_in_dim3A_3 {strides = array<i32>} : memref<1536xf32, #tpu.memory_space<vmem>>, vector<16xf32>,
    %swap3A_53 = arith.constant 400 : index
    %swap3A_54 = tpu.vector_load %arg9[%swap3A_53] {strides = array<i32>} : memref<1536xf32, #tpu.memory_space<vmem>>, vector<16xf32>,
    tpu.vector_store %arg9[%swap3A_53], %broadcast_in_dim3A_3 {strides = array<i32>} : memref<1536xf32, #tpu.memory_space<vmem>>, vector<16xf32>,
    %swap3A_55 = arith.constant 416 : index
    %swap3A_56 = tpu.vector_load %arg9[%swap3A_55] {strides = array<i32>} : memref<1536xf32, #tpu.memory_space<vmem>>, vector<16xf32>,
    tpu.vector_store %arg9[%swap3A_55], %broadcast_in_dim3A_3 {strides = array<i32>} : memref<1536xf32, #tpu.memory_space<vmem>>, vector<16xf32>,
    %swap3A_57 = arith.constant 432 : index
    %swap3A_58 = tpu.vector_load %arg9[%swap3A_57] {strides = array<i32>} : memref<1536xf32, #tpu.memory_space<vmem>>, vector<16xf32>,
    tpu.vector_store %arg9[%swap3A_57], %broadcast_in_dim3A_3 {strides = array<i32>} : memref<1536xf32, #tpu.memory_space<vmem>>, vector<16xf32>,
    %swap3A_59 = arith.constant 448 : index
    %swap3A_60 = tpu.vector_load %arg9[%swap3A_59] {strides = array<i32>} : memref<1536xf32, #tpu.memory_space<vmem>>, vector<16xf32>,
    tpu.vector_store %arg9[%swap3A_59], %broadcast_in_dim3A_3 {strides = array<i32>} : memref<1536xf32, #tpu.memory_space<vmem>>, vector<16xf32>,
    %swap3A_61 = arith.constant 464 : index
    %swap3A_62 = tpu.vector_load %arg9[%swap3A_61] {strides = array<i32>} : memref<1536xf32, #tpu.memory_space<vmem>>, vector<16xf32>,
    tpu.vector_store %arg9[%swap3A_61], %broadcast_in_dim3A_3 {strides = array<i32>} : memref<1536xf32, #tpu.memory_space<vmem>>, vector<16xf32>,
    %swap3A_63 = arith.constant 480 : index
    %swap3A_64 = tpu.vector_load %arg9[%swap3A_63] {strides = array<i32>} : memref<1536xf32, #tpu.memory_space<vmem>>, vector<16xf32>,
    tpu.vector_store %arg9[%swap3A_63], %broadcast_in_dim3A_3 {strides = array<i32>} : memref<1536xf32, #tpu.memory_space<vmem>>, vector<16xf32>,
    %swap3A_65 = arith.constant 496 : index
    %swap3A_66 = tpu.vector_load %arg9[%swap3A_65] {strides = array<i32>} : memref<1536xf32, #tpu.memory_space<vmem>>, vector<16xf32>,
    tpu.vector_store %arg9[%swap3A_65], %broadcast_in_dim3A_3 {strides = array<i32>} : memref<1536xf32, #tpu.memory_space<vmem>>, vector<16xf32>,
    %swap3A_67 = arith.constant 512 : index
    %swap3A_68 = tpu.vector_load %arg9[%swap3A_67] {strides = array<i32>} : memref<1536xf32, #tpu.memory_space<vmem>>, vector<16xf32>,
    tpu.vector_store %arg9[%swap3A_67], %broadcast_in_dim3A_3 {strides = array<i32>} : memref<1536xf32, #tpu.memory_space<vmem>>, vector<16xf32>,
    %swap3A_69 = arith.constant 528 : index
    %swap3A_70 = tpu.vector_load %arg9[%swap3A_69] {strides = array<i32>} : memref<1536xf32, #tpu.memory_space<vmem>>, vector<16xf32>,
    tpu.vector_store %arg9[%swap3A_69], %broadcast_in_dim3A_3 {strides = array<i32>} : memref<1536xf32, #tpu.memory_space<vmem>>, vector<16xf32>,
    %swap3A_71 = arith.constant 544 : index
    %swap3A_72 = tpu.vector_load %arg9[%swap3A_71] {strides = array<i32>} : memref<1536xf32, #tpu.memory_space<vmem>>, vector<16xf32>,
    tpu.vector_store %arg9[%swap3A_71], %broadcast_in_dim3A_3 {strides = array<i32>} : memref<1536xf32, #tpu.memory_space<vmem>>, vector<16xf32>,
    %swap3A_73 = arith.constant 560 : index
    %swap3A_74 = tpu.vector_load %arg9[%swap3A_73] {strides = array<i32>} : memref<1536xf32, #tpu.memory_space<vmem>>, vector<16xf32>,
    tpu.vector_store %arg9[%swap3A_73], %broadcast_in_dim3A_3 {strides = array<i32>} : memref<1536xf32, #tpu.memory_space<vmem>>, vector<16xf32>,
    %swap3A_75 = arith.constant 576 : index
    %swap3A_76 = tpu.vector_load %arg9[%swap3A_75] {strides = array<i32>} : memref<1536xf32, #tpu.memory_space<vmem>>, vector<16xf32>,
    tpu.vector_store %arg9[%swap3A_75], %broadcast_in_dim3A_3 {strides = array<i32>} : memref<1536xf32, #tpu.memory_space<vmem>>, vector<16xf32>,
    %swap3A_77 = arith.constant 592 : index
    %swap3A_78 = tpu.vector_load %arg9[%swap3A_77] {strides = array<i32>} : memref<1536xf32, #tpu.memory_space<vmem>>, vector<16xf32>,
    tpu.vector_store %arg9[%swap3A_77], %broadcast_in_dim3A_3 {strides = array<i32>} : memref<1536xf32, #tpu.memory_space<vmem>>, vector<16xf32>,
    %swap3A_79 = arith.constant 608 : index
    %swap3A_80 = tpu.vector_load %arg9[%swap3A_79] {strides = array<i32>} : memref<1536xf32, #tpu.memory_space<vmem>>, vector<16xf32>,
    tpu.vector_store %arg9[%swap3A_79], %broadcast_in_dim3A_3 {strides = array<i32>} : memref<1536xf32, #tpu.memory_space<vmem>>, vector<16xf32>,
    %swap3A_81 = arith.constant 624 : index
    %swap3A_82 = tpu.vector_load %arg9[%swap3A_81] {strides = array<i32>} : memref<1536xf32, #tpu.memory_space<vmem>>, vector<16xf32>,
    tpu.vector_store %arg9[%swap3A_81], %broadcast_in_dim3A_3 {strides = array<i32>} : memref<1536xf32, #tpu.memory_space<vmem>>, vector<16xf32>,
    %swap3A_83 = arith.constant 640 : index
    %swap3A_84 = tpu.vector_load %arg9[%swap3A_83] {strides = array<i32>} : memref<1536xf32, #tpu.memory_space<vmem>>, vector<16xf32>,
    tpu.vector_store %arg9[%swap3A_83], %broadcast_in_dim3A_3 {strides = array<i32>} : memref<1536xf32, #tpu.memory_space<vmem>>, vector<16xf32>,
    %swap3A_85 = arith.constant 656 : index
    %swap3A_86 = tpu.vector_load %arg9[%swap3A_85] {strides = array<i32>} : memref<1536xf32, #tpu.memory_space<vmem>>, vector<16xf32>,
    tpu.vector_store %arg9[%swap3A_85], %broadcast_in_dim3A_3 {strides = array<i32>} : memref<1536xf32, #tpu.memory_space<vmem>>, vector<16xf32>,
    %swap3A_87 = arith.constant 672 : index
    %swap3A_88 = tpu.vector_load %arg9[%swap3A_87] {strides = array<i32>} : memref<1536xf32, #tpu.memory_space<vmem>>, vector<16xf32>,
    tpu.vector_store %arg9[%swap3A_87], %broadcast_in_dim3A_3 {strides = array<i32>} : memref<1536xf32, #tpu.memory_space<vmem>>, vector<16xf32>,
    %swap3A_89 = arith.constant 688 : index
    %swap3A_90 = tpu.vector_load %arg9[%swap3A_89] {strides = array<i32>} : memref<1536xf32, #tpu.memory_space<vmem>>, vector<16xf32>,
    tpu.vector_store %arg9[%swap3A_89], %broadcast_in_dim3A_3 {strides = array<i32>} : memref<1536xf32, #tpu.memory_space<vmem>>, vector<16xf32>,
    %swap3A_91 = arith.constant 704 : index
    %swap3A_92 = tpu.vector_load %arg9[%swap3A_91] {strides = array<i32>} : memref<1536xf32, #tpu.memory_space<vmem>>, vector<16xf32>,
    tpu.vector_store %arg9[%swap3A_91], %broadcast_in_dim3A_3 {strides = array<i32>} : memref<1536xf32, #tpu.memory_space<vmem>>, vector<16xf32>,
    %swap3A_93 = arith.constant 720 : index
    %swap3A_94 = tpu.vector_load %arg9[%swap3A_93] {strides = array<i32>} : memref<1536xf32, #tpu.memory_space<vmem>>, vector<16xf32>,
    tpu.vector_store %arg9[%swap3A_93], %broadcast_in_dim3A_3 {strides = array<i32>} : memref<1536xf32, #tpu.memory_space<vmem>>, vector<16xf32>,
    %swap3A_95 = arith.constant 736 : index
    %swap3A_96 = tpu.vector_load %arg9[%swap3A_95] {strides = array<i32>} : memref<1536xf32, #tpu.memory_space<vmem>>, vector<16xf32>,
    tpu.vector_store %arg9[%swap3A_95], %broadcast_in_dim3A_3 {strides = array<i32>} : memref<1536xf32, #tpu.memory_space<vmem>>, vector<16xf32>,
    %swap3A_97 = arith.constant 752 : index
    %swap3A_98 = tpu.vector_load %arg9[%swap3A_97] {strides = array<i32>} : memref<1536xf32, #tpu.memory_space<vmem>>, vector<16xf32>,
    tpu.vector_store %arg9[%swap3A_97], %broadcast_in_dim3A_3 {strides = array<i32>} : memref<1536xf32, #tpu.memory_space<vmem>>, vector<16xf32>,
    %swap3A_99 = arith.constant 768 : index
    %swap3A_100 = tpu.vector_load %arg9[%swap3A_99] {strides = array<i32>} : memref<1536xf32, #tpu.memory_space<vmem>>, vector<16xf32>,
    tpu.vector_store %arg9[%swap3A_99], %broadcast_in_dim3A_3 {strides = array<i32>} : memref<1536xf32, #tpu.memory_space<vmem>>, vector<16xf32>,
    %swap3A_101 = arith.constant 784 : index
    %swap3A_102 = tpu.vector_load %arg9[%swap3A_101] {strides = array<i32>} : memref<1536xf32, #tpu.memory_space<vmem>>, vector<16xf32>,
    tpu.vector_store %arg9[%swap3A_101], %broadcast_in_dim3A_3 {strides = array<i32>} : memref<1536xf32, #tpu.memory_space<vmem>>, vector<16xf32>,
    %swap3A_103 = arith.constant 800 : index
    %swap3A_104 = tpu.vector_load %arg9[%swap3A_103] {strides = array<i32>} : memref<1536xf32, #tpu.memory_space<vmem>>, vector<16xf32>,
    tpu.vector_store %arg9[%swap3A_103], %broadcast_in_dim3A_3 {strides = array<i32>} : memref<1536xf32, #tpu.memory_space<vmem>>, vector<16xf32>,
    %swap3A_105 = arith.constant 816 : index
    %swap3A_106 = tpu.vector_load %arg9[%swap3A_105] {strides = array<i32>} : memref<1536xf32, #tpu.memory_space<vmem>>, vector<16xf32>,
    tpu.vector_store %arg9[%swap3A_105], %broadcast_in_dim3A_3 {strides = array<i32>} : memref<1536xf32, #tpu.memory_space<vmem>>, vector<16xf32>,
    %swap3A_107 = arith.constant 832 : index
    %swap3A_108 = tpu.vector_load %arg9[%swap3A_107] {strides = array<i32>} : memref<1536xf32, #tpu.memory_space<vmem>>, vector<16xf32>,
    tpu.vector_store %arg9[%swap3A_107], %broadcast_in_dim3A_3 {strides = array<i32>} : memref<1536xf32, #tpu.memory_space<vmem>>, vector<16xf32>,
    %swap3A_109 = arith.constant 848 : index
    %swap3A_110 = tpu.vector_load %arg9[%swap3A_109] {strides = array<i32>} : memref<1536xf32, #tpu.memory_space<vmem>>, vector<16xf32>,
    tpu.vector_store %arg9[%swap3A_109], %broadcast_in_dim3A_3 {strides = array<i32>} : memref<1536xf32, #tpu.memory_space<vmem>>, vector<16xf32>,
    %swap3A_111 = arith.constant 864 : index
    %swap3A_112 = tpu.vector_load %arg9[%swap3A_111] {strides = array<i32>} : memref<1536xf32, #tpu.memory_space<vmem>>, vector<16xf32>,
    tpu.vector_store %arg9[%swap3A_111], %broadcast_in_dim3A_3 {strides = array<i32>} : memref<1536xf32, #tpu.memory_space<vmem>>, vector<16xf32>,
    %swap3A_113 = arith.constant 880 : index
    %swap3A_114 = tpu.vector_load %arg9[%swap3A_113] {strides = array<i32>} : memref<1536xf32, #tpu.memory_space<vmem>>, vector<16xf32>,
    tpu.vector_store %arg9[%swap3A_113], %broadcast_in_dim3A_3 {strides = array<i32>} : memref<1536xf32, #tpu.memory_space<vmem>>, vector<16xf32>,
    %swap3A_115 = arith.constant 896 : index
    %swap3A_116 = tpu.vector_load %arg9[%swap3A_115] {strides = array<i32>} : memref<1536xf32, #tpu.memory_space<vmem>>, vector<16xf32>,
    tpu.vector_store %arg9[%swap3A_115], %broadcast_in_dim3A_3 {strides = array<i32>} : memref<1536xf32, #tpu.memory_space<vmem>>, vector<16xf32>,
    %swap3A_117 = arith.constant 912 : index
    %swap3A_118 = tpu.vector_load %arg9[%swap3A_117] {strides = array<i32>} : memref<1536xf32, #tpu.memory_space<vmem>>, vector<16xf32>,
    tpu.vector_store %arg9[%swap3A_117], %broadcast_in_dim3A_3 {strides = array<i32>} : memref<1536xf32, #tpu.memory_space<vmem>>, vector<16xf32>,
    %swap3A_119 = arith.constant 928 : index
    %swap3A_120 = tpu.vector_load %arg9[%swap3A_119] {strides = array<i32>} : memref<1536xf32, #tpu.memory_space<vmem>>, vector<16xf32>,
    tpu.vector_store %arg9[%swap3A_119], %broadcast_in_dim3A_3 {strides = array<i32>} : memref<1536xf32, #tpu.memory_space<vmem>>, vector<16xf32>,
    %swap3A_121 = arith.constant 944 : index
    %swap3A_122 = tpu.vector_load %arg9[%swap3A_121] {strides = array<i32>} : memref<1536xf32, #tpu.memory_space<vmem>>, vector<16xf32>,
    tpu.vector_store %arg9[%swap3A_121], %broadcast_in_dim3A_3 {strides = array<i32>} : memref<1536xf32, #tpu.memory_space<vmem>>, vector<16xf32>,
    %swap3A_123 = arith.constant 960 : index
    %swap3A_124 = tpu.vector_load %arg9[%swap3A_123] {strides = array<i32>} : memref<1536xf32, #tpu.memory_space<vmem>>, vector<16xf32>,
    tpu.vector_store %arg9[%swap3A_123], %broadcast_in_dim3A_3 {strides = array<i32>} : memref<1536xf32, #tpu.memory_space<vmem>>, vector<16xf32>,
    %swap3A_125 = arith.constant 976 : index
    %swap3A_126 = tpu.vector_load %arg9[%swap3A_125] {strides = array<i32>} : memref<1536xf32, #tpu.memory_space<vmem>>, vector<16xf32>,
    tpu.vector_store %arg9[%swap3A_125], %broadcast_in_dim3A_3 {strides = array<i32>} : memref<1536xf32, #tpu.memory_space<vmem>>, vector<16xf32>,
    %swap3A_127 = arith.constant 992 : index
    %swap3A_128 = tpu.vector_load %arg9[%swap3A_127] {strides = array<i32>} : memref<1536xf32, #tpu.memory_space<vmem>>, vector<16xf32>,
    tpu.vector_store %arg9[%swap3A_127], %broadcast_in_dim3A_3 {strides = array<i32>} : memref<1536xf32, #tpu.memory_space<vmem>>, vector<16xf32>,
    %swap3A_129 = arith.constant 1008 : index
    %swap3A_130 = tpu.vector_load %arg9[%swap3A_129] {strides = array<i32>} : memref<1536xf32, #tpu.memory_space<vmem>>, vector<16xf32>,
    tpu.vector_store %arg9[%swap3A_129], %broadcast_in_dim3A_3 {strides = array<i32>} : memref<1536xf32, #tpu.memory_space<vmem>>, vector<16xf32>,
    %swap3A_131 = arith.constant 1024 : index
    %swap3A_132 = tpu.vector_load %arg9[%swap3A_131] {strides = array<i32>} : memref<1536xf32, #tpu.memory_space<vmem>>, vector<16xf32>,
    tpu.vector_store %arg9[%swap3A_131], %broadcast_in_dim3A_3 {strides = array<i32>} : memref<1536xf32, #tpu.memory_space<vmem>>, vector<16xf32>,
    %swap3A_133 = arith.constant 1040 : index
    %swap3A_134 = tpu.vector_load %arg9[%swap3A_133] {strides = array<i32>} : memref<1536xf32, #tpu.memory_space<vmem>>, vector<16xf32>,
    tpu.vector_store %arg9[%swap3A_133], %broadcast_in_dim3A_3 {strides = array<i32>} : memref<1536xf32, #tpu.memory_space<vmem>>, vector<16xf32>,
    %swap3A_135 = arith.constant 1056 : index
    %swap3A_136 = tpu.vector_load %arg9[%swap3A_135] {strides = array<i32>} : memref<1536xf32, #tpu.memory_space<vmem>>, vector<16xf32>,
    tpu.vector_store %arg9[%swap3A_135], %broadcast_in_dim3A_3 {strides = array<i32>} : memref<1536xf32, #tpu.memory_space<vmem>>, vector<16xf32>,
    %swap3A_137 = arith.constant 1072 : index
    %swap3A_138 = tpu.vector_load %arg9[%swap3A_137] {strides = array<i32>} : memref<1536xf32, #tpu.memory_space<vmem>>, vector<16xf32>,
    tpu.vector_store %arg9[%swap3A_137], %broadcast_in_dim3A_3 {strides = array<i32>} : memref<1536xf32, #tpu.memory_space<vmem>>, vector<16xf32>,
    %swap3A_139 = arith.constant 1088 : index
    %swap3A_140 = tpu.vector_load %arg9[%swap3A_139] {strides = array<i32>} : memref<1536xf32, #tpu.memory_space<vmem>>, vector<16xf32>,
    tpu.vector_store %arg9[%swap3A_139], %broadcast_in_dim3A_3 {strides = array<i32>} : memref<1536xf32, #tpu.memory_space<vmem>>, vector<16xf32>,
    %swap3A_141 = arith.constant 1104 : index
    %swap3A_142 = tpu.vector_load %arg9[%swap3A_141] {strides = array<i32>} : memref<1536xf32, #tpu.memory_space<vmem>>, vector<16xf32>,
    tpu.vector_store %arg9[%swap3A_141], %broadcast_in_dim3A_3 {strides = array<i32>} : memref<1536xf32, #tpu.memory_space<vmem>>, vector<16xf32>,
    %swap3A_143 = arith.constant 1120 : index
    %swap3A_144 = tpu.vector_load %arg9[%swap3A_143] {strides = array<i32>} : memref<1536xf32, #tpu.memory_space<vmem>>, vector<16xf32>,
    tpu.vector_store %arg9[%swap3A_143], %broadcast_in_dim3A_3 {strides = array<i32>} : memref<1536xf32, #tpu.memory_space<vmem>>, vector<16xf32>,
    %swap3A_145 = arith.constant 1136 : index
    %swap3A_146 = tpu.vector_load %arg9[%swap3A_145] {strides = array<i32>} : memref<1536xf32, #tpu.memory_space<vmem>>, vector<16xf32>,
    tpu.vector_store %arg9[%swap3A_145], %broadcast_in_dim3A_3 {strides = array<i32>} : memref<1536xf32, #tpu.memory_space<vmem>>, vector<16xf32>,
    %swap3A_147 = arith.constant 1152 : index
    %swap3A_148 = tpu.vector_load %arg9[%swap3A_147] {strides = array<i32>} : memref<1536xf32, #tpu.memory_space<vmem>>, vector<16xf32>,
    tpu.vector_store %arg9[%swap3A_147], %broadcast_in_dim3A_3 {strides = array<i32>} : memref<1536xf32, #tpu.memory_space<vmem>>, vector<16xf32>,
    %swap3A_149 = arith.constant 1168 : index
    %swap3A_150 = tpu.vector_load %arg9[%swap3A_149] {strides = array<i32>} : memref<1536xf32, #tpu.memory_space<vmem>>, vector<16xf32>,
    tpu.vector_store %arg9[%swap3A_149], %broadcast_in_dim3A_3 {strides = array<i32>} : memref<1536xf32, #tpu.memory_space<vmem>>, vector<16xf32>,
    %swap3A_151 = arith.constant 1184 : index
    %swap3A_152 = tpu.vector_load %arg9[%swap3A_151] {strides = array<i32>} : memref<1536xf32, #tpu.memory_space<vmem>>, vector<16xf32>,
    tpu.vector_store %arg9[%swap3A_151], %broadcast_in_dim3A_3 {strides = array<i32>} : memref<1536xf32, #tpu.memory_space<vmem>>, vector<16xf32>,
    %swap3A_153 = arith.constant 1200 : index
    %swap3A_154 = tpu.vector_load %arg9[%swap3A_153] {strides = array<i32>} : memref<1536xf32, #tpu.memory_space<vmem>>, vector<16xf32>,
    tpu.vector_store %arg9[%swap3A_153], %broadcast_in_dim3A_3 {strides = array<i32>} : memref<1536xf32, #tpu.memory_space<vmem>>, vector<16xf32>,
    %swap3A_155 = arith.constant 1216 : index
    %swap3A_156 = tpu.vector_load %arg9[%swap3A_155] {strides = array<i32>} : memref<1536xf32, #tpu.memory_space<vmem>>, vector<16xf32>,
    tpu.vector_store %arg9[%swap3A_155], %broadcast_in_dim3A_3 {strides = array<i32>} : memref<1536xf32, #tpu.memory_space<vmem>>, vector<16xf32>,
    %swap3A_157 = arith.constant 1232 : index
    %swap3A_158 = tpu.vector_load %arg9[%swap3A_157] {strides = array<i32>} : memref<1536xf32, #tpu.memory_space<vmem>>, vector<16xf32>,
    tpu.vector_store %arg9[%swap3A_157], %broadcast_in_dim3A_3 {strides = array<i32>} : memref<1536xf32, #tpu.memory_space<vmem>>, vector<16xf32>,
    %swap3A_159 = arith.constant 1248 : index
    %swap3A_160 = tpu.vector_load %arg9[%swap3A_159] {strides = array<i32>} : memref<1536xf32, #tpu.memory_space<vmem>>, vector<16xf32>,
    tpu.vector_store %arg9[%swap3A_159], %broadcast_in_dim3A_3 {strides = array<i32>} : memref<1536xf32, #tpu.memory_space<vmem>>, vector<16xf32>,
    %swap3A_161 = arith.constant 1264 : index
    %swap3A_162 = tpu.vector_load %arg9[%swap3A_161] {strides = array<i32>} : memref<1536xf32, #tpu.memory_space<vmem>>, vector<16xf32>,
    tpu.vector_store %arg9[%swap3A_161], %broadcast_in_dim3A_3 {strides = array<i32>} : memref<1536xf32, #tpu.memory_space<vmem>>, vector<16xf32>,
    %swap3A_163 = arith.constant 1280 : index
    %swap3A_164 = tpu.vector_load %arg9[%swap3A_163] {strides = array<i32>} : memref<1536xf32, #tpu.memory_space<vmem>>, vector<16xf32>,
    tpu.vector_store %arg9[%swap3A_163], %broadcast_in_dim3A_3 {strides = array<i32>} : memref<1536xf32, #tpu.memory_space<vmem>>, vector<16xf32>,
    %swap3A_165 = arith.constant 1296 : index
    %swap3A_166 = tpu.vector_load %arg9[%swap3A_165] {strides = array<i32>} : memref<1536xf32, #tpu.memory_space<vmem>>, vector<16xf32>,
    tpu.vector_store %arg9[%swap3A_165], %broadcast_in_dim3A_3 {strides = array<i32>} : memref<1536xf32, #tpu.memory_space<vmem>>, vector<16xf32>,
    %swap3A_167 = arith.constant 1312 : index
    %swap3A_168 = tpu.vector_load %arg9[%swap3A_167] {strides = array<i32>} : memref<1536xf32, #tpu.memory_space<vmem>>, vector<16xf32>,
    tpu.vector_store %arg9[%swap3A_167], %broadcast_in_dim3A_3 {strides = array<i32>} : memref<1536xf32, #tpu.memory_space<vmem>>, vector<16xf32>,
    %swap3A_169 = arith.constant 1328 : index
    %swap3A_170 = tpu.vector_load %arg9[%swap3A_169] {strides = array<i32>} : memref<1536xf32, #tpu.memory_space<vmem>>, vector<16xf32>,
    tpu.vector_store %arg9[%swap3A_169], %broadcast_in_dim3A_3 {strides = array<i32>} : memref<1536xf32, #tpu.memory_space<vmem>>, vector<16xf32>,
    %swap3A_171 = arith.constant 1344 : index
    %swap3A_172 = tpu.vector_load %arg9[%swap3A_171] {strides = array<i32>} : memref<1536xf32, #tpu.memory_space<vmem>>, vector<16xf32>,
    tpu.vector_store %arg9[%swap3A_171], %broadcast_in_dim3A_3 {strides = array<i32>} : memref<1536xf32, #tpu.memory_space<vmem>>, vector<16xf32>,
    %swap3A_173 = arith.constant 1360 : index
    %swap3A_174 = tpu.vector_load %arg9[%swap3A_173] {strides = array<i32>} : memref<1536xf32, #tpu.memory_space<vmem>>, vector<16xf32>,
    tpu.vector_store %arg9[%swap3A_173], %broadcast_in_dim3A_3 {strides = array<i32>} : memref<1536xf32, #tpu.memory_space<vmem>>, vector<16xf32>,
    %swap3A_175 = arith.constant 1376 : index
    %swap3A_176 = tpu.vector_load %arg9[%swap3A_175] {strides = array<i32>} : memref<1536xf32, #tpu.memory_space<vmem>>, vector<16xf32>,
    tpu.vector_store %arg9[%swap3A_175], %broadcast_in_dim3A_3 {strides = array<i32>} : memref<1536xf32, #tpu.memory_space<vmem>>, vector<16xf32>,
    %swap3A_177 = arith.constant 1392 : index
    %swap3A_178 = tpu.vector_load %arg9[%swap3A_177] {strides = array<i32>} : memref<1536xf32, #tpu.memory_space<vmem>>, vector<16xf32>,
    tpu.vector_store %arg9[%swap3A_177], %broadcast_in_dim3A_3 {strides = array<i32>} : memref<1536xf32, #tpu.memory_space<vmem>>, vector<16xf32>,
    %swap3A_179 = arith.constant 1408 : index
    %swap3A_180 = tpu.vector_load %arg9[%swap3A_179] {strides = array<i32>} : memref<1536xf32, #tpu.memory_space<vmem>>, vector<16xf32>,
    tpu.vector_store %arg9[%swap3A_179], %broadcast_in_dim3A_3 {strides = array<i32>} : memref<1536xf32, #tpu.memory_space<vmem>>, vector<16xf32>,
    %swap3A_181 = arith.constant 1424 : index
    %swap3A_182 = tpu.vector_load %arg9[%swap3A_181] {strides = array<i32>} : memref<1536xf32, #tpu.memory_space<vmem>>, vector<16xf32>,
    tpu.vector_store %arg9[%swap3A_181], %broadcast_in_dim3A_3 {strides = array<i32>} : memref<1536xf32, #tpu.memory_space<vmem>>, vector<16xf32>,
    %swap3A_183 = arith.constant 1440 : index
    %swap3A_184 = tpu.vector_load %arg9[%swap3A_183] {strides = array<i32>} : memref<1536xf32, #tpu.memory_space<vmem>>, vector<16xf32>,
    tpu.vector_store %arg9[%swap3A_183], %broadcast_in_dim3A_3 {strides = array<i32>} : memref<1536xf32, #tpu.memory_space<vmem>>, vector<16xf32>,
    %swap3A_185 = arith.constant 1456 : index
    %swap3A_186 = tpu.vector_load %arg9[%swap3A_185] {strides = array<i32>} : memref<1536xf32, #tpu.memory_space<vmem>>, vector<16xf32>,
    tpu.vector_store %arg9[%swap3A_185], %broadcast_in_dim3A_3 {strides = array<i32>} : memref<1536xf32, #tpu.memory_space<vmem>>, vector<16xf32>,
    %swap3A_187 = arith.constant 1472 : index
    %swap3A_188 = tpu.vector_load %arg9[%swap3A_187] {strides = array<i32>} : memref<1536xf32, #tpu.memory_space<vmem>>, vector<16xf32>,
    tpu.vector_store %arg9[%swap3A_187], %broadcast_in_dim3A_3 {strides = array<i32>} : memref<1536xf32, #tpu.memory_space<vmem>>, vector<16xf32>,
    %swap3A_189 = arith.constant 1488 : index
    %swap3A_190 = tpu.vector_load %arg9[%swap3A_189] {strides = array<i32>} : memref<1536xf32, #tpu.memory_space<vmem>>, vector<16xf32>,
    tpu.vector_store %arg9[%swap3A_189], %broadcast_in_dim3A_3 {strides = array<i32>} : memref<1536xf32, #tpu.memory_space<vmem>>, vector<16xf32>,
    %swap3A_191 = arith.constant 1504 : index
    %swap3A_192 = tpu.vector_load %arg9[%swap3A_191] {strides = array<i32>} : memref<1536xf32, #tpu.memory_space<vmem>>, vector<16xf32>,
    tpu.vector_store %arg9[%swap3A_191], %broadcast_in_dim3A_3 {strides = array<i32>} : memref<1536xf32, #tpu.memory_space<vmem>>, vector<16xf32>,
    %swap3A_193 = arith.constant 1520 : index
    %swap3A_194 = tpu.vector_load %arg9[%swap3A_193] {strides = array<i32>} : memref<1536xf32, #tpu.memory_space<vmem>>, vector<16xf32>,
    tpu.vector_store %arg9[%swap3A_193], %broadcast_in_dim3A_3 {strides = array<i32>} : memref<1536xf32, #tpu.memory_space<vmem>>, vector<16xf32>,
    %get3A = arith.constant 0 : index
    %get3A_195 = tpu.vector_load %arg6[%get3A] {strides = array<i32>} : memref<1024xf32, #tpu.memory_space<vmem>>, vector<16xf32>,
    %get3A_196 = arith.constant 0 : index
    %get3A_197 = tpu.vector_load %arg7[%get3A_196] {strides = array<i32>} : memref<1024xf32, #tpu.memory_space<vmem>>, vector<16xf32>,
    %get3A_198 = arith.constant 0 : index
    %get3A_199 = tpu.vector_load %arg8[%get3A_198] {strides = array<i32>} : memref<1024xf32, #tpu.memory_space<vmem>>, vector<16xf32>,
    %add3A_200 = arith.constant 3.000000e+00 : f32
    %add3A_201 = vector.broadcast %add3A_200 : f32 to vector<16xf32>
    %add3A_202 = arith.addf %get3A_195, %add3A_201 : vector<16xf32>
    %mul3A_203 = arith.constant 4.000000e+00 : f32
    %mul3A_204 = vector.broadcast %mul3A_203 : f32 to vector<16xf32>
    %mul3A_205 = arith.mulf %add3A_202, %mul3A_204 : vector<16xf32>
    %convert_element_type3A = arith.fptosi %mul3A_205 : vector<16xf32> to vector<16xi32>
    %add3A_206 = arith.constant 3.000000e+00 : f32
    %add3A_207 = vector.broadcast %add3A_206 : f32 to vector<16xf32>
    %add3A_208 = arith.addf %get3A_197, %add3A_207 : vector<16xf32>
    %mul3A_209 = arith.constant 4.000000e+00 : f32
    %mul3A_210 = vector.broadcast %mul3A_209 : f32 to vector<16xf32>
    %mul3A_211 = arith.mulf %add3A_208, %mul3A_210 : vector<16xf32>
    %convert_element_type3A_212 = arith.fptosi %mul3A_211 : vector<16xf32> to vector<16xi32>
    %ge3A = arith.constant 0 : i32
    %ge3A_213 = vector.broadcast %ge3A : i32 to vector<16xi32>
    %ge3A_214 = arith.cmpi sge, %convert_element_type3A, %ge3A_213 : vector<16xi32>
    %lt3A = arith.constant 24 : i32
    %lt3A_215 = vector.broadcast %lt3A : i32 to vector<16xi32>
    %lt3A_216 = arith.cmpi slt, %convert_element_type3A, %lt3A_215 : vector<16xi32>
    %and3A = arith.andi %ge3A_214, %lt3A_216 : vector<16xi1>
    %ge3A_217 = arith.constant 0 : i32
    %ge3A_218 = vector.broadcast %ge3A_217 : i32 to vector<16xi32>
    %ge3A_219 = arith.cmpi sge, %convert_element_type3A_212, %ge3A_218 : vector<16xi32>
    %and3A_220 = arith.andi %and3A, %ge3A_219 : vector<16xi1>
    %lt3A_221 = arith.constant 24 : i32
    %lt3A_222 = vector.broadcast %lt3A_221 : i32 to vector<16xi32>
    %lt3A_223 = arith.cmpi slt, %convert_element_type3A_212, %lt3A_222 : vector<16xi32>
    %and3A_224 = arith.andi %and3A_220, %lt3A_223 : vector<16xi1>
    %lt3A_225 = arith.constant 0.000000e+00 : f32
    %lt3A_226 = vector.broadcast %lt3A_225 : f32 to vector<16xf32>
    %lt3A_227 = arith.cmpf olt, %get3A_199, %lt3A_226 : vector<16xf32>
    %jit3A = arith.constant 768 : i32
    %jit3A_228 = arith.constant 0 : i32
    %broadcast_in_dim3A_229 = vector.broadcast %jit3A : i32 to vector<16xi32>
    %broadcast_in_dim3A_230 = vector.broadcast %jit3A_228 : i32 to vector<16xi32>
    %select_n3A = arith.select %lt3A_227, %broadcast_in_dim3A_229, %broadcast_in_dim3A_230 : vector<16xi1>, vector<16xi32>
    %mul3A_231 = arith.constant 26 : i32
    %mul3A_232 = vector.broadcast %mul3A_231 : i32 to vector<16xi32>
    %mul3A_233 = arith.muli %convert_element_type3A, %mul3A_232 : vector<16xi32>
    %add3A_234 = arith.addi %mul3A_233, %convert_element_type3A_212 : vector<16xi32>
    %add3A_235 = arith.constant 27 : i32
    %add3A_236 = vector.broadcast %add3A_235 : i32 to vector<16xi32>
    %add3A_237 = arith.addi %add3A_234, %add3A_236 : vector<16xi32>
    %add3A_238 = arith.addi %add3A_237, %select_n3A : vector<16xi32>
    %jit3A_239 = arith.constant 0 : i32
    %broadcast_in_dim3A_240 = vector.broadcast %jit3A_239 : i32 to vector<16xi32>
    %select_n3A_241 = arith.select %and3A_224, %add3A_238, %broadcast_in_dim3A_240 : vector<16xi1>, vector<16xi32>
    %abs3A = math.absf %get3A_199 : vector<16xf32>
    tpu.vector_store_idx %arg9[%select_n3A_241], %abs3A masked %and3A_224 {add = true} : memref<1536xf32, #tpu.memory_space<vmem>>[vector<16xi32>], vector<16xf32>, vector<16xi1>
    %get3A_242 = arith.constant 16 : index
    %get3A_243 = tpu.vector_load %arg6[%get3A_242] {strides = array<i32>} : memref<1024xf32, #tpu.memory_space<vmem>>, vector<16xf32>,
    %get3A_244 = arith.constant 16 : index
    %get3A_245 = tpu.vector_load %arg7[%get3A_244] {strides = array<i32>} : memref<1024xf32, #tpu.memory_space<vmem>>, vector<16xf32>,
    %get3A_246 = arith.constant 16 : index
    %get3A_247 = tpu.vector_load %arg8[%get3A_246] {strides = array<i32>} : memref<1024xf32, #tpu.memory_space<vmem>>, vector<16xf32>,
    %add3A_248 = arith.constant 3.000000e+00 : f32
    %add3A_249 = vector.broadcast %add3A_248 : f32 to vector<16xf32>
    %add3A_250 = arith.addf %get3A_243, %add3A_249 : vector<16xf32>
    %mul3A_251 = arith.constant 4.000000e+00 : f32
    %mul3A_252 = vector.broadcast %mul3A_251 : f32 to vector<16xf32>
    %mul3A_253 = arith.mulf %add3A_250, %mul3A_252 : vector<16xf32>
    %convert_element_type3A_254 = arith.fptosi %mul3A_253 : vector<16xf32> to vector<16xi32>
    %add3A_255 = arith.constant 3.000000e+00 : f32
    %add3A_256 = vector.broadcast %add3A_255 : f32 to vector<16xf32>
    %add3A_257 = arith.addf %get3A_245, %add3A_256 : vector<16xf32>
    %mul3A_258 = arith.constant 4.000000e+00 : f32
    %mul3A_259 = vector.broadcast %mul3A_258 : f32 to vector<16xf32>
    %mul3A_260 = arith.mulf %add3A_257, %mul3A_259 : vector<16xf32>
    %convert_element_type3A_261 = arith.fptosi %mul3A_260 : vector<16xf32> to vector<16xi32>
    %ge3A_262 = arith.constant 0 : i32
    %ge3A_263 = vector.broadcast %ge3A_262 : i32 to vector<16xi32>
    %ge3A_264 = arith.cmpi sge, %convert_element_type3A_254, %ge3A_263 : vector<16xi32>
    %lt3A_265 = arith.constant 24 : i32
    %lt3A_266 = vector.broadcast %lt3A_265 : i32 to vector<16xi32>
    %lt3A_267 = arith.cmpi slt, %convert_element_type3A_254, %lt3A_266 : vector<16xi32>
    %and3A_268 = arith.andi %ge3A_264, %lt3A_267 : vector<16xi1>
    %ge3A_269 = arith.constant 0 : i32
    %ge3A_270 = vector.broadcast %ge3A_269 : i32 to vector<16xi32>
    %ge3A_271 = arith.cmpi sge, %convert_element_type3A_261, %ge3A_270 : vector<16xi32>
    %and3A_272 = arith.andi %and3A_268, %ge3A_271 : vector<16xi1>
    %lt3A_273 = arith.constant 24 : i32
    %lt3A_274 = vector.broadcast %lt3A_273 : i32 to vector<16xi32>
    %lt3A_275 = arith.cmpi slt, %convert_element_type3A_261, %lt3A_274 : vector<16xi32>
    %and3A_276 = arith.andi %and3A_272, %lt3A_275 : vector<16xi1>
    %lt3A_277 = arith.constant 0.000000e+00 : f32
    %lt3A_278 = vector.broadcast %lt3A_277 : f32 to vector<16xf32>
    %lt3A_279 = arith.cmpf olt, %get3A_247, %lt3A_278 : vector<16xf32>
    %jit3A_280 = arith.constant 768 : i32
    %jit3A_281 = arith.constant 0 : i32
    %broadcast_in_dim3A_282 = vector.broadcast %jit3A_280 : i32 to vector<16xi32>
    %broadcast_in_dim3A_283 = vector.broadcast %jit3A_281 : i32 to vector<16xi32>
    %select_n3A_284 = arith.select %lt3A_279, %broadcast_in_dim3A_282, %broadcast_in_dim3A_283 : vector<16xi1>, vector<16xi32>
    %mul3A_285 = arith.constant 26 : i32
    %mul3A_286 = vector.broadcast %mul3A_285 : i32 to vector<16xi32>
    %mul3A_287 = arith.muli %convert_element_type3A_254, %mul3A_286 : vector<16xi32>
    %add3A_288 = arith.addi %mul3A_287, %convert_element_type3A_261 : vector<16xi32>
    %add3A_289 = arith.constant 27 : i32
    %add3A_290 = vector.broadcast %add3A_289 : i32 to vector<16xi32>
    %add3A_291 = arith.addi %add3A_288, %add3A_290 : vector<16xi32>
    %add3A_292 = arith.addi %add3A_291, %select_n3A_284 : vector<16xi32>
    %jit3A_293 = arith.constant 0 : i32
    %broadcast_in_dim3A_294 = vector.broadcast %jit3A_293 : i32 to vector<16xi32>
    %select_n3A_295 = arith.select %and3A_276, %add3A_292, %broadcast_in_dim3A_294 : vector<16xi1>, vector<16xi32>
    %abs3A_296 = math.absf %get3A_247 : vector<16xf32>
    tpu.vector_store_idx %arg9[%select_n3A_295], %abs3A_296 masked %and3A_276 {add = true} : memref<1536xf32, #tpu.memory_space<vmem>>[vector<16xi32>], vector<16xf32>, vector<16xi1>
    %get3A_297 = arith.constant 32 : index
    %get3A_298 = tpu.vector_load %arg6[%get3A_297] {strides = array<i32>} : memref<1024xf32, #tpu.memory_space<vmem>>, vector<16xf32>,
    %get3A_299 = arith.constant 32 : index
    %get3A_300 = tpu.vector_load %arg7[%get3A_299] {strides = array<i32>} : memref<1024xf32, #tpu.memory_space<vmem>>, vector<16xf32>,
    %get3A_301 = arith.constant 32 : index
    %get3A_302 = tpu.vector_load %arg8[%get3A_301] {strides = array<i32>} : memref<1024xf32, #tpu.memory_space<vmem>>, vector<16xf32>,
    %add3A_303 = arith.constant 3.000000e+00 : f32
    %add3A_304 = vector.broadcast %add3A_303 : f32 to vector<16xf32>
    %add3A_305 = arith.addf %get3A_298, %add3A_304 : vector<16xf32>
    %mul3A_306 = arith.constant 4.000000e+00 : f32
    %mul3A_307 = vector.broadcast %mul3A_306 : f32 to vector<16xf32>
    %mul3A_308 = arith.mulf %add3A_305, %mul3A_307 : vector<16xf32>
    %convert_element_type3A_309 = arith.fptosi %mul3A_308 : vector<16xf32> to vector<16xi32>
    %add3A_310 = arith.constant 3.000000e+00 : f32
    %add3A_311 = vector.broadcast %add3A_310 : f32 to vector<16xf32>
    %add3A_312 = arith.addf %get3A_300, %add3A_311 : vector<16xf32>
    %mul3A_313 = arith.constant 4.000000e+00 : f32
    %mul3A_314 = vector.broadcast %mul3A_313 : f32 to vector<16xf32>
    %mul3A_315 = arith.mulf %add3A_312, %mul3A_314 : vector<16xf32>
    %convert_element_type3A_316 = arith.fptosi %mul3A_315 : vector<16xf32> to vector<16xi32>
    %ge3A_317 = arith.constant 0 : i32
    %ge3A_318 = vector.broadcast %ge3A_317 : i32 to vector<16xi32>
    %ge3A_319 = arith.cmpi sge, %convert_element_type3A_309, %ge3A_318 : vector<16xi32>
    %lt3A_320 = arith.constant 24 : i32
    %lt3A_321 = vector.broadcast %lt3A_320 : i32 to vector<16xi32>
    %lt3A_322 = arith.cmpi slt, %convert_element_type3A_309, %lt3A_321 : vector<16xi32>
    %and3A_323 = arith.andi %ge3A_319, %lt3A_322 : vector<16xi1>
    %ge3A_324 = arith.constant 0 : i32
    %ge3A_325 = vector.broadcast %ge3A_324 : i32 to vector<16xi32>
    %ge3A_326 = arith.cmpi sge, %convert_element_type3A_316, %ge3A_325 : vector<16xi32>
    %and3A_327 = arith.andi %and3A_323, %ge3A_326 : vector<16xi1>
    %lt3A_328 = arith.constant 24 : i32
    %lt3A_329 = vector.broadcast %lt3A_328 : i32 to vector<16xi32>
    %lt3A_330 = arith.cmpi slt, %convert_element_type3A_316, %lt3A_329 : vector<16xi32>
    %and3A_331 = arith.andi %and3A_327, %lt3A_330 : vector<16xi1>
    %lt3A_332 = arith.constant 0.000000e+00 : f32
    %lt3A_333 = vector.broadcast %lt3A_332 : f32 to vector<16xf32>
    %lt3A_334 = arith.cmpf olt, %get3A_302, %lt3A_333 : vector<16xf32>
    %jit3A_335 = arith.constant 768 : i32
    %jit3A_336 = arith.constant 0 : i32
    %broadcast_in_dim3A_337 = vector.broadcast %jit3A_335 : i32 to vector<16xi32>
    %broadcast_in_dim3A_338 = vector.broadcast %jit3A_336 : i32 to vector<16xi32>
    %select_n3A_339 = arith.select %lt3A_334, %broadcast_in_dim3A_337, %broadcast_in_dim3A_338 : vector<16xi1>, vector<16xi32>
    %mul3A_340 = arith.constant 26 : i32
    %mul3A_341 = vector.broadcast %mul3A_340 : i32 to vector<16xi32>
    %mul3A_342 = arith.muli %convert_element_type3A_309, %mul3A_341 : vector<16xi32>
    %add3A_343 = arith.addi %mul3A_342, %convert_element_type3A_316 : vector<16xi32>
    %add3A_344 = arith.constant 27 : i32
    %add3A_345 = vector.broadcast %add3A_344 : i32 to vector<16xi32>
    %add3A_346 = arith.addi %add3A_343, %add3A_345 : vector<16xi32>
    %add3A_347 = arith.addi %add3A_346, %select_n3A_339 : vector<16xi32>
    %jit3A_348 = arith.constant 0 : i32
    %broadcast_in_dim3A_349 = vector.broadcast %jit3A_348 : i32 to vector<16xi32>
    %select_n3A_350 = arith.select %and3A_331, %add3A_347, %broadcast_in_dim3A_349 : vector<16xi1>, vector<16xi32>
    %abs3A_351 = math.absf %get3A_302 : vector<16xf32>
    tpu.vector_store_idx %arg9[%select_n3A_350], %abs3A_351 masked %and3A_331 {add = true} : memref<1536xf32, #tpu.memory_space<vmem>>[vector<16xi32>], vector<16xf32>, vector<16xi1>
    %get3A_352 = arith.constant 48 : index
    %get3A_353 = tpu.vector_load %arg6[%get3A_352] {strides = array<i32>} : memref<1024xf32, #tpu.memory_space<vmem>>, vector<16xf32>,
    %get3A_354 = arith.constant 48 : index
    %get3A_355 = tpu.vector_load %arg7[%get3A_354] {strides = array<i32>} : memref<1024xf32, #tpu.memory_space<vmem>>, vector<16xf32>,
    %get3A_356 = arith.constant 48 : index
    %get3A_357 = tpu.vector_load %arg8[%get3A_356] {strides = array<i32>} : memref<1024xf32, #tpu.memory_space<vmem>>, vector<16xf32>,
    %add3A_358 = arith.constant 3.000000e+00 : f32
    %add3A_359 = vector.broadcast %add3A_358 : f32 to vector<16xf32>
    %add3A_360 = arith.addf %get3A_353, %add3A_359 : vector<16xf32>
    %mul3A_361 = arith.constant 4.000000e+00 : f32
    %mul3A_362 = vector.broadcast %mul3A_361 : f32 to vector<16xf32>
    %mul3A_363 = arith.mulf %add3A_360, %mul3A_362 : vector<16xf32>
    %convert_element_type3A_364 = arith.fptosi %mul3A_363 : vector<16xf32> to vector<16xi32>
    %add3A_365 = arith.constant 3.000000e+00 : f32
    %add3A_366 = vector.broadcast %add3A_365 : f32 to vector<16xf32>
    %add3A_367 = arith.addf %get3A_355, %add3A_366 : vector<16xf32>
    %mul3A_368 = arith.constant 4.000000e+00 : f32
    %mul3A_369 = vector.broadcast %mul3A_368 : f32 to vector<16xf32>
    %mul3A_370 = arith.mulf %add3A_367, %mul3A_369 : vector<16xf32>
    %convert_element_type3A_371 = arith.fptosi %mul3A_370 : vector<16xf32> to vector<16xi32>
    %ge3A_372 = arith.constant 0 : i32
    %ge3A_373 = vector.broadcast %ge3A_372 : i32 to vector<16xi32>
    %ge3A_374 = arith.cmpi sge, %convert_element_type3A_364, %ge3A_373 : vector<16xi32>
    %lt3A_375 = arith.constant 24 : i32
    %lt3A_376 = vector.broadcast %lt3A_375 : i32 to vector<16xi32>
    %lt3A_377 = arith.cmpi slt, %convert_element_type3A_364, %lt3A_376 : vector<16xi32>
    %and3A_378 = arith.andi %ge3A_374, %lt3A_377 : vector<16xi1>
    %ge3A_379 = arith.constant 0 : i32
    %ge3A_380 = vector.broadcast %ge3A_379 : i32 to vector<16xi32>
    %ge3A_381 = arith.cmpi sge, %convert_element_type3A_371, %ge3A_380 : vector<16xi32>
    %and3A_382 = arith.andi %and3A_378, %ge3A_381 : vector<16xi1>
    %lt3A_383 = arith.constant 24 : i32
    %lt3A_384 = vector.broadcast %lt3A_383 : i32 to vector<16xi32>
    %lt3A_385 = arith.cmpi slt, %convert_element_type3A_371, %lt3A_384 : vector<16xi32>
    %and3A_386 = arith.andi %and3A_382, %lt3A_385 : vector<16xi1>
    %lt3A_387 = arith.constant 0.000000e+00 : f32
    %lt3A_388 = vector.broadcast %lt3A_387 : f32 to vector<16xf32>
    %lt3A_389 = arith.cmpf olt, %get3A_357, %lt3A_388 : vector<16xf32>
    %jit3A_390 = arith.constant 768 : i32
    %jit3A_391 = arith.constant 0 : i32
    %broadcast_in_dim3A_392 = vector.broadcast %jit3A_390 : i32 to vector<16xi32>
    %broadcast_in_dim3A_393 = vector.broadcast %jit3A_391 : i32 to vector<16xi32>
    %select_n3A_394 = arith.select %lt3A_389, %broadcast_in_dim3A_392, %broadcast_in_dim3A_393 : vector<16xi1>, vector<16xi32>
    %mul3A_395 = arith.constant 26 : i32
    %mul3A_396 = vector.broadcast %mul3A_395 : i32 to vector<16xi32>
    %mul3A_397 = arith.muli %convert_element_type3A_364, %mul3A_396 : vector<16xi32>
    %add3A_398 = arith.addi %mul3A_397, %convert_element_type3A_371 : vector<16xi32>
    %add3A_399 = arith.constant 27 : i32
    %add3A_400 = vector.broadcast %add3A_399 : i32 to vector<16xi32>
    %add3A_401 = arith.addi %add3A_398, %add3A_400 : vector<16xi32>
    %add3A_402 = arith.addi %add3A_401, %select_n3A_394 : vector<16xi32>
    %jit3A_403 = arith.constant 0 : i32
    %broadcast_in_dim3A_404 = vector.broadcast %jit3A_403 : i32 to vector<16xi32>
    %select_n3A_405 = arith.select %and3A_386, %add3A_402, %broadcast_in_dim3A_404 : vector<16xi1>, vector<16xi32>
    %abs3A_406 = math.absf %get3A_357 : vector<16xf32>
    tpu.vector_store_idx %arg9[%select_n3A_405], %abs3A_406 masked %and3A_386 {add = true} : memref<1536xf32, #tpu.memory_space<vmem>>[vector<16xi32>], vector<16xf32>, vector<16xi1>
    %get3A_407 = arith.constant 64 : index
    %get3A_408 = tpu.vector_load %arg6[%get3A_407] {strides = array<i32>} : memref<1024xf32, #tpu.memory_space<vmem>>, vector<16xf32>,
    %get3A_409 = arith.constant 64 : index
    %get3A_410 = tpu.vector_load %arg7[%get3A_409] {strides = array<i32>} : memref<1024xf32, #tpu.memory_space<vmem>>, vector<16xf32>,
    %get3A_411 = arith.constant 64 : index
    %get3A_412 = tpu.vector_load %arg8[%get3A_411] {strides = array<i32>} : memref<1024xf32, #tpu.memory_space<vmem>>, vector<16xf32>,
    %add3A_413 = arith.constant 3.000000e+00 : f32
    %add3A_414 = vector.broadcast %add3A_413 : f32 to vector<16xf32>
    %add3A_415 = arith.addf %get3A_408, %add3A_414 : vector<16xf32>
    %mul3A_416 = arith.constant 4.000000e+00 : f32
    %mul3A_417 = vector.broadcast %mul3A_416 : f32 to vector<16xf32>
    %mul3A_418 = arith.mulf %add3A_415, %mul3A_417 : vector<16xf32>
    %convert_element_type3A_419 = arith.fptosi %mul3A_418 : vector<16xf32> to vector<16xi32>
    %add3A_420 = arith.constant 3.000000e+00 : f32
    %add3A_421 = vector.broadcast %add3A_420 : f32 to vector<16xf32>
    %add3A_422 = arith.addf %get3A_410, %add3A_421 : vector<16xf32>
    %mul3A_423 = arith.constant 4.000000e+00 : f32
    %mul3A_424 = vector.broadcast %mul3A_423 : f32 to vector<16xf32>
    %mul3A_425 = arith.mulf %add3A_422, %mul3A_424 : vector<16xf32>
    %convert_element_type3A_426 = arith.fptosi %mul3A_425 : vector<16xf32> to vector<16xi32>
    %ge3A_427 = arith.constant 0 : i32
    %ge3A_428 = vector.broadcast %ge3A_427 : i32 to vector<16xi32>
    %ge3A_429 = arith.cmpi sge, %convert_element_type3A_419, %ge3A_428 : vector<16xi32>
    %lt3A_430 = arith.constant 24 : i32
    %lt3A_431 = vector.broadcast %lt3A_430 : i32 to vector<16xi32>
    %lt3A_432 = arith.cmpi slt, %convert_element_type3A_419, %lt3A_431 : vector<16xi32>
    %and3A_433 = arith.andi %ge3A_429, %lt3A_432 : vector<16xi1>
    %ge3A_434 = arith.constant 0 : i32
    %ge3A_435 = vector.broadcast %ge3A_434 : i32 to vector<16xi32>
    %ge3A_436 = arith.cmpi sge, %convert_element_type3A_426, %ge3A_435 : vector<16xi32>
    %and3A_437 = arith.andi %and3A_433, %ge3A_436 : vector<16xi1>
    %lt3A_438 = arith.constant 24 : i32
    %lt3A_439 = vector.broadcast %lt3A_438 : i32 to vector<16xi32>
    %lt3A_440 = arith.cmpi slt, %convert_element_type3A_426, %lt3A_439 : vector<16xi32>
    %and3A_441 = arith.andi %and3A_437, %lt3A_440 : vector<16xi1>
    %lt3A_442 = arith.constant 0.000000e+00 : f32
    %lt3A_443 = vector.broadcast %lt3A_442 : f32 to vector<16xf32>
    %lt3A_444 = arith.cmpf olt, %get3A_412, %lt3A_443 : vector<16xf32>
    %jit3A_445 = arith.constant 768 : i32
    %jit3A_446 = arith.constant 0 : i32
    %broadcast_in_dim3A_447 = vector.broadcast %jit3A_445 : i32 to vector<16xi32>
    %broadcast_in_dim3A_448 = vector.broadcast %jit3A_446 : i32 to vector<16xi32>
    %select_n3A_449 = arith.select %lt3A_444, %broadcast_in_dim3A_447, %broadcast_in_dim3A_448 : vector<16xi1>, vector<16xi32>
    %mul3A_450 = arith.constant 26 : i32
    %mul3A_451 = vector.broadcast %mul3A_450 : i32 to vector<16xi32>
    %mul3A_452 = arith.muli %convert_element_type3A_419, %mul3A_451 : vector<16xi32>
    %add3A_453 = arith.addi %mul3A_452, %convert_element_type3A_426 : vector<16xi32>
    %add3A_454 = arith.constant 27 : i32
    %add3A_455 = vector.broadcast %add3A_454 : i32 to vector<16xi32>
    %add3A_456 = arith.addi %add3A_453, %add3A_455 : vector<16xi32>
    %add3A_457 = arith.addi %add3A_456, %select_n3A_449 : vector<16xi32>
    %jit3A_458 = arith.constant 0 : i32
    %broadcast_in_dim3A_459 = vector.broadcast %jit3A_458 : i32 to vector<16xi32>
    %select_n3A_460 = arith.select %and3A_441, %add3A_457, %broadcast_in_dim3A_459 : vector<16xi1>, vector<16xi32>
    %abs3A_461 = math.absf %get3A_412 : vector<16xf32>
    tpu.vector_store_idx %arg9[%select_n3A_460], %abs3A_461 masked %and3A_441 {add = true} : memref<1536xf32, #tpu.memory_space<vmem>>[vector<16xi32>], vector<16xf32>, vector<16xi1>
    %get3A_462 = arith.constant 80 : index
    %get3A_463 = tpu.vector_load %arg6[%get3A_462] {strides = array<i32>} : memref<1024xf32, #tpu.memory_space<vmem>>, vector<16xf32>,
    %get3A_464 = arith.constant 80 : index
    %get3A_465 = tpu.vector_load %arg7[%get3A_464] {strides = array<i32>} : memref<1024xf32, #tpu.memory_space<vmem>>, vector<16xf32>,
    %get3A_466 = arith.constant 80 : index
    %get3A_467 = tpu.vector_load %arg8[%get3A_466] {strides = array<i32>} : memref<1024xf32, #tpu.memory_space<vmem>>, vector<16xf32>,
    %add3A_468 = arith.constant 3.000000e+00 : f32
    %add3A_469 = vector.broadcast %add3A_468 : f32 to vector<16xf32>
    %add3A_470 = arith.addf %get3A_463, %add3A_469 : vector<16xf32>
    %mul3A_471 = arith.constant 4.000000e+00 : f32
    %mul3A_472 = vector.broadcast %mul3A_471 : f32 to vector<16xf32>
    %mul3A_473 = arith.mulf %add3A_470, %mul3A_472 : vector<16xf32>
    %convert_element_type3A_474 = arith.fptosi %mul3A_473 : vector<16xf32> to vector<16xi32>
    %add3A_475 = arith.constant 3.000000e+00 : f32
    %add3A_476 = vector.broadcast %add3A_475 : f32 to vector<16xf32>
    %add3A_477 = arith.addf %get3A_465, %add3A_476 : vector<16xf32>
    %mul3A_478 = arith.constant 4.000000e+00 : f32
    %mul3A_479 = vector.broadcast %mul3A_478 : f32 to vector<16xf32>
    %mul3A_480 = arith.mulf %add3A_477, %mul3A_479 : vector<16xf32>
    %convert_element_type3A_481 = arith.fptosi %mul3A_480 : vector<16xf32> to vector<16xi32>
    %ge3A_482 = arith.constant 0 : i32
    %ge3A_483 = vector.broadcast %ge3A_482 : i32 to vector<16xi32>
    %ge3A_484 = arith.cmpi sge, %convert_element_type3A_474, %ge3A_483 : vector<16xi32>
    %lt3A_485 = arith.constant 24 : i32
    %lt3A_486 = vector.broadcast %lt3A_485 : i32 to vector<16xi32>
    %lt3A_487 = arith.cmpi slt, %convert_element_type3A_474, %lt3A_486 : vector<16xi32>
    %and3A_488 = arith.andi %ge3A_484, %lt3A_487 : vector<16xi1>
    %ge3A_489 = arith.constant 0 : i32
    %ge3A_490 = vector.broadcast %ge3A_489 : i32 to vector<16xi32>
    %ge3A_491 = arith.cmpi sge, %convert_element_type3A_481, %ge3A_490 : vector<16xi32>
    %and3A_492 = arith.andi %and3A_488, %ge3A_491 : vector<16xi1>
    %lt3A_493 = arith.constant 24 : i32
    %lt3A_494 = vector.broadcast %lt3A_493 : i32 to vector<16xi32>
    %lt3A_495 = arith.cmpi slt, %convert_element_type3A_481, %lt3A_494 : vector<16xi32>
    %and3A_496 = arith.andi %and3A_492, %lt3A_495 : vector<16xi1>
    %lt3A_497 = arith.constant 0.000000e+00 : f32
    %lt3A_498 = vector.broadcast %lt3A_497 : f32 to vector<16xf32>
    %lt3A_499 = arith.cmpf olt, %get3A_467, %lt3A_498 : vector<16xf32>
    %jit3A_500 = arith.constant 768 : i32
    %jit3A_501 = arith.constant 0 : i32
    %broadcast_in_dim3A_502 = vector.broadcast %jit3A_500 : i32 to vector<16xi32>
    %broadcast_in_dim3A_503 = vector.broadcast %jit3A_501 : i32 to vector<16xi32>
    %select_n3A_504 = arith.select %lt3A_499, %broadcast_in_dim3A_502, %broadcast_in_dim3A_503 : vector<16xi1>, vector<16xi32>
    %mul3A_505 = arith.constant 26 : i32
    %mul3A_506 = vector.broadcast %mul3A_505 : i32 to vector<16xi32>
    %mul3A_507 = arith.muli %convert_element_type3A_474, %mul3A_506 : vector<16xi32>
    %add3A_508 = arith.addi %mul3A_507, %convert_element_type3A_481 : vector<16xi32>
    %add3A_509 = arith.constant 27 : i32
    %add3A_510 = vector.broadcast %add3A_509 : i32 to vector<16xi32>
    %add3A_511 = arith.addi %add3A_508, %add3A_510 : vector<16xi32>
    %add3A_512 = arith.addi %add3A_511, %select_n3A_504 : vector<16xi32>
    %jit3A_513 = arith.constant 0 : i32
    %broadcast_in_dim3A_514 = vector.broadcast %jit3A_513 : i32 to vector<16xi32>
    %select_n3A_515 = arith.select %and3A_496, %add3A_512, %broadcast_in_dim3A_514 : vector<16xi1>, vector<16xi32>
    %abs3A_516 = math.absf %get3A_467 : vector<16xf32>
    tpu.vector_store_idx %arg9[%select_n3A_515], %abs3A_516 masked %and3A_496 {add = true} : memref<1536xf32, #tpu.memory_space<vmem>>[vector<16xi32>], vector<16xf32>, vector<16xi1>
    %get3A_517 = arith.constant 96 : index
    %get3A_518 = tpu.vector_load %arg6[%get3A_517] {strides = array<i32>} : memref<1024xf32, #tpu.memory_space<vmem>>, vector<16xf32>,
    %get3A_519 = arith.constant 96 : index
    %get3A_520 = tpu.vector_load %arg7[%get3A_519] {strides = array<i32>} : memref<1024xf32, #tpu.memory_space<vmem>>, vector<16xf32>,
    %get3A_521 = arith.constant 96 : index
    %get3A_522 = tpu.vector_load %arg8[%get3A_521] {strides = array<i32>} : memref<1024xf32, #tpu.memory_space<vmem>>, vector<16xf32>,
    %add3A_523 = arith.constant 3.000000e+00 : f32
    %add3A_524 = vector.broadcast %add3A_523 : f32 to vector<16xf32>
    %add3A_525 = arith.addf %get3A_518, %add3A_524 : vector<16xf32>
    %mul3A_526 = arith.constant 4.000000e+00 : f32
    %mul3A_527 = vector.broadcast %mul3A_526 : f32 to vector<16xf32>
    %mul3A_528 = arith.mulf %add3A_525, %mul3A_527 : vector<16xf32>
    %convert_element_type3A_529 = arith.fptosi %mul3A_528 : vector<16xf32> to vector<16xi32>
    %add3A_530 = arith.constant 3.000000e+00 : f32
    %add3A_531 = vector.broadcast %add3A_530 : f32 to vector<16xf32>
    %add3A_532 = arith.addf %get3A_520, %add3A_531 : vector<16xf32>
    %mul3A_533 = arith.constant 4.000000e+00 : f32
    %mul3A_534 = vector.broadcast %mul3A_533 : f32 to vector<16xf32>
    %mul3A_535 = arith.mulf %add3A_532, %mul3A_534 : vector<16xf32>
    %convert_element_type3A_536 = arith.fptosi %mul3A_535 : vector<16xf32> to vector<16xi32>
    %ge3A_537 = arith.constant 0 : i32
    %ge3A_538 = vector.broadcast %ge3A_537 : i32 to vector<16xi32>
    %ge3A_539 = arith.cmpi sge, %convert_element_type3A_529, %ge3A_538 : vector<16xi32>
    %lt3A_540 = arith.constant 24 : i32
    %lt3A_541 = vector.broadcast %lt3A_540 : i32 to vector<16xi32>
    %lt3A_542 = arith.cmpi slt, %convert_element_type3A_529, %lt3A_541 : vector<16xi32>
    %and3A_543 = arith.andi %ge3A_539, %lt3A_542 : vector<16xi1>
    %ge3A_544 = arith.constant 0 : i32
    %ge3A_545 = vector.broadcast %ge3A_544 : i32 to vector<16xi32>
    %ge3A_546 = arith.cmpi sge, %convert_element_type3A_536, %ge3A_545 : vector<16xi32>
    %and3A_547 = arith.andi %and3A_543, %ge3A_546 : vector<16xi1>
    %lt3A_548 = arith.constant 24 : i32
    %lt3A_549 = vector.broadcast %lt3A_548 : i32 to vector<16xi32>
    %lt3A_550 = arith.cmpi slt, %convert_element_type3A_536, %lt3A_549 : vector<16xi32>
    %and3A_551 = arith.andi %and3A_547, %lt3A_550 : vector<16xi1>
    %lt3A_552 = arith.constant 0.000000e+00 : f32
    %lt3A_553 = vector.broadcast %lt3A_552 : f32 to vector<16xf32>
    %lt3A_554 = arith.cmpf olt, %get3A_522, %lt3A_553 : vector<16xf32>
    %jit3A_555 = arith.constant 768 : i32
    %jit3A_556 = arith.constant 0 : i32
    %broadcast_in_dim3A_557 = vector.broadcast %jit3A_555 : i32 to vector<16xi32>
    %broadcast_in_dim3A_558 = vector.broadcast %jit3A_556 : i32 to vector<16xi32>
    %select_n3A_559 = arith.select %lt3A_554, %broadcast_in_dim3A_557, %broadcast_in_dim3A_558 : vector<16xi1>, vector<16xi32>
    %mul3A_560 = arith.constant 26 : i32
    %mul3A_561 = vector.broadcast %mul3A_560 : i32 to vector<16xi32>
    %mul3A_562 = arith.muli %convert_element_type3A_529, %mul3A_561 : vector<16xi32>
    %add3A_563 = arith.addi %mul3A_562, %convert_element_type3A_536 : vector<16xi32>
    %add3A_564 = arith.constant 27 : i32
    %add3A_565 = vector.broadcast %add3A_564 : i32 to vector<16xi32>
    %add3A_566 = arith.addi %add3A_563, %add3A_565 : vector<16xi32>
    %add3A_567 = arith.addi %add3A_566, %select_n3A_559 : vector<16xi32>
    %jit3A_568 = arith.constant 0 : i32
    %broadcast_in_dim3A_569 = vector.broadcast %jit3A_568 : i32 to vector<16xi32>
    %select_n3A_570 = arith.select %and3A_551, %add3A_567, %broadcast_in_dim3A_569 : vector<16xi1>, vector<16xi32>
    %abs3A_571 = math.absf %get3A_522 : vector<16xf32>
    tpu.vector_store_idx %arg9[%select_n3A_570], %abs3A_571 masked %and3A_551 {add = true} : memref<1536xf32, #tpu.memory_space<vmem>>[vector<16xi32>], vector<16xf32>, vector<16xi1>
    %get3A_572 = arith.constant 112 : index
    %get3A_573 = tpu.vector_load %arg6[%get3A_572] {strides = array<i32>} : memref<1024xf32, #tpu.memory_space<vmem>>, vector<16xf32>,
    %get3A_574 = arith.constant 112 : index
    %get3A_575 = tpu.vector_load %arg7[%get3A_574] {strides = array<i32>} : memref<1024xf32, #tpu.memory_space<vmem>>, vector<16xf32>,
    %get3A_576 = arith.constant 112 : index
    %get3A_577 = tpu.vector_load %arg8[%get3A_576] {strides = array<i32>} : memref<1024xf32, #tpu.memory_space<vmem>>, vector<16xf32>,
    %add3A_578 = arith.constant 3.000000e+00 : f32
    %add3A_579 = vector.broadcast %add3A_578 : f32 to vector<16xf32>
    %add3A_580 = arith.addf %get3A_573, %add3A_579 : vector<16xf32>
    %mul3A_581 = arith.constant 4.000000e+00 : f32
    %mul3A_582 = vector.broadcast %mul3A_581 : f32 to vector<16xf32>
    %mul3A_583 = arith.mulf %add3A_580, %mul3A_582 : vector<16xf32>
    %convert_element_type3A_584 = arith.fptosi %mul3A_583 : vector<16xf32> to vector<16xi32>
    %add3A_585 = arith.constant 3.000000e+00 : f32
    %add3A_586 = vector.broadcast %add3A_585 : f32 to vector<16xf32>
    %add3A_587 = arith.addf %get3A_575, %add3A_586 : vector<16xf32>
    %mul3A_588 = arith.constant 4.000000e+00 : f32
    %mul3A_589 = vector.broadcast %mul3A_588 : f32 to vector<16xf32>
    %mul3A_590 = arith.mulf %add3A_587, %mul3A_589 : vector<16xf32>
    %convert_element_type3A_591 = arith.fptosi %mul3A_590 : vector<16xf32> to vector<16xi32>
    %ge3A_592 = arith.constant 0 : i32
    %ge3A_593 = vector.broadcast %ge3A_592 : i32 to vector<16xi32>
    %ge3A_594 = arith.cmpi sge, %convert_element_type3A_584, %ge3A_593 : vector<16xi32>
    %lt3A_595 = arith.constant 24 : i32
    %lt3A_596 = vector.broadcast %lt3A_595 : i32 to vector<16xi32>
    %lt3A_597 = arith.cmpi slt, %convert_element_type3A_584, %lt3A_596 : vector<16xi32>
    %and3A_598 = arith.andi %ge3A_594, %lt3A_597 : vector<16xi1>
    %ge3A_599 = arith.constant 0 : i32
    %ge3A_600 = vector.broadcast %ge3A_599 : i32 to vector<16xi32>
    %ge3A_601 = arith.cmpi sge, %convert_element_type3A_591, %ge3A_600 : vector<16xi32>
    %and3A_602 = arith.andi %and3A_598, %ge3A_601 : vector<16xi1>
    %lt3A_603 = arith.constant 24 : i32
    %lt3A_604 = vector.broadcast %lt3A_603 : i32 to vector<16xi32>
    %lt3A_605 = arith.cmpi slt, %convert_element_type3A_591, %lt3A_604 : vector<16xi32>
    %and3A_606 = arith.andi %and3A_602, %lt3A_605 : vector<16xi1>
    %lt3A_607 = arith.constant 0.000000e+00 : f32
    %lt3A_608 = vector.broadcast %lt3A_607 : f32 to vector<16xf32>
    %lt3A_609 = arith.cmpf olt, %get3A_577, %lt3A_608 : vector<16xf32>
    %jit3A_610 = arith.constant 768 : i32
    %jit3A_611 = arith.constant 0 : i32
    %broadcast_in_dim3A_612 = vector.broadcast %jit3A_610 : i32 to vector<16xi32>
    %broadcast_in_dim3A_613 = vector.broadcast %jit3A_611 : i32 to vector<16xi32>
    %select_n3A_614 = arith.select %lt3A_609, %broadcast_in_dim3A_612, %broadcast_in_dim3A_613 : vector<16xi1>, vector<16xi32>
    %mul3A_615 = arith.constant 26 : i32
    %mul3A_616 = vector.broadcast %mul3A_615 : i32 to vector<16xi32>
    %mul3A_617 = arith.muli %convert_element_type3A_584, %mul3A_616 : vector<16xi32>
    %add3A_618 = arith.addi %mul3A_617, %convert_element_type3A_591 : vector<16xi32>
    %add3A_619 = arith.constant 27 : i32
    %add3A_620 = vector.broadcast %add3A_619 : i32 to vector<16xi32>
    %add3A_621 = arith.addi %add3A_618, %add3A_620 : vector<16xi32>
    %add3A_622 = arith.addi %add3A_621, %select_n3A_614 : vector<16xi32>
    %jit3A_623 = arith.constant 0 : i32
    %broadcast_in_dim3A_624 = vector.broadcast %jit3A_623 : i32 to vector<16xi32>
    %select_n3A_625 = arith.select %and3A_606, %add3A_622, %broadcast_in_dim3A_624 : vector<16xi1>, vector<16xi32>
    %abs3A_626 = math.absf %get3A_577 : vector<16xf32>
    tpu.vector_store_idx %arg9[%select_n3A_625], %abs3A_626 masked %and3A_606 {add = true} : memref<1536xf32, #tpu.memory_space<vmem>>[vector<16xi32>], vector<16xf32>, vector<16xi1>
    %get3A_627 = arith.constant 128 : index
    %get3A_628 = tpu.vector_load %arg6[%get3A_627] {strides = array<i32>} : memref<1024xf32, #tpu.memory_space<vmem>>, vector<16xf32>,
    %get3A_629 = arith.constant 128 : index
    %get3A_630 = tpu.vector_load %arg7[%get3A_629] {strides = array<i32>} : memref<1024xf32, #tpu.memory_space<vmem>>, vector<16xf32>,
    %get3A_631 = arith.constant 128 : index
    %get3A_632 = tpu.vector_load %arg8[%get3A_631] {strides = array<i32>} : memref<1024xf32, #tpu.memory_space<vmem>>, vector<16xf32>,
    %add3A_633 = arith.constant 3.000000e+00 : f32
    %add3A_634 = vector.broadcast %add3A_633 : f32 to vector<16xf32>
    %add3A_635 = arith.addf %get3A_628, %add3A_634 : vector<16xf32>
    %mul3A_636 = arith.constant 4.000000e+00 : f32
    %mul3A_637 = vector.broadcast %mul3A_636 : f32 to vector<16xf32>
    %mul3A_638 = arith.mulf %add3A_635, %mul3A_637 : vector<16xf32>
    %convert_element_type3A_639 = arith.fptosi %mul3A_638 : vector<16xf32> to vector<16xi32>
    %add3A_640 = arith.constant 3.000000e+00 : f32
    %add3A_641 = vector.broadcast %add3A_640 : f32 to vector<16xf32>
    %add3A_642 = arith.addf %get3A_630, %add3A_641 : vector<16xf32>
    %mul3A_643 = arith.constant 4.000000e+00 : f32
    %mul3A_644 = vector.broadcast %mul3A_643 : f32 to vector<16xf32>
    %mul3A_645 = arith.mulf %add3A_642, %mul3A_644 : vector<16xf32>
    %convert_element_type3A_646 = arith.fptosi %mul3A_645 : vector<16xf32> to vector<16xi32>
    %ge3A_647 = arith.constant 0 : i32
    %ge3A_648 = vector.broadcast %ge3A_647 : i32 to vector<16xi32>
    %ge3A_649 = arith.cmpi sge, %convert_element_type3A_639, %ge3A_648 : vector<16xi32>
    %lt3A_650 = arith.constant 24 : i32
    %lt3A_651 = vector.broadcast %lt3A_650 : i32 to vector<16xi32>
    %lt3A_652 = arith.cmpi slt, %convert_element_type3A_639, %lt3A_651 : vector<16xi32>
    %and3A_653 = arith.andi %ge3A_649, %lt3A_652 : vector<16xi1>
    %ge3A_654 = arith.constant 0 : i32
    %ge3A_655 = vector.broadcast %ge3A_654 : i32 to vector<16xi32>
    %ge3A_656 = arith.cmpi sge, %convert_element_type3A_646, %ge3A_655 : vector<16xi32>
    %and3A_657 = arith.andi %and3A_653, %ge3A_656 : vector<16xi1>
    %lt3A_658 = arith.constant 24 : i32
    %lt3A_659 = vector.broadcast %lt3A_658 : i32 to vector<16xi32>
    %lt3A_660 = arith.cmpi slt, %convert_element_type3A_646, %lt3A_659 : vector<16xi32>
    %and3A_661 = arith.andi %and3A_657, %lt3A_660 : vector<16xi1>
    %lt3A_662 = arith.constant 0.000000e+00 : f32
    %lt3A_663 = vector.broadcast %lt3A_662 : f32 to vector<16xf32>
    %lt3A_664 = arith.cmpf olt, %get3A_632, %lt3A_663 : vector<16xf32>
    %jit3A_665 = arith.constant 768 : i32
    %jit3A_666 = arith.constant 0 : i32
    %broadcast_in_dim3A_667 = vector.broadcast %jit3A_665 : i32 to vector<16xi32>
    %broadcast_in_dim3A_668 = vector.broadcast %jit3A_666 : i32 to vector<16xi32>
    %select_n3A_669 = arith.select %lt3A_664, %broadcast_in_dim3A_667, %broadcast_in_dim3A_668 : vector<16xi1>, vector<16xi32>
    %mul3A_670 = arith.constant 26 : i32
    %mul3A_671 = vector.broadcast %mul3A_670 : i32 to vector<16xi32>
    %mul3A_672 = arith.muli %convert_element_type3A_639, %mul3A_671 : vector<16xi32>
    %add3A_673 = arith.addi %mul3A_672, %convert_element_type3A_646 : vector<16xi32>
    %add3A_674 = arith.constant 27 : i32
    %add3A_675 = vector.broadcast %add3A_674 : i32 to vector<16xi32>
    %add3A_676 = arith.addi %add3A_673, %add3A_675 : vector<16xi32>
    %add3A_677 = arith.addi %add3A_676, %select_n3A_669 : vector<16xi32>
    %jit3A_678 = arith.constant 0 : i32
    %broadcast_in_dim3A_679 = vector.broadcast %jit3A_678 : i32 to vector<16xi32>
    %select_n3A_680 = arith.select %and3A_661, %add3A_677, %broadcast_in_dim3A_679 : vector<16xi1>, vector<16xi32>
    %abs3A_681 = math.absf %get3A_632 : vector<16xf32>
    tpu.vector_store_idx %arg9[%select_n3A_680], %abs3A_681 masked %and3A_661 {add = true} : memref<1536xf32, #tpu.memory_space<vmem>>[vector<16xi32>], vector<16xf32>, vector<16xi1>
    %get3A_682 = arith.constant 144 : index
    %get3A_683 = tpu.vector_load %arg6[%get3A_682] {strides = array<i32>} : memref<1024xf32, #tpu.memory_space<vmem>>, vector<16xf32>,
    %get3A_684 = arith.constant 144 : index
    %get3A_685 = tpu.vector_load %arg7[%get3A_684] {strides = array<i32>} : memref<1024xf32, #tpu.memory_space<vmem>>, vector<16xf32>,
    %get3A_686 = arith.constant 144 : index
    %get3A_687 = tpu.vector_load %arg8[%get3A_686] {strides = array<i32>} : memref<1024xf32, #tpu.memory_space<vmem>>, vector<16xf32>,
    %add3A_688 = arith.constant 3.000000e+00 : f32
    %add3A_689 = vector.broadcast %add3A_688 : f32 to vector<16xf32>
    %add3A_690 = arith.addf %get3A_683, %add3A_689 : vector<16xf32>
    %mul3A_691 = arith.constant 4.000000e+00 : f32
    %mul3A_692 = vector.broadcast %mul3A_691 : f32 to vector<16xf32>
    %mul3A_693 = arith.mulf %add3A_690, %mul3A_692 : vector<16xf32>
    %convert_element_type3A_694 = arith.fptosi %mul3A_693 : vector<16xf32> to vector<16xi32>
    %add3A_695 = arith.constant 3.000000e+00 : f32
    %add3A_696 = vector.broadcast %add3A_695 : f32 to vector<16xf32>
    %add3A_697 = arith.addf %get3A_685, %add3A_696 : vector<16xf32>
    %mul3A_698 = arith.constant 4.000000e+00 : f32
    %mul3A_699 = vector.broadcast %mul3A_698 : f32 to vector<16xf32>
    %mul3A_700 = arith.mulf %add3A_697, %mul3A_699 : vector<16xf32>
    %convert_element_type3A_701 = arith.fptosi %mul3A_700 : vector<16xf32> to vector<16xi32>
    %ge3A_702 = arith.constant 0 : i32
    %ge3A_703 = vector.broadcast %ge3A_702 : i32 to vector<16xi32>
    %ge3A_704 = arith.cmpi sge, %convert_element_type3A_694, %ge3A_703 : vector<16xi32>
    %lt3A_705 = arith.constant 24 : i32
    %lt3A_706 = vector.broadcast %lt3A_705 : i32 to vector<16xi32>
    %lt3A_707 = arith.cmpi slt, %convert_element_type3A_694, %lt3A_706 : vector<16xi32>
    %and3A_708 = arith.andi %ge3A_704, %lt3A_707 : vector<16xi1>
    %ge3A_709 = arith.constant 0 : i32
    %ge3A_710 = vector.broadcast %ge3A_709 : i32 to vector<16xi32>
    %ge3A_711 = arith.cmpi sge, %convert_element_type3A_701, %ge3A_710 : vector<16xi32>
    %and3A_712 = arith.andi %and3A_708, %ge3A_711 : vector<16xi1>
    %lt3A_713 = arith.constant 24 : i32
    %lt3A_714 = vector.broadcast %lt3A_713 : i32 to vector<16xi32>
    %lt3A_715 = arith.cmpi slt, %convert_element_type3A_701, %lt3A_714 : vector<16xi32>
    %and3A_716 = arith.andi %and3A_712, %lt3A_715 : vector<16xi1>
    %lt3A_717 = arith.constant 0.000000e+00 : f32
    %lt3A_718 = vector.broadcast %lt3A_717 : f32 to vector<16xf32>
    %lt3A_719 = arith.cmpf olt, %get3A_687, %lt3A_718 : vector<16xf32>
    %jit3A_720 = arith.constant 768 : i32
    %jit3A_721 = arith.constant 0 : i32
    %broadcast_in_dim3A_722 = vector.broadcast %jit3A_720 : i32 to vector<16xi32>
    %broadcast_in_dim3A_723 = vector.broadcast %jit3A_721 : i32 to vector<16xi32>
    %select_n3A_724 = arith.select %lt3A_719, %broadcast_in_dim3A_722, %broadcast_in_dim3A_723 : vector<16xi1>, vector<16xi32>
    %mul3A_725 = arith.constant 26 : i32
    %mul3A_726 = vector.broadcast %mul3A_725 : i32 to vector<16xi32>
    %mul3A_727 = arith.muli %convert_element_type3A_694, %mul3A_726 : vector<16xi32>
    %add3A_728 = arith.addi %mul3A_727, %convert_element_type3A_701 : vector<16xi32>
    %add3A_729 = arith.constant 27 : i32
    %add3A_730 = vector.broadcast %add3A_729 : i32 to vector<16xi32>
    %add3A_731 = arith.addi %add3A_728, %add3A_730 : vector<16xi32>
    %add3A_732 = arith.addi %add3A_731, %select_n3A_724 : vector<16xi32>
    %jit3A_733 = arith.constant 0 : i32
    %broadcast_in_dim3A_734 = vector.broadcast %jit3A_733 : i32 to vector<16xi32>
    %select_n3A_735 = arith.select %and3A_716, %add3A_732, %broadcast_in_dim3A_734 : vector<16xi1>, vector<16xi32>
    %abs3A_736 = math.absf %get3A_687 : vector<16xf32>
    tpu.vector_store_idx %arg9[%select_n3A_735], %abs3A_736 masked %and3A_716 {add = true} : memref<1536xf32, #tpu.memory_space<vmem>>[vector<16xi32>], vector<16xf32>, vector<16xi1>
    %get3A_737 = arith.constant 160 : index
    %get3A_738 = tpu.vector_load %arg6[%get3A_737] {strides = array<i32>} : memref<1024xf32, #tpu.memory_space<vmem>>, vector<16xf32>,
    %get3A_739 = arith.constant 160 : index
    %get3A_740 = tpu.vector_load %arg7[%get3A_739] {strides = array<i32>} : memref<1024xf32, #tpu.memory_space<vmem>>, vector<16xf32>,
    %get3A_741 = arith.constant 160 : index
    %get3A_742 = tpu.vector_load %arg8[%get3A_741] {strides = array<i32>} : memref<1024xf32, #tpu.memory_space<vmem>>, vector<16xf32>,
    %add3A_743 = arith.constant 3.000000e+00 : f32
    %add3A_744 = vector.broadcast %add3A_743 : f32 to vector<16xf32>
    %add3A_745 = arith.addf %get3A_738, %add3A_744 : vector<16xf32>
    %mul3A_746 = arith.constant 4.000000e+00 : f32
    %mul3A_747 = vector.broadcast %mul3A_746 : f32 to vector<16xf32>
    %mul3A_748 = arith.mulf %add3A_745, %mul3A_747 : vector<16xf32>
    %convert_element_type3A_749 = arith.fptosi %mul3A_748 : vector<16xf32> to vector<16xi32>
    %add3A_750 = arith.constant 3.000000e+00 : f32
    %add3A_751 = vector.broadcast %add3A_750 : f32 to vector<16xf32>
    %add3A_752 = arith.addf %get3A_740, %add3A_751 : vector<16xf32>
    %mul3A_753 = arith.constant 4.000000e+00 : f32
    %mul3A_754 = vector.broadcast %mul3A_753 : f32 to vector<16xf32>
    %mul3A_755 = arith.mulf %add3A_752, %mul3A_754 : vector<16xf32>
    %convert_element_type3A_756 = arith.fptosi %mul3A_755 : vector<16xf32> to vector<16xi32>
    %ge3A_757 = arith.constant 0 : i32
    %ge3A_758 = vector.broadcast %ge3A_757 : i32 to vector<16xi32>
    %ge3A_759 = arith.cmpi sge, %convert_element_type3A_749, %ge3A_758 : vector<16xi32>
    %lt3A_760 = arith.constant 24 : i32
    %lt3A_761 = vector.broadcast %lt3A_760 : i32 to vector<16xi32>
    %lt3A_762 = arith.cmpi slt, %convert_element_type3A_749, %lt3A_761 : vector<16xi32>
    %and3A_763 = arith.andi %ge3A_759, %lt3A_762 : vector<16xi1>
    %ge3A_764 = arith.constant 0 : i32
    %ge3A_765 = vector.broadcast %ge3A_764 : i32 to vector<16xi32>
    %ge3A_766 = arith.cmpi sge, %convert_element_type3A_756, %ge3A_765 : vector<16xi32>
    %and3A_767 = arith.andi %and3A_763, %ge3A_766 : vector<16xi1>
    %lt3A_768 = arith.constant 24 : i32
    %lt3A_769 = vector.broadcast %lt3A_768 : i32 to vector<16xi32>
    %lt3A_770 = arith.cmpi slt, %convert_element_type3A_756, %lt3A_769 : vector<16xi32>
    %and3A_771 = arith.andi %and3A_767, %lt3A_770 : vector<16xi1>
    %lt3A_772 = arith.constant 0.000000e+00 : f32
    %lt3A_773 = vector.broadcast %lt3A_772 : f32 to vector<16xf32>
    %lt3A_774 = arith.cmpf olt, %get3A_742, %lt3A_773 : vector<16xf32>
    %jit3A_775 = arith.constant 768 : i32
    %jit3A_776 = arith.constant 0 : i32
    %broadcast_in_dim3A_777 = vector.broadcast %jit3A_775 : i32 to vector<16xi32>
    %broadcast_in_dim3A_778 = vector.broadcast %jit3A_776 : i32 to vector<16xi32>
    %select_n3A_779 = arith.select %lt3A_774, %broadcast_in_dim3A_777, %broadcast_in_dim3A_778 : vector<16xi1>, vector<16xi32>
    %mul3A_780 = arith.constant 26 : i32
    %mul3A_781 = vector.broadcast %mul3A_780 : i32 to vector<16xi32>
    %mul3A_782 = arith.muli %convert_element_type3A_749, %mul3A_781 : vector<16xi32>
    %add3A_783 = arith.addi %mul3A_782, %convert_element_type3A_756 : vector<16xi32>
    %add3A_784 = arith.constant 27 : i32
    %add3A_785 = vector.broadcast %add3A_784 : i32 to vector<16xi32>
    %add3A_786 = arith.addi %add3A_783, %add3A_785 : vector<16xi32>
    %add3A_787 = arith.addi %add3A_786, %select_n3A_779 : vector<16xi32>
    %jit3A_788 = arith.constant 0 : i32
    %broadcast_in_dim3A_789 = vector.broadcast %jit3A_788 : i32 to vector<16xi32>
    %select_n3A_790 = arith.select %and3A_771, %add3A_787, %broadcast_in_dim3A_789 : vector<16xi1>, vector<16xi32>
    %abs3A_791 = math.absf %get3A_742 : vector<16xf32>
    tpu.vector_store_idx %arg9[%select_n3A_790], %abs3A_791 masked %and3A_771 {add = true} : memref<1536xf32, #tpu.memory_space<vmem>>[vector<16xi32>], vector<16xf32>, vector<16xi1>
    %get3A_792 = arith.constant 176 : index
    %get3A_793 = tpu.vector_load %arg6[%get3A_792] {strides = array<i32>} : memref<1024xf32, #tpu.memory_space<vmem>>, vector<16xf32>,
    %get3A_794 = arith.constant 176 : index
    %get3A_795 = tpu.vector_load %arg7[%get3A_794] {strides = array<i32>} : memref<1024xf32, #tpu.memory_space<vmem>>, vector<16xf32>,
    %get3A_796 = arith.constant 176 : index
    %get3A_797 = tpu.vector_load %arg8[%get3A_796] {strides = array<i32>} : memref<1024xf32, #tpu.memory_space<vmem>>, vector<16xf32>,
    %add3A_798 = arith.constant 3.000000e+00 : f32
    %add3A_799 = vector.broadcast %add3A_798 : f32 to vector<16xf32>
    %add3A_800 = arith.addf %get3A_793, %add3A_799 : vector<16xf32>
    %mul3A_801 = arith.constant 4.000000e+00 : f32
    %mul3A_802 = vector.broadcast %mul3A_801 : f32 to vector<16xf32>
    %mul3A_803 = arith.mulf %add3A_800, %mul3A_802 : vector<16xf32>
    %convert_element_type3A_804 = arith.fptosi %mul3A_803 : vector<16xf32> to vector<16xi32>
    %add3A_805 = arith.constant 3.000000e+00 : f32
    %add3A_806 = vector.broadcast %add3A_805 : f32 to vector<16xf32>
    %add3A_807 = arith.addf %get3A_795, %add3A_806 : vector<16xf32>
    %mul3A_808 = arith.constant 4.000000e+00 : f32
    %mul3A_809 = vector.broadcast %mul3A_808 : f32 to vector<16xf32>
    %mul3A_810 = arith.mulf %add3A_807, %mul3A_809 : vector<16xf32>
    %convert_element_type3A_811 = arith.fptosi %mul3A_810 : vector<16xf32> to vector<16xi32>
    %ge3A_812 = arith.constant 0 : i32
    %ge3A_813 = vector.broadcast %ge3A_812 : i32 to vector<16xi32>
    %ge3A_814 = arith.cmpi sge, %convert_element_type3A_804, %ge3A_813 : vector<16xi32>
    %lt3A_815 = arith.constant 24 : i32
    %lt3A_816 = vector.broadcast %lt3A_815 : i32 to vector<16xi32>
    %lt3A_817 = arith.cmpi slt, %convert_element_type3A_804, %lt3A_816 : vector<16xi32>
    %and3A_818 = arith.andi %ge3A_814, %lt3A_817 : vector<16xi1>
    %ge3A_819 = arith.constant 0 : i32
    %ge3A_820 = vector.broadcast %ge3A_819 : i32 to vector<16xi32>
    %ge3A_821 = arith.cmpi sge, %convert_element_type3A_811, %ge3A_820 : vector<16xi32>
    %and3A_822 = arith.andi %and3A_818, %ge3A_821 : vector<16xi1>
    %lt3A_823 = arith.constant 24 : i32
    %lt3A_824 = vector.broadcast %lt3A_823 : i32 to vector<16xi32>
    %lt3A_825 = arith.cmpi slt, %convert_element_type3A_811, %lt3A_824 : vector<16xi32>
    %and3A_826 = arith.andi %and3A_822, %lt3A_825 : vector<16xi1>
    %lt3A_827 = arith.constant 0.000000e+00 : f32
    %lt3A_828 = vector.broadcast %lt3A_827 : f32 to vector<16xf32>
    %lt3A_829 = arith.cmpf olt, %get3A_797, %lt3A_828 : vector<16xf32>
    %jit3A_830 = arith.constant 768 : i32
    %jit3A_831 = arith.constant 0 : i32
    %broadcast_in_dim3A_832 = vector.broadcast %jit3A_830 : i32 to vector<16xi32>
    %broadcast_in_dim3A_833 = vector.broadcast %jit3A_831 : i32 to vector<16xi32>
    %select_n3A_834 = arith.select %lt3A_829, %broadcast_in_dim3A_832, %broadcast_in_dim3A_833 : vector<16xi1>, vector<16xi32>
    %mul3A_835 = arith.constant 26 : i32
    %mul3A_836 = vector.broadcast %mul3A_835 : i32 to vector<16xi32>
    %mul3A_837 = arith.muli %convert_element_type3A_804, %mul3A_836 : vector<16xi32>
    %add3A_838 = arith.addi %mul3A_837, %convert_element_type3A_811 : vector<16xi32>
    %add3A_839 = arith.constant 27 : i32
    %add3A_840 = vector.broadcast %add3A_839 : i32 to vector<16xi32>
    %add3A_841 = arith.addi %add3A_838, %add3A_840 : vector<16xi32>
    %add3A_842 = arith.addi %add3A_841, %select_n3A_834 : vector<16xi32>
    %jit3A_843 = arith.constant 0 : i32
    %broadcast_in_dim3A_844 = vector.broadcast %jit3A_843 : i32 to vector<16xi32>
    %select_n3A_845 = arith.select %and3A_826, %add3A_842, %broadcast_in_dim3A_844 : vector<16xi1>, vector<16xi32>
    %abs3A_846 = math.absf %get3A_797 : vector<16xf32>
    tpu.vector_store_idx %arg9[%select_n3A_845], %abs3A_846 masked %and3A_826 {add = true} : memref<1536xf32, #tpu.memory_space<vmem>>[vector<16xi32>], vector<16xf32>, vector<16xi1>
    %get3A_847 = arith.constant 192 : index
    %get3A_848 = tpu.vector_load %arg6[%get3A_847] {strides = array<i32>} : memref<1024xf32, #tpu.memory_space<vmem>>, vector<16xf32>,
    %get3A_849 = arith.constant 192 : index
    %get3A_850 = tpu.vector_load %arg7[%get3A_849] {strides = array<i32>} : memref<1024xf32, #tpu.memory_space<vmem>>, vector<16xf32>,
    %get3A_851 = arith.constant 192 : index
    %get3A_852 = tpu.vector_load %arg8[%get3A_851] {strides = array<i32>} : memref<1024xf32, #tpu.memory_space<vmem>>, vector<16xf32>,
    %add3A_853 = arith.constant 3.000000e+00 : f32
    %add3A_854 = vector.broadcast %add3A_853 : f32 to vector<16xf32>
    %add3A_855 = arith.addf %get3A_848, %add3A_854 : vector<16xf32>
    %mul3A_856 = arith.constant 4.000000e+00 : f32
    %mul3A_857 = vector.broadcast %mul3A_856 : f32 to vector<16xf32>
    %mul3A_858 = arith.mulf %add3A_855, %mul3A_857 : vector<16xf32>
    %convert_element_type3A_859 = arith.fptosi %mul3A_858 : vector<16xf32> to vector<16xi32>
    %add3A_860 = arith.constant 3.000000e+00 : f32
    %add3A_861 = vector.broadcast %add3A_860 : f32 to vector<16xf32>
    %add3A_862 = arith.addf %get3A_850, %add3A_861 : vector<16xf32>
    %mul3A_863 = arith.constant 4.000000e+00 : f32
    %mul3A_864 = vector.broadcast %mul3A_863 : f32 to vector<16xf32>
    %mul3A_865 = arith.mulf %add3A_862, %mul3A_864 : vector<16xf32>
    %convert_element_type3A_866 = arith.fptosi %mul3A_865 : vector<16xf32> to vector<16xi32>
    %ge3A_867 = arith.constant 0 : i32
    %ge3A_868 = vector.broadcast %ge3A_867 : i32 to vector<16xi32>
    %ge3A_869 = arith.cmpi sge, %convert_element_type3A_859, %ge3A_868 : vector<16xi32>
    %lt3A_870 = arith.constant 24 : i32
    %lt3A_871 = vector.broadcast %lt3A_870 : i32 to vector<16xi32>
    %lt3A_872 = arith.cmpi slt, %convert_element_type3A_859, %lt3A_871 : vector<16xi32>
    %and3A_873 = arith.andi %ge3A_869, %lt3A_872 : vector<16xi1>
    %ge3A_874 = arith.constant 0 : i32
    %ge3A_875 = vector.broadcast %ge3A_874 : i32 to vector<16xi32>
    %ge3A_876 = arith.cmpi sge, %convert_element_type3A_866, %ge3A_875 : vector<16xi32>
    %and3A_877 = arith.andi %and3A_873, %ge3A_876 : vector<16xi1>
    %lt3A_878 = arith.constant 24 : i32
    %lt3A_879 = vector.broadcast %lt3A_878 : i32 to vector<16xi32>
    %lt3A_880 = arith.cmpi slt, %convert_element_type3A_866, %lt3A_879 : vector<16xi32>
    %and3A_881 = arith.andi %and3A_877, %lt3A_880 : vector<16xi1>
    %lt3A_882 = arith.constant 0.000000e+00 : f32
    %lt3A_883 = vector.broadcast %lt3A_882 : f32 to vector<16xf32>
    %lt3A_884 = arith.cmpf olt, %get3A_852, %lt3A_883 : vector<16xf32>
    %jit3A_885 = arith.constant 768 : i32
    %jit3A_886 = arith.constant 0 : i32
    %broadcast_in_dim3A_887 = vector.broadcast %jit3A_885 : i32 to vector<16xi32>
    %broadcast_in_dim3A_888 = vector.broadcast %jit3A_886 : i32 to vector<16xi32>
    %select_n3A_889 = arith.select %lt3A_884, %broadcast_in_dim3A_887, %broadcast_in_dim3A_888 : vector<16xi1>, vector<16xi32>
    %mul3A_890 = arith.constant 26 : i32
    %mul3A_891 = vector.broadcast %mul3A_890 : i32 to vector<16xi32>
    %mul3A_892 = arith.muli %convert_element_type3A_859, %mul3A_891 : vector<16xi32>
    %add3A_893 = arith.addi %mul3A_892, %convert_element_type3A_866 : vector<16xi32>
    %add3A_894 = arith.constant 27 : i32
    %add3A_895 = vector.broadcast %add3A_894 : i32 to vector<16xi32>
    %add3A_896 = arith.addi %add3A_893, %add3A_895 : vector<16xi32>
    %add3A_897 = arith.addi %add3A_896, %select_n3A_889 : vector<16xi32>
    %jit3A_898 = arith.constant 0 : i32
    %broadcast_in_dim3A_899 = vector.broadcast %jit3A_898 : i32 to vector<16xi32>
    %select_n3A_900 = arith.select %and3A_881, %add3A_897, %broadcast_in_dim3A_899 : vector<16xi1>, vector<16xi32>
    %abs3A_901 = math.absf %get3A_852 : vector<16xf32>
    tpu.vector_store_idx %arg9[%select_n3A_900], %abs3A_901 masked %and3A_881 {add = true} : memref<1536xf32, #tpu.memory_space<vmem>>[vector<16xi32>], vector<16xf32>, vector<16xi1>
    %get3A_902 = arith.constant 208 : index
    %get3A_903 = tpu.vector_load %arg6[%get3A_902] {strides = array<i32>} : memref<1024xf32, #tpu.memory_space<vmem>>, vector<16xf32>,
    %get3A_904 = arith.constant 208 : index
    %get3A_905 = tpu.vector_load %arg7[%get3A_904] {strides = array<i32>} : memref<1024xf32, #tpu.memory_space<vmem>>, vector<16xf32>,
    %get3A_906 = arith.constant 208 : index
    %get3A_907 = tpu.vector_load %arg8[%get3A_906] {strides = array<i32>} : memref<1024xf32, #tpu.memory_space<vmem>>, vector<16xf32>,
    %add3A_908 = arith.constant 3.000000e+00 : f32
    %add3A_909 = vector.broadcast %add3A_908 : f32 to vector<16xf32>
    %add3A_910 = arith.addf %get3A_903, %add3A_909 : vector<16xf32>
    %mul3A_911 = arith.constant 4.000000e+00 : f32
    %mul3A_912 = vector.broadcast %mul3A_911 : f32 to vector<16xf32>
    %mul3A_913 = arith.mulf %add3A_910, %mul3A_912 : vector<16xf32>
    %convert_element_type3A_914 = arith.fptosi %mul3A_913 : vector<16xf32> to vector<16xi32>
    %add3A_915 = arith.constant 3.000000e+00 : f32
    %add3A_916 = vector.broadcast %add3A_915 : f32 to vector<16xf32>
    %add3A_917 = arith.addf %get3A_905, %add3A_916 : vector<16xf32>
    %mul3A_918 = arith.constant 4.000000e+00 : f32
    %mul3A_919 = vector.broadcast %mul3A_918 : f32 to vector<16xf32>
    %mul3A_920 = arith.mulf %add3A_917, %mul3A_919 : vector<16xf32>
    %convert_element_type3A_921 = arith.fptosi %mul3A_920 : vector<16xf32> to vector<16xi32>
    %ge3A_922 = arith.constant 0 : i32
    %ge3A_923 = vector.broadcast %ge3A_922 : i32 to vector<16xi32>
    %ge3A_924 = arith.cmpi sge, %convert_element_type3A_914, %ge3A_923 : vector<16xi32>
    %lt3A_925 = arith.constant 24 : i32
    %lt3A_926 = vector.broadcast %lt3A_925 : i32 to vector<16xi32>
    %lt3A_927 = arith.cmpi slt, %convert_element_type3A_914, %lt3A_926 : vector<16xi32>
    %and3A_928 = arith.andi %ge3A_924, %lt3A_927 : vector<16xi1>
    %ge3A_929 = arith.constant 0 : i32
    %ge3A_930 = vector.broadcast %ge3A_929 : i32 to vector<16xi32>
    %ge3A_931 = arith.cmpi sge, %convert_element_type3A_921, %ge3A_930 : vector<16xi32>
    %and3A_932 = arith.andi %and3A_928, %ge3A_931 : vector<16xi1>
    %lt3A_933 = arith.constant 24 : i32
    %lt3A_934 = vector.broadcast %lt3A_933 : i32 to vector<16xi32>
    %lt3A_935 = arith.cmpi slt, %convert_element_type3A_921, %lt3A_934 : vector<16xi32>
    %and3A_936 = arith.andi %and3A_932, %lt3A_935 : vector<16xi1>
    %lt3A_937 = arith.constant 0.000000e+00 : f32
    %lt3A_938 = vector.broadcast %lt3A_937 : f32 to vector<16xf32>
    %lt3A_939 = arith.cmpf olt, %get3A_907, %lt3A_938 : vector<16xf32>
    %jit3A_940 = arith.constant 768 : i32
    %jit3A_941 = arith.constant 0 : i32
    %broadcast_in_dim3A_942 = vector.broadcast %jit3A_940 : i32 to vector<16xi32>
    %broadcast_in_dim3A_943 = vector.broadcast %jit3A_941 : i32 to vector<16xi32>
    %select_n3A_944 = arith.select %lt3A_939, %broadcast_in_dim3A_942, %broadcast_in_dim3A_943 : vector<16xi1>, vector<16xi32>
    %mul3A_945 = arith.constant 26 : i32
    %mul3A_946 = vector.broadcast %mul3A_945 : i32 to vector<16xi32>
    %mul3A_947 = arith.muli %convert_element_type3A_914, %mul3A_946 : vector<16xi32>
    %add3A_948 = arith.addi %mul3A_947, %convert_element_type3A_921 : vector<16xi32>
    %add3A_949 = arith.constant 27 : i32
    %add3A_950 = vector.broadcast %add3A_949 : i32 to vector<16xi32>
    %add3A_951 = arith.addi %add3A_948, %add3A_950 : vector<16xi32>
    %add3A_952 = arith.addi %add3A_951, %select_n3A_944 : vector<16xi32>
    %jit3A_953 = arith.constant 0 : i32
    %broadcast_in_dim3A_954 = vector.broadcast %jit3A_953 : i32 to vector<16xi32>
    %select_n3A_955 = arith.select %and3A_936, %add3A_952, %broadcast_in_dim3A_954 : vector<16xi1>, vector<16xi32>
    %abs3A_956 = math.absf %get3A_907 : vector<16xf32>
    tpu.vector_store_idx %arg9[%select_n3A_955], %abs3A_956 masked %and3A_936 {add = true} : memref<1536xf32, #tpu.memory_space<vmem>>[vector<16xi32>], vector<16xf32>, vector<16xi1>
    %get3A_957 = arith.constant 224 : index
    %get3A_958 = tpu.vector_load %arg6[%get3A_957] {strides = array<i32>} : memref<1024xf32, #tpu.memory_space<vmem>>, vector<16xf32>,
    %get3A_959 = arith.constant 224 : index
    %get3A_960 = tpu.vector_load %arg7[%get3A_959] {strides = array<i32>} : memref<1024xf32, #tpu.memory_space<vmem>>, vector<16xf32>,
    %get3A_961 = arith.constant 224 : index
    %get3A_962 = tpu.vector_load %arg8[%get3A_961] {strides = array<i32>} : memref<1024xf32, #tpu.memory_space<vmem>>, vector<16xf32>,
    %add3A_963 = arith.constant 3.000000e+00 : f32
    %add3A_964 = vector.broadcast %add3A_963 : f32 to vector<16xf32>
    %add3A_965 = arith.addf %get3A_958, %add3A_964 : vector<16xf32>
    %mul3A_966 = arith.constant 4.000000e+00 : f32
    %mul3A_967 = vector.broadcast %mul3A_966 : f32 to vector<16xf32>
    %mul3A_968 = arith.mulf %add3A_965, %mul3A_967 : vector<16xf32>
    %convert_element_type3A_969 = arith.fptosi %mul3A_968 : vector<16xf32> to vector<16xi32>
    %add3A_970 = arith.constant 3.000000e+00 : f32
    %add3A_971 = vector.broadcast %add3A_970 : f32 to vector<16xf32>
    %add3A_972 = arith.addf %get3A_960, %add3A_971 : vector<16xf32>
    %mul3A_973 = arith.constant 4.000000e+00 : f32
    %mul3A_974 = vector.broadcast %mul3A_973 : f32 to vector<16xf32>
    %mul3A_975 = arith.mulf %add3A_972, %mul3A_974 : vector<16xf32>
    %convert_element_type3A_976 = arith.fptosi %mul3A_975 : vector<16xf32> to vector<16xi32>
    %ge3A_977 = arith.constant 0 : i32
    %ge3A_978 = vector.broadcast %ge3A_977 : i32 to vector<16xi32>
    %ge3A_979 = arith.cmpi sge, %convert_element_type3A_969, %ge3A_978 : vector<16xi32>
    %lt3A_980 = arith.constant 24 : i32
    %lt3A_981 = vector.broadcast %lt3A_980 : i32 to vector<16xi32>
    %lt3A_982 = arith.cmpi slt, %convert_element_type3A_969, %lt3A_981 : vector<16xi32>
    %and3A_983 = arith.andi %ge3A_979, %lt3A_982 : vector<16xi1>
    %ge3A_984 = arith.constant 0 : i32
    %ge3A_985 = vector.broadcast %ge3A_984 : i32 to vector<16xi32>
    %ge3A_986 = arith.cmpi sge, %convert_element_type3A_976, %ge3A_985 : vector<16xi32>
    %and3A_987 = arith.andi %and3A_983, %ge3A_986 : vector<16xi1>
    %lt3A_988 = arith.constant 24 : i32
    %lt3A_989 = vector.broadcast %lt3A_988 : i32 to vector<16xi32>
    %lt3A_990 = arith.cmpi slt, %convert_element_type3A_976, %lt3A_989 : vector<16xi32>
    %and3A_991 = arith.andi %and3A_987, %lt3A_990 : vector<16xi1>
    %lt3A_992 = arith.constant 0.000000e+00 : f32
    %lt3A_993 = vector.broadcast %lt3A_992 : f32 to vector<16xf32>
    %lt3A_994 = arith.cmpf olt, %get3A_962, %lt3A_993 : vector<16xf32>
    %jit3A_995 = arith.constant 768 : i32
    %jit3A_996 = arith.constant 0 : i32
    %broadcast_in_dim3A_997 = vector.broadcast %jit3A_995 : i32 to vector<16xi32>
    %broadcast_in_dim3A_998 = vector.broadcast %jit3A_996 : i32 to vector<16xi32>
    %select_n3A_999 = arith.select %lt3A_994, %broadcast_in_dim3A_997, %broadcast_in_dim3A_998 : vector<16xi1>, vector<16xi32>
    %mul3A_1000 = arith.constant 26 : i32
    %mul3A_1001 = vector.broadcast %mul3A_1000 : i32 to vector<16xi32>
    %mul3A_1002 = arith.muli %convert_element_type3A_969, %mul3A_1001 : vector<16xi32>
    %add3A_1003 = arith.addi %mul3A_1002, %convert_element_type3A_976 : vector<16xi32>
    %add3A_1004 = arith.constant 27 : i32
    %add3A_1005 = vector.broadcast %add3A_1004 : i32 to vector<16xi32>
    %add3A_1006 = arith.addi %add3A_1003, %add3A_1005 : vector<16xi32>
    %add3A_1007 = arith.addi %add3A_1006, %select_n3A_999 : vector<16xi32>
    %jit3A_1008 = arith.constant 0 : i32
    %broadcast_in_dim3A_1009 = vector.broadcast %jit3A_1008 : i32 to vector<16xi32>
    %select_n3A_1010 = arith.select %and3A_991, %add3A_1007, %broadcast_in_dim3A_1009 : vector<16xi1>, vector<16xi32>
    %abs3A_1011 = math.absf %get3A_962 : vector<16xf32>
    tpu.vector_store_idx %arg9[%select_n3A_1010], %abs3A_1011 masked %and3A_991 {add = true} : memref<1536xf32, #tpu.memory_space<vmem>>[vector<16xi32>], vector<16xf32>, vector<16xi1>
    %get3A_1012 = arith.constant 240 : index
    %get3A_1013 = tpu.vector_load %arg6[%get3A_1012] {strides = array<i32>} : memref<1024xf32, #tpu.memory_space<vmem>>, vector<16xf32>,
    %get3A_1014 = arith.constant 240 : index
    %get3A_1015 = tpu.vector_load %arg7[%get3A_1014] {strides = array<i32>} : memref<1024xf32, #tpu.memory_space<vmem>>, vector<16xf32>,
    %get3A_1016 = arith.constant 240 : index
    %get3A_1017 = tpu.vector_load %arg8[%get3A_1016] {strides = array<i32>} : memref<1024xf32, #tpu.memory_space<vmem>>, vector<16xf32>,
    %add3A_1018 = arith.constant 3.000000e+00 : f32
    %add3A_1019 = vector.broadcast %add3A_1018 : f32 to vector<16xf32>
    %add3A_1020 = arith.addf %get3A_1013, %add3A_1019 : vector<16xf32>
    %mul3A_1021 = arith.constant 4.000000e+00 : f32
    %mul3A_1022 = vector.broadcast %mul3A_1021 : f32 to vector<16xf32>
    %mul3A_1023 = arith.mulf %add3A_1020, %mul3A_1022 : vector<16xf32>
    %convert_element_type3A_1024 = arith.fptosi %mul3A_1023 : vector<16xf32> to vector<16xi32>
    %add3A_1025 = arith.constant 3.000000e+00 : f32
    %add3A_1026 = vector.broadcast %add3A_1025 : f32 to vector<16xf32>
    %add3A_1027 = arith.addf %get3A_1015, %add3A_1026 : vector<16xf32>
    %mul3A_1028 = arith.constant 4.000000e+00 : f32
    %mul3A_1029 = vector.broadcast %mul3A_1028 : f32 to vector<16xf32>
    %mul3A_1030 = arith.mulf %add3A_1027, %mul3A_1029 : vector<16xf32>
    %convert_element_type3A_1031 = arith.fptosi %mul3A_1030 : vector<16xf32> to vector<16xi32>
    %ge3A_1032 = arith.constant 0 : i32
    %ge3A_1033 = vector.broadcast %ge3A_1032 : i32 to vector<16xi32>
    %ge3A_1034 = arith.cmpi sge, %convert_element_type3A_1024, %ge3A_1033 : vector<16xi32>
    %lt3A_1035 = arith.constant 24 : i32
    %lt3A_1036 = vector.broadcast %lt3A_1035 : i32 to vector<16xi32>
    %lt3A_1037 = arith.cmpi slt, %convert_element_type3A_1024, %lt3A_1036 : vector<16xi32>
    %and3A_1038 = arith.andi %ge3A_1034, %lt3A_1037 : vector<16xi1>
    %ge3A_1039 = arith.constant 0 : i32
    %ge3A_1040 = vector.broadcast %ge3A_1039 : i32 to vector<16xi32>
    %ge3A_1041 = arith.cmpi sge, %convert_element_type3A_1031, %ge3A_1040 : vector<16xi32>
    %and3A_1042 = arith.andi %and3A_1038, %ge3A_1041 : vector<16xi1>
    %lt3A_1043 = arith.constant 24 : i32
    %lt3A_1044 = vector.broadcast %lt3A_1043 : i32 to vector<16xi32>
    %lt3A_1045 = arith.cmpi slt, %convert_element_type3A_1031, %lt3A_1044 : vector<16xi32>
    %and3A_1046 = arith.andi %and3A_1042, %lt3A_1045 : vector<16xi1>
    %lt3A_1047 = arith.constant 0.000000e+00 : f32
    %lt3A_1048 = vector.broadcast %lt3A_1047 : f32 to vector<16xf32>
    %lt3A_1049 = arith.cmpf olt, %get3A_1017, %lt3A_1048 : vector<16xf32>
    %jit3A_1050 = arith.constant 768 : i32
    %jit3A_1051 = arith.constant 0 : i32
    %broadcast_in_dim3A_1052 = vector.broadcast %jit3A_1050 : i32 to vector<16xi32>
    %broadcast_in_dim3A_1053 = vector.broadcast %jit3A_1051 : i32 to vector<16xi32>
    %select_n3A_1054 = arith.select %lt3A_1049, %broadcast_in_dim3A_1052, %broadcast_in_dim3A_1053 : vector<16xi1>, vector<16xi32>
    %mul3A_1055 = arith.constant 26 : i32
    %mul3A_1056 = vector.broadcast %mul3A_1055 : i32 to vector<16xi32>
    %mul3A_1057 = arith.muli %convert_element_type3A_1024, %mul3A_1056 : vector<16xi32>
    %add3A_1058 = arith.addi %mul3A_1057, %convert_element_type3A_1031 : vector<16xi32>
    %add3A_1059 = arith.constant 27 : i32
    %add3A_1060 = vector.broadcast %add3A_1059 : i32 to vector<16xi32>
    %add3A_1061 = arith.addi %add3A_1058, %add3A_1060 : vector<16xi32>
    %add3A_1062 = arith.addi %add3A_1061, %select_n3A_1054 : vector<16xi32>
    %jit3A_1063 = arith.constant 0 : i32
    %broadcast_in_dim3A_1064 = vector.broadcast %jit3A_1063 : i32 to vector<16xi32>
    %select_n3A_1065 = arith.select %and3A_1046, %add3A_1062, %broadcast_in_dim3A_1064 : vector<16xi1>, vector<16xi32>
    %abs3A_1066 = math.absf %get3A_1017 : vector<16xf32>
    tpu.vector_store_idx %arg9[%select_n3A_1065], %abs3A_1066 masked %and3A_1046 {add = true} : memref<1536xf32, #tpu.memory_space<vmem>>[vector<16xi32>], vector<16xf32>, vector<16xi1>
    %get3A_1067 = arith.constant 256 : index
    %get3A_1068 = tpu.vector_load %arg6[%get3A_1067] {strides = array<i32>} : memref<1024xf32, #tpu.memory_space<vmem>>, vector<16xf32>,
    %get3A_1069 = arith.constant 256 : index
    %get3A_1070 = tpu.vector_load %arg7[%get3A_1069] {strides = array<i32>} : memref<1024xf32, #tpu.memory_space<vmem>>, vector<16xf32>,
    %get3A_1071 = arith.constant 256 : index
    %get3A_1072 = tpu.vector_load %arg8[%get3A_1071] {strides = array<i32>} : memref<1024xf32, #tpu.memory_space<vmem>>, vector<16xf32>,
    %add3A_1073 = arith.constant 3.000000e+00 : f32
    %add3A_1074 = vector.broadcast %add3A_1073 : f32 to vector<16xf32>
    %add3A_1075 = arith.addf %get3A_1068, %add3A_1074 : vector<16xf32>
    %mul3A_1076 = arith.constant 4.000000e+00 : f32
    %mul3A_1077 = vector.broadcast %mul3A_1076 : f32 to vector<16xf32>
    %mul3A_1078 = arith.mulf %add3A_1075, %mul3A_1077 : vector<16xf32>
    %convert_element_type3A_1079 = arith.fptosi %mul3A_1078 : vector<16xf32> to vector<16xi32>
    %add3A_1080 = arith.constant 3.000000e+00 : f32
    %add3A_1081 = vector.broadcast %add3A_1080 : f32 to vector<16xf32>
    %add3A_1082 = arith.addf %get3A_1070, %add3A_1081 : vector<16xf32>
    %mul3A_1083 = arith.constant 4.000000e+00 : f32
    %mul3A_1084 = vector.broadcast %mul3A_1083 : f32 to vector<16xf32>
    %mul3A_1085 = arith.mulf %add3A_1082, %mul3A_1084 : vector<16xf32>
    %convert_element_type3A_1086 = arith.fptosi %mul3A_1085 : vector<16xf32> to vector<16xi32>
    %ge3A_1087 = arith.constant 0 : i32
    %ge3A_1088 = vector.broadcast %ge3A_1087 : i32 to vector<16xi32>
    %ge3A_1089 = arith.cmpi sge, %convert_element_type3A_1079, %ge3A_1088 : vector<16xi32>
    %lt3A_1090 = arith.constant 24 : i32
    %lt3A_1091 = vector.broadcast %lt3A_1090 : i32 to vector<16xi32>
    %lt3A_1092 = arith.cmpi slt, %convert_element_type3A_1079, %lt3A_1091 : vector<16xi32>
    %and3A_1093 = arith.andi %ge3A_1089, %lt3A_1092 : vector<16xi1>
    %ge3A_1094 = arith.constant 0 : i32
    %ge3A_1095 = vector.broadcast %ge3A_1094 : i32 to vector<16xi32>
    %ge3A_1096 = arith.cmpi sge, %convert_element_type3A_1086, %ge3A_1095 : vector<16xi32>
    %and3A_1097 = arith.andi %and3A_1093, %ge3A_1096 : vector<16xi1>
    %lt3A_1098 = arith.constant 24 : i32
    %lt3A_1099 = vector.broadcast %lt3A_1098 : i32 to vector<16xi32>
    %lt3A_1100 = arith.cmpi slt, %convert_element_type3A_1086, %lt3A_1099 : vector<16xi32>
    %and3A_1101 = arith.andi %and3A_1097, %lt3A_1100 : vector<16xi1>
    %lt3A_1102 = arith.constant 0.000000e+00 : f32
    %lt3A_1103 = vector.broadcast %lt3A_1102 : f32 to vector<16xf32>
    %lt3A_1104 = arith.cmpf olt, %get3A_1072, %lt3A_1103 : vector<16xf32>
    %jit3A_1105 = arith.constant 768 : i32
    %jit3A_1106 = arith.constant 0 : i32
    %broadcast_in_dim3A_1107 = vector.broadcast %jit3A_1105 : i32 to vector<16xi32>
    %broadcast_in_dim3A_1108 = vector.broadcast %jit3A_1106 : i32 to vector<16xi32>
    %select_n3A_1109 = arith.select %lt3A_1104, %broadcast_in_dim3A_1107, %broadcast_in_dim3A_1108 : vector<16xi1>, vector<16xi32>
    %mul3A_1110 = arith.constant 26 : i32
    %mul3A_1111 = vector.broadcast %mul3A_1110 : i32 to vector<16xi32>
    %mul3A_1112 = arith.muli %convert_element_type3A_1079, %mul3A_1111 : vector<16xi32>
    %add3A_1113 = arith.addi %mul3A_1112, %convert_element_type3A_1086 : vector<16xi32>
    %add3A_1114 = arith.constant 27 : i32
    %add3A_1115 = vector.broadcast %add3A_1114 : i32 to vector<16xi32>
    %add3A_1116 = arith.addi %add3A_1113, %add3A_1115 : vector<16xi32>
    %add3A_1117 = arith.addi %add3A_1116, %select_n3A_1109 : vector<16xi32>
    %jit3A_1118 = arith.constant 0 : i32
    %broadcast_in_dim3A_1119 = vector.broadcast %jit3A_1118 : i32 to vector<16xi32>
    %select_n3A_1120 = arith.select %and3A_1101, %add3A_1117, %broadcast_in_dim3A_1119 : vector<16xi1>, vector<16xi32>
    %abs3A_1121 = math.absf %get3A_1072 : vector<16xf32>
    tpu.vector_store_idx %arg9[%select_n3A_1120], %abs3A_1121 masked %and3A_1101 {add = true} : memref<1536xf32, #tpu.memory_space<vmem>>[vector<16xi32>], vector<16xf32>, vector<16xi1>
    %get3A_1122 = arith.constant 272 : index
    %get3A_1123 = tpu.vector_load %arg6[%get3A_1122] {strides = array<i32>} : memref<1024xf32, #tpu.memory_space<vmem>>, vector<16xf32>,
    %get3A_1124 = arith.constant 272 : index
    %get3A_1125 = tpu.vector_load %arg7[%get3A_1124] {strides = array<i32>} : memref<1024xf32, #tpu.memory_space<vmem>>, vector<16xf32>,
    %get3A_1126 = arith.constant 272 : index
    %get3A_1127 = tpu.vector_load %arg8[%get3A_1126] {strides = array<i32>} : memref<1024xf32, #tpu.memory_space<vmem>>, vector<16xf32>,
    %add3A_1128 = arith.constant 3.000000e+00 : f32
    %add3A_1129 = vector.broadcast %add3A_1128 : f32 to vector<16xf32>
    %add3A_1130 = arith.addf %get3A_1123, %add3A_1129 : vector<16xf32>
    %mul3A_1131 = arith.constant 4.000000e+00 : f32
    %mul3A_1132 = vector.broadcast %mul3A_1131 : f32 to vector<16xf32>
    %mul3A_1133 = arith.mulf %add3A_1130, %mul3A_1132 : vector<16xf32>
    %convert_element_type3A_1134 = arith.fptosi %mul3A_1133 : vector<16xf32> to vector<16xi32>
    %add3A_1135 = arith.constant 3.000000e+00 : f32
    %add3A_1136 = vector.broadcast %add3A_1135 : f32 to vector<16xf32>
    %add3A_1137 = arith.addf %get3A_1125, %add3A_1136 : vector<16xf32>
    %mul3A_1138 = arith.constant 4.000000e+00 : f32
    %mul3A_1139 = vector.broadcast %mul3A_1138 : f32 to vector<16xf32>
    %mul3A_1140 = arith.mulf %add3A_1137, %mul3A_1139 : vector<16xf32>
    %convert_element_type3A_1141 = arith.fptosi %mul3A_1140 : vector<16xf32> to vector<16xi32>
    %ge3A_1142 = arith.constant 0 : i32
    %ge3A_1143 = vector.broadcast %ge3A_1142 : i32 to vector<16xi32>
    %ge3A_1144 = arith.cmpi sge, %convert_element_type3A_1134, %ge3A_1143 : vector<16xi32>
    %lt3A_1145 = arith.constant 24 : i32
    %lt3A_1146 = vector.broadcast %lt3A_1145 : i32 to vector<16xi32>
    %lt3A_1147 = arith.cmpi slt, %convert_element_type3A_1134, %lt3A_1146 : vector<16xi32>
    %and3A_1148 = arith.andi %ge3A_1144, %lt3A_1147 : vector<16xi1>
    %ge3A_1149 = arith.constant 0 : i32
    %ge3A_1150 = vector.broadcast %ge3A_1149 : i32 to vector<16xi32>
    %ge3A_1151 = arith.cmpi sge, %convert_element_type3A_1141, %ge3A_1150 : vector<16xi32>
    %and3A_1152 = arith.andi %and3A_1148, %ge3A_1151 : vector<16xi1>
    %lt3A_1153 = arith.constant 24 : i32
    %lt3A_1154 = vector.broadcast %lt3A_1153 : i32 to vector<16xi32>
    %lt3A_1155 = arith.cmpi slt, %convert_element_type3A_1141, %lt3A_1154 : vector<16xi32>
    %and3A_1156 = arith.andi %and3A_1152, %lt3A_1155 : vector<16xi1>
    %lt3A_1157 = arith.constant 0.000000e+00 : f32
    %lt3A_1158 = vector.broadcast %lt3A_1157 : f32 to vector<16xf32>
    %lt3A_1159 = arith.cmpf olt, %get3A_1127, %lt3A_1158 : vector<16xf32>
    %jit3A_1160 = arith.constant 768 : i32
    %jit3A_1161 = arith.constant 0 : i32
    %broadcast_in_dim3A_1162 = vector.broadcast %jit3A_1160 : i32 to vector<16xi32>
    %broadcast_in_dim3A_1163 = vector.broadcast %jit3A_1161 : i32 to vector<16xi32>
    %select_n3A_1164 = arith.select %lt3A_1159, %broadcast_in_dim3A_1162, %broadcast_in_dim3A_1163 : vector<16xi1>, vector<16xi32>
    %mul3A_1165 = arith.constant 26 : i32
    %mul3A_1166 = vector.broadcast %mul3A_1165 : i32 to vector<16xi32>
    %mul3A_1167 = arith.muli %convert_element_type3A_1134, %mul3A_1166 : vector<16xi32>
    %add3A_1168 = arith.addi %mul3A_1167, %convert_element_type3A_1141 : vector<16xi32>
    %add3A_1169 = arith.constant 27 : i32
    %add3A_1170 = vector.broadcast %add3A_1169 : i32 to vector<16xi32>
    %add3A_1171 = arith.addi %add3A_1168, %add3A_1170 : vector<16xi32>
    %add3A_1172 = arith.addi %add3A_1171, %select_n3A_1164 : vector<16xi32>
    %jit3A_1173 = arith.constant 0 : i32
    %broadcast_in_dim3A_1174 = vector.broadcast %jit3A_1173 : i32 to vector<16xi32>
    %select_n3A_1175 = arith.select %and3A_1156, %add3A_1172, %broadcast_in_dim3A_1174 : vector<16xi1>, vector<16xi32>
    %abs3A_1176 = math.absf %get3A_1127 : vector<16xf32>
    tpu.vector_store_idx %arg9[%select_n3A_1175], %abs3A_1176 masked %and3A_1156 {add = true} : memref<1536xf32, #tpu.memory_space<vmem>>[vector<16xi32>], vector<16xf32>, vector<16xi1>
    %get3A_1177 = arith.constant 288 : index
    %get3A_1178 = tpu.vector_load %arg6[%get3A_1177] {strides = array<i32>} : memref<1024xf32, #tpu.memory_space<vmem>>, vector<16xf32>,
    %get3A_1179 = arith.constant 288 : index
    %get3A_1180 = tpu.vector_load %arg7[%get3A_1179] {strides = array<i32>} : memref<1024xf32, #tpu.memory_space<vmem>>, vector<16xf32>,
    %get3A_1181 = arith.constant 288 : index
    %get3A_1182 = tpu.vector_load %arg8[%get3A_1181] {strides = array<i32>} : memref<1024xf32, #tpu.memory_space<vmem>>, vector<16xf32>,
    %add3A_1183 = arith.constant 3.000000e+00 : f32
    %add3A_1184 = vector.broadcast %add3A_1183 : f32 to vector<16xf32>
    %add3A_1185 = arith.addf %get3A_1178, %add3A_1184 : vector<16xf32>
    %mul3A_1186 = arith.constant 4.000000e+00 : f32
    %mul3A_1187 = vector.broadcast %mul3A_1186 : f32 to vector<16xf32>
    %mul3A_1188 = arith.mulf %add3A_1185, %mul3A_1187 : vector<16xf32>
    %convert_element_type3A_1189 = arith.fptosi %mul3A_1188 : vector<16xf32> to vector<16xi32>
    %add3A_1190 = arith.constant 3.000000e+00 : f32
    %add3A_1191 = vector.broadcast %add3A_1190 : f32 to vector<16xf32>
    %add3A_1192 = arith.addf %get3A_1180, %add3A_1191 : vector<16xf32>
    %mul3A_1193 = arith.constant 4.000000e+00 : f32
    %mul3A_1194 = vector.broadcast %mul3A_1193 : f32 to vector<16xf32>
    %mul3A_1195 = arith.mulf %add3A_1192, %mul3A_1194 : vector<16xf32>
    %convert_element_type3A_1196 = arith.fptosi %mul3A_1195 : vector<16xf32> to vector<16xi32>
    %ge3A_1197 = arith.constant 0 : i32
    %ge3A_1198 = vector.broadcast %ge3A_1197 : i32 to vector<16xi32>
    %ge3A_1199 = arith.cmpi sge, %convert_element_type3A_1189, %ge3A_1198 : vector<16xi32>
    %lt3A_1200 = arith.constant 24 : i32
    %lt3A_1201 = vector.broadcast %lt3A_1200 : i32 to vector<16xi32>
    %lt3A_1202 = arith.cmpi slt, %convert_element_type3A_1189, %lt3A_1201 : vector<16xi32>
    %and3A_1203 = arith.andi %ge3A_1199, %lt3A_1202 : vector<16xi1>
    %ge3A_1204 = arith.constant 0 : i32
    %ge3A_1205 = vector.broadcast %ge3A_1204 : i32 to vector<16xi32>
    %ge3A_1206 = arith.cmpi sge, %convert_element_type3A_1196, %ge3A_1205 : vector<16xi32>
    %and3A_1207 = arith.andi %and3A_1203, %ge3A_1206 : vector<16xi1>
    %lt3A_1208 = arith.constant 24 : i32
    %lt3A_1209 = vector.broadcast %lt3A_1208 : i32 to vector<16xi32>
    %lt3A_1210 = arith.cmpi slt, %convert_element_type3A_1196, %lt3A_1209 : vector<16xi32>
    %and3A_1211 = arith.andi %and3A_1207, %lt3A_1210 : vector<16xi1>
    %lt3A_1212 = arith.constant 0.000000e+00 : f32
    %lt3A_1213 = vector.broadcast %lt3A_1212 : f32 to vector<16xf32>
    %lt3A_1214 = arith.cmpf olt, %get3A_1182, %lt3A_1213 : vector<16xf32>
    %jit3A_1215 = arith.constant 768 : i32
    %jit3A_1216 = arith.constant 0 : i32
    %broadcast_in_dim3A_1217 = vector.broadcast %jit3A_1215 : i32 to vector<16xi32>
    %broadcast_in_dim3A_1218 = vector.broadcast %jit3A_1216 : i32 to vector<16xi32>
    %select_n3A_1219 = arith.select %lt3A_1214, %broadcast_in_dim3A_1217, %broadcast_in_dim3A_1218 : vector<16xi1>, vector<16xi32>
    %mul3A_1220 = arith.constant 26 : i32
    %mul3A_1221 = vector.broadcast %mul3A_1220 : i32 to vector<16xi32>
    %mul3A_1222 = arith.muli %convert_element_type3A_1189, %mul3A_1221 : vector<16xi32>
    %add3A_1223 = arith.addi %mul3A_1222, %convert_element_type3A_1196 : vector<16xi32>
    %add3A_1224 = arith.constant 27 : i32
    %add3A_1225 = vector.broadcast %add3A_1224 : i32 to vector<16xi32>
    %add3A_1226 = arith.addi %add3A_1223, %add3A_1225 : vector<16xi32>
    %add3A_1227 = arith.addi %add3A_1226, %select_n3A_1219 : vector<16xi32>
    %jit3A_1228 = arith.constant 0 : i32
    %broadcast_in_dim3A_1229 = vector.broadcast %jit3A_1228 : i32 to vector<16xi32>
    %select_n3A_1230 = arith.select %and3A_1211, %add3A_1227, %broadcast_in_dim3A_1229 : vector<16xi1>, vector<16xi32>
    %abs3A_1231 = math.absf %get3A_1182 : vector<16xf32>
    tpu.vector_store_idx %arg9[%select_n3A_1230], %abs3A_1231 masked %and3A_1211 {add = true} : memref<1536xf32, #tpu.memory_space<vmem>>[vector<16xi32>], vector<16xf32>, vector<16xi1>
    %get3A_1232 = arith.constant 304 : index
    %get3A_1233 = tpu.vector_load %arg6[%get3A_1232] {strides = array<i32>} : memref<1024xf32, #tpu.memory_space<vmem>>, vector<16xf32>,
    %get3A_1234 = arith.constant 304 : index
    %get3A_1235 = tpu.vector_load %arg7[%get3A_1234] {strides = array<i32>} : memref<1024xf32, #tpu.memory_space<vmem>>, vector<16xf32>,
    %get3A_1236 = arith.constant 304 : index
    %get3A_1237 = tpu.vector_load %arg8[%get3A_1236] {strides = array<i32>} : memref<1024xf32, #tpu.memory_space<vmem>>, vector<16xf32>,
    %add3A_1238 = arith.constant 3.000000e+00 : f32
    %add3A_1239 = vector.broadcast %add3A_1238 : f32 to vector<16xf32>
    %add3A_1240 = arith.addf %get3A_1233, %add3A_1239 : vector<16xf32>
    %mul3A_1241 = arith.constant 4.000000e+00 : f32
    %mul3A_1242 = vector.broadcast %mul3A_1241 : f32 to vector<16xf32>
    %mul3A_1243 = arith.mulf %add3A_1240, %mul3A_1242 : vector<16xf32>
    %convert_element_type3A_1244 = arith.fptosi %mul3A_1243 : vector<16xf32> to vector<16xi32>
    %add3A_1245 = arith.constant 3.000000e+00 : f32
    %add3A_1246 = vector.broadcast %add3A_1245 : f32 to vector<16xf32>
    %add3A_1247 = arith.addf %get3A_1235, %add3A_1246 : vector<16xf32>
    %mul3A_1248 = arith.constant 4.000000e+00 : f32
    %mul3A_1249 = vector.broadcast %mul3A_1248 : f32 to vector<16xf32>
    %mul3A_1250 = arith.mulf %add3A_1247, %mul3A_1249 : vector<16xf32>
    %convert_element_type3A_1251 = arith.fptosi %mul3A_1250 : vector<16xf32> to vector<16xi32>
    %ge3A_1252 = arith.constant 0 : i32
    %ge3A_1253 = vector.broadcast %ge3A_1252 : i32 to vector<16xi32>
    %ge3A_1254 = arith.cmpi sge, %convert_element_type3A_1244, %ge3A_1253 : vector<16xi32>
    %lt3A_1255 = arith.constant 24 : i32
    %lt3A_1256 = vector.broadcast %lt3A_1255 : i32 to vector<16xi32>
    %lt3A_1257 = arith.cmpi slt, %convert_element_type3A_1244, %lt3A_1256 : vector<16xi32>
    %and3A_1258 = arith.andi %ge3A_1254, %lt3A_1257 : vector<16xi1>
    %ge3A_1259 = arith.constant 0 : i32
    %ge3A_1260 = vector.broadcast %ge3A_1259 : i32 to vector<16xi32>
    %ge3A_1261 = arith.cmpi sge, %convert_element_type3A_1251, %ge3A_1260 : vector<16xi32>
    %and3A_1262 = arith.andi %and3A_1258, %ge3A_1261 : vector<16xi1>
    %lt3A_1263 = arith.constant 24 : i32
    %lt3A_1264 = vector.broadcast %lt3A_1263 : i32 to vector<16xi32>
    %lt3A_1265 = arith.cmpi slt, %convert_element_type3A_1251, %lt3A_1264 : vector<16xi32>
    %and3A_1266 = arith.andi %and3A_1262, %lt3A_1265 : vector<16xi1>
    %lt3A_1267 = arith.constant 0.000000e+00 : f32
    %lt3A_1268 = vector.broadcast %lt3A_1267 : f32 to vector<16xf32>
    %lt3A_1269 = arith.cmpf olt, %get3A_1237, %lt3A_1268 : vector<16xf32>
    %jit3A_1270 = arith.constant 768 : i32
    %jit3A_1271 = arith.constant 0 : i32
    %broadcast_in_dim3A_1272 = vector.broadcast %jit3A_1270 : i32 to vector<16xi32>
    %broadcast_in_dim3A_1273 = vector.broadcast %jit3A_1271 : i32 to vector<16xi32>
    %select_n3A_1274 = arith.select %lt3A_1269, %broadcast_in_dim3A_1272, %broadcast_in_dim3A_1273 : vector<16xi1>, vector<16xi32>
    %mul3A_1275 = arith.constant 26 : i32
    %mul3A_1276 = vector.broadcast %mul3A_1275 : i32 to vector<16xi32>
    %mul3A_1277 = arith.muli %convert_element_type3A_1244, %mul3A_1276 : vector<16xi32>
    %add3A_1278 = arith.addi %mul3A_1277, %convert_element_type3A_1251 : vector<16xi32>
    %add3A_1279 = arith.constant 27 : i32
    %add3A_1280 = vector.broadcast %add3A_1279 : i32 to vector<16xi32>
    %add3A_1281 = arith.addi %add3A_1278, %add3A_1280 : vector<16xi32>
    %add3A_1282 = arith.addi %add3A_1281, %select_n3A_1274 : vector<16xi32>
    %jit3A_1283 = arith.constant 0 : i32
    %broadcast_in_dim3A_1284 = vector.broadcast %jit3A_1283 : i32 to vector<16xi32>
    %select_n3A_1285 = arith.select %and3A_1266, %add3A_1282, %broadcast_in_dim3A_1284 : vector<16xi1>, vector<16xi32>
    %abs3A_1286 = math.absf %get3A_1237 : vector<16xf32>
    tpu.vector_store_idx %arg9[%select_n3A_1285], %abs3A_1286 masked %and3A_1266 {add = true} : memref<1536xf32, #tpu.memory_space<vmem>>[vector<16xi32>], vector<16xf32>, vector<16xi1>
    %get3A_1287 = arith.constant 320 : index
    %get3A_1288 = tpu.vector_load %arg6[%get3A_1287] {strides = array<i32>} : memref<1024xf32, #tpu.memory_space<vmem>>, vector<16xf32>,
    %get3A_1289 = arith.constant 320 : index
    %get3A_1290 = tpu.vector_load %arg7[%get3A_1289] {strides = array<i32>} : memref<1024xf32, #tpu.memory_space<vmem>>, vector<16xf32>,
    %get3A_1291 = arith.constant 320 : index
    %get3A_1292 = tpu.vector_load %arg8[%get3A_1291] {strides = array<i32>} : memref<1024xf32, #tpu.memory_space<vmem>>, vector<16xf32>,
    %add3A_1293 = arith.constant 3.000000e+00 : f32
    %add3A_1294 = vector.broadcast %add3A_1293 : f32 to vector<16xf32>
    %add3A_1295 = arith.addf %get3A_1288, %add3A_1294 : vector<16xf32>
    %mul3A_1296 = arith.constant 4.000000e+00 : f32
    %mul3A_1297 = vector.broadcast %mul3A_1296 : f32 to vector<16xf32>
    %mul3A_1298 = arith.mulf %add3A_1295, %mul3A_1297 : vector<16xf32>
    %convert_element_type3A_1299 = arith.fptosi %mul3A_1298 : vector<16xf32> to vector<16xi32>
    %add3A_1300 = arith.constant 3.000000e+00 : f32
    %add3A_1301 = vector.broadcast %add3A_1300 : f32 to vector<16xf32>
    %add3A_1302 = arith.addf %get3A_1290, %add3A_1301 : vector<16xf32>
    %mul3A_1303 = arith.constant 4.000000e+00 : f32
    %mul3A_1304 = vector.broadcast %mul3A_1303 : f32 to vector<16xf32>
    %mul3A_1305 = arith.mulf %add3A_1302, %mul3A_1304 : vector<16xf32>
    %convert_element_type3A_1306 = arith.fptosi %mul3A_1305 : vector<16xf32> to vector<16xi32>
    %ge3A_1307 = arith.constant 0 : i32
    %ge3A_1308 = vector.broadcast %ge3A_1307 : i32 to vector<16xi32>
    %ge3A_1309 = arith.cmpi sge, %convert_element_type3A_1299, %ge3A_1308 : vector<16xi32>
    %lt3A_1310 = arith.constant 24 : i32
    %lt3A_1311 = vector.broadcast %lt3A_1310 : i32 to vector<16xi32>
    %lt3A_1312 = arith.cmpi slt, %convert_element_type3A_1299, %lt3A_1311 : vector<16xi32>
    %and3A_1313 = arith.andi %ge3A_1309, %lt3A_1312 : vector<16xi1>
    %ge3A_1314 = arith.constant 0 : i32
    %ge3A_1315 = vector.broadcast %ge3A_1314 : i32 to vector<16xi32>
    %ge3A_1316 = arith.cmpi sge, %convert_element_type3A_1306, %ge3A_1315 : vector<16xi32>
    %and3A_1317 = arith.andi %and3A_1313, %ge3A_1316 : vector<16xi1>
    %lt3A_1318 = arith.constant 24 : i32
    %lt3A_1319 = vector.broadcast %lt3A_1318 : i32 to vector<16xi32>
    %lt3A_1320 = arith.cmpi slt, %convert_element_type3A_1306, %lt3A_1319 : vector<16xi32>
    %and3A_1321 = arith.andi %and3A_1317, %lt3A_1320 : vector<16xi1>
    %lt3A_1322 = arith.constant 0.000000e+00 : f32
    %lt3A_1323 = vector.broadcast %lt3A_1322 : f32 to vector<16xf32>
    %lt3A_1324 = arith.cmpf olt, %get3A_1292, %lt3A_1323 : vector<16xf32>
    %jit3A_1325 = arith.constant 768 : i32
    %jit3A_1326 = arith.constant 0 : i32
    %broadcast_in_dim3A_1327 = vector.broadcast %jit3A_1325 : i32 to vector<16xi32>
    %broadcast_in_dim3A_1328 = vector.broadcast %jit3A_1326 : i32 to vector<16xi32>
    %select_n3A_1329 = arith.select %lt3A_1324, %broadcast_in_dim3A_1327, %broadcast_in_dim3A_1328 : vector<16xi1>, vector<16xi32>
    %mul3A_1330 = arith.constant 26 : i32
    %mul3A_1331 = vector.broadcast %mul3A_1330 : i32 to vector<16xi32>
    %mul3A_1332 = arith.muli %convert_element_type3A_1299, %mul3A_1331 : vector<16xi32>
    %add3A_1333 = arith.addi %mul3A_1332, %convert_element_type3A_1306 : vector<16xi32>
    %add3A_1334 = arith.constant 27 : i32
    %add3A_1335 = vector.broadcast %add3A_1334 : i32 to vector<16xi32>
    %add3A_1336 = arith.addi %add3A_1333, %add3A_1335 : vector<16xi32>
    %add3A_1337 = arith.addi %add3A_1336, %select_n3A_1329 : vector<16xi32>
    %jit3A_1338 = arith.constant 0 : i32
    %broadcast_in_dim3A_1339 = vector.broadcast %jit3A_1338 : i32 to vector<16xi32>
    %select_n3A_1340 = arith.select %and3A_1321, %add3A_1337, %broadcast_in_dim3A_1339 : vector<16xi1>, vector<16xi32>
    %abs3A_1341 = math.absf %get3A_1292 : vector<16xf32>
    tpu.vector_store_idx %arg9[%select_n3A_1340], %abs3A_1341 masked %and3A_1321 {add = true} : memref<1536xf32, #tpu.memory_space<vmem>>[vector<16xi32>], vector<16xf32>, vector<16xi1>
    %get3A_1342 = arith.constant 336 : index
    %get3A_1343 = tpu.vector_load %arg6[%get3A_1342] {strides = array<i32>} : memref<1024xf32, #tpu.memory_space<vmem>>, vector<16xf32>,
    %get3A_1344 = arith.constant 336 : index
    %get3A_1345 = tpu.vector_load %arg7[%get3A_1344] {strides = array<i32>} : memref<1024xf32, #tpu.memory_space<vmem>>, vector<16xf32>,
    %get3A_1346 = arith.constant 336 : index
    %get3A_1347 = tpu.vector_load %arg8[%get3A_1346] {strides = array<i32>} : memref<1024xf32, #tpu.memory_space<vmem>>, vector<16xf32>,
    %add3A_1348 = arith.constant 3.000000e+00 : f32
    %add3A_1349 = vector.broadcast %add3A_1348 : f32 to vector<16xf32>
    %add3A_1350 = arith.addf %get3A_1343, %add3A_1349 : vector<16xf32>
    %mul3A_1351 = arith.constant 4.000000e+00 : f32
    %mul3A_1352 = vector.broadcast %mul3A_1351 : f32 to vector<16xf32>
    %mul3A_1353 = arith.mulf %add3A_1350, %mul3A_1352 : vector<16xf32>
    %convert_element_type3A_1354 = arith.fptosi %mul3A_1353 : vector<16xf32> to vector<16xi32>
    %add3A_1355 = arith.constant 3.000000e+00 : f32
    %add3A_1356 = vector.broadcast %add3A_1355 : f32 to vector<16xf32>
    %add3A_1357 = arith.addf %get3A_1345, %add3A_1356 : vector<16xf32>
    %mul3A_1358 = arith.constant 4.000000e+00 : f32
    %mul3A_1359 = vector.broadcast %mul3A_1358 : f32 to vector<16xf32>
    %mul3A_1360 = arith.mulf %add3A_1357, %mul3A_1359 : vector<16xf32>
    %convert_element_type3A_1361 = arith.fptosi %mul3A_1360 : vector<16xf32> to vector<16xi32>
    %ge3A_1362 = arith.constant 0 : i32
    %ge3A_1363 = vector.broadcast %ge3A_1362 : i32 to vector<16xi32>
    %ge3A_1364 = arith.cmpi sge, %convert_element_type3A_1354, %ge3A_1363 : vector<16xi32>
    %lt3A_1365 = arith.constant 24 : i32
    %lt3A_1366 = vector.broadcast %lt3A_1365 : i32 to vector<16xi32>
    %lt3A_1367 = arith.cmpi slt, %convert_element_type3A_1354, %lt3A_1366 : vector<16xi32>
    %and3A_1368 = arith.andi %ge3A_1364, %lt3A_1367 : vector<16xi1>
    %ge3A_1369 = arith.constant 0 : i32
    %ge3A_1370 = vector.broadcast %ge3A_1369 : i32 to vector<16xi32>
    %ge3A_1371 = arith.cmpi sge, %convert_element_type3A_1361, %ge3A_1370 : vector<16xi32>
    %and3A_1372 = arith.andi %and3A_1368, %ge3A_1371 : vector<16xi1>
    %lt3A_1373 = arith.constant 24 : i32
    %lt3A_1374 = vector.broadcast %lt3A_1373 : i32 to vector<16xi32>
    %lt3A_1375 = arith.cmpi slt, %convert_element_type3A_1361, %lt3A_1374 : vector<16xi32>
    %and3A_1376 = arith.andi %and3A_1372, %lt3A_1375 : vector<16xi1>
    %lt3A_1377 = arith.constant 0.000000e+00 : f32
    %lt3A_1378 = vector.broadcast %lt3A_1377 : f32 to vector<16xf32>
    %lt3A_1379 = arith.cmpf olt, %get3A_1347, %lt3A_1378 : vector<16xf32>
    %jit3A_1380 = arith.constant 768 : i32
    %jit3A_1381 = arith.constant 0 : i32
    %broadcast_in_dim3A_1382 = vector.broadcast %jit3A_1380 : i32 to vector<16xi32>
    %broadcast_in_dim3A_1383 = vector.broadcast %jit3A_1381 : i32 to vector<16xi32>
    %select_n3A_1384 = arith.select %lt3A_1379, %broadcast_in_dim3A_1382, %broadcast_in_dim3A_1383 : vector<16xi1>, vector<16xi32>
    %mul3A_1385 = arith.constant 26 : i32
    %mul3A_1386 = vector.broadcast %mul3A_1385 : i32 to vector<16xi32>
    %mul3A_1387 = arith.muli %convert_element_type3A_1354, %mul3A_1386 : vector<16xi32>
    %add3A_1388 = arith.addi %mul3A_1387, %convert_element_type3A_1361 : vector<16xi32>
    %add3A_1389 = arith.constant 27 : i32
    %add3A_1390 = vector.broadcast %add3A_1389 : i32 to vector<16xi32>
    %add3A_1391 = arith.addi %add3A_1388, %add3A_1390 : vector<16xi32>
    %add3A_1392 = arith.addi %add3A_1391, %select_n3A_1384 : vector<16xi32>
    %jit3A_1393 = arith.constant 0 : i32
    %broadcast_in_dim3A_1394 = vector.broadcast %jit3A_1393 : i32 to vector<16xi32>
    %select_n3A_1395 = arith.select %and3A_1376, %add3A_1392, %broadcast_in_dim3A_1394 : vector<16xi1>, vector<16xi32>
    %abs3A_1396 = math.absf %get3A_1347 : vector<16xf32>
    tpu.vector_store_idx %arg9[%select_n3A_1395], %abs3A_1396 masked %and3A_1376 {add = true} : memref<1536xf32, #tpu.memory_space<vmem>>[vector<16xi32>], vector<16xf32>, vector<16xi1>
    %get3A_1397 = arith.constant 352 : index
    %get3A_1398 = tpu.vector_load %arg6[%get3A_1397] {strides = array<i32>} : memref<1024xf32, #tpu.memory_space<vmem>>, vector<16xf32>,
    %get3A_1399 = arith.constant 352 : index
    %get3A_1400 = tpu.vector_load %arg7[%get3A_1399] {strides = array<i32>} : memref<1024xf32, #tpu.memory_space<vmem>>, vector<16xf32>,
    %get3A_1401 = arith.constant 352 : index
    %get3A_1402 = tpu.vector_load %arg8[%get3A_1401] {strides = array<i32>} : memref<1024xf32, #tpu.memory_space<vmem>>, vector<16xf32>,
    %add3A_1403 = arith.constant 3.000000e+00 : f32
    %add3A_1404 = vector.broadcast %add3A_1403 : f32 to vector<16xf32>
    %add3A_1405 = arith.addf %get3A_1398, %add3A_1404 : vector<16xf32>
    %mul3A_1406 = arith.constant 4.000000e+00 : f32
    %mul3A_1407 = vector.broadcast %mul3A_1406 : f32 to vector<16xf32>
    %mul3A_1408 = arith.mulf %add3A_1405, %mul3A_1407 : vector<16xf32>
    %convert_element_type3A_1409 = arith.fptosi %mul3A_1408 : vector<16xf32> to vector<16xi32>
    %add3A_1410 = arith.constant 3.000000e+00 : f32
    %add3A_1411 = vector.broadcast %add3A_1410 : f32 to vector<16xf32>
    %add3A_1412 = arith.addf %get3A_1400, %add3A_1411 : vector<16xf32>
    %mul3A_1413 = arith.constant 4.000000e+00 : f32
    %mul3A_1414 = vector.broadcast %mul3A_1413 : f32 to vector<16xf32>
    %mul3A_1415 = arith.mulf %add3A_1412, %mul3A_1414 : vector<16xf32>
    %convert_element_type3A_1416 = arith.fptosi %mul3A_1415 : vector<16xf32> to vector<16xi32>
    %ge3A_1417 = arith.constant 0 : i32
    %ge3A_1418 = vector.broadcast %ge3A_1417 : i32 to vector<16xi32>
    %ge3A_1419 = arith.cmpi sge, %convert_element_type3A_1409, %ge3A_1418 : vector<16xi32>
    %lt3A_1420 = arith.constant 24 : i32
    %lt3A_1421 = vector.broadcast %lt3A_1420 : i32 to vector<16xi32>
    %lt3A_1422 = arith.cmpi slt, %convert_element_type3A_1409, %lt3A_1421 : vector<16xi32>
    %and3A_1423 = arith.andi %ge3A_1419, %lt3A_1422 : vector<16xi1>
    %ge3A_1424 = arith.constant 0 : i32
    %ge3A_1425 = vector.broadcast %ge3A_1424 : i32 to vector<16xi32>
    %ge3A_1426 = arith.cmpi sge, %convert_element_type3A_1416, %ge3A_1425 : vector<16xi32>
    %and3A_1427 = arith.andi %and3A_1423, %ge3A_1426 : vector<16xi1>
    %lt3A_1428 = arith.constant 24 : i32
    %lt3A_1429 = vector.broadcast %lt3A_1428 : i32 to vector<16xi32>
    %lt3A_1430 = arith.cmpi slt, %convert_element_type3A_1416, %lt3A_1429 : vector<16xi32>
    %and3A_1431 = arith.andi %and3A_1427, %lt3A_1430 : vector<16xi1>
    %lt3A_1432 = arith.constant 0.000000e+00 : f32
    %lt3A_1433 = vector.broadcast %lt3A_1432 : f32 to vector<16xf32>
    %lt3A_1434 = arith.cmpf olt, %get3A_1402, %lt3A_1433 : vector<16xf32>
    %jit3A_1435 = arith.constant 768 : i32
    %jit3A_1436 = arith.constant 0 : i32
    %broadcast_in_dim3A_1437 = vector.broadcast %jit3A_1435 : i32 to vector<16xi32>
    %broadcast_in_dim3A_1438 = vector.broadcast %jit3A_1436 : i32 to vector<16xi32>
    %select_n3A_1439 = arith.select %lt3A_1434, %broadcast_in_dim3A_1437, %broadcast_in_dim3A_1438 : vector<16xi1>, vector<16xi32>
    %mul3A_1440 = arith.constant 26 : i32
    %mul3A_1441 = vector.broadcast %mul3A_1440 : i32 to vector<16xi32>
    %mul3A_1442 = arith.muli %convert_element_type3A_1409, %mul3A_1441 : vector<16xi32>
    %add3A_1443 = arith.addi %mul3A_1442, %convert_element_type3A_1416 : vector<16xi32>
    %add3A_1444 = arith.constant 27 : i32
    %add3A_1445 = vector.broadcast %add3A_1444 : i32 to vector<16xi32>
    %add3A_1446 = arith.addi %add3A_1443, %add3A_1445 : vector<16xi32>
    %add3A_1447 = arith.addi %add3A_1446, %select_n3A_1439 : vector<16xi32>
    %jit3A_1448 = arith.constant 0 : i32
    %broadcast_in_dim3A_1449 = vector.broadcast %jit3A_1448 : i32 to vector<16xi32>
    %select_n3A_1450 = arith.select %and3A_1431, %add3A_1447, %broadcast_in_dim3A_1449 : vector<16xi1>, vector<16xi32>
    %abs3A_1451 = math.absf %get3A_1402 : vector<16xf32>
    tpu.vector_store_idx %arg9[%select_n3A_1450], %abs3A_1451 masked %and3A_1431 {add = true} : memref<1536xf32, #tpu.memory_space<vmem>>[vector<16xi32>], vector<16xf32>, vector<16xi1>
    %get3A_1452 = arith.constant 368 : index
    %get3A_1453 = tpu.vector_load %arg6[%get3A_1452] {strides = array<i32>} : memref<1024xf32, #tpu.memory_space<vmem>>, vector<16xf32>,
    %get3A_1454 = arith.constant 368 : index
    %get3A_1455 = tpu.vector_load %arg7[%get3A_1454] {strides = array<i32>} : memref<1024xf32, #tpu.memory_space<vmem>>, vector<16xf32>,
    %get3A_1456 = arith.constant 368 : index
    %get3A_1457 = tpu.vector_load %arg8[%get3A_1456] {strides = array<i32>} : memref<1024xf32, #tpu.memory_space<vmem>>, vector<16xf32>,
    %add3A_1458 = arith.constant 3.000000e+00 : f32
    %add3A_1459 = vector.broadcast %add3A_1458 : f32 to vector<16xf32>
    %add3A_1460 = arith.addf %get3A_1453, %add3A_1459 : vector<16xf32>
    %mul3A_1461 = arith.constant 4.000000e+00 : f32
    %mul3A_1462 = vector.broadcast %mul3A_1461 : f32 to vector<16xf32>
    %mul3A_1463 = arith.mulf %add3A_1460, %mul3A_1462 : vector<16xf32>
    %convert_element_type3A_1464 = arith.fptosi %mul3A_1463 : vector<16xf32> to vector<16xi32>
    %add3A_1465 = arith.constant 3.000000e+00 : f32
    %add3A_1466 = vector.broadcast %add3A_1465 : f32 to vector<16xf32>
    %add3A_1467 = arith.addf %get3A_1455, %add3A_1466 : vector<16xf32>
    %mul3A_1468 = arith.constant 4.000000e+00 : f32
    %mul3A_1469 = vector.broadcast %mul3A_1468 : f32 to vector<16xf32>
    %mul3A_1470 = arith.mulf %add3A_1467, %mul3A_1469 : vector<16xf32>
    %convert_element_type3A_1471 = arith.fptosi %mul3A_1470 : vector<16xf32> to vector<16xi32>
    %ge3A_1472 = arith.constant 0 : i32
    %ge3A_1473 = vector.broadcast %ge3A_1472 : i32 to vector<16xi32>
    %ge3A_1474 = arith.cmpi sge, %convert_element_type3A_1464, %ge3A_1473 : vector<16xi32>
    %lt3A_1475 = arith.constant 24 : i32
    %lt3A_1476 = vector.broadcast %lt3A_1475 : i32 to vector<16xi32>
    %lt3A_1477 = arith.cmpi slt, %convert_element_type3A_1464, %lt3A_1476 : vector<16xi32>
    %and3A_1478 = arith.andi %ge3A_1474, %lt3A_1477 : vector<16xi1>
    %ge3A_1479 = arith.constant 0 : i32
    %ge3A_1480 = vector.broadcast %ge3A_1479 : i32 to vector<16xi32>
    %ge3A_1481 = arith.cmpi sge, %convert_element_type3A_1471, %ge3A_1480 : vector<16xi32>
    %and3A_1482 = arith.andi %and3A_1478, %ge3A_1481 : vector<16xi1>
    %lt3A_1483 = arith.constant 24 : i32
    %lt3A_1484 = vector.broadcast %lt3A_1483 : i32 to vector<16xi32>
    %lt3A_1485 = arith.cmpi slt, %convert_element_type3A_1471, %lt3A_1484 : vector<16xi32>
    %and3A_1486 = arith.andi %and3A_1482, %lt3A_1485 : vector<16xi1>
    %lt3A_1487 = arith.constant 0.000000e+00 : f32
    %lt3A_1488 = vector.broadcast %lt3A_1487 : f32 to vector<16xf32>
    %lt3A_1489 = arith.cmpf olt, %get3A_1457, %lt3A_1488 : vector<16xf32>
    %jit3A_1490 = arith.constant 768 : i32
    %jit3A_1491 = arith.constant 0 : i32
    %broadcast_in_dim3A_1492 = vector.broadcast %jit3A_1490 : i32 to vector<16xi32>
    %broadcast_in_dim3A_1493 = vector.broadcast %jit3A_1491 : i32 to vector<16xi32>
    %select_n3A_1494 = arith.select %lt3A_1489, %broadcast_in_dim3A_1492, %broadcast_in_dim3A_1493 : vector<16xi1>, vector<16xi32>
    %mul3A_1495 = arith.constant 26 : i32
    %mul3A_1496 = vector.broadcast %mul3A_1495 : i32 to vector<16xi32>
    %mul3A_1497 = arith.muli %convert_element_type3A_1464, %mul3A_1496 : vector<16xi32>
    %add3A_1498 = arith.addi %mul3A_1497, %convert_element_type3A_1471 : vector<16xi32>
    %add3A_1499 = arith.constant 27 : i32
    %add3A_1500 = vector.broadcast %add3A_1499 : i32 to vector<16xi32>
    %add3A_1501 = arith.addi %add3A_1498, %add3A_1500 : vector<16xi32>
    %add3A_1502 = arith.addi %add3A_1501, %select_n3A_1494 : vector<16xi32>
    %jit3A_1503 = arith.constant 0 : i32
    %broadcast_in_dim3A_1504 = vector.broadcast %jit3A_1503 : i32 to vector<16xi32>
    %select_n3A_1505 = arith.select %and3A_1486, %add3A_1502, %broadcast_in_dim3A_1504 : vector<16xi1>, vector<16xi32>
    %abs3A_1506 = math.absf %get3A_1457 : vector<16xf32>
    tpu.vector_store_idx %arg9[%select_n3A_1505], %abs3A_1506 masked %and3A_1486 {add = true} : memref<1536xf32, #tpu.memory_space<vmem>>[vector<16xi32>], vector<16xf32>, vector<16xi1>
    %get3A_1507 = arith.constant 384 : index
    %get3A_1508 = tpu.vector_load %arg6[%get3A_1507] {strides = array<i32>} : memref<1024xf32, #tpu.memory_space<vmem>>, vector<16xf32>,
    %get3A_1509 = arith.constant 384 : index
    %get3A_1510 = tpu.vector_load %arg7[%get3A_1509] {strides = array<i32>} : memref<1024xf32, #tpu.memory_space<vmem>>, vector<16xf32>,
    %get3A_1511 = arith.constant 384 : index
    %get3A_1512 = tpu.vector_load %arg8[%get3A_1511] {strides = array<i32>} : memref<1024xf32, #tpu.memory_space<vmem>>, vector<16xf32>,
    %add3A_1513 = arith.constant 3.000000e+00 : f32
    %add3A_1514 = vector.broadcast %add3A_1513 : f32 to vector<16xf32>
    %add3A_1515 = arith.addf %get3A_1508, %add3A_1514 : vector<16xf32>
    %mul3A_1516 = arith.constant 4.000000e+00 : f32
    %mul3A_1517 = vector.broadcast %mul3A_1516 : f32 to vector<16xf32>
    %mul3A_1518 = arith.mulf %add3A_1515, %mul3A_1517 : vector<16xf32>
    %convert_element_type3A_1519 = arith.fptosi %mul3A_1518 : vector<16xf32> to vector<16xi32>
    %add3A_1520 = arith.constant 3.000000e+00 : f32
    %add3A_1521 = vector.broadcast %add3A_1520 : f32 to vector<16xf32>
    %add3A_1522 = arith.addf %get3A_1510, %add3A_1521 : vector<16xf32>
    %mul3A_1523 = arith.constant 4.000000e+00 : f32
    %mul3A_1524 = vector.broadcast %mul3A_1523 : f32 to vector<16xf32>
    %mul3A_1525 = arith.mulf %add3A_1522, %mul3A_1524 : vector<16xf32>
    %convert_element_type3A_1526 = arith.fptosi %mul3A_1525 : vector<16xf32> to vector<16xi32>
    %ge3A_1527 = arith.constant 0 : i32
    %ge3A_1528 = vector.broadcast %ge3A_1527 : i32 to vector<16xi32>
    %ge3A_1529 = arith.cmpi sge, %convert_element_type3A_1519, %ge3A_1528 : vector<16xi32>
    %lt3A_1530 = arith.constant 24 : i32
    %lt3A_1531 = vector.broadcast %lt3A_1530 : i32 to vector<16xi32>
    %lt3A_1532 = arith.cmpi slt, %convert_element_type3A_1519, %lt3A_1531 : vector<16xi32>
    %and3A_1533 = arith.andi %ge3A_1529, %lt3A_1532 : vector<16xi1>
    %ge3A_1534 = arith.constant 0 : i32
    %ge3A_1535 = vector.broadcast %ge3A_1534 : i32 to vector<16xi32>
    %ge3A_1536 = arith.cmpi sge, %convert_element_type3A_1526, %ge3A_1535 : vector<16xi32>
    %and3A_1537 = arith.andi %and3A_1533, %ge3A_1536 : vector<16xi1>
    %lt3A_1538 = arith.constant 24 : i32
    %lt3A_1539 = vector.broadcast %lt3A_1538 : i32 to vector<16xi32>
    %lt3A_1540 = arith.cmpi slt, %convert_element_type3A_1526, %lt3A_1539 : vector<16xi32>
    %and3A_1541 = arith.andi %and3A_1537, %lt3A_1540 : vector<16xi1>
    %lt3A_1542 = arith.constant 0.000000e+00 : f32
    %lt3A_1543 = vector.broadcast %lt3A_1542 : f32 to vector<16xf32>
    %lt3A_1544 = arith.cmpf olt, %get3A_1512, %lt3A_1543 : vector<16xf32>
    %jit3A_1545 = arith.constant 768 : i32
    %jit3A_1546 = arith.constant 0 : i32
    %broadcast_in_dim3A_1547 = vector.broadcast %jit3A_1545 : i32 to vector<16xi32>
    %broadcast_in_dim3A_1548 = vector.broadcast %jit3A_1546 : i32 to vector<16xi32>
    %select_n3A_1549 = arith.select %lt3A_1544, %broadcast_in_dim3A_1547, %broadcast_in_dim3A_1548 : vector<16xi1>, vector<16xi32>
    %mul3A_1550 = arith.constant 26 : i32
    %mul3A_1551 = vector.broadcast %mul3A_1550 : i32 to vector<16xi32>
    %mul3A_1552 = arith.muli %convert_element_type3A_1519, %mul3A_1551 : vector<16xi32>
    %add3A_1553 = arith.addi %mul3A_1552, %convert_element_type3A_1526 : vector<16xi32>
    %add3A_1554 = arith.constant 27 : i32
    %add3A_1555 = vector.broadcast %add3A_1554 : i32 to vector<16xi32>
    %add3A_1556 = arith.addi %add3A_1553, %add3A_1555 : vector<16xi32>
    %add3A_1557 = arith.addi %add3A_1556, %select_n3A_1549 : vector<16xi32>
    %jit3A_1558 = arith.constant 0 : i32
    %broadcast_in_dim3A_1559 = vector.broadcast %jit3A_1558 : i32 to vector<16xi32>
    %select_n3A_1560 = arith.select %and3A_1541, %add3A_1557, %broadcast_in_dim3A_1559 : vector<16xi1>, vector<16xi32>
    %abs3A_1561 = math.absf %get3A_1512 : vector<16xf32>
    tpu.vector_store_idx %arg9[%select_n3A_1560], %abs3A_1561 masked %and3A_1541 {add = true} : memref<1536xf32, #tpu.memory_space<vmem>>[vector<16xi32>], vector<16xf32>, vector<16xi1>
    %get3A_1562 = arith.constant 400 : index
    %get3A_1563 = tpu.vector_load %arg6[%get3A_1562] {strides = array<i32>} : memref<1024xf32, #tpu.memory_space<vmem>>, vector<16xf32>,
    %get3A_1564 = arith.constant 400 : index
    %get3A_1565 = tpu.vector_load %arg7[%get3A_1564] {strides = array<i32>} : memref<1024xf32, #tpu.memory_space<vmem>>, vector<16xf32>,
    %get3A_1566 = arith.constant 400 : index
    %get3A_1567 = tpu.vector_load %arg8[%get3A_1566] {strides = array<i32>} : memref<1024xf32, #tpu.memory_space<vmem>>, vector<16xf32>,
    %add3A_1568 = arith.constant 3.000000e+00 : f32
    %add3A_1569 = vector.broadcast %add3A_1568 : f32 to vector<16xf32>
    %add3A_1570 = arith.addf %get3A_1563, %add3A_1569 : vector<16xf32>
    %mul3A_1571 = arith.constant 4.000000e+00 : f32
    %mul3A_1572 = vector.broadcast %mul3A_1571 : f32 to vector<16xf32>
    %mul3A_1573 = arith.mulf %add3A_1570, %mul3A_1572 : vector<16xf32>
    %convert_element_type3A_1574 = arith.fptosi %mul3A_1573 : vector<16xf32> to vector<16xi32>
    %add3A_1575 = arith.constant 3.000000e+00 : f32
    %add3A_1576 = vector.broadcast %add3A_1575 : f32 to vector<16xf32>
    %add3A_1577 = arith.addf %get3A_1565, %add3A_1576 : vector<16xf32>
    %mul3A_1578 = arith.constant 4.000000e+00 : f32
    %mul3A_1579 = vector.broadcast %mul3A_1578 : f32 to vector<16xf32>
    %mul3A_1580 = arith.mulf %add3A_1577, %mul3A_1579 : vector<16xf32>
    %convert_element_type3A_1581 = arith.fptosi %mul3A_1580 : vector<16xf32> to vector<16xi32>
    %ge3A_1582 = arith.constant 0 : i32
    %ge3A_1583 = vector.broadcast %ge3A_1582 : i32 to vector<16xi32>
    %ge3A_1584 = arith.cmpi sge, %convert_element_type3A_1574, %ge3A_1583 : vector<16xi32>
    %lt3A_1585 = arith.constant 24 : i32
    %lt3A_1586 = vector.broadcast %lt3A_1585 : i32 to vector<16xi32>
    %lt3A_1587 = arith.cmpi slt, %convert_element_type3A_1574, %lt3A_1586 : vector<16xi32>
    %and3A_1588 = arith.andi %ge3A_1584, %lt3A_1587 : vector<16xi1>
    %ge3A_1589 = arith.constant 0 : i32
    %ge3A_1590 = vector.broadcast %ge3A_1589 : i32 to vector<16xi32>
    %ge3A_1591 = arith.cmpi sge, %convert_element_type3A_1581, %ge3A_1590 : vector<16xi32>
    %and3A_1592 = arith.andi %and3A_1588, %ge3A_1591 : vector<16xi1>
    %lt3A_1593 = arith.constant 24 : i32
    %lt3A_1594 = vector.broadcast %lt3A_1593 : i32 to vector<16xi32>
    %lt3A_1595 = arith.cmpi slt, %convert_element_type3A_1581, %lt3A_1594 : vector<16xi32>
    %and3A_1596 = arith.andi %and3A_1592, %lt3A_1595 : vector<16xi1>
    %lt3A_1597 = arith.constant 0.000000e+00 : f32
    %lt3A_1598 = vector.broadcast %lt3A_1597 : f32 to vector<16xf32>
    %lt3A_1599 = arith.cmpf olt, %get3A_1567, %lt3A_1598 : vector<16xf32>
    %jit3A_1600 = arith.constant 768 : i32
    %jit3A_1601 = arith.constant 0 : i32
    %broadcast_in_dim3A_1602 = vector.broadcast %jit3A_1600 : i32 to vector<16xi32>
    %broadcast_in_dim3A_1603 = vector.broadcast %jit3A_1601 : i32 to vector<16xi32>
    %select_n3A_1604 = arith.select %lt3A_1599, %broadcast_in_dim3A_1602, %broadcast_in_dim3A_1603 : vector<16xi1>, vector<16xi32>
    %mul3A_1605 = arith.constant 26 : i32
    %mul3A_1606 = vector.broadcast %mul3A_1605 : i32 to vector<16xi32>
    %mul3A_1607 = arith.muli %convert_element_type3A_1574, %mul3A_1606 : vector<16xi32>
    %add3A_1608 = arith.addi %mul3A_1607, %convert_element_type3A_1581 : vector<16xi32>
    %add3A_1609 = arith.constant 27 : i32
    %add3A_1610 = vector.broadcast %add3A_1609 : i32 to vector<16xi32>
    %add3A_1611 = arith.addi %add3A_1608, %add3A_1610 : vector<16xi32>
    %add3A_1612 = arith.addi %add3A_1611, %select_n3A_1604 : vector<16xi32>
    %jit3A_1613 = arith.constant 0 : i32
    %broadcast_in_dim3A_1614 = vector.broadcast %jit3A_1613 : i32 to vector<16xi32>
    %select_n3A_1615 = arith.select %and3A_1596, %add3A_1612, %broadcast_in_dim3A_1614 : vector<16xi1>, vector<16xi32>
    %abs3A_1616 = math.absf %get3A_1567 : vector<16xf32>
    tpu.vector_store_idx %arg9[%select_n3A_1615], %abs3A_1616 masked %and3A_1596 {add = true} : memref<1536xf32, #tpu.memory_space<vmem>>[vector<16xi32>], vector<16xf32>, vector<16xi1>
    %get3A_1617 = arith.constant 416 : index
    %get3A_1618 = tpu.vector_load %arg6[%get3A_1617] {strides = array<i32>} : memref<1024xf32, #tpu.memory_space<vmem>>, vector<16xf32>,
    %get3A_1619 = arith.constant 416 : index
    %get3A_1620 = tpu.vector_load %arg7[%get3A_1619] {strides = array<i32>} : memref<1024xf32, #tpu.memory_space<vmem>>, vector<16xf32>,
    %get3A_1621 = arith.constant 416 : index
    %get3A_1622 = tpu.vector_load %arg8[%get3A_1621] {strides = array<i32>} : memref<1024xf32, #tpu.memory_space<vmem>>, vector<16xf32>,
    %add3A_1623 = arith.constant 3.000000e+00 : f32
    %add3A_1624 = vector.broadcast %add3A_1623 : f32 to vector<16xf32>
    %add3A_1625 = arith.addf %get3A_1618, %add3A_1624 : vector<16xf32>
    %mul3A_1626 = arith.constant 4.000000e+00 : f32
    %mul3A_1627 = vector.broadcast %mul3A_1626 : f32 to vector<16xf32>
    %mul3A_1628 = arith.mulf %add3A_1625, %mul3A_1627 : vector<16xf32>
    %convert_element_type3A_1629 = arith.fptosi %mul3A_1628 : vector<16xf32> to vector<16xi32>
    %add3A_1630 = arith.constant 3.000000e+00 : f32
    %add3A_1631 = vector.broadcast %add3A_1630 : f32 to vector<16xf32>
    %add3A_1632 = arith.addf %get3A_1620, %add3A_1631 : vector<16xf32>
    %mul3A_1633 = arith.constant 4.000000e+00 : f32
    %mul3A_1634 = vector.broadcast %mul3A_1633 : f32 to vector<16xf32>
    %mul3A_1635 = arith.mulf %add3A_1632, %mul3A_1634 : vector<16xf32>
    %convert_element_type3A_1636 = arith.fptosi %mul3A_1635 : vector<16xf32> to vector<16xi32>
    %ge3A_1637 = arith.constant 0 : i32
    %ge3A_1638 = vector.broadcast %ge3A_1637 : i32 to vector<16xi32>
    %ge3A_1639 = arith.cmpi sge, %convert_element_type3A_1629, %ge3A_1638 : vector<16xi32>
    %lt3A_1640 = arith.constant 24 : i32
    %lt3A_1641 = vector.broadcast %lt3A_1640 : i32 to vector<16xi32>
    %lt3A_1642 = arith.cmpi slt, %convert_element_type3A_1629, %lt3A_1641 : vector<16xi32>
    %and3A_1643 = arith.andi %ge3A_1639, %lt3A_1642 : vector<16xi1>
    %ge3A_1644 = arith.constant 0 : i32
    %ge3A_1645 = vector.broadcast %ge3A_1644 : i32 to vector<16xi32>
    %ge3A_1646 = arith.cmpi sge, %convert_element_type3A_1636, %ge3A_1645 : vector<16xi32>
    %and3A_1647 = arith.andi %and3A_1643, %ge3A_1646 : vector<16xi1>
    %lt3A_1648 = arith.constant 24 : i32
    %lt3A_1649 = vector.broadcast %lt3A_1648 : i32 to vector<16xi32>
    %lt3A_1650 = arith.cmpi slt, %convert_element_type3A_1636, %lt3A_1649 : vector<16xi32>
    %and3A_1651 = arith.andi %and3A_1647, %lt3A_1650 : vector<16xi1>
    %lt3A_1652 = arith.constant 0.000000e+00 : f32
    %lt3A_1653 = vector.broadcast %lt3A_1652 : f32 to vector<16xf32>
    %lt3A_1654 = arith.cmpf olt, %get3A_1622, %lt3A_1653 : vector<16xf32>
    %jit3A_1655 = arith.constant 768 : i32
    %jit3A_1656 = arith.constant 0 : i32
    %broadcast_in_dim3A_1657 = vector.broadcast %jit3A_1655 : i32 to vector<16xi32>
    %broadcast_in_dim3A_1658 = vector.broadcast %jit3A_1656 : i32 to vector<16xi32>
    %select_n3A_1659 = arith.select %lt3A_1654, %broadcast_in_dim3A_1657, %broadcast_in_dim3A_1658 : vector<16xi1>, vector<16xi32>
    %mul3A_1660 = arith.constant 26 : i32
    %mul3A_1661 = vector.broadcast %mul3A_1660 : i32 to vector<16xi32>
    %mul3A_1662 = arith.muli %convert_element_type3A_1629, %mul3A_1661 : vector<16xi32>
    %add3A_1663 = arith.addi %mul3A_1662, %convert_element_type3A_1636 : vector<16xi32>
    %add3A_1664 = arith.constant 27 : i32
    %add3A_1665 = vector.broadcast %add3A_1664 : i32 to vector<16xi32>
    %add3A_1666 = arith.addi %add3A_1663, %add3A_1665 : vector<16xi32>
    %add3A_1667 = arith.addi %add3A_1666, %select_n3A_1659 : vector<16xi32>
    %jit3A_1668 = arith.constant 0 : i32
    %broadcast_in_dim3A_1669 = vector.broadcast %jit3A_1668 : i32 to vector<16xi32>
    %select_n3A_1670 = arith.select %and3A_1651, %add3A_1667, %broadcast_in_dim3A_1669 : vector<16xi1>, vector<16xi32>
    %abs3A_1671 = math.absf %get3A_1622 : vector<16xf32>
    tpu.vector_store_idx %arg9[%select_n3A_1670], %abs3A_1671 masked %and3A_1651 {add = true} : memref<1536xf32, #tpu.memory_space<vmem>>[vector<16xi32>], vector<16xf32>, vector<16xi1>
    %get3A_1672 = arith.constant 432 : index
    %get3A_1673 = tpu.vector_load %arg6[%get3A_1672] {strides = array<i32>} : memref<1024xf32, #tpu.memory_space<vmem>>, vector<16xf32>,
    %get3A_1674 = arith.constant 432 : index
    %get3A_1675 = tpu.vector_load %arg7[%get3A_1674] {strides = array<i32>} : memref<1024xf32, #tpu.memory_space<vmem>>, vector<16xf32>,
    %get3A_1676 = arith.constant 432 : index
    %get3A_1677 = tpu.vector_load %arg8[%get3A_1676] {strides = array<i32>} : memref<1024xf32, #tpu.memory_space<vmem>>, vector<16xf32>,
    %add3A_1678 = arith.constant 3.000000e+00 : f32
    %add3A_1679 = vector.broadcast %add3A_1678 : f32 to vector<16xf32>
    %add3A_1680 = arith.addf %get3A_1673, %add3A_1679 : vector<16xf32>
    %mul3A_1681 = arith.constant 4.000000e+00 : f32
    %mul3A_1682 = vector.broadcast %mul3A_1681 : f32 to vector<16xf32>
    %mul3A_1683 = arith.mulf %add3A_1680, %mul3A_1682 : vector<16xf32>
    %convert_element_type3A_1684 = arith.fptosi %mul3A_1683 : vector<16xf32> to vector<16xi32>
    %add3A_1685 = arith.constant 3.000000e+00 : f32
    %add3A_1686 = vector.broadcast %add3A_1685 : f32 to vector<16xf32>
    %add3A_1687 = arith.addf %get3A_1675, %add3A_1686 : vector<16xf32>
    %mul3A_1688 = arith.constant 4.000000e+00 : f32
    %mul3A_1689 = vector.broadcast %mul3A_1688 : f32 to vector<16xf32>
    %mul3A_1690 = arith.mulf %add3A_1687, %mul3A_1689 : vector<16xf32>
    %convert_element_type3A_1691 = arith.fptosi %mul3A_1690 : vector<16xf32> to vector<16xi32>
    %ge3A_1692 = arith.constant 0 : i32
    %ge3A_1693 = vector.broadcast %ge3A_1692 : i32 to vector<16xi32>
    %ge3A_1694 = arith.cmpi sge, %convert_element_type3A_1684, %ge3A_1693 : vector<16xi32>
    %lt3A_1695 = arith.constant 24 : i32
    %lt3A_1696 = vector.broadcast %lt3A_1695 : i32 to vector<16xi32>
    %lt3A_1697 = arith.cmpi slt, %convert_element_type3A_1684, %lt3A_1696 : vector<16xi32>
    %and3A_1698 = arith.andi %ge3A_1694, %lt3A_1697 : vector<16xi1>
    %ge3A_1699 = arith.constant 0 : i32
    %ge3A_1700 = vector.broadcast %ge3A_1699 : i32 to vector<16xi32>
    %ge3A_1701 = arith.cmpi sge, %convert_element_type3A_1691, %ge3A_1700 : vector<16xi32>
    %and3A_1702 = arith.andi %and3A_1698, %ge3A_1701 : vector<16xi1>
    %lt3A_1703 = arith.constant 24 : i32
    %lt3A_1704 = vector.broadcast %lt3A_1703 : i32 to vector<16xi32>
    %lt3A_1705 = arith.cmpi slt, %convert_element_type3A_1691, %lt3A_1704 : vector<16xi32>
    %and3A_1706 = arith.andi %and3A_1702, %lt3A_1705 : vector<16xi1>
    %lt3A_1707 = arith.constant 0.000000e+00 : f32
    %lt3A_1708 = vector.broadcast %lt3A_1707 : f32 to vector<16xf32>
    %lt3A_1709 = arith.cmpf olt, %get3A_1677, %lt3A_1708 : vector<16xf32>
    %jit3A_1710 = arith.constant 768 : i32
    %jit3A_1711 = arith.constant 0 : i32
    %broadcast_in_dim3A_1712 = vector.broadcast %jit3A_1710 : i32 to vector<16xi32>
    %broadcast_in_dim3A_1713 = vector.broadcast %jit3A_1711 : i32 to vector<16xi32>
    %select_n3A_1714 = arith.select %lt3A_1709, %broadcast_in_dim3A_1712, %broadcast_in_dim3A_1713 : vector<16xi1>, vector<16xi32>
    %mul3A_1715 = arith.constant 26 : i32
    %mul3A_1716 = vector.broadcast %mul3A_1715 : i32 to vector<16xi32>
    %mul3A_1717 = arith.muli %convert_element_type3A_1684, %mul3A_1716 : vector<16xi32>
    %add3A_1718 = arith.addi %mul3A_1717, %convert_element_type3A_1691 : vector<16xi32>
    %add3A_1719 = arith.constant 27 : i32
    %add3A_1720 = vector.broadcast %add3A_1719 : i32 to vector<16xi32>
    %add3A_1721 = arith.addi %add3A_1718, %add3A_1720 : vector<16xi32>
    %add3A_1722 = arith.addi %add3A_1721, %select_n3A_1714 : vector<16xi32>
    %jit3A_1723 = arith.constant 0 : i32
    %broadcast_in_dim3A_1724 = vector.broadcast %jit3A_1723 : i32 to vector<16xi32>
    %select_n3A_1725 = arith.select %and3A_1706, %add3A_1722, %broadcast_in_dim3A_1724 : vector<16xi1>, vector<16xi32>
    %abs3A_1726 = math.absf %get3A_1677 : vector<16xf32>
    tpu.vector_store_idx %arg9[%select_n3A_1725], %abs3A_1726 masked %and3A_1706 {add = true} : memref<1536xf32, #tpu.memory_space<vmem>>[vector<16xi32>], vector<16xf32>, vector<16xi1>
    %get3A_1727 = arith.constant 448 : index
    %get3A_1728 = tpu.vector_load %arg6[%get3A_1727] {strides = array<i32>} : memref<1024xf32, #tpu.memory_space<vmem>>, vector<16xf32>,
    %get3A_1729 = arith.constant 448 : index
    %get3A_1730 = tpu.vector_load %arg7[%get3A_1729] {strides = array<i32>} : memref<1024xf32, #tpu.memory_space<vmem>>, vector<16xf32>,
    %get3A_1731 = arith.constant 448 : index
    %get3A_1732 = tpu.vector_load %arg8[%get3A_1731] {strides = array<i32>} : memref<1024xf32, #tpu.memory_space<vmem>>, vector<16xf32>,
    %add3A_1733 = arith.constant 3.000000e+00 : f32
    %add3A_1734 = vector.broadcast %add3A_1733 : f32 to vector<16xf32>
    %add3A_1735 = arith.addf %get3A_1728, %add3A_1734 : vector<16xf32>
    %mul3A_1736 = arith.constant 4.000000e+00 : f32
    %mul3A_1737 = vector.broadcast %mul3A_1736 : f32 to vector<16xf32>
    %mul3A_1738 = arith.mulf %add3A_1735, %mul3A_1737 : vector<16xf32>
    %convert_element_type3A_1739 = arith.fptosi %mul3A_1738 : vector<16xf32> to vector<16xi32>
    %add3A_1740 = arith.constant 3.000000e+00 : f32
    %add3A_1741 = vector.broadcast %add3A_1740 : f32 to vector<16xf32>
    %add3A_1742 = arith.addf %get3A_1730, %add3A_1741 : vector<16xf32>
    %mul3A_1743 = arith.constant 4.000000e+00 : f32
    %mul3A_1744 = vector.broadcast %mul3A_1743 : f32 to vector<16xf32>
    %mul3A_1745 = arith.mulf %add3A_1742, %mul3A_1744 : vector<16xf32>
    %convert_element_type3A_1746 = arith.fptosi %mul3A_1745 : vector<16xf32> to vector<16xi32>
    %ge3A_1747 = arith.constant 0 : i32
    %ge3A_1748 = vector.broadcast %ge3A_1747 : i32 to vector<16xi32>
    %ge3A_1749 = arith.cmpi sge, %convert_element_type3A_1739, %ge3A_1748 : vector<16xi32>
    %lt3A_1750 = arith.constant 24 : i32
    %lt3A_1751 = vector.broadcast %lt3A_1750 : i32 to vector<16xi32>
    %lt3A_1752 = arith.cmpi slt, %convert_element_type3A_1739, %lt3A_1751 : vector<16xi32>
    %and3A_1753 = arith.andi %ge3A_1749, %lt3A_1752 : vector<16xi1>
    %ge3A_1754 = arith.constant 0 : i32
    %ge3A_1755 = vector.broadcast %ge3A_1754 : i32 to vector<16xi32>
    %ge3A_1756 = arith.cmpi sge, %convert_element_type3A_1746, %ge3A_1755 : vector<16xi32>
    %and3A_1757 = arith.andi %and3A_1753, %ge3A_1756 : vector<16xi1>
    %lt3A_1758 = arith.constant 24 : i32
    %lt3A_1759 = vector.broadcast %lt3A_1758 : i32 to vector<16xi32>
    %lt3A_1760 = arith.cmpi slt, %convert_element_type3A_1746, %lt3A_1759 : vector<16xi32>
    %and3A_1761 = arith.andi %and3A_1757, %lt3A_1760 : vector<16xi1>
    %lt3A_1762 = arith.constant 0.000000e+00 : f32
    %lt3A_1763 = vector.broadcast %lt3A_1762 : f32 to vector<16xf32>
    %lt3A_1764 = arith.cmpf olt, %get3A_1732, %lt3A_1763 : vector<16xf32>
    %jit3A_1765 = arith.constant 768 : i32
    %jit3A_1766 = arith.constant 0 : i32
    %broadcast_in_dim3A_1767 = vector.broadcast %jit3A_1765 : i32 to vector<16xi32>
    %broadcast_in_dim3A_1768 = vector.broadcast %jit3A_1766 : i32 to vector<16xi32>
    %select_n3A_1769 = arith.select %lt3A_1764, %broadcast_in_dim3A_1767, %broadcast_in_dim3A_1768 : vector<16xi1>, vector<16xi32>
    %mul3A_1770 = arith.constant 26 : i32
    %mul3A_1771 = vector.broadcast %mul3A_1770 : i32 to vector<16xi32>
    %mul3A_1772 = arith.muli %convert_element_type3A_1739, %mul3A_1771 : vector<16xi32>
    %add3A_1773 = arith.addi %mul3A_1772, %convert_element_type3A_1746 : vector<16xi32>
    %add3A_1774 = arith.constant 27 : i32
    %add3A_1775 = vector.broadcast %add3A_1774 : i32 to vector<16xi32>
    %add3A_1776 = arith.addi %add3A_1773, %add3A_1775 : vector<16xi32>
    %add3A_1777 = arith.addi %add3A_1776, %select_n3A_1769 : vector<16xi32>
    %jit3A_1778 = arith.constant 0 : i32
    %broadcast_in_dim3A_1779 = vector.broadcast %jit3A_1778 : i32 to vector<16xi32>
    %select_n3A_1780 = arith.select %and3A_1761, %add3A_1777, %broadcast_in_dim3A_1779 : vector<16xi1>, vector<16xi32>
    %abs3A_1781 = math.absf %get3A_1732 : vector<16xf32>
    tpu.vector_store_idx %arg9[%select_n3A_1780], %abs3A_1781 masked %and3A_1761 {add = true} : memref<1536xf32, #tpu.memory_space<vmem>>[vector<16xi32>], vector<16xf32>, vector<16xi1>
    %get3A_1782 = arith.constant 464 : index
    %get3A_1783 = tpu.vector_load %arg6[%get3A_1782] {strides = array<i32>} : memref<1024xf32, #tpu.memory_space<vmem>>, vector<16xf32>,
    %get3A_1784 = arith.constant 464 : index
    %get3A_1785 = tpu.vector_load %arg7[%get3A_1784] {strides = array<i32>} : memref<1024xf32, #tpu.memory_space<vmem>>, vector<16xf32>,
    %get3A_1786 = arith.constant 464 : index
    %get3A_1787 = tpu.vector_load %arg8[%get3A_1786] {strides = array<i32>} : memref<1024xf32, #tpu.memory_space<vmem>>, vector<16xf32>,
    %add3A_1788 = arith.constant 3.000000e+00 : f32
    %add3A_1789 = vector.broadcast %add3A_1788 : f32 to vector<16xf32>
    %add3A_1790 = arith.addf %get3A_1783, %add3A_1789 : vector<16xf32>
    %mul3A_1791 = arith.constant 4.000000e+00 : f32
    %mul3A_1792 = vector.broadcast %mul3A_1791 : f32 to vector<16xf32>
    %mul3A_1793 = arith.mulf %add3A_1790, %mul3A_1792 : vector<16xf32>
    %convert_element_type3A_1794 = arith.fptosi %mul3A_1793 : vector<16xf32> to vector<16xi32>
    %add3A_1795 = arith.constant 3.000000e+00 : f32
    %add3A_1796 = vector.broadcast %add3A_1795 : f32 to vector<16xf32>
    %add3A_1797 = arith.addf %get3A_1785, %add3A_1796 : vector<16xf32>
    %mul3A_1798 = arith.constant 4.000000e+00 : f32
    %mul3A_1799 = vector.broadcast %mul3A_1798 : f32 to vector<16xf32>
    %mul3A_1800 = arith.mulf %add3A_1797, %mul3A_1799 : vector<16xf32>
    %convert_element_type3A_1801 = arith.fptosi %mul3A_1800 : vector<16xf32> to vector<16xi32>
    %ge3A_1802 = arith.constant 0 : i32
    %ge3A_1803 = vector.broadcast %ge3A_1802 : i32 to vector<16xi32>
    %ge3A_1804 = arith.cmpi sge, %convert_element_type3A_1794, %ge3A_1803 : vector<16xi32>
    %lt3A_1805 = arith.constant 24 : i32
    %lt3A_1806 = vector.broadcast %lt3A_1805 : i32 to vector<16xi32>
    %lt3A_1807 = arith.cmpi slt, %convert_element_type3A_1794, %lt3A_1806 : vector<16xi32>
    %and3A_1808 = arith.andi %ge3A_1804, %lt3A_1807 : vector<16xi1>
    %ge3A_1809 = arith.constant 0 : i32
    %ge3A_1810 = vector.broadcast %ge3A_1809 : i32 to vector<16xi32>
    %ge3A_1811 = arith.cmpi sge, %convert_element_type3A_1801, %ge3A_1810 : vector<16xi32>
    %and3A_1812 = arith.andi %and3A_1808, %ge3A_1811 : vector<16xi1>
    %lt3A_1813 = arith.constant 24 : i32
    %lt3A_1814 = vector.broadcast %lt3A_1813 : i32 to vector<16xi32>
    %lt3A_1815 = arith.cmpi slt, %convert_element_type3A_1801, %lt3A_1814 : vector<16xi32>
    %and3A_1816 = arith.andi %and3A_1812, %lt3A_1815 : vector<16xi1>
    %lt3A_1817 = arith.constant 0.000000e+00 : f32
    %lt3A_1818 = vector.broadcast %lt3A_1817 : f32 to vector<16xf32>
    %lt3A_1819 = arith.cmpf olt, %get3A_1787, %lt3A_1818 : vector<16xf32>
    %jit3A_1820 = arith.constant 768 : i32
    %jit3A_1821 = arith.constant 0 : i32
    %broadcast_in_dim3A_1822 = vector.broadcast %jit3A_1820 : i32 to vector<16xi32>
    %broadcast_in_dim3A_1823 = vector.broadcast %jit3A_1821 : i32 to vector<16xi32>
    %select_n3A_1824 = arith.select %lt3A_1819, %broadcast_in_dim3A_1822, %broadcast_in_dim3A_1823 : vector<16xi1>, vector<16xi32>
    %mul3A_1825 = arith.constant 26 : i32
    %mul3A_1826 = vector.broadcast %mul3A_1825 : i32 to vector<16xi32>
    %mul3A_1827 = arith.muli %convert_element_type3A_1794, %mul3A_1826 : vector<16xi32>
    %add3A_1828 = arith.addi %mul3A_1827, %convert_element_type3A_1801 : vector<16xi32>
    %add3A_1829 = arith.constant 27 : i32
    %add3A_1830 = vector.broadcast %add3A_1829 : i32 to vector<16xi32>
    %add3A_1831 = arith.addi %add3A_1828, %add3A_1830 : vector<16xi32>
    %add3A_1832 = arith.addi %add3A_1831, %select_n3A_1824 : vector<16xi32>
    %jit3A_1833 = arith.constant 0 : i32
    %broadcast_in_dim3A_1834 = vector.broadcast %jit3A_1833 : i32 to vector<16xi32>
    %select_n3A_1835 = arith.select %and3A_1816, %add3A_1832, %broadcast_in_dim3A_1834 : vector<16xi1>, vector<16xi32>
    %abs3A_1836 = math.absf %get3A_1787 : vector<16xf32>
    tpu.vector_store_idx %arg9[%select_n3A_1835], %abs3A_1836 masked %and3A_1816 {add = true} : memref<1536xf32, #tpu.memory_space<vmem>>[vector<16xi32>], vector<16xf32>, vector<16xi1>
    %get3A_1837 = arith.constant 480 : index
    %get3A_1838 = tpu.vector_load %arg6[%get3A_1837] {strides = array<i32>} : memref<1024xf32, #tpu.memory_space<vmem>>, vector<16xf32>,
    %get3A_1839 = arith.constant 480 : index
    %get3A_1840 = tpu.vector_load %arg7[%get3A_1839] {strides = array<i32>} : memref<1024xf32, #tpu.memory_space<vmem>>, vector<16xf32>,
    %get3A_1841 = arith.constant 480 : index
    %get3A_1842 = tpu.vector_load %arg8[%get3A_1841] {strides = array<i32>} : memref<1024xf32, #tpu.memory_space<vmem>>, vector<16xf32>,
    %add3A_1843 = arith.constant 3.000000e+00 : f32
    %add3A_1844 = vector.broadcast %add3A_1843 : f32 to vector<16xf32>
    %add3A_1845 = arith.addf %get3A_1838, %add3A_1844 : vector<16xf32>
    %mul3A_1846 = arith.constant 4.000000e+00 : f32
    %mul3A_1847 = vector.broadcast %mul3A_1846 : f32 to vector<16xf32>
    %mul3A_1848 = arith.mulf %add3A_1845, %mul3A_1847 : vector<16xf32>
    %convert_element_type3A_1849 = arith.fptosi %mul3A_1848 : vector<16xf32> to vector<16xi32>
    %add3A_1850 = arith.constant 3.000000e+00 : f32
    %add3A_1851 = vector.broadcast %add3A_1850 : f32 to vector<16xf32>
    %add3A_1852 = arith.addf %get3A_1840, %add3A_1851 : vector<16xf32>
    %mul3A_1853 = arith.constant 4.000000e+00 : f32
    %mul3A_1854 = vector.broadcast %mul3A_1853 : f32 to vector<16xf32>
    %mul3A_1855 = arith.mulf %add3A_1852, %mul3A_1854 : vector<16xf32>
    %convert_element_type3A_1856 = arith.fptosi %mul3A_1855 : vector<16xf32> to vector<16xi32>
    %ge3A_1857 = arith.constant 0 : i32
    %ge3A_1858 = vector.broadcast %ge3A_1857 : i32 to vector<16xi32>
    %ge3A_1859 = arith.cmpi sge, %convert_element_type3A_1849, %ge3A_1858 : vector<16xi32>
    %lt3A_1860 = arith.constant 24 : i32
    %lt3A_1861 = vector.broadcast %lt3A_1860 : i32 to vector<16xi32>
    %lt3A_1862 = arith.cmpi slt, %convert_element_type3A_1849, %lt3A_1861 : vector<16xi32>
    %and3A_1863 = arith.andi %ge3A_1859, %lt3A_1862 : vector<16xi1>
    %ge3A_1864 = arith.constant 0 : i32
    %ge3A_1865 = vector.broadcast %ge3A_1864 : i32 to vector<16xi32>
    %ge3A_1866 = arith.cmpi sge, %convert_element_type3A_1856, %ge3A_1865 : vector<16xi32>
    %and3A_1867 = arith.andi %and3A_1863, %ge3A_1866 : vector<16xi1>
    %lt3A_1868 = arith.constant 24 : i32
    %lt3A_1869 = vector.broadcast %lt3A_1868 : i32 to vector<16xi32>
    %lt3A_1870 = arith.cmpi slt, %convert_element_type3A_1856, %lt3A_1869 : vector<16xi32>
    %and3A_1871 = arith.andi %and3A_1867, %lt3A_1870 : vector<16xi1>
    %lt3A_1872 = arith.constant 0.000000e+00 : f32
    %lt3A_1873 = vector.broadcast %lt3A_1872 : f32 to vector<16xf32>
    %lt3A_1874 = arith.cmpf olt, %get3A_1842, %lt3A_1873 : vector<16xf32>
    %jit3A_1875 = arith.constant 768 : i32
    %jit3A_1876 = arith.constant 0 : i32
    %broadcast_in_dim3A_1877 = vector.broadcast %jit3A_1875 : i32 to vector<16xi32>
    %broadcast_in_dim3A_1878 = vector.broadcast %jit3A_1876 : i32 to vector<16xi32>
    %select_n3A_1879 = arith.select %lt3A_1874, %broadcast_in_dim3A_1877, %broadcast_in_dim3A_1878 : vector<16xi1>, vector<16xi32>
    %mul3A_1880 = arith.constant 26 : i32
    %mul3A_1881 = vector.broadcast %mul3A_1880 : i32 to vector<16xi32>
    %mul3A_1882 = arith.muli %convert_element_type3A_1849, %mul3A_1881 : vector<16xi32>
    %add3A_1883 = arith.addi %mul3A_1882, %convert_element_type3A_1856 : vector<16xi32>
    %add3A_1884 = arith.constant 27 : i32
    %add3A_1885 = vector.broadcast %add3A_1884 : i32 to vector<16xi32>
    %add3A_1886 = arith.addi %add3A_1883, %add3A_1885 : vector<16xi32>
    %add3A_1887 = arith.addi %add3A_1886, %select_n3A_1879 : vector<16xi32>
    %jit3A_1888 = arith.constant 0 : i32
    %broadcast_in_dim3A_1889 = vector.broadcast %jit3A_1888 : i32 to vector<16xi32>
    %select_n3A_1890 = arith.select %and3A_1871, %add3A_1887, %broadcast_in_dim3A_1889 : vector<16xi1>, vector<16xi32>
    %abs3A_1891 = math.absf %get3A_1842 : vector<16xf32>
    tpu.vector_store_idx %arg9[%select_n3A_1890], %abs3A_1891 masked %and3A_1871 {add = true} : memref<1536xf32, #tpu.memory_space<vmem>>[vector<16xi32>], vector<16xf32>, vector<16xi1>
    %get3A_1892 = arith.constant 496 : index
    %get3A_1893 = tpu.vector_load %arg6[%get3A_1892] {strides = array<i32>} : memref<1024xf32, #tpu.memory_space<vmem>>, vector<16xf32>,
    %get3A_1894 = arith.constant 496 : index
    %get3A_1895 = tpu.vector_load %arg7[%get3A_1894] {strides = array<i32>} : memref<1024xf32, #tpu.memory_space<vmem>>, vector<16xf32>,
    %get3A_1896 = arith.constant 496 : index
    %get3A_1897 = tpu.vector_load %arg8[%get3A_1896] {strides = array<i32>} : memref<1024xf32, #tpu.memory_space<vmem>>, vector<16xf32>,
    %add3A_1898 = arith.constant 3.000000e+00 : f32
    %add3A_1899 = vector.broadcast %add3A_1898 : f32 to vector<16xf32>
    %add3A_1900 = arith.addf %get3A_1893, %add3A_1899 : vector<16xf32>
    %mul3A_1901 = arith.constant 4.000000e+00 : f32
    %mul3A_1902 = vector.broadcast %mul3A_1901 : f32 to vector<16xf32>
    %mul3A_1903 = arith.mulf %add3A_1900, %mul3A_1902 : vector<16xf32>
    %convert_element_type3A_1904 = arith.fptosi %mul3A_1903 : vector<16xf32> to vector<16xi32>
    %add3A_1905 = arith.constant 3.000000e+00 : f32
    %add3A_1906 = vector.broadcast %add3A_1905 : f32 to vector<16xf32>
    %add3A_1907 = arith.addf %get3A_1895, %add3A_1906 : vector<16xf32>
    %mul3A_1908 = arith.constant 4.000000e+00 : f32
    %mul3A_1909 = vector.broadcast %mul3A_1908 : f32 to vector<16xf32>
    %mul3A_1910 = arith.mulf %add3A_1907, %mul3A_1909 : vector<16xf32>
    %convert_element_type3A_1911 = arith.fptosi %mul3A_1910 : vector<16xf32> to vector<16xi32>
    %ge3A_1912 = arith.constant 0 : i32
    %ge3A_1913 = vector.broadcast %ge3A_1912 : i32 to vector<16xi32>
    %ge3A_1914 = arith.cmpi sge, %convert_element_type3A_1904, %ge3A_1913 : vector<16xi32>
    %lt3A_1915 = arith.constant 24 : i32
    %lt3A_1916 = vector.broadcast %lt3A_1915 : i32 to vector<16xi32>
    %lt3A_1917 = arith.cmpi slt, %convert_element_type3A_1904, %lt3A_1916 : vector<16xi32>
    %and3A_1918 = arith.andi %ge3A_1914, %lt3A_1917 : vector<16xi1>
    %ge3A_1919 = arith.constant 0 : i32
    %ge3A_1920 = vector.broadcast %ge3A_1919 : i32 to vector<16xi32>
    %ge3A_1921 = arith.cmpi sge, %convert_element_type3A_1911, %ge3A_1920 : vector<16xi32>
    %and3A_1922 = arith.andi %and3A_1918, %ge3A_1921 : vector<16xi1>
    %lt3A_1923 = arith.constant 24 : i32
    %lt3A_1924 = vector.broadcast %lt3A_1923 : i32 to vector<16xi32>
    %lt3A_1925 = arith.cmpi slt, %convert_element_type3A_1911, %lt3A_1924 : vector<16xi32>
    %and3A_1926 = arith.andi %and3A_1922, %lt3A_1925 : vector<16xi1>
    %lt3A_1927 = arith.constant 0.000000e+00 : f32
    %lt3A_1928 = vector.broadcast %lt3A_1927 : f32 to vector<16xf32>
    %lt3A_1929 = arith.cmpf olt, %get3A_1897, %lt3A_1928 : vector<16xf32>
    %jit3A_1930 = arith.constant 768 : i32
    %jit3A_1931 = arith.constant 0 : i32
    %broadcast_in_dim3A_1932 = vector.broadcast %jit3A_1930 : i32 to vector<16xi32>
    %broadcast_in_dim3A_1933 = vector.broadcast %jit3A_1931 : i32 to vector<16xi32>
    %select_n3A_1934 = arith.select %lt3A_1929, %broadcast_in_dim3A_1932, %broadcast_in_dim3A_1933 : vector<16xi1>, vector<16xi32>
    %mul3A_1935 = arith.constant 26 : i32
    %mul3A_1936 = vector.broadcast %mul3A_1935 : i32 to vector<16xi32>
    %mul3A_1937 = arith.muli %convert_element_type3A_1904, %mul3A_1936 : vector<16xi32>
    %add3A_1938 = arith.addi %mul3A_1937, %convert_element_type3A_1911 : vector<16xi32>
    %add3A_1939 = arith.constant 27 : i32
    %add3A_1940 = vector.broadcast %add3A_1939 : i32 to vector<16xi32>
    %add3A_1941 = arith.addi %add3A_1938, %add3A_1940 : vector<16xi32>
    %add3A_1942 = arith.addi %add3A_1941, %select_n3A_1934 : vector<16xi32>
    %jit3A_1943 = arith.constant 0 : i32
    %broadcast_in_dim3A_1944 = vector.broadcast %jit3A_1943 : i32 to vector<16xi32>
    %select_n3A_1945 = arith.select %and3A_1926, %add3A_1942, %broadcast_in_dim3A_1944 : vector<16xi1>, vector<16xi32>
    %abs3A_1946 = math.absf %get3A_1897 : vector<16xf32>
    tpu.vector_store_idx %arg9[%select_n3A_1945], %abs3A_1946 masked %and3A_1926 {add = true} : memref<1536xf32, #tpu.memory_space<vmem>>[vector<16xi32>], vector<16xf32>, vector<16xi1>
    %get3A_1947 = arith.constant 512 : index
    %get3A_1948 = tpu.vector_load %arg6[%get3A_1947] {strides = array<i32>} : memref<1024xf32, #tpu.memory_space<vmem>>, vector<16xf32>,
    %get3A_1949 = arith.constant 512 : index
    %get3A_1950 = tpu.vector_load %arg7[%get3A_1949] {strides = array<i32>} : memref<1024xf32, #tpu.memory_space<vmem>>, vector<16xf32>,
    %get3A_1951 = arith.constant 512 : index
    %get3A_1952 = tpu.vector_load %arg8[%get3A_1951] {strides = array<i32>} : memref<1024xf32, #tpu.memory_space<vmem>>, vector<16xf32>,
    %add3A_1953 = arith.constant 3.000000e+00 : f32
    %add3A_1954 = vector.broadcast %add3A_1953 : f32 to vector<16xf32>
    %add3A_1955 = arith.addf %get3A_1948, %add3A_1954 : vector<16xf32>
    %mul3A_1956 = arith.constant 4.000000e+00 : f32
    %mul3A_1957 = vector.broadcast %mul3A_1956 : f32 to vector<16xf32>
    %mul3A_1958 = arith.mulf %add3A_1955, %mul3A_1957 : vector<16xf32>
    %convert_element_type3A_1959 = arith.fptosi %mul3A_1958 : vector<16xf32> to vector<16xi32>
    %add3A_1960 = arith.constant 3.000000e+00 : f32
    %add3A_1961 = vector.broadcast %add3A_1960 : f32 to vector<16xf32>
    %add3A_1962 = arith.addf %get3A_1950, %add3A_1961 : vector<16xf32>
    %mul3A_1963 = arith.constant 4.000000e+00 : f32
    %mul3A_1964 = vector.broadcast %mul3A_1963 : f32 to vector<16xf32>
    %mul3A_1965 = arith.mulf %add3A_1962, %mul3A_1964 : vector<16xf32>
    %convert_element_type3A_1966 = arith.fptosi %mul3A_1965 : vector<16xf32> to vector<16xi32>
    %ge3A_1967 = arith.constant 0 : i32
    %ge3A_1968 = vector.broadcast %ge3A_1967 : i32 to vector<16xi32>
    %ge3A_1969 = arith.cmpi sge, %convert_element_type3A_1959, %ge3A_1968 : vector<16xi32>
    %lt3A_1970 = arith.constant 24 : i32
    %lt3A_1971 = vector.broadcast %lt3A_1970 : i32 to vector<16xi32>
    %lt3A_1972 = arith.cmpi slt, %convert_element_type3A_1959, %lt3A_1971 : vector<16xi32>
    %and3A_1973 = arith.andi %ge3A_1969, %lt3A_1972 : vector<16xi1>
    %ge3A_1974 = arith.constant 0 : i32
    %ge3A_1975 = vector.broadcast %ge3A_1974 : i32 to vector<16xi32>
    %ge3A_1976 = arith.cmpi sge, %convert_element_type3A_1966, %ge3A_1975 : vector<16xi32>
    %and3A_1977 = arith.andi %and3A_1973, %ge3A_1976 : vector<16xi1>
    %lt3A_1978 = arith.constant 24 : i32
    %lt3A_1979 = vector.broadcast %lt3A_1978 : i32 to vector<16xi32>
    %lt3A_1980 = arith.cmpi slt, %convert_element_type3A_1966, %lt3A_1979 : vector<16xi32>
    %and3A_1981 = arith.andi %and3A_1977, %lt3A_1980 : vector<16xi1>
    %lt3A_1982 = arith.constant 0.000000e+00 : f32
    %lt3A_1983 = vector.broadcast %lt3A_1982 : f32 to vector<16xf32>
    %lt3A_1984 = arith.cmpf olt, %get3A_1952, %lt3A_1983 : vector<16xf32>
    %jit3A_1985 = arith.constant 768 : i32
    %jit3A_1986 = arith.constant 0 : i32
    %broadcast_in_dim3A_1987 = vector.broadcast %jit3A_1985 : i32 to vector<16xi32>
    %broadcast_in_dim3A_1988 = vector.broadcast %jit3A_1986 : i32 to vector<16xi32>
    %select_n3A_1989 = arith.select %lt3A_1984, %broadcast_in_dim3A_1987, %broadcast_in_dim3A_1988 : vector<16xi1>, vector<16xi32>
    %mul3A_1990 = arith.constant 26 : i32
    %mul3A_1991 = vector.broadcast %mul3A_1990 : i32 to vector<16xi32>
    %mul3A_1992 = arith.muli %convert_element_type3A_1959, %mul3A_1991 : vector<16xi32>
    %add3A_1993 = arith.addi %mul3A_1992, %convert_element_type3A_1966 : vector<16xi32>
    %add3A_1994 = arith.constant 27 : i32
    %add3A_1995 = vector.broadcast %add3A_1994 : i32 to vector<16xi32>
    %add3A_1996 = arith.addi %add3A_1993, %add3A_1995 : vector<16xi32>
    %add3A_1997 = arith.addi %add3A_1996, %select_n3A_1989 : vector<16xi32>
    %jit3A_1998 = arith.constant 0 : i32
    %broadcast_in_dim3A_1999 = vector.broadcast %jit3A_1998 : i32 to vector<16xi32>
    %select_n3A_2000 = arith.select %and3A_1981, %add3A_1997, %broadcast_in_dim3A_1999 : vector<16xi1>, vector<16xi32>
    %abs3A_2001 = math.absf %get3A_1952 : vector<16xf32>
    tpu.vector_store_idx %arg9[%select_n3A_2000], %abs3A_2001 masked %and3A_1981 {add = true} : memref<1536xf32, #tpu.memory_space<vmem>>[vector<16xi32>], vector<16xf32>, vector<16xi1>
    %get3A_2002 = arith.constant 528 : index
    %get3A_2003 = tpu.vector_load %arg6[%get3A_2002] {strides = array<i32>} : memref<1024xf32, #tpu.memory_space<vmem>>, vector<16xf32>,
    %get3A_2004 = arith.constant 528 : index
    %get3A_2005 = tpu.vector_load %arg7[%get3A_2004] {strides = array<i32>} : memref<1024xf32, #tpu.memory_space<vmem>>, vector<16xf32>,
    %get3A_2006 = arith.constant 528 : index
    %get3A_2007 = tpu.vector_load %arg8[%get3A_2006] {strides = array<i32>} : memref<1024xf32, #tpu.memory_space<vmem>>, vector<16xf32>,
    %add3A_2008 = arith.constant 3.000000e+00 : f32
    %add3A_2009 = vector.broadcast %add3A_2008 : f32 to vector<16xf32>
    %add3A_2010 = arith.addf %get3A_2003, %add3A_2009 : vector<16xf32>
    %mul3A_2011 = arith.constant 4.000000e+00 : f32
    %mul3A_2012 = vector.broadcast %mul3A_2011 : f32 to vector<16xf32>
    %mul3A_2013 = arith.mulf %add3A_2010, %mul3A_2012 : vector<16xf32>
    %convert_element_type3A_2014 = arith.fptosi %mul3A_2013 : vector<16xf32> to vector<16xi32>
    %add3A_2015 = arith.constant 3.000000e+00 : f32
    %add3A_2016 = vector.broadcast %add3A_2015 : f32 to vector<16xf32>
    %add3A_2017 = arith.addf %get3A_2005, %add3A_2016 : vector<16xf32>
    %mul3A_2018 = arith.constant 4.000000e+00 : f32
    %mul3A_2019 = vector.broadcast %mul3A_2018 : f32 to vector<16xf32>
    %mul3A_2020 = arith.mulf %add3A_2017, %mul3A_2019 : vector<16xf32>
    %convert_element_type3A_2021 = arith.fptosi %mul3A_2020 : vector<16xf32> to vector<16xi32>
    %ge3A_2022 = arith.constant 0 : i32
    %ge3A_2023 = vector.broadcast %ge3A_2022 : i32 to vector<16xi32>
    %ge3A_2024 = arith.cmpi sge, %convert_element_type3A_2014, %ge3A_2023 : vector<16xi32>
    %lt3A_2025 = arith.constant 24 : i32
    %lt3A_2026 = vector.broadcast %lt3A_2025 : i32 to vector<16xi32>
    %lt3A_2027 = arith.cmpi slt, %convert_element_type3A_2014, %lt3A_2026 : vector<16xi32>
    %and3A_2028 = arith.andi %ge3A_2024, %lt3A_2027 : vector<16xi1>
    %ge3A_2029 = arith.constant 0 : i32
    %ge3A_2030 = vector.broadcast %ge3A_2029 : i32 to vector<16xi32>
    %ge3A_2031 = arith.cmpi sge, %convert_element_type3A_2021, %ge3A_2030 : vector<16xi32>
    %and3A_2032 = arith.andi %and3A_2028, %ge3A_2031 : vector<16xi1>
    %lt3A_2033 = arith.constant 24 : i32
    %lt3A_2034 = vector.broadcast %lt3A_2033 : i32 to vector<16xi32>
    %lt3A_2035 = arith.cmpi slt, %convert_element_type3A_2021, %lt3A_2034 : vector<16xi32>
    %and3A_2036 = arith.andi %and3A_2032, %lt3A_2035 : vector<16xi1>
    %lt3A_2037 = arith.constant 0.000000e+00 : f32
    %lt3A_2038 = vector.broadcast %lt3A_2037 : f32 to vector<16xf32>
    %lt3A_2039 = arith.cmpf olt, %get3A_2007, %lt3A_2038 : vector<16xf32>
    %jit3A_2040 = arith.constant 768 : i32
    %jit3A_2041 = arith.constant 0 : i32
    %broadcast_in_dim3A_2042 = vector.broadcast %jit3A_2040 : i32 to vector<16xi32>
    %broadcast_in_dim3A_2043 = vector.broadcast %jit3A_2041 : i32 to vector<16xi32>
    %select_n3A_2044 = arith.select %lt3A_2039, %broadcast_in_dim3A_2042, %broadcast_in_dim3A_2043 : vector<16xi1>, vector<16xi32>
    %mul3A_2045 = arith.constant 26 : i32
    %mul3A_2046 = vector.broadcast %mul3A_2045 : i32 to vector<16xi32>
    %mul3A_2047 = arith.muli %convert_element_type3A_2014, %mul3A_2046 : vector<16xi32>
    %add3A_2048 = arith.addi %mul3A_2047, %convert_element_type3A_2021 : vector<16xi32>
    %add3A_2049 = arith.constant 27 : i32
    %add3A_2050 = vector.broadcast %add3A_2049 : i32 to vector<16xi32>
    %add3A_2051 = arith.addi %add3A_2048, %add3A_2050 : vector<16xi32>
    %add3A_2052 = arith.addi %add3A_2051, %select_n3A_2044 : vector<16xi32>
    %jit3A_2053 = arith.constant 0 : i32
    %broadcast_in_dim3A_2054 = vector.broadcast %jit3A_2053 : i32 to vector<16xi32>
    %select_n3A_2055 = arith.select %and3A_2036, %add3A_2052, %broadcast_in_dim3A_2054 : vector<16xi1>, vector<16xi32>
    %abs3A_2056 = math.absf %get3A_2007 : vector<16xf32>
    tpu.vector_store_idx %arg9[%select_n3A_2055], %abs3A_2056 masked %and3A_2036 {add = true} : memref<1536xf32, #tpu.memory_space<vmem>>[vector<16xi32>], vector<16xf32>, vector<16xi1>
    %get3A_2057 = arith.constant 544 : index
    %get3A_2058 = tpu.vector_load %arg6[%get3A_2057] {strides = array<i32>} : memref<1024xf32, #tpu.memory_space<vmem>>, vector<16xf32>,
    %get3A_2059 = arith.constant 544 : index
    %get3A_2060 = tpu.vector_load %arg7[%get3A_2059] {strides = array<i32>} : memref<1024xf32, #tpu.memory_space<vmem>>, vector<16xf32>,
    %get3A_2061 = arith.constant 544 : index
    %get3A_2062 = tpu.vector_load %arg8[%get3A_2061] {strides = array<i32>} : memref<1024xf32, #tpu.memory_space<vmem>>, vector<16xf32>,
    %add3A_2063 = arith.constant 3.000000e+00 : f32
    %add3A_2064 = vector.broadcast %add3A_2063 : f32 to vector<16xf32>
    %add3A_2065 = arith.addf %get3A_2058, %add3A_2064 : vector<16xf32>
    %mul3A_2066 = arith.constant 4.000000e+00 : f32
    %mul3A_2067 = vector.broadcast %mul3A_2066 : f32 to vector<16xf32>
    %mul3A_2068 = arith.mulf %add3A_2065, %mul3A_2067 : vector<16xf32>
    %convert_element_type3A_2069 = arith.fptosi %mul3A_2068 : vector<16xf32> to vector<16xi32>
    %add3A_2070 = arith.constant 3.000000e+00 : f32
    %add3A_2071 = vector.broadcast %add3A_2070 : f32 to vector<16xf32>
    %add3A_2072 = arith.addf %get3A_2060, %add3A_2071 : vector<16xf32>
    %mul3A_2073 = arith.constant 4.000000e+00 : f32
    %mul3A_2074 = vector.broadcast %mul3A_2073 : f32 to vector<16xf32>
    %mul3A_2075 = arith.mulf %add3A_2072, %mul3A_2074 : vector<16xf32>
    %convert_element_type3A_2076 = arith.fptosi %mul3A_2075 : vector<16xf32> to vector<16xi32>
    %ge3A_2077 = arith.constant 0 : i32
    %ge3A_2078 = vector.broadcast %ge3A_2077 : i32 to vector<16xi32>
    %ge3A_2079 = arith.cmpi sge, %convert_element_type3A_2069, %ge3A_2078 : vector<16xi32>
    %lt3A_2080 = arith.constant 24 : i32
    %lt3A_2081 = vector.broadcast %lt3A_2080 : i32 to vector<16xi32>
    %lt3A_2082 = arith.cmpi slt, %convert_element_type3A_2069, %lt3A_2081 : vector<16xi32>
    %and3A_2083 = arith.andi %ge3A_2079, %lt3A_2082 : vector<16xi1>
    %ge3A_2084 = arith.constant 0 : i32
    %ge3A_2085 = vector.broadcast %ge3A_2084 : i32 to vector<16xi32>
    %ge3A_2086 = arith.cmpi sge, %convert_element_type3A_2076, %ge3A_2085 : vector<16xi32>
    %and3A_2087 = arith.andi %and3A_2083, %ge3A_2086 : vector<16xi1>
    %lt3A_2088 = arith.constant 24 : i32
    %lt3A_2089 = vector.broadcast %lt3A_2088 : i32 to vector<16xi32>
    %lt3A_2090 = arith.cmpi slt, %convert_element_type3A_2076, %lt3A_2089 : vector<16xi32>
    %and3A_2091 = arith.andi %and3A_2087, %lt3A_2090 : vector<16xi1>
    %lt3A_2092 = arith.constant 0.000000e+00 : f32
    %lt3A_2093 = vector.broadcast %lt3A_2092 : f32 to vector<16xf32>
    %lt3A_2094 = arith.cmpf olt, %get3A_2062, %lt3A_2093 : vector<16xf32>
    %jit3A_2095 = arith.constant 768 : i32
    %jit3A_2096 = arith.constant 0 : i32
    %broadcast_in_dim3A_2097 = vector.broadcast %jit3A_2095 : i32 to vector<16xi32>
    %broadcast_in_dim3A_2098 = vector.broadcast %jit3A_2096 : i32 to vector<16xi32>
    %select_n3A_2099 = arith.select %lt3A_2094, %broadcast_in_dim3A_2097, %broadcast_in_dim3A_2098 : vector<16xi1>, vector<16xi32>
    %mul3A_2100 = arith.constant 26 : i32
    %mul3A_2101 = vector.broadcast %mul3A_2100 : i32 to vector<16xi32>
    %mul3A_2102 = arith.muli %convert_element_type3A_2069, %mul3A_2101 : vector<16xi32>
    %add3A_2103 = arith.addi %mul3A_2102, %convert_element_type3A_2076 : vector<16xi32>
    %add3A_2104 = arith.constant 27 : i32
    %add3A_2105 = vector.broadcast %add3A_2104 : i32 to vector<16xi32>
    %add3A_2106 = arith.addi %add3A_2103, %add3A_2105 : vector<16xi32>
    %add3A_2107 = arith.addi %add3A_2106, %select_n3A_2099 : vector<16xi32>
    %jit3A_2108 = arith.constant 0 : i32
    %broadcast_in_dim3A_2109 = vector.broadcast %jit3A_2108 : i32 to vector<16xi32>
    %select_n3A_2110 = arith.select %and3A_2091, %add3A_2107, %broadcast_in_dim3A_2109 : vector<16xi1>, vector<16xi32>
    %abs3A_2111 = math.absf %get3A_2062 : vector<16xf32>
    tpu.vector_store_idx %arg9[%select_n3A_2110], %abs3A_2111 masked %and3A_2091 {add = true} : memref<1536xf32, #tpu.memory_space<vmem>>[vector<16xi32>], vector<16xf32>, vector<16xi1>
    %get3A_2112 = arith.constant 560 : index
    %get3A_2113 = tpu.vector_load %arg6[%get3A_2112] {strides = array<i32>} : memref<1024xf32, #tpu.memory_space<vmem>>, vector<16xf32>,
    %get3A_2114 = arith.constant 560 : index
    %get3A_2115 = tpu.vector_load %arg7[%get3A_2114] {strides = array<i32>} : memref<1024xf32, #tpu.memory_space<vmem>>, vector<16xf32>,
    %get3A_2116 = arith.constant 560 : index
    %get3A_2117 = tpu.vector_load %arg8[%get3A_2116] {strides = array<i32>} : memref<1024xf32, #tpu.memory_space<vmem>>, vector<16xf32>,
    %add3A_2118 = arith.constant 3.000000e+00 : f32
    %add3A_2119 = vector.broadcast %add3A_2118 : f32 to vector<16xf32>
    %add3A_2120 = arith.addf %get3A_2113, %add3A_2119 : vector<16xf32>
    %mul3A_2121 = arith.constant 4.000000e+00 : f32
    %mul3A_2122 = vector.broadcast %mul3A_2121 : f32 to vector<16xf32>
    %mul3A_2123 = arith.mulf %add3A_2120, %mul3A_2122 : vector<16xf32>
    %convert_element_type3A_2124 = arith.fptosi %mul3A_2123 : vector<16xf32> to vector<16xi32>
    %add3A_2125 = arith.constant 3.000000e+00 : f32
    %add3A_2126 = vector.broadcast %add3A_2125 : f32 to vector<16xf32>
    %add3A_2127 = arith.addf %get3A_2115, %add3A_2126 : vector<16xf32>
    %mul3A_2128 = arith.constant 4.000000e+00 : f32
    %mul3A_2129 = vector.broadcast %mul3A_2128 : f32 to vector<16xf32>
    %mul3A_2130 = arith.mulf %add3A_2127, %mul3A_2129 : vector<16xf32>
    %convert_element_type3A_2131 = arith.fptosi %mul3A_2130 : vector<16xf32> to vector<16xi32>
    %ge3A_2132 = arith.constant 0 : i32
    %ge3A_2133 = vector.broadcast %ge3A_2132 : i32 to vector<16xi32>
    %ge3A_2134 = arith.cmpi sge, %convert_element_type3A_2124, %ge3A_2133 : vector<16xi32>
    %lt3A_2135 = arith.constant 24 : i32
    %lt3A_2136 = vector.broadcast %lt3A_2135 : i32 to vector<16xi32>
    %lt3A_2137 = arith.cmpi slt, %convert_element_type3A_2124, %lt3A_2136 : vector<16xi32>
    %and3A_2138 = arith.andi %ge3A_2134, %lt3A_2137 : vector<16xi1>
    %ge3A_2139 = arith.constant 0 : i32
    %ge3A_2140 = vector.broadcast %ge3A_2139 : i32 to vector<16xi32>
    %ge3A_2141 = arith.cmpi sge, %convert_element_type3A_2131, %ge3A_2140 : vector<16xi32>
    %and3A_2142 = arith.andi %and3A_2138, %ge3A_2141 : vector<16xi1>
    %lt3A_2143 = arith.constant 24 : i32
    %lt3A_2144 = vector.broadcast %lt3A_2143 : i32 to vector<16xi32>
    %lt3A_2145 = arith.cmpi slt, %convert_element_type3A_2131, %lt3A_2144 : vector<16xi32>
    %and3A_2146 = arith.andi %and3A_2142, %lt3A_2145 : vector<16xi1>
    %lt3A_2147 = arith.constant 0.000000e+00 : f32
    %lt3A_2148 = vector.broadcast %lt3A_2147 : f32 to vector<16xf32>
    %lt3A_2149 = arith.cmpf olt, %get3A_2117, %lt3A_2148 : vector<16xf32>
    %jit3A_2150 = arith.constant 768 : i32
    %jit3A_2151 = arith.constant 0 : i32
    %broadcast_in_dim3A_2152 = vector.broadcast %jit3A_2150 : i32 to vector<16xi32>
    %broadcast_in_dim3A_2153 = vector.broadcast %jit3A_2151 : i32 to vector<16xi32>
    %select_n3A_2154 = arith.select %lt3A_2149, %broadcast_in_dim3A_2152, %broadcast_in_dim3A_2153 : vector<16xi1>, vector<16xi32>
    %mul3A_2155 = arith.constant 26 : i32
    %mul3A_2156 = vector.broadcast %mul3A_2155 : i32 to vector<16xi32>
    %mul3A_2157 = arith.muli %convert_element_type3A_2124, %mul3A_2156 : vector<16xi32>
    %add3A_2158 = arith.addi %mul3A_2157, %convert_element_type3A_2131 : vector<16xi32>
    %add3A_2159 = arith.constant 27 : i32
    %add3A_2160 = vector.broadcast %add3A_2159 : i32 to vector<16xi32>
    %add3A_2161 = arith.addi %add3A_2158, %add3A_2160 : vector<16xi32>
    %add3A_2162 = arith.addi %add3A_2161, %select_n3A_2154 : vector<16xi32>
    %jit3A_2163 = arith.constant 0 : i32
    %broadcast_in_dim3A_2164 = vector.broadcast %jit3A_2163 : i32 to vector<16xi32>
    %select_n3A_2165 = arith.select %and3A_2146, %add3A_2162, %broadcast_in_dim3A_2164 : vector<16xi1>, vector<16xi32>
    %abs3A_2166 = math.absf %get3A_2117 : vector<16xf32>
    tpu.vector_store_idx %arg9[%select_n3A_2165], %abs3A_2166 masked %and3A_2146 {add = true} : memref<1536xf32, #tpu.memory_space<vmem>>[vector<16xi32>], vector<16xf32>, vector<16xi1>
    %get3A_2167 = arith.constant 576 : index
    %get3A_2168 = tpu.vector_load %arg6[%get3A_2167] {strides = array<i32>} : memref<1024xf32, #tpu.memory_space<vmem>>, vector<16xf32>,
    %get3A_2169 = arith.constant 576 : index
    %get3A_2170 = tpu.vector_load %arg7[%get3A_2169] {strides = array<i32>} : memref<1024xf32, #tpu.memory_space<vmem>>, vector<16xf32>,
    %get3A_2171 = arith.constant 576 : index
    %get3A_2172 = tpu.vector_load %arg8[%get3A_2171] {strides = array<i32>} : memref<1024xf32, #tpu.memory_space<vmem>>, vector<16xf32>,
    %add3A_2173 = arith.constant 3.000000e+00 : f32
    %add3A_2174 = vector.broadcast %add3A_2173 : f32 to vector<16xf32>
    %add3A_2175 = arith.addf %get3A_2168, %add3A_2174 : vector<16xf32>
    %mul3A_2176 = arith.constant 4.000000e+00 : f32
    %mul3A_2177 = vector.broadcast %mul3A_2176 : f32 to vector<16xf32>
    %mul3A_2178 = arith.mulf %add3A_2175, %mul3A_2177 : vector<16xf32>
    %convert_element_type3A_2179 = arith.fptosi %mul3A_2178 : vector<16xf32> to vector<16xi32>
    %add3A_2180 = arith.constant 3.000000e+00 : f32
    %add3A_2181 = vector.broadcast %add3A_2180 : f32 to vector<16xf32>
    %add3A_2182 = arith.addf %get3A_2170, %add3A_2181 : vector<16xf32>
    %mul3A_2183 = arith.constant 4.000000e+00 : f32
    %mul3A_2184 = vector.broadcast %mul3A_2183 : f32 to vector<16xf32>
    %mul3A_2185 = arith.mulf %add3A_2182, %mul3A_2184 : vector<16xf32>
    %convert_element_type3A_2186 = arith.fptosi %mul3A_2185 : vector<16xf32> to vector<16xi32>
    %ge3A_2187 = arith.constant 0 : i32
    %ge3A_2188 = vector.broadcast %ge3A_2187 : i32 to vector<16xi32>
    %ge3A_2189 = arith.cmpi sge, %convert_element_type3A_2179, %ge3A_2188 : vector<16xi32>
    %lt3A_2190 = arith.constant 24 : i32
    %lt3A_2191 = vector.broadcast %lt3A_2190 : i32 to vector<16xi32>
    %lt3A_2192 = arith.cmpi slt, %convert_element_type3A_2179, %lt3A_2191 : vector<16xi32>
    %and3A_2193 = arith.andi %ge3A_2189, %lt3A_2192 : vector<16xi1>
    %ge3A_2194 = arith.constant 0 : i32
    %ge3A_2195 = vector.broadcast %ge3A_2194 : i32 to vector<16xi32>
    %ge3A_2196 = arith.cmpi sge, %convert_element_type3A_2186, %ge3A_2195 : vector<16xi32>
    %and3A_2197 = arith.andi %and3A_2193, %ge3A_2196 : vector<16xi1>
    %lt3A_2198 = arith.constant 24 : i32
    %lt3A_2199 = vector.broadcast %lt3A_2198 : i32 to vector<16xi32>
    %lt3A_2200 = arith.cmpi slt, %convert_element_type3A_2186, %lt3A_2199 : vector<16xi32>
    %and3A_2201 = arith.andi %and3A_2197, %lt3A_2200 : vector<16xi1>
    %lt3A_2202 = arith.constant 0.000000e+00 : f32
    %lt3A_2203 = vector.broadcast %lt3A_2202 : f32 to vector<16xf32>
    %lt3A_2204 = arith.cmpf olt, %get3A_2172, %lt3A_2203 : vector<16xf32>
    %jit3A_2205 = arith.constant 768 : i32
    %jit3A_2206 = arith.constant 0 : i32
    %broadcast_in_dim3A_2207 = vector.broadcast %jit3A_2205 : i32 to vector<16xi32>
    %broadcast_in_dim3A_2208 = vector.broadcast %jit3A_2206 : i32 to vector<16xi32>
    %select_n3A_2209 = arith.select %lt3A_2204, %broadcast_in_dim3A_2207, %broadcast_in_dim3A_2208 : vector<16xi1>, vector<16xi32>
    %mul3A_2210 = arith.constant 26 : i32
    %mul3A_2211 = vector.broadcast %mul3A_2210 : i32 to vector<16xi32>
    %mul3A_2212 = arith.muli %convert_element_type3A_2179, %mul3A_2211 : vector<16xi32>
    %add3A_2213 = arith.addi %mul3A_2212, %convert_element_type3A_2186 : vector<16xi32>
    %add3A_2214 = arith.constant 27 : i32
    %add3A_2215 = vector.broadcast %add3A_2214 : i32 to vector<16xi32>
    %add3A_2216 = arith.addi %add3A_2213, %add3A_2215 : vector<16xi32>
    %add3A_2217 = arith.addi %add3A_2216, %select_n3A_2209 : vector<16xi32>
    %jit3A_2218 = arith.constant 0 : i32
    %broadcast_in_dim3A_2219 = vector.broadcast %jit3A_2218 : i32 to vector<16xi32>
    %select_n3A_2220 = arith.select %and3A_2201, %add3A_2217, %broadcast_in_dim3A_2219 : vector<16xi1>, vector<16xi32>
    %abs3A_2221 = math.absf %get3A_2172 : vector<16xf32>
    tpu.vector_store_idx %arg9[%select_n3A_2220], %abs3A_2221 masked %and3A_2201 {add = true} : memref<1536xf32, #tpu.memory_space<vmem>>[vector<16xi32>], vector<16xf32>, vector<16xi1>
    %get3A_2222 = arith.constant 592 : index
    %get3A_2223 = tpu.vector_load %arg6[%get3A_2222] {strides = array<i32>} : memref<1024xf32, #tpu.memory_space<vmem>>, vector<16xf32>,
    %get3A_2224 = arith.constant 592 : index
    %get3A_2225 = tpu.vector_load %arg7[%get3A_2224] {strides = array<i32>} : memref<1024xf32, #tpu.memory_space<vmem>>, vector<16xf32>,
    %get3A_2226 = arith.constant 592 : index
    %get3A_2227 = tpu.vector_load %arg8[%get3A_2226] {strides = array<i32>} : memref<1024xf32, #tpu.memory_space<vmem>>, vector<16xf32>,
    %add3A_2228 = arith.constant 3.000000e+00 : f32
    %add3A_2229 = vector.broadcast %add3A_2228 : f32 to vector<16xf32>
    %add3A_2230 = arith.addf %get3A_2223, %add3A_2229 : vector<16xf32>
    %mul3A_2231 = arith.constant 4.000000e+00 : f32
    %mul3A_2232 = vector.broadcast %mul3A_2231 : f32 to vector<16xf32>
    %mul3A_2233 = arith.mulf %add3A_2230, %mul3A_2232 : vector<16xf32>
    %convert_element_type3A_2234 = arith.fptosi %mul3A_2233 : vector<16xf32> to vector<16xi32>
    %add3A_2235 = arith.constant 3.000000e+00 : f32
    %add3A_2236 = vector.broadcast %add3A_2235 : f32 to vector<16xf32>
    %add3A_2237 = arith.addf %get3A_2225, %add3A_2236 : vector<16xf32>
    %mul3A_2238 = arith.constant 4.000000e+00 : f32
    %mul3A_2239 = vector.broadcast %mul3A_2238 : f32 to vector<16xf32>
    %mul3A_2240 = arith.mulf %add3A_2237, %mul3A_2239 : vector<16xf32>
    %convert_element_type3A_2241 = arith.fptosi %mul3A_2240 : vector<16xf32> to vector<16xi32>
    %ge3A_2242 = arith.constant 0 : i32
    %ge3A_2243 = vector.broadcast %ge3A_2242 : i32 to vector<16xi32>
    %ge3A_2244 = arith.cmpi sge, %convert_element_type3A_2234, %ge3A_2243 : vector<16xi32>
    %lt3A_2245 = arith.constant 24 : i32
    %lt3A_2246 = vector.broadcast %lt3A_2245 : i32 to vector<16xi32>
    %lt3A_2247 = arith.cmpi slt, %convert_element_type3A_2234, %lt3A_2246 : vector<16xi32>
    %and3A_2248 = arith.andi %ge3A_2244, %lt3A_2247 : vector<16xi1>
    %ge3A_2249 = arith.constant 0 : i32
    %ge3A_2250 = vector.broadcast %ge3A_2249 : i32 to vector<16xi32>
    %ge3A_2251 = arith.cmpi sge, %convert_element_type3A_2241, %ge3A_2250 : vector<16xi32>
    %and3A_2252 = arith.andi %and3A_2248, %ge3A_2251 : vector<16xi1>
    %lt3A_2253 = arith.constant 24 : i32
    %lt3A_2254 = vector.broadcast %lt3A_2253 : i32 to vector<16xi32>
    %lt3A_2255 = arith.cmpi slt, %convert_element_type3A_2241, %lt3A_2254 : vector<16xi32>
    %and3A_2256 = arith.andi %and3A_2252, %lt3A_2255 : vector<16xi1>
    %lt3A_2257 = arith.constant 0.000000e+00 : f32
    %lt3A_2258 = vector.broadcast %lt3A_2257 : f32 to vector<16xf32>
    %lt3A_2259 = arith.cmpf olt, %get3A_2227, %lt3A_2258 : vector<16xf32>
    %jit3A_2260 = arith.constant 768 : i32
    %jit3A_2261 = arith.constant 0 : i32
    %broadcast_in_dim3A_2262 = vector.broadcast %jit3A_2260 : i32 to vector<16xi32>
    %broadcast_in_dim3A_2263 = vector.broadcast %jit3A_2261 : i32 to vector<16xi32>
    %select_n3A_2264 = arith.select %lt3A_2259, %broadcast_in_dim3A_2262, %broadcast_in_dim3A_2263 : vector<16xi1>, vector<16xi32>
    %mul3A_2265 = arith.constant 26 : i32
    %mul3A_2266 = vector.broadcast %mul3A_2265 : i32 to vector<16xi32>
    %mul3A_2267 = arith.muli %convert_element_type3A_2234, %mul3A_2266 : vector<16xi32>
    %add3A_2268 = arith.addi %mul3A_2267, %convert_element_type3A_2241 : vector<16xi32>
    %add3A_2269 = arith.constant 27 : i32
    %add3A_2270 = vector.broadcast %add3A_2269 : i32 to vector<16xi32>
    %add3A_2271 = arith.addi %add3A_2268, %add3A_2270 : vector<16xi32>
    %add3A_2272 = arith.addi %add3A_2271, %select_n3A_2264 : vector<16xi32>
    %jit3A_2273 = arith.constant 0 : i32
    %broadcast_in_dim3A_2274 = vector.broadcast %jit3A_2273 : i32 to vector<16xi32>
    %select_n3A_2275 = arith.select %and3A_2256, %add3A_2272, %broadcast_in_dim3A_2274 : vector<16xi1>, vector<16xi32>
    %abs3A_2276 = math.absf %get3A_2227 : vector<16xf32>
    tpu.vector_store_idx %arg9[%select_n3A_2275], %abs3A_2276 masked %and3A_2256 {add = true} : memref<1536xf32, #tpu.memory_space<vmem>>[vector<16xi32>], vector<16xf32>, vector<16xi1>
    %get3A_2277 = arith.constant 608 : index
    %get3A_2278 = tpu.vector_load %arg6[%get3A_2277] {strides = array<i32>} : memref<1024xf32, #tpu.memory_space<vmem>>, vector<16xf32>,
    %get3A_2279 = arith.constant 608 : index
    %get3A_2280 = tpu.vector_load %arg7[%get3A_2279] {strides = array<i32>} : memref<1024xf32, #tpu.memory_space<vmem>>, vector<16xf32>,
    %get3A_2281 = arith.constant 608 : index
    %get3A_2282 = tpu.vector_load %arg8[%get3A_2281] {strides = array<i32>} : memref<1024xf32, #tpu.memory_space<vmem>>, vector<16xf32>,
    %add3A_2283 = arith.constant 3.000000e+00 : f32
    %add3A_2284 = vector.broadcast %add3A_2283 : f32 to vector<16xf32>
    %add3A_2285 = arith.addf %get3A_2278, %add3A_2284 : vector<16xf32>
    %mul3A_2286 = arith.constant 4.000000e+00 : f32
    %mul3A_2287 = vector.broadcast %mul3A_2286 : f32 to vector<16xf32>
    %mul3A_2288 = arith.mulf %add3A_2285, %mul3A_2287 : vector<16xf32>
    %convert_element_type3A_2289 = arith.fptosi %mul3A_2288 : vector<16xf32> to vector<16xi32>
    %add3A_2290 = arith.constant 3.000000e+00 : f32
    %add3A_2291 = vector.broadcast %add3A_2290 : f32 to vector<16xf32>
    %add3A_2292 = arith.addf %get3A_2280, %add3A_2291 : vector<16xf32>
    %mul3A_2293 = arith.constant 4.000000e+00 : f32
    %mul3A_2294 = vector.broadcast %mul3A_2293 : f32 to vector<16xf32>
    %mul3A_2295 = arith.mulf %add3A_2292, %mul3A_2294 : vector<16xf32>
    %convert_element_type3A_2296 = arith.fptosi %mul3A_2295 : vector<16xf32> to vector<16xi32>
    %ge3A_2297 = arith.constant 0 : i32
    %ge3A_2298 = vector.broadcast %ge3A_2297 : i32 to vector<16xi32>
    %ge3A_2299 = arith.cmpi sge, %convert_element_type3A_2289, %ge3A_2298 : vector<16xi32>
    %lt3A_2300 = arith.constant 24 : i32
    %lt3A_2301 = vector.broadcast %lt3A_2300 : i32 to vector<16xi32>
    %lt3A_2302 = arith.cmpi slt, %convert_element_type3A_2289, %lt3A_2301 : vector<16xi32>
    %and3A_2303 = arith.andi %ge3A_2299, %lt3A_2302 : vector<16xi1>
    %ge3A_2304 = arith.constant 0 : i32
    %ge3A_2305 = vector.broadcast %ge3A_2304 : i32 to vector<16xi32>
    %ge3A_2306 = arith.cmpi sge, %convert_element_type3A_2296, %ge3A_2305 : vector<16xi32>
    %and3A_2307 = arith.andi %and3A_2303, %ge3A_2306 : vector<16xi1>
    %lt3A_2308 = arith.constant 24 : i32
    %lt3A_2309 = vector.broadcast %lt3A_2308 : i32 to vector<16xi32>
    %lt3A_2310 = arith.cmpi slt, %convert_element_type3A_2296, %lt3A_2309 : vector<16xi32>
    %and3A_2311 = arith.andi %and3A_2307, %lt3A_2310 : vector<16xi1>
    %lt3A_2312 = arith.constant 0.000000e+00 : f32
    %lt3A_2313 = vector.broadcast %lt3A_2312 : f32 to vector<16xf32>
    %lt3A_2314 = arith.cmpf olt, %get3A_2282, %lt3A_2313 : vector<16xf32>
    %jit3A_2315 = arith.constant 768 : i32
    %jit3A_2316 = arith.constant 0 : i32
    %broadcast_in_dim3A_2317 = vector.broadcast %jit3A_2315 : i32 to vector<16xi32>
    %broadcast_in_dim3A_2318 = vector.broadcast %jit3A_2316 : i32 to vector<16xi32>
    %select_n3A_2319 = arith.select %lt3A_2314, %broadcast_in_dim3A_2317, %broadcast_in_dim3A_2318 : vector<16xi1>, vector<16xi32>
    %mul3A_2320 = arith.constant 26 : i32
    %mul3A_2321 = vector.broadcast %mul3A_2320 : i32 to vector<16xi32>
    %mul3A_2322 = arith.muli %convert_element_type3A_2289, %mul3A_2321 : vector<16xi32>
    %add3A_2323 = arith.addi %mul3A_2322, %convert_element_type3A_2296 : vector<16xi32>
    %add3A_2324 = arith.constant 27 : i32
    %add3A_2325 = vector.broadcast %add3A_2324 : i32 to vector<16xi32>
    %add3A_2326 = arith.addi %add3A_2323, %add3A_2325 : vector<16xi32>
    %add3A_2327 = arith.addi %add3A_2326, %select_n3A_2319 : vector<16xi32>
    %jit3A_2328 = arith.constant 0 : i32
    %broadcast_in_dim3A_2329 = vector.broadcast %jit3A_2328 : i32 to vector<16xi32>
    %select_n3A_2330 = arith.select %and3A_2311, %add3A_2327, %broadcast_in_dim3A_2329 : vector<16xi1>, vector<16xi32>
    %abs3A_2331 = math.absf %get3A_2282 : vector<16xf32>
    tpu.vector_store_idx %arg9[%select_n3A_2330], %abs3A_2331 masked %and3A_2311 {add = true} : memref<1536xf32, #tpu.memory_space<vmem>>[vector<16xi32>], vector<16xf32>, vector<16xi1>
    %get3A_2332 = arith.constant 624 : index
    %get3A_2333 = tpu.vector_load %arg6[%get3A_2332] {strides = array<i32>} : memref<1024xf32, #tpu.memory_space<vmem>>, vector<16xf32>,
    %get3A_2334 = arith.constant 624 : index
    %get3A_2335 = tpu.vector_load %arg7[%get3A_2334] {strides = array<i32>} : memref<1024xf32, #tpu.memory_space<vmem>>, vector<16xf32>,
    %get3A_2336 = arith.constant 624 : index
    %get3A_2337 = tpu.vector_load %arg8[%get3A_2336] {strides = array<i32>} : memref<1024xf32, #tpu.memory_space<vmem>>, vector<16xf32>,
    %add3A_2338 = arith.constant 3.000000e+00 : f32
    %add3A_2339 = vector.broadcast %add3A_2338 : f32 to vector<16xf32>
    %add3A_2340 = arith.addf %get3A_2333, %add3A_2339 : vector<16xf32>
    %mul3A_2341 = arith.constant 4.000000e+00 : f32
    %mul3A_2342 = vector.broadcast %mul3A_2341 : f32 to vector<16xf32>
    %mul3A_2343 = arith.mulf %add3A_2340, %mul3A_2342 : vector<16xf32>
    %convert_element_type3A_2344 = arith.fptosi %mul3A_2343 : vector<16xf32> to vector<16xi32>
    %add3A_2345 = arith.constant 3.000000e+00 : f32
    %add3A_2346 = vector.broadcast %add3A_2345 : f32 to vector<16xf32>
    %add3A_2347 = arith.addf %get3A_2335, %add3A_2346 : vector<16xf32>
    %mul3A_2348 = arith.constant 4.000000e+00 : f32
    %mul3A_2349 = vector.broadcast %mul3A_2348 : f32 to vector<16xf32>
    %mul3A_2350 = arith.mulf %add3A_2347, %mul3A_2349 : vector<16xf32>
    %convert_element_type3A_2351 = arith.fptosi %mul3A_2350 : vector<16xf32> to vector<16xi32>
    %ge3A_2352 = arith.constant 0 : i32
    %ge3A_2353 = vector.broadcast %ge3A_2352 : i32 to vector<16xi32>
    %ge3A_2354 = arith.cmpi sge, %convert_element_type3A_2344, %ge3A_2353 : vector<16xi32>
    %lt3A_2355 = arith.constant 24 : i32
    %lt3A_2356 = vector.broadcast %lt3A_2355 : i32 to vector<16xi32>
    %lt3A_2357 = arith.cmpi slt, %convert_element_type3A_2344, %lt3A_2356 : vector<16xi32>
    %and3A_2358 = arith.andi %ge3A_2354, %lt3A_2357 : vector<16xi1>
    %ge3A_2359 = arith.constant 0 : i32
    %ge3A_2360 = vector.broadcast %ge3A_2359 : i32 to vector<16xi32>
    %ge3A_2361 = arith.cmpi sge, %convert_element_type3A_2351, %ge3A_2360 : vector<16xi32>
    %and3A_2362 = arith.andi %and3A_2358, %ge3A_2361 : vector<16xi1>
    %lt3A_2363 = arith.constant 24 : i32
    %lt3A_2364 = vector.broadcast %lt3A_2363 : i32 to vector<16xi32>
    %lt3A_2365 = arith.cmpi slt, %convert_element_type3A_2351, %lt3A_2364 : vector<16xi32>
    %and3A_2366 = arith.andi %and3A_2362, %lt3A_2365 : vector<16xi1>
    %lt3A_2367 = arith.constant 0.000000e+00 : f32
    %lt3A_2368 = vector.broadcast %lt3A_2367 : f32 to vector<16xf32>
    %lt3A_2369 = arith.cmpf olt, %get3A_2337, %lt3A_2368 : vector<16xf32>
    %jit3A_2370 = arith.constant 768 : i32
    %jit3A_2371 = arith.constant 0 : i32
    %broadcast_in_dim3A_2372 = vector.broadcast %jit3A_2370 : i32 to vector<16xi32>
    %broadcast_in_dim3A_2373 = vector.broadcast %jit3A_2371 : i32 to vector<16xi32>
    %select_n3A_2374 = arith.select %lt3A_2369, %broadcast_in_dim3A_2372, %broadcast_in_dim3A_2373 : vector<16xi1>, vector<16xi32>
    %mul3A_2375 = arith.constant 26 : i32
    %mul3A_2376 = vector.broadcast %mul3A_2375 : i32 to vector<16xi32>
    %mul3A_2377 = arith.muli %convert_element_type3A_2344, %mul3A_2376 : vector<16xi32>
    %add3A_2378 = arith.addi %mul3A_2377, %convert_element_type3A_2351 : vector<16xi32>
    %add3A_2379 = arith.constant 27 : i32
    %add3A_2380 = vector.broadcast %add3A_2379 : i32 to vector<16xi32>
    %add3A_2381 = arith.addi %add3A_2378, %add3A_2380 : vector<16xi32>
    %add3A_2382 = arith.addi %add3A_2381, %select_n3A_2374 : vector<16xi32>
    %jit3A_2383 = arith.constant 0 : i32
    %broadcast_in_dim3A_2384 = vector.broadcast %jit3A_2383 : i32 to vector<16xi32>
    %select_n3A_2385 = arith.select %and3A_2366, %add3A_2382, %broadcast_in_dim3A_2384 : vector<16xi1>, vector<16xi32>
    %abs3A_2386 = math.absf %get3A_2337 : vector<16xf32>
    tpu.vector_store_idx %arg9[%select_n3A_2385], %abs3A_2386 masked %and3A_2366 {add = true} : memref<1536xf32, #tpu.memory_space<vmem>>[vector<16xi32>], vector<16xf32>, vector<16xi1>
    %get3A_2387 = arith.constant 640 : index
    %get3A_2388 = tpu.vector_load %arg6[%get3A_2387] {strides = array<i32>} : memref<1024xf32, #tpu.memory_space<vmem>>, vector<16xf32>,
    %get3A_2389 = arith.constant 640 : index
    %get3A_2390 = tpu.vector_load %arg7[%get3A_2389] {strides = array<i32>} : memref<1024xf32, #tpu.memory_space<vmem>>, vector<16xf32>,
    %get3A_2391 = arith.constant 640 : index
    %get3A_2392 = tpu.vector_load %arg8[%get3A_2391] {strides = array<i32>} : memref<1024xf32, #tpu.memory_space<vmem>>, vector<16xf32>,
    %add3A_2393 = arith.constant 3.000000e+00 : f32
    %add3A_2394 = vector.broadcast %add3A_2393 : f32 to vector<16xf32>
    %add3A_2395 = arith.addf %get3A_2388, %add3A_2394 : vector<16xf32>
    %mul3A_2396 = arith.constant 4.000000e+00 : f32
    %mul3A_2397 = vector.broadcast %mul3A_2396 : f32 to vector<16xf32>
    %mul3A_2398 = arith.mulf %add3A_2395, %mul3A_2397 : vector<16xf32>
    %convert_element_type3A_2399 = arith.fptosi %mul3A_2398 : vector<16xf32> to vector<16xi32>
    %add3A_2400 = arith.constant 3.000000e+00 : f32
    %add3A_2401 = vector.broadcast %add3A_2400 : f32 to vector<16xf32>
    %add3A_2402 = arith.addf %get3A_2390, %add3A_2401 : vector<16xf32>
    %mul3A_2403 = arith.constant 4.000000e+00 : f32
    %mul3A_2404 = vector.broadcast %mul3A_2403 : f32 to vector<16xf32>
    %mul3A_2405 = arith.mulf %add3A_2402, %mul3A_2404 : vector<16xf32>
    %convert_element_type3A_2406 = arith.fptosi %mul3A_2405 : vector<16xf32> to vector<16xi32>
    %ge3A_2407 = arith.constant 0 : i32
    %ge3A_2408 = vector.broadcast %ge3A_2407 : i32 to vector<16xi32>
    %ge3A_2409 = arith.cmpi sge, %convert_element_type3A_2399, %ge3A_2408 : vector<16xi32>
    %lt3A_2410 = arith.constant 24 : i32
    %lt3A_2411 = vector.broadcast %lt3A_2410 : i32 to vector<16xi32>
    %lt3A_2412 = arith.cmpi slt, %convert_element_type3A_2399, %lt3A_2411 : vector<16xi32>
    %and3A_2413 = arith.andi %ge3A_2409, %lt3A_2412 : vector<16xi1>
    %ge3A_2414 = arith.constant 0 : i32
    %ge3A_2415 = vector.broadcast %ge3A_2414 : i32 to vector<16xi32>
    %ge3A_2416 = arith.cmpi sge, %convert_element_type3A_2406, %ge3A_2415 : vector<16xi32>
    %and3A_2417 = arith.andi %and3A_2413, %ge3A_2416 : vector<16xi1>
    %lt3A_2418 = arith.constant 24 : i32
    %lt3A_2419 = vector.broadcast %lt3A_2418 : i32 to vector<16xi32>
    %lt3A_2420 = arith.cmpi slt, %convert_element_type3A_2406, %lt3A_2419 : vector<16xi32>
    %and3A_2421 = arith.andi %and3A_2417, %lt3A_2420 : vector<16xi1>
    %lt3A_2422 = arith.constant 0.000000e+00 : f32
    %lt3A_2423 = vector.broadcast %lt3A_2422 : f32 to vector<16xf32>
    %lt3A_2424 = arith.cmpf olt, %get3A_2392, %lt3A_2423 : vector<16xf32>
    %jit3A_2425 = arith.constant 768 : i32
    %jit3A_2426 = arith.constant 0 : i32
    %broadcast_in_dim3A_2427 = vector.broadcast %jit3A_2425 : i32 to vector<16xi32>
    %broadcast_in_dim3A_2428 = vector.broadcast %jit3A_2426 : i32 to vector<16xi32>
    %select_n3A_2429 = arith.select %lt3A_2424, %broadcast_in_dim3A_2427, %broadcast_in_dim3A_2428 : vector<16xi1>, vector<16xi32>
    %mul3A_2430 = arith.constant 26 : i32
    %mul3A_2431 = vector.broadcast %mul3A_2430 : i32 to vector<16xi32>
    %mul3A_2432 = arith.muli %convert_element_type3A_2399, %mul3A_2431 : vector<16xi32>
    %add3A_2433 = arith.addi %mul3A_2432, %convert_element_type3A_2406 : vector<16xi32>
    %add3A_2434 = arith.constant 27 : i32
    %add3A_2435 = vector.broadcast %add3A_2434 : i32 to vector<16xi32>
    %add3A_2436 = arith.addi %add3A_2433, %add3A_2435 : vector<16xi32>
    %add3A_2437 = arith.addi %add3A_2436, %select_n3A_2429 : vector<16xi32>
    %jit3A_2438 = arith.constant 0 : i32
    %broadcast_in_dim3A_2439 = vector.broadcast %jit3A_2438 : i32 to vector<16xi32>
    %select_n3A_2440 = arith.select %and3A_2421, %add3A_2437, %broadcast_in_dim3A_2439 : vector<16xi1>, vector<16xi32>
    %abs3A_2441 = math.absf %get3A_2392 : vector<16xf32>
    tpu.vector_store_idx %arg9[%select_n3A_2440], %abs3A_2441 masked %and3A_2421 {add = true} : memref<1536xf32, #tpu.memory_space<vmem>>[vector<16xi32>], vector<16xf32>, vector<16xi1>
    %get3A_2442 = arith.constant 656 : index
    %get3A_2443 = tpu.vector_load %arg6[%get3A_2442] {strides = array<i32>} : memref<1024xf32, #tpu.memory_space<vmem>>, vector<16xf32>,
    %get3A_2444 = arith.constant 656 : index
    %get3A_2445 = tpu.vector_load %arg7[%get3A_2444] {strides = array<i32>} : memref<1024xf32, #tpu.memory_space<vmem>>, vector<16xf32>,
    %get3A_2446 = arith.constant 656 : index
    %get3A_2447 = tpu.vector_load %arg8[%get3A_2446] {strides = array<i32>} : memref<1024xf32, #tpu.memory_space<vmem>>, vector<16xf32>,
    %add3A_2448 = arith.constant 3.000000e+00 : f32
    %add3A_2449 = vector.broadcast %add3A_2448 : f32 to vector<16xf32>
    %add3A_2450 = arith.addf %get3A_2443, %add3A_2449 : vector<16xf32>
    %mul3A_2451 = arith.constant 4.000000e+00 : f32
    %mul3A_2452 = vector.broadcast %mul3A_2451 : f32 to vector<16xf32>
    %mul3A_2453 = arith.mulf %add3A_2450, %mul3A_2452 : vector<16xf32>
    %convert_element_type3A_2454 = arith.fptosi %mul3A_2453 : vector<16xf32> to vector<16xi32>
    %add3A_2455 = arith.constant 3.000000e+00 : f32
    %add3A_2456 = vector.broadcast %add3A_2455 : f32 to vector<16xf32>
    %add3A_2457 = arith.addf %get3A_2445, %add3A_2456 : vector<16xf32>
    %mul3A_2458 = arith.constant 4.000000e+00 : f32
    %mul3A_2459 = vector.broadcast %mul3A_2458 : f32 to vector<16xf32>
    %mul3A_2460 = arith.mulf %add3A_2457, %mul3A_2459 : vector<16xf32>
    %convert_element_type3A_2461 = arith.fptosi %mul3A_2460 : vector<16xf32> to vector<16xi32>
    %ge3A_2462 = arith.constant 0 : i32
    %ge3A_2463 = vector.broadcast %ge3A_2462 : i32 to vector<16xi32>
    %ge3A_2464 = arith.cmpi sge, %convert_element_type3A_2454, %ge3A_2463 : vector<16xi32>
    %lt3A_2465 = arith.constant 24 : i32
    %lt3A_2466 = vector.broadcast %lt3A_2465 : i32 to vector<16xi32>
    %lt3A_2467 = arith.cmpi slt, %convert_element_type3A_2454, %lt3A_2466 : vector<16xi32>
    %and3A_2468 = arith.andi %ge3A_2464, %lt3A_2467 : vector<16xi1>
    %ge3A_2469 = arith.constant 0 : i32
    %ge3A_2470 = vector.broadcast %ge3A_2469 : i32 to vector<16xi32>
    %ge3A_2471 = arith.cmpi sge, %convert_element_type3A_2461, %ge3A_2470 : vector<16xi32>
    %and3A_2472 = arith.andi %and3A_2468, %ge3A_2471 : vector<16xi1>
    %lt3A_2473 = arith.constant 24 : i32
    %lt3A_2474 = vector.broadcast %lt3A_2473 : i32 to vector<16xi32>
    %lt3A_2475 = arith.cmpi slt, %convert_element_type3A_2461, %lt3A_2474 : vector<16xi32>
    %and3A_2476 = arith.andi %and3A_2472, %lt3A_2475 : vector<16xi1>
    %lt3A_2477 = arith.constant 0.000000e+00 : f32
    %lt3A_2478 = vector.broadcast %lt3A_2477 : f32 to vector<16xf32>
    %lt3A_2479 = arith.cmpf olt, %get3A_2447, %lt3A_2478 : vector<16xf32>
    %jit3A_2480 = arith.constant 768 : i32
    %jit3A_2481 = arith.constant 0 : i32
    %broadcast_in_dim3A_2482 = vector.broadcast %jit3A_2480 : i32 to vector<16xi32>
    %broadcast_in_dim3A_2483 = vector.broadcast %jit3A_2481 : i32 to vector<16xi32>
    %select_n3A_2484 = arith.select %lt3A_2479, %broadcast_in_dim3A_2482, %broadcast_in_dim3A_2483 : vector<16xi1>, vector<16xi32>
    %mul3A_2485 = arith.constant 26 : i32
    %mul3A_2486 = vector.broadcast %mul3A_2485 : i32 to vector<16xi32>
    %mul3A_2487 = arith.muli %convert_element_type3A_2454, %mul3A_2486 : vector<16xi32>
    %add3A_2488 = arith.addi %mul3A_2487, %convert_element_type3A_2461 : vector<16xi32>
    %add3A_2489 = arith.constant 27 : i32
    %add3A_2490 = vector.broadcast %add3A_2489 : i32 to vector<16xi32>
    %add3A_2491 = arith.addi %add3A_2488, %add3A_2490 : vector<16xi32>
    %add3A_2492 = arith.addi %add3A_2491, %select_n3A_2484 : vector<16xi32>
    %jit3A_2493 = arith.constant 0 : i32
    %broadcast_in_dim3A_2494 = vector.broadcast %jit3A_2493 : i32 to vector<16xi32>
    %select_n3A_2495 = arith.select %and3A_2476, %add3A_2492, %broadcast_in_dim3A_2494 : vector<16xi1>, vector<16xi32>
    %abs3A_2496 = math.absf %get3A_2447 : vector<16xf32>
    tpu.vector_store_idx %arg9[%select_n3A_2495], %abs3A_2496 masked %and3A_2476 {add = true} : memref<1536xf32, #tpu.memory_space<vmem>>[vector<16xi32>], vector<16xf32>, vector<16xi1>
    %get3A_2497 = arith.constant 672 : index
    %get3A_2498 = tpu.vector_load %arg6[%get3A_2497] {strides = array<i32>} : memref<1024xf32, #tpu.memory_space<vmem>>, vector<16xf32>,
    %get3A_2499 = arith.constant 672 : index
    %get3A_2500 = tpu.vector_load %arg7[%get3A_2499] {strides = array<i32>} : memref<1024xf32, #tpu.memory_space<vmem>>, vector<16xf32>,
    %get3A_2501 = arith.constant 672 : index
    %get3A_2502 = tpu.vector_load %arg8[%get3A_2501] {strides = array<i32>} : memref<1024xf32, #tpu.memory_space<vmem>>, vector<16xf32>,
    %add3A_2503 = arith.constant 3.000000e+00 : f32
    %add3A_2504 = vector.broadcast %add3A_2503 : f32 to vector<16xf32>
    %add3A_2505 = arith.addf %get3A_2498, %add3A_2504 : vector<16xf32>
    %mul3A_2506 = arith.constant 4.000000e+00 : f32
    %mul3A_2507 = vector.broadcast %mul3A_2506 : f32 to vector<16xf32>
    %mul3A_2508 = arith.mulf %add3A_2505, %mul3A_2507 : vector<16xf32>
    %convert_element_type3A_2509 = arith.fptosi %mul3A_2508 : vector<16xf32> to vector<16xi32>
    %add3A_2510 = arith.constant 3.000000e+00 : f32
    %add3A_2511 = vector.broadcast %add3A_2510 : f32 to vector<16xf32>
    %add3A_2512 = arith.addf %get3A_2500, %add3A_2511 : vector<16xf32>
    %mul3A_2513 = arith.constant 4.000000e+00 : f32
    %mul3A_2514 = vector.broadcast %mul3A_2513 : f32 to vector<16xf32>
    %mul3A_2515 = arith.mulf %add3A_2512, %mul3A_2514 : vector<16xf32>
    %convert_element_type3A_2516 = arith.fptosi %mul3A_2515 : vector<16xf32> to vector<16xi32>
    %ge3A_2517 = arith.constant 0 : i32
    %ge3A_2518 = vector.broadcast %ge3A_2517 : i32 to vector<16xi32>
    %ge3A_2519 = arith.cmpi sge, %convert_element_type3A_2509, %ge3A_2518 : vector<16xi32>
    %lt3A_2520 = arith.constant 24 : i32
    %lt3A_2521 = vector.broadcast %lt3A_2520 : i32 to vector<16xi32>
    %lt3A_2522 = arith.cmpi slt, %convert_element_type3A_2509, %lt3A_2521 : vector<16xi32>
    %and3A_2523 = arith.andi %ge3A_2519, %lt3A_2522 : vector<16xi1>
    %ge3A_2524 = arith.constant 0 : i32
    %ge3A_2525 = vector.broadcast %ge3A_2524 : i32 to vector<16xi32>
    %ge3A_2526 = arith.cmpi sge, %convert_element_type3A_2516, %ge3A_2525 : vector<16xi32>
    %and3A_2527 = arith.andi %and3A_2523, %ge3A_2526 : vector<16xi1>
    %lt3A_2528 = arith.constant 24 : i32
    %lt3A_2529 = vector.broadcast %lt3A_2528 : i32 to vector<16xi32>
    %lt3A_2530 = arith.cmpi slt, %convert_element_type3A_2516, %lt3A_2529 : vector<16xi32>
    %and3A_2531 = arith.andi %and3A_2527, %lt3A_2530 : vector<16xi1>
    %lt3A_2532 = arith.constant 0.000000e+00 : f32
    %lt3A_2533 = vector.broadcast %lt3A_2532 : f32 to vector<16xf32>
    %lt3A_2534 = arith.cmpf olt, %get3A_2502, %lt3A_2533 : vector<16xf32>
    %jit3A_2535 = arith.constant 768 : i32
    %jit3A_2536 = arith.constant 0 : i32
    %broadcast_in_dim3A_2537 = vector.broadcast %jit3A_2535 : i32 to vector<16xi32>
    %broadcast_in_dim3A_2538 = vector.broadcast %jit3A_2536 : i32 to vector<16xi32>
    %select_n3A_2539 = arith.select %lt3A_2534, %broadcast_in_dim3A_2537, %broadcast_in_dim3A_2538 : vector<16xi1>, vector<16xi32>
    %mul3A_2540 = arith.constant 26 : i32
    %mul3A_2541 = vector.broadcast %mul3A_2540 : i32 to vector<16xi32>
    %mul3A_2542 = arith.muli %convert_element_type3A_2509, %mul3A_2541 : vector<16xi32>
    %add3A_2543 = arith.addi %mul3A_2542, %convert_element_type3A_2516 : vector<16xi32>
    %add3A_2544 = arith.constant 27 : i32
    %add3A_2545 = vector.broadcast %add3A_2544 : i32 to vector<16xi32>
    %add3A_2546 = arith.addi %add3A_2543, %add3A_2545 : vector<16xi32>
    %add3A_2547 = arith.addi %add3A_2546, %select_n3A_2539 : vector<16xi32>
    %jit3A_2548 = arith.constant 0 : i32
    %broadcast_in_dim3A_2549 = vector.broadcast %jit3A_2548 : i32 to vector<16xi32>
    %select_n3A_2550 = arith.select %and3A_2531, %add3A_2547, %broadcast_in_dim3A_2549 : vector<16xi1>, vector<16xi32>
    %abs3A_2551 = math.absf %get3A_2502 : vector<16xf32>
    tpu.vector_store_idx %arg9[%select_n3A_2550], %abs3A_2551 masked %and3A_2531 {add = true} : memref<1536xf32, #tpu.memory_space<vmem>>[vector<16xi32>], vector<16xf32>, vector<16xi1>
    %get3A_2552 = arith.constant 688 : index
    %get3A_2553 = tpu.vector_load %arg6[%get3A_2552] {strides = array<i32>} : memref<1024xf32, #tpu.memory_space<vmem>>, vector<16xf32>,
    %get3A_2554 = arith.constant 688 : index
    %get3A_2555 = tpu.vector_load %arg7[%get3A_2554] {strides = array<i32>} : memref<1024xf32, #tpu.memory_space<vmem>>, vector<16xf32>,
    %get3A_2556 = arith.constant 688 : index
    %get3A_2557 = tpu.vector_load %arg8[%get3A_2556] {strides = array<i32>} : memref<1024xf32, #tpu.memory_space<vmem>>, vector<16xf32>,
    %add3A_2558 = arith.constant 3.000000e+00 : f32
    %add3A_2559 = vector.broadcast %add3A_2558 : f32 to vector<16xf32>
    %add3A_2560 = arith.addf %get3A_2553, %add3A_2559 : vector<16xf32>
    %mul3A_2561 = arith.constant 4.000000e+00 : f32
    %mul3A_2562 = vector.broadcast %mul3A_2561 : f32 to vector<16xf32>
    %mul3A_2563 = arith.mulf %add3A_2560, %mul3A_2562 : vector<16xf32>
    %convert_element_type3A_2564 = arith.fptosi %mul3A_2563 : vector<16xf32> to vector<16xi32>
    %add3A_2565 = arith.constant 3.000000e+00 : f32
    %add3A_2566 = vector.broadcast %add3A_2565 : f32 to vector<16xf32>
    %add3A_2567 = arith.addf %get3A_2555, %add3A_2566 : vector<16xf32>
    %mul3A_2568 = arith.constant 4.000000e+00 : f32
    %mul3A_2569 = vector.broadcast %mul3A_2568 : f32 to vector<16xf32>
    %mul3A_2570 = arith.mulf %add3A_2567, %mul3A_2569 : vector<16xf32>
    %convert_element_type3A_2571 = arith.fptosi %mul3A_2570 : vector<16xf32> to vector<16xi32>
    %ge3A_2572 = arith.constant 0 : i32
    %ge3A_2573 = vector.broadcast %ge3A_2572 : i32 to vector<16xi32>
    %ge3A_2574 = arith.cmpi sge, %convert_element_type3A_2564, %ge3A_2573 : vector<16xi32>
    %lt3A_2575 = arith.constant 24 : i32
    %lt3A_2576 = vector.broadcast %lt3A_2575 : i32 to vector<16xi32>
    %lt3A_2577 = arith.cmpi slt, %convert_element_type3A_2564, %lt3A_2576 : vector<16xi32>
    %and3A_2578 = arith.andi %ge3A_2574, %lt3A_2577 : vector<16xi1>
    %ge3A_2579 = arith.constant 0 : i32
    %ge3A_2580 = vector.broadcast %ge3A_2579 : i32 to vector<16xi32>
    %ge3A_2581 = arith.cmpi sge, %convert_element_type3A_2571, %ge3A_2580 : vector<16xi32>
    %and3A_2582 = arith.andi %and3A_2578, %ge3A_2581 : vector<16xi1>
    %lt3A_2583 = arith.constant 24 : i32
    %lt3A_2584 = vector.broadcast %lt3A_2583 : i32 to vector<16xi32>
    %lt3A_2585 = arith.cmpi slt, %convert_element_type3A_2571, %lt3A_2584 : vector<16xi32>
    %and3A_2586 = arith.andi %and3A_2582, %lt3A_2585 : vector<16xi1>
    %lt3A_2587 = arith.constant 0.000000e+00 : f32
    %lt3A_2588 = vector.broadcast %lt3A_2587 : f32 to vector<16xf32>
    %lt3A_2589 = arith.cmpf olt, %get3A_2557, %lt3A_2588 : vector<16xf32>
    %jit3A_2590 = arith.constant 768 : i32
    %jit3A_2591 = arith.constant 0 : i32
    %broadcast_in_dim3A_2592 = vector.broadcast %jit3A_2590 : i32 to vector<16xi32>
    %broadcast_in_dim3A_2593 = vector.broadcast %jit3A_2591 : i32 to vector<16xi32>
    %select_n3A_2594 = arith.select %lt3A_2589, %broadcast_in_dim3A_2592, %broadcast_in_dim3A_2593 : vector<16xi1>, vector<16xi32>
    %mul3A_2595 = arith.constant 26 : i32
    %mul3A_2596 = vector.broadcast %mul3A_2595 : i32 to vector<16xi32>
    %mul3A_2597 = arith.muli %convert_element_type3A_2564, %mul3A_2596 : vector<16xi32>
    %add3A_2598 = arith.addi %mul3A_2597, %convert_element_type3A_2571 : vector<16xi32>
    %add3A_2599 = arith.constant 27 : i32
    %add3A_2600 = vector.broadcast %add3A_2599 : i32 to vector<16xi32>
    %add3A_2601 = arith.addi %add3A_2598, %add3A_2600 : vector<16xi32>
    %add3A_2602 = arith.addi %add3A_2601, %select_n3A_2594 : vector<16xi32>
    %jit3A_2603 = arith.constant 0 : i32
    %broadcast_in_dim3A_2604 = vector.broadcast %jit3A_2603 : i32 to vector<16xi32>
    %select_n3A_2605 = arith.select %and3A_2586, %add3A_2602, %broadcast_in_dim3A_2604 : vector<16xi1>, vector<16xi32>
    %abs3A_2606 = math.absf %get3A_2557 : vector<16xf32>
    tpu.vector_store_idx %arg9[%select_n3A_2605], %abs3A_2606 masked %and3A_2586 {add = true} : memref<1536xf32, #tpu.memory_space<vmem>>[vector<16xi32>], vector<16xf32>, vector<16xi1>
    %get3A_2607 = arith.constant 704 : index
    %get3A_2608 = tpu.vector_load %arg6[%get3A_2607] {strides = array<i32>} : memref<1024xf32, #tpu.memory_space<vmem>>, vector<16xf32>,
    %get3A_2609 = arith.constant 704 : index
    %get3A_2610 = tpu.vector_load %arg7[%get3A_2609] {strides = array<i32>} : memref<1024xf32, #tpu.memory_space<vmem>>, vector<16xf32>,
    %get3A_2611 = arith.constant 704 : index
    %get3A_2612 = tpu.vector_load %arg8[%get3A_2611] {strides = array<i32>} : memref<1024xf32, #tpu.memory_space<vmem>>, vector<16xf32>,
    %add3A_2613 = arith.constant 3.000000e+00 : f32
    %add3A_2614 = vector.broadcast %add3A_2613 : f32 to vector<16xf32>
    %add3A_2615 = arith.addf %get3A_2608, %add3A_2614 : vector<16xf32>
    %mul3A_2616 = arith.constant 4.000000e+00 : f32
    %mul3A_2617 = vector.broadcast %mul3A_2616 : f32 to vector<16xf32>
    %mul3A_2618 = arith.mulf %add3A_2615, %mul3A_2617 : vector<16xf32>
    %convert_element_type3A_2619 = arith.fptosi %mul3A_2618 : vector<16xf32> to vector<16xi32>
    %add3A_2620 = arith.constant 3.000000e+00 : f32
    %add3A_2621 = vector.broadcast %add3A_2620 : f32 to vector<16xf32>
    %add3A_2622 = arith.addf %get3A_2610, %add3A_2621 : vector<16xf32>
    %mul3A_2623 = arith.constant 4.000000e+00 : f32
    %mul3A_2624 = vector.broadcast %mul3A_2623 : f32 to vector<16xf32>
    %mul3A_2625 = arith.mulf %add3A_2622, %mul3A_2624 : vector<16xf32>
    %convert_element_type3A_2626 = arith.fptosi %mul3A_2625 : vector<16xf32> to vector<16xi32>
    %ge3A_2627 = arith.constant 0 : i32
    %ge3A_2628 = vector.broadcast %ge3A_2627 : i32 to vector<16xi32>
    %ge3A_2629 = arith.cmpi sge, %convert_element_type3A_2619, %ge3A_2628 : vector<16xi32>
    %lt3A_2630 = arith.constant 24 : i32
    %lt3A_2631 = vector.broadcast %lt3A_2630 : i32 to vector<16xi32>
    %lt3A_2632 = arith.cmpi slt, %convert_element_type3A_2619, %lt3A_2631 : vector<16xi32>
    %and3A_2633 = arith.andi %ge3A_2629, %lt3A_2632 : vector<16xi1>
    %ge3A_2634 = arith.constant 0 : i32
    %ge3A_2635 = vector.broadcast %ge3A_2634 : i32 to vector<16xi32>
    %ge3A_2636 = arith.cmpi sge, %convert_element_type3A_2626, %ge3A_2635 : vector<16xi32>
    %and3A_2637 = arith.andi %and3A_2633, %ge3A_2636 : vector<16xi1>
    %lt3A_2638 = arith.constant 24 : i32
    %lt3A_2639 = vector.broadcast %lt3A_2638 : i32 to vector<16xi32>
    %lt3A_2640 = arith.cmpi slt, %convert_element_type3A_2626, %lt3A_2639 : vector<16xi32>
    %and3A_2641 = arith.andi %and3A_2637, %lt3A_2640 : vector<16xi1>
    %lt3A_2642 = arith.constant 0.000000e+00 : f32
    %lt3A_2643 = vector.broadcast %lt3A_2642 : f32 to vector<16xf32>
    %lt3A_2644 = arith.cmpf olt, %get3A_2612, %lt3A_2643 : vector<16xf32>
    %jit3A_2645 = arith.constant 768 : i32
    %jit3A_2646 = arith.constant 0 : i32
    %broadcast_in_dim3A_2647 = vector.broadcast %jit3A_2645 : i32 to vector<16xi32>
    %broadcast_in_dim3A_2648 = vector.broadcast %jit3A_2646 : i32 to vector<16xi32>
    %select_n3A_2649 = arith.select %lt3A_2644, %broadcast_in_dim3A_2647, %broadcast_in_dim3A_2648 : vector<16xi1>, vector<16xi32>
    %mul3A_2650 = arith.constant 26 : i32
    %mul3A_2651 = vector.broadcast %mul3A_2650 : i32 to vector<16xi32>
    %mul3A_2652 = arith.muli %convert_element_type3A_2619, %mul3A_2651 : vector<16xi32>
    %add3A_2653 = arith.addi %mul3A_2652, %convert_element_type3A_2626 : vector<16xi32>
    %add3A_2654 = arith.constant 27 : i32
    %add3A_2655 = vector.broadcast %add3A_2654 : i32 to vector<16xi32>
    %add3A_2656 = arith.addi %add3A_2653, %add3A_2655 : vector<16xi32>
    %add3A_2657 = arith.addi %add3A_2656, %select_n3A_2649 : vector<16xi32>
    %jit3A_2658 = arith.constant 0 : i32
    %broadcast_in_dim3A_2659 = vector.broadcast %jit3A_2658 : i32 to vector<16xi32>
    %select_n3A_2660 = arith.select %and3A_2641, %add3A_2657, %broadcast_in_dim3A_2659 : vector<16xi1>, vector<16xi32>
    %abs3A_2661 = math.absf %get3A_2612 : vector<16xf32>
    tpu.vector_store_idx %arg9[%select_n3A_2660], %abs3A_2661 masked %and3A_2641 {add = true} : memref<1536xf32, #tpu.memory_space<vmem>>[vector<16xi32>], vector<16xf32>, vector<16xi1>
    %get3A_2662 = arith.constant 720 : index
    %get3A_2663 = tpu.vector_load %arg6[%get3A_2662] {strides = array<i32>} : memref<1024xf32, #tpu.memory_space<vmem>>, vector<16xf32>,
    %get3A_2664 = arith.constant 720 : index
    %get3A_2665 = tpu.vector_load %arg7[%get3A_2664] {strides = array<i32>} : memref<1024xf32, #tpu.memory_space<vmem>>, vector<16xf32>,
    %get3A_2666 = arith.constant 720 : index
    %get3A_2667 = tpu.vector_load %arg8[%get3A_2666] {strides = array<i32>} : memref<1024xf32, #tpu.memory_space<vmem>>, vector<16xf32>,
    %add3A_2668 = arith.constant 3.000000e+00 : f32
    %add3A_2669 = vector.broadcast %add3A_2668 : f32 to vector<16xf32>
    %add3A_2670 = arith.addf %get3A_2663, %add3A_2669 : vector<16xf32>
    %mul3A_2671 = arith.constant 4.000000e+00 : f32
    %mul3A_2672 = vector.broadcast %mul3A_2671 : f32 to vector<16xf32>
    %mul3A_2673 = arith.mulf %add3A_2670, %mul3A_2672 : vector<16xf32>
    %convert_element_type3A_2674 = arith.fptosi %mul3A_2673 : vector<16xf32> to vector<16xi32>
    %add3A_2675 = arith.constant 3.000000e+00 : f32
    %add3A_2676 = vector.broadcast %add3A_2675 : f32 to vector<16xf32>
    %add3A_2677 = arith.addf %get3A_2665, %add3A_2676 : vector<16xf32>
    %mul3A_2678 = arith.constant 4.000000e+00 : f32
    %mul3A_2679 = vector.broadcast %mul3A_2678 : f32 to vector<16xf32>
    %mul3A_2680 = arith.mulf %add3A_2677, %mul3A_2679 : vector<16xf32>
    %convert_element_type3A_2681 = arith.fptosi %mul3A_2680 : vector<16xf32> to vector<16xi32>
    %ge3A_2682 = arith.constant 0 : i32
    %ge3A_2683 = vector.broadcast %ge3A_2682 : i32 to vector<16xi32>
    %ge3A_2684 = arith.cmpi sge, %convert_element_type3A_2674, %ge3A_2683 : vector<16xi32>
    %lt3A_2685 = arith.constant 24 : i32
    %lt3A_2686 = vector.broadcast %lt3A_2685 : i32 to vector<16xi32>
    %lt3A_2687 = arith.cmpi slt, %convert_element_type3A_2674, %lt3A_2686 : vector<16xi32>
    %and3A_2688 = arith.andi %ge3A_2684, %lt3A_2687 : vector<16xi1>
    %ge3A_2689 = arith.constant 0 : i32
    %ge3A_2690 = vector.broadcast %ge3A_2689 : i32 to vector<16xi32>
    %ge3A_2691 = arith.cmpi sge, %convert_element_type3A_2681, %ge3A_2690 : vector<16xi32>
    %and3A_2692 = arith.andi %and3A_2688, %ge3A_2691 : vector<16xi1>
    %lt3A_2693 = arith.constant 24 : i32
    %lt3A_2694 = vector.broadcast %lt3A_2693 : i32 to vector<16xi32>
    %lt3A_2695 = arith.cmpi slt, %convert_element_type3A_2681, %lt3A_2694 : vector<16xi32>
    %and3A_2696 = arith.andi %and3A_2692, %lt3A_2695 : vector<16xi1>
    %lt3A_2697 = arith.constant 0.000000e+00 : f32
    %lt3A_2698 = vector.broadcast %lt3A_2697 : f32 to vector<16xf32>
    %lt3A_2699 = arith.cmpf olt, %get3A_2667, %lt3A_2698 : vector<16xf32>
    %jit3A_2700 = arith.constant 768 : i32
    %jit3A_2701 = arith.constant 0 : i32
    %broadcast_in_dim3A_2702 = vector.broadcast %jit3A_2700 : i32 to vector<16xi32>
    %broadcast_in_dim3A_2703 = vector.broadcast %jit3A_2701 : i32 to vector<16xi32>
    %select_n3A_2704 = arith.select %lt3A_2699, %broadcast_in_dim3A_2702, %broadcast_in_dim3A_2703 : vector<16xi1>, vector<16xi32>
    %mul3A_2705 = arith.constant 26 : i32
    %mul3A_2706 = vector.broadcast %mul3A_2705 : i32 to vector<16xi32>
    %mul3A_2707 = arith.muli %convert_element_type3A_2674, %mul3A_2706 : vector<16xi32>
    %add3A_2708 = arith.addi %mul3A_2707, %convert_element_type3A_2681 : vector<16xi32>
    %add3A_2709 = arith.constant 27 : i32
    %add3A_2710 = vector.broadcast %add3A_2709 : i32 to vector<16xi32>
    %add3A_2711 = arith.addi %add3A_2708, %add3A_2710 : vector<16xi32>
    %add3A_2712 = arith.addi %add3A_2711, %select_n3A_2704 : vector<16xi32>
    %jit3A_2713 = arith.constant 0 : i32
    %broadcast_in_dim3A_2714 = vector.broadcast %jit3A_2713 : i32 to vector<16xi32>
    %select_n3A_2715 = arith.select %and3A_2696, %add3A_2712, %broadcast_in_dim3A_2714 : vector<16xi1>, vector<16xi32>
    %abs3A_2716 = math.absf %get3A_2667 : vector<16xf32>
    tpu.vector_store_idx %arg9[%select_n3A_2715], %abs3A_2716 masked %and3A_2696 {add = true} : memref<1536xf32, #tpu.memory_space<vmem>>[vector<16xi32>], vector<16xf32>, vector<16xi1>
    %get3A_2717 = arith.constant 736 : index
    %get3A_2718 = tpu.vector_load %arg6[%get3A_2717] {strides = array<i32>} : memref<1024xf32, #tpu.memory_space<vmem>>, vector<16xf32>,
    %get3A_2719 = arith.constant 736 : index
    %get3A_2720 = tpu.vector_load %arg7[%get3A_2719] {strides = array<i32>} : memref<1024xf32, #tpu.memory_space<vmem>>, vector<16xf32>,
    %get3A_2721 = arith.constant 736 : index
    %get3A_2722 = tpu.vector_load %arg8[%get3A_2721] {strides = array<i32>} : memref<1024xf32, #tpu.memory_space<vmem>>, vector<16xf32>,
    %add3A_2723 = arith.constant 3.000000e+00 : f32
    %add3A_2724 = vector.broadcast %add3A_2723 : f32 to vector<16xf32>
    %add3A_2725 = arith.addf %get3A_2718, %add3A_2724 : vector<16xf32>
    %mul3A_2726 = arith.constant 4.000000e+00 : f32
    %mul3A_2727 = vector.broadcast %mul3A_2726 : f32 to vector<16xf32>
    %mul3A_2728 = arith.mulf %add3A_2725, %mul3A_2727 : vector<16xf32>
    %convert_element_type3A_2729 = arith.fptosi %mul3A_2728 : vector<16xf32> to vector<16xi32>
    %add3A_2730 = arith.constant 3.000000e+00 : f32
    %add3A_2731 = vector.broadcast %add3A_2730 : f32 to vector<16xf32>
    %add3A_2732 = arith.addf %get3A_2720, %add3A_2731 : vector<16xf32>
    %mul3A_2733 = arith.constant 4.000000e+00 : f32
    %mul3A_2734 = vector.broadcast %mul3A_2733 : f32 to vector<16xf32>
    %mul3A_2735 = arith.mulf %add3A_2732, %mul3A_2734 : vector<16xf32>
    %convert_element_type3A_2736 = arith.fptosi %mul3A_2735 : vector<16xf32> to vector<16xi32>
    %ge3A_2737 = arith.constant 0 : i32
    %ge3A_2738 = vector.broadcast %ge3A_2737 : i32 to vector<16xi32>
    %ge3A_2739 = arith.cmpi sge, %convert_element_type3A_2729, %ge3A_2738 : vector<16xi32>
    %lt3A_2740 = arith.constant 24 : i32
    %lt3A_2741 = vector.broadcast %lt3A_2740 : i32 to vector<16xi32>
    %lt3A_2742 = arith.cmpi slt, %convert_element_type3A_2729, %lt3A_2741 : vector<16xi32>
    %and3A_2743 = arith.andi %ge3A_2739, %lt3A_2742 : vector<16xi1>
    %ge3A_2744 = arith.constant 0 : i32
    %ge3A_2745 = vector.broadcast %ge3A_2744 : i32 to vector<16xi32>
    %ge3A_2746 = arith.cmpi sge, %convert_element_type3A_2736, %ge3A_2745 : vector<16xi32>
    %and3A_2747 = arith.andi %and3A_2743, %ge3A_2746 : vector<16xi1>
    %lt3A_2748 = arith.constant 24 : i32
    %lt3A_2749 = vector.broadcast %lt3A_2748 : i32 to vector<16xi32>
    %lt3A_2750 = arith.cmpi slt, %convert_element_type3A_2736, %lt3A_2749 : vector<16xi32>
    %and3A_2751 = arith.andi %and3A_2747, %lt3A_2750 : vector<16xi1>
    %lt3A_2752 = arith.constant 0.000000e+00 : f32
    %lt3A_2753 = vector.broadcast %lt3A_2752 : f32 to vector<16xf32>
    %lt3A_2754 = arith.cmpf olt, %get3A_2722, %lt3A_2753 : vector<16xf32>
    %jit3A_2755 = arith.constant 768 : i32
    %jit3A_2756 = arith.constant 0 : i32
    %broadcast_in_dim3A_2757 = vector.broadcast %jit3A_2755 : i32 to vector<16xi32>
    %broadcast_in_dim3A_2758 = vector.broadcast %jit3A_2756 : i32 to vector<16xi32>
    %select_n3A_2759 = arith.select %lt3A_2754, %broadcast_in_dim3A_2757, %broadcast_in_dim3A_2758 : vector<16xi1>, vector<16xi32>
    %mul3A_2760 = arith.constant 26 : i32
    %mul3A_2761 = vector.broadcast %mul3A_2760 : i32 to vector<16xi32>
    %mul3A_2762 = arith.muli %convert_element_type3A_2729, %mul3A_2761 : vector<16xi32>
    %add3A_2763 = arith.addi %mul3A_2762, %convert_element_type3A_2736 : vector<16xi32>
    %add3A_2764 = arith.constant 27 : i32
    %add3A_2765 = vector.broadcast %add3A_2764 : i32 to vector<16xi32>
    %add3A_2766 = arith.addi %add3A_2763, %add3A_2765 : vector<16xi32>
    %add3A_2767 = arith.addi %add3A_2766, %select_n3A_2759 : vector<16xi32>
    %jit3A_2768 = arith.constant 0 : i32
    %broadcast_in_dim3A_2769 = vector.broadcast %jit3A_2768 : i32 to vector<16xi32>
    %select_n3A_2770 = arith.select %and3A_2751, %add3A_2767, %broadcast_in_dim3A_2769 : vector<16xi1>, vector<16xi32>
    %abs3A_2771 = math.absf %get3A_2722 : vector<16xf32>
    tpu.vector_store_idx %arg9[%select_n3A_2770], %abs3A_2771 masked %and3A_2751 {add = true} : memref<1536xf32, #tpu.memory_space<vmem>>[vector<16xi32>], vector<16xf32>, vector<16xi1>
    %get3A_2772 = arith.constant 752 : index
    %get3A_2773 = tpu.vector_load %arg6[%get3A_2772] {strides = array<i32>} : memref<1024xf32, #tpu.memory_space<vmem>>, vector<16xf32>,
    %get3A_2774 = arith.constant 752 : index
    %get3A_2775 = tpu.vector_load %arg7[%get3A_2774] {strides = array<i32>} : memref<1024xf32, #tpu.memory_space<vmem>>, vector<16xf32>,
    %get3A_2776 = arith.constant 752 : index
    %get3A_2777 = tpu.vector_load %arg8[%get3A_2776] {strides = array<i32>} : memref<1024xf32, #tpu.memory_space<vmem>>, vector<16xf32>,
    %add3A_2778 = arith.constant 3.000000e+00 : f32
    %add3A_2779 = vector.broadcast %add3A_2778 : f32 to vector<16xf32>
    %add3A_2780 = arith.addf %get3A_2773, %add3A_2779 : vector<16xf32>
    %mul3A_2781 = arith.constant 4.000000e+00 : f32
    %mul3A_2782 = vector.broadcast %mul3A_2781 : f32 to vector<16xf32>
    %mul3A_2783 = arith.mulf %add3A_2780, %mul3A_2782 : vector<16xf32>
    %convert_element_type3A_2784 = arith.fptosi %mul3A_2783 : vector<16xf32> to vector<16xi32>
    %add3A_2785 = arith.constant 3.000000e+00 : f32
    %add3A_2786 = vector.broadcast %add3A_2785 : f32 to vector<16xf32>
    %add3A_2787 = arith.addf %get3A_2775, %add3A_2786 : vector<16xf32>
    %mul3A_2788 = arith.constant 4.000000e+00 : f32
    %mul3A_2789 = vector.broadcast %mul3A_2788 : f32 to vector<16xf32>
    %mul3A_2790 = arith.mulf %add3A_2787, %mul3A_2789 : vector<16xf32>
    %convert_element_type3A_2791 = arith.fptosi %mul3A_2790 : vector<16xf32> to vector<16xi32>
    %ge3A_2792 = arith.constant 0 : i32
    %ge3A_2793 = vector.broadcast %ge3A_2792 : i32 to vector<16xi32>
    %ge3A_2794 = arith.cmpi sge, %convert_element_type3A_2784, %ge3A_2793 : vector<16xi32>
    %lt3A_2795 = arith.constant 24 : i32
    %lt3A_2796 = vector.broadcast %lt3A_2795 : i32 to vector<16xi32>
    %lt3A_2797 = arith.cmpi slt, %convert_element_type3A_2784, %lt3A_2796 : vector<16xi32>
    %and3A_2798 = arith.andi %ge3A_2794, %lt3A_2797 : vector<16xi1>
    %ge3A_2799 = arith.constant 0 : i32
    %ge3A_2800 = vector.broadcast %ge3A_2799 : i32 to vector<16xi32>
    %ge3A_2801 = arith.cmpi sge, %convert_element_type3A_2791, %ge3A_2800 : vector<16xi32>
    %and3A_2802 = arith.andi %and3A_2798, %ge3A_2801 : vector<16xi1>
    %lt3A_2803 = arith.constant 24 : i32
    %lt3A_2804 = vector.broadcast %lt3A_2803 : i32 to vector<16xi32>
    %lt3A_2805 = arith.cmpi slt, %convert_element_type3A_2791, %lt3A_2804 : vector<16xi32>
    %and3A_2806 = arith.andi %and3A_2802, %lt3A_2805 : vector<16xi1>
    %lt3A_2807 = arith.constant 0.000000e+00 : f32
    %lt3A_2808 = vector.broadcast %lt3A_2807 : f32 to vector<16xf32>
    %lt3A_2809 = arith.cmpf olt, %get3A_2777, %lt3A_2808 : vector<16xf32>
    %jit3A_2810 = arith.constant 768 : i32
    %jit3A_2811 = arith.constant 0 : i32
    %broadcast_in_dim3A_2812 = vector.broadcast %jit3A_2810 : i32 to vector<16xi32>
    %broadcast_in_dim3A_2813 = vector.broadcast %jit3A_2811 : i32 to vector<16xi32>
    %select_n3A_2814 = arith.select %lt3A_2809, %broadcast_in_dim3A_2812, %broadcast_in_dim3A_2813 : vector<16xi1>, vector<16xi32>
    %mul3A_2815 = arith.constant 26 : i32
    %mul3A_2816 = vector.broadcast %mul3A_2815 : i32 to vector<16xi32>
    %mul3A_2817 = arith.muli %convert_element_type3A_2784, %mul3A_2816 : vector<16xi32>
    %add3A_2818 = arith.addi %mul3A_2817, %convert_element_type3A_2791 : vector<16xi32>
    %add3A_2819 = arith.constant 27 : i32
    %add3A_2820 = vector.broadcast %add3A_2819 : i32 to vector<16xi32>
    %add3A_2821 = arith.addi %add3A_2818, %add3A_2820 : vector<16xi32>
    %add3A_2822 = arith.addi %add3A_2821, %select_n3A_2814 : vector<16xi32>
    %jit3A_2823 = arith.constant 0 : i32
    %broadcast_in_dim3A_2824 = vector.broadcast %jit3A_2823 : i32 to vector<16xi32>
    %select_n3A_2825 = arith.select %and3A_2806, %add3A_2822, %broadcast_in_dim3A_2824 : vector<16xi1>, vector<16xi32>
    %abs3A_2826 = math.absf %get3A_2777 : vector<16xf32>
    tpu.vector_store_idx %arg9[%select_n3A_2825], %abs3A_2826 masked %and3A_2806 {add = true} : memref<1536xf32, #tpu.memory_space<vmem>>[vector<16xi32>], vector<16xf32>, vector<16xi1>
    %get3A_2827 = arith.constant 768 : index
    %get3A_2828 = tpu.vector_load %arg6[%get3A_2827] {strides = array<i32>} : memref<1024xf32, #tpu.memory_space<vmem>>, vector<16xf32>,
    %get3A_2829 = arith.constant 768 : index
    %get3A_2830 = tpu.vector_load %arg7[%get3A_2829] {strides = array<i32>} : memref<1024xf32, #tpu.memory_space<vmem>>, vector<16xf32>,
    %get3A_2831 = arith.constant 768 : index
    %get3A_2832 = tpu.vector_load %arg8[%get3A_2831] {strides = array<i32>} : memref<1024xf32, #tpu.memory_space<vmem>>, vector<16xf32>,
    %add3A_2833 = arith.constant 3.000000e+00 : f32
    %add3A_2834 = vector.broadcast %add3A_2833 : f32 to vector<16xf32>
    %add3A_2835 = arith.addf %get3A_2828, %add3A_2834 : vector<16xf32>
    %mul3A_2836 = arith.constant 4.000000e+00 : f32
    %mul3A_2837 = vector.broadcast %mul3A_2836 : f32 to vector<16xf32>
    %mul3A_2838 = arith.mulf %add3A_2835, %mul3A_2837 : vector<16xf32>
    %convert_element_type3A_2839 = arith.fptosi %mul3A_2838 : vector<16xf32> to vector<16xi32>
    %add3A_2840 = arith.constant 3.000000e+00 : f32
    %add3A_2841 = vector.broadcast %add3A_2840 : f32 to vector<16xf32>
    %add3A_2842 = arith.addf %get3A_2830, %add3A_2841 : vector<16xf32>
    %mul3A_2843 = arith.constant 4.000000e+00 : f32
    %mul3A_2844 = vector.broadcast %mul3A_2843 : f32 to vector<16xf32>
    %mul3A_2845 = arith.mulf %add3A_2842, %mul3A_2844 : vector<16xf32>
    %convert_element_type3A_2846 = arith.fptosi %mul3A_2845 : vector<16xf32> to vector<16xi32>
    %ge3A_2847 = arith.constant 0 : i32
    %ge3A_2848 = vector.broadcast %ge3A_2847 : i32 to vector<16xi32>
    %ge3A_2849 = arith.cmpi sge, %convert_element_type3A_2839, %ge3A_2848 : vector<16xi32>
    %lt3A_2850 = arith.constant 24 : i32
    %lt3A_2851 = vector.broadcast %lt3A_2850 : i32 to vector<16xi32>
    %lt3A_2852 = arith.cmpi slt, %convert_element_type3A_2839, %lt3A_2851 : vector<16xi32>
    %and3A_2853 = arith.andi %ge3A_2849, %lt3A_2852 : vector<16xi1>
    %ge3A_2854 = arith.constant 0 : i32
    %ge3A_2855 = vector.broadcast %ge3A_2854 : i32 to vector<16xi32>
    %ge3A_2856 = arith.cmpi sge, %convert_element_type3A_2846, %ge3A_2855 : vector<16xi32>
    %and3A_2857 = arith.andi %and3A_2853, %ge3A_2856 : vector<16xi1>
    %lt3A_2858 = arith.constant 24 : i32
    %lt3A_2859 = vector.broadcast %lt3A_2858 : i32 to vector<16xi32>
    %lt3A_2860 = arith.cmpi slt, %convert_element_type3A_2846, %lt3A_2859 : vector<16xi32>
    %and3A_2861 = arith.andi %and3A_2857, %lt3A_2860 : vector<16xi1>
    %lt3A_2862 = arith.constant 0.000000e+00 : f32
    %lt3A_2863 = vector.broadcast %lt3A_2862 : f32 to vector<16xf32>
    %lt3A_2864 = arith.cmpf olt, %get3A_2832, %lt3A_2863 : vector<16xf32>
    %jit3A_2865 = arith.constant 768 : i32
    %jit3A_2866 = arith.constant 0 : i32
    %broadcast_in_dim3A_2867 = vector.broadcast %jit3A_2865 : i32 to vector<16xi32>
    %broadcast_in_dim3A_2868 = vector.broadcast %jit3A_2866 : i32 to vector<16xi32>
    %select_n3A_2869 = arith.select %lt3A_2864, %broadcast_in_dim3A_2867, %broadcast_in_dim3A_2868 : vector<16xi1>, vector<16xi32>
    %mul3A_2870 = arith.constant 26 : i32
    %mul3A_2871 = vector.broadcast %mul3A_2870 : i32 to vector<16xi32>
    %mul3A_2872 = arith.muli %convert_element_type3A_2839, %mul3A_2871 : vector<16xi32>
    %add3A_2873 = arith.addi %mul3A_2872, %convert_element_type3A_2846 : vector<16xi32>
    %add3A_2874 = arith.constant 27 : i32
    %add3A_2875 = vector.broadcast %add3A_2874 : i32 to vector<16xi32>
    %add3A_2876 = arith.addi %add3A_2873, %add3A_2875 : vector<16xi32>
    %add3A_2877 = arith.addi %add3A_2876, %select_n3A_2869 : vector<16xi32>
    %jit3A_2878 = arith.constant 0 : i32
    %broadcast_in_dim3A_2879 = vector.broadcast %jit3A_2878 : i32 to vector<16xi32>
    %select_n3A_2880 = arith.select %and3A_2861, %add3A_2877, %broadcast_in_dim3A_2879 : vector<16xi1>, vector<16xi32>
    %abs3A_2881 = math.absf %get3A_2832 : vector<16xf32>
    tpu.vector_store_idx %arg9[%select_n3A_2880], %abs3A_2881 masked %and3A_2861 {add = true} : memref<1536xf32, #tpu.memory_space<vmem>>[vector<16xi32>], vector<16xf32>, vector<16xi1>
    %get3A_2882 = arith.constant 784 : index
    %get3A_2883 = tpu.vector_load %arg6[%get3A_2882] {strides = array<i32>} : memref<1024xf32, #tpu.memory_space<vmem>>, vector<16xf32>,
    %get3A_2884 = arith.constant 784 : index
    %get3A_2885 = tpu.vector_load %arg7[%get3A_2884] {strides = array<i32>} : memref<1024xf32, #tpu.memory_space<vmem>>, vector<16xf32>,
    %get3A_2886 = arith.constant 784 : index
    %get3A_2887 = tpu.vector_load %arg8[%get3A_2886] {strides = array<i32>} : memref<1024xf32, #tpu.memory_space<vmem>>, vector<16xf32>,
    %add3A_2888 = arith.constant 3.000000e+00 : f32
    %add3A_2889 = vector.broadcast %add3A_2888 : f32 to vector<16xf32>
    %add3A_2890 = arith.addf %get3A_2883, %add3A_2889 : vector<16xf32>
    %mul3A_2891 = arith.constant 4.000000e+00 : f32
    %mul3A_2892 = vector.broadcast %mul3A_2891 : f32 to vector<16xf32>
    %mul3A_2893 = arith.mulf %add3A_2890, %mul3A_2892 : vector<16xf32>
    %convert_element_type3A_2894 = arith.fptosi %mul3A_2893 : vector<16xf32> to vector<16xi32>
    %add3A_2895 = arith.constant 3.000000e+00 : f32
    %add3A_2896 = vector.broadcast %add3A_2895 : f32 to vector<16xf32>
    %add3A_2897 = arith.addf %get3A_2885, %add3A_2896 : vector<16xf32>
    %mul3A_2898 = arith.constant 4.000000e+00 : f32
    %mul3A_2899 = vector.broadcast %mul3A_2898 : f32 to vector<16xf32>
    %mul3A_2900 = arith.mulf %add3A_2897, %mul3A_2899 : vector<16xf32>
    %convert_element_type3A_2901 = arith.fptosi %mul3A_2900 : vector<16xf32> to vector<16xi32>
    %ge3A_2902 = arith.constant 0 : i32
    %ge3A_2903 = vector.broadcast %ge3A_2902 : i32 to vector<16xi32>
    %ge3A_2904 = arith.cmpi sge, %convert_element_type3A_2894, %ge3A_2903 : vector<16xi32>
    %lt3A_2905 = arith.constant 24 : i32
    %lt3A_2906 = vector.broadcast %lt3A_2905 : i32 to vector<16xi32>
    %lt3A_2907 = arith.cmpi slt, %convert_element_type3A_2894, %lt3A_2906 : vector<16xi32>
    %and3A_2908 = arith.andi %ge3A_2904, %lt3A_2907 : vector<16xi1>
    %ge3A_2909 = arith.constant 0 : i32
    %ge3A_2910 = vector.broadcast %ge3A_2909 : i32 to vector<16xi32>
    %ge3A_2911 = arith.cmpi sge, %convert_element_type3A_2901, %ge3A_2910 : vector<16xi32>
    %and3A_2912 = arith.andi %and3A_2908, %ge3A_2911 : vector<16xi1>
    %lt3A_2913 = arith.constant 24 : i32
    %lt3A_2914 = vector.broadcast %lt3A_2913 : i32 to vector<16xi32>
    %lt3A_2915 = arith.cmpi slt, %convert_element_type3A_2901, %lt3A_2914 : vector<16xi32>
    %and3A_2916 = arith.andi %and3A_2912, %lt3A_2915 : vector<16xi1>
    %lt3A_2917 = arith.constant 0.000000e+00 : f32
    %lt3A_2918 = vector.broadcast %lt3A_2917 : f32 to vector<16xf32>
    %lt3A_2919 = arith.cmpf olt, %get3A_2887, %lt3A_2918 : vector<16xf32>
    %jit3A_2920 = arith.constant 768 : i32
    %jit3A_2921 = arith.constant 0 : i32
    %broadcast_in_dim3A_2922 = vector.broadcast %jit3A_2920 : i32 to vector<16xi32>
    %broadcast_in_dim3A_2923 = vector.broadcast %jit3A_2921 : i32 to vector<16xi32>
    %select_n3A_2924 = arith.select %lt3A_2919, %broadcast_in_dim3A_2922, %broadcast_in_dim3A_2923 : vector<16xi1>, vector<16xi32>
    %mul3A_2925 = arith.constant 26 : i32
    %mul3A_2926 = vector.broadcast %mul3A_2925 : i32 to vector<16xi32>
    %mul3A_2927 = arith.muli %convert_element_type3A_2894, %mul3A_2926 : vector<16xi32>
    %add3A_2928 = arith.addi %mul3A_2927, %convert_element_type3A_2901 : vector<16xi32>
    %add3A_2929 = arith.constant 27 : i32
    %add3A_2930 = vector.broadcast %add3A_2929 : i32 to vector<16xi32>
    %add3A_2931 = arith.addi %add3A_2928, %add3A_2930 : vector<16xi32>
    %add3A_2932 = arith.addi %add3A_2931, %select_n3A_2924 : vector<16xi32>
    %jit3A_2933 = arith.constant 0 : i32
    %broadcast_in_dim3A_2934 = vector.broadcast %jit3A_2933 : i32 to vector<16xi32>
    %select_n3A_2935 = arith.select %and3A_2916, %add3A_2932, %broadcast_in_dim3A_2934 : vector<16xi1>, vector<16xi32>
    %abs3A_2936 = math.absf %get3A_2887 : vector<16xf32>
    tpu.vector_store_idx %arg9[%select_n3A_2935], %abs3A_2936 masked %and3A_2916 {add = true} : memref<1536xf32, #tpu.memory_space<vmem>>[vector<16xi32>], vector<16xf32>, vector<16xi1>
    %get3A_2937 = arith.constant 800 : index
    %get3A_2938 = tpu.vector_load %arg6[%get3A_2937] {strides = array<i32>} : memref<1024xf32, #tpu.memory_space<vmem>>, vector<16xf32>,
    %get3A_2939 = arith.constant 800 : index
    %get3A_2940 = tpu.vector_load %arg7[%get3A_2939] {strides = array<i32>} : memref<1024xf32, #tpu.memory_space<vmem>>, vector<16xf32>,
    %get3A_2941 = arith.constant 800 : index
    %get3A_2942 = tpu.vector_load %arg8[%get3A_2941] {strides = array<i32>} : memref<1024xf32, #tpu.memory_space<vmem>>, vector<16xf32>,
    %add3A_2943 = arith.constant 3.000000e+00 : f32
    %add3A_2944 = vector.broadcast %add3A_2943 : f32 to vector<16xf32>
    %add3A_2945 = arith.addf %get3A_2938, %add3A_2944 : vector<16xf32>
    %mul3A_2946 = arith.constant 4.000000e+00 : f32
    %mul3A_2947 = vector.broadcast %mul3A_2946 : f32 to vector<16xf32>
    %mul3A_2948 = arith.mulf %add3A_2945, %mul3A_2947 : vector<16xf32>
    %convert_element_type3A_2949 = arith.fptosi %mul3A_2948 : vector<16xf32> to vector<16xi32>
    %add3A_2950 = arith.constant 3.000000e+00 : f32
    %add3A_2951 = vector.broadcast %add3A_2950 : f32 to vector<16xf32>
    %add3A_2952 = arith.addf %get3A_2940, %add3A_2951 : vector<16xf32>
    %mul3A_2953 = arith.constant 4.000000e+00 : f32
    %mul3A_2954 = vector.broadcast %mul3A_2953 : f32 to vector<16xf32>
    %mul3A_2955 = arith.mulf %add3A_2952, %mul3A_2954 : vector<16xf32>
    %convert_element_type3A_2956 = arith.fptosi %mul3A_2955 : vector<16xf32> to vector<16xi32>
    %ge3A_2957 = arith.constant 0 : i32
    %ge3A_2958 = vector.broadcast %ge3A_2957 : i32 to vector<16xi32>
    %ge3A_2959 = arith.cmpi sge, %convert_element_type3A_2949, %ge3A_2958 : vector<16xi32>
    %lt3A_2960 = arith.constant 24 : i32
    %lt3A_2961 = vector.broadcast %lt3A_2960 : i32 to vector<16xi32>
    %lt3A_2962 = arith.cmpi slt, %convert_element_type3A_2949, %lt3A_2961 : vector<16xi32>
    %and3A_2963 = arith.andi %ge3A_2959, %lt3A_2962 : vector<16xi1>
    %ge3A_2964 = arith.constant 0 : i32
    %ge3A_2965 = vector.broadcast %ge3A_2964 : i32 to vector<16xi32>
    %ge3A_2966 = arith.cmpi sge, %convert_element_type3A_2956, %ge3A_2965 : vector<16xi32>
    %and3A_2967 = arith.andi %and3A_2963, %ge3A_2966 : vector<16xi1>
    %lt3A_2968 = arith.constant 24 : i32
    %lt3A_2969 = vector.broadcast %lt3A_2968 : i32 to vector<16xi32>
    %lt3A_2970 = arith.cmpi slt, %convert_element_type3A_2956, %lt3A_2969 : vector<16xi32>
    %and3A_2971 = arith.andi %and3A_2967, %lt3A_2970 : vector<16xi1>
    %lt3A_2972 = arith.constant 0.000000e+00 : f32
    %lt3A_2973 = vector.broadcast %lt3A_2972 : f32 to vector<16xf32>
    %lt3A_2974 = arith.cmpf olt, %get3A_2942, %lt3A_2973 : vector<16xf32>
    %jit3A_2975 = arith.constant 768 : i32
    %jit3A_2976 = arith.constant 0 : i32
    %broadcast_in_dim3A_2977 = vector.broadcast %jit3A_2975 : i32 to vector<16xi32>
    %broadcast_in_dim3A_2978 = vector.broadcast %jit3A_2976 : i32 to vector<16xi32>
    %select_n3A_2979 = arith.select %lt3A_2974, %broadcast_in_dim3A_2977, %broadcast_in_dim3A_2978 : vector<16xi1>, vector<16xi32>
    %mul3A_2980 = arith.constant 26 : i32
    %mul3A_2981 = vector.broadcast %mul3A_2980 : i32 to vector<16xi32>
    %mul3A_2982 = arith.muli %convert_element_type3A_2949, %mul3A_2981 : vector<16xi32>
    %add3A_2983 = arith.addi %mul3A_2982, %convert_element_type3A_2956 : vector<16xi32>
    %add3A_2984 = arith.constant 27 : i32
    %add3A_2985 = vector.broadcast %add3A_2984 : i32 to vector<16xi32>
    %add3A_2986 = arith.addi %add3A_2983, %add3A_2985 : vector<16xi32>
    %add3A_2987 = arith.addi %add3A_2986, %select_n3A_2979 : vector<16xi32>
    %jit3A_2988 = arith.constant 0 : i32
    %broadcast_in_dim3A_2989 = vector.broadcast %jit3A_2988 : i32 to vector<16xi32>
    %select_n3A_2990 = arith.select %and3A_2971, %add3A_2987, %broadcast_in_dim3A_2989 : vector<16xi1>, vector<16xi32>
    %abs3A_2991 = math.absf %get3A_2942 : vector<16xf32>
    tpu.vector_store_idx %arg9[%select_n3A_2990], %abs3A_2991 masked %and3A_2971 {add = true} : memref<1536xf32, #tpu.memory_space<vmem>>[vector<16xi32>], vector<16xf32>, vector<16xi1>
    %get3A_2992 = arith.constant 816 : index
    %get3A_2993 = tpu.vector_load %arg6[%get3A_2992] {strides = array<i32>} : memref<1024xf32, #tpu.memory_space<vmem>>, vector<16xf32>,
    %get3A_2994 = arith.constant 816 : index
    %get3A_2995 = tpu.vector_load %arg7[%get3A_2994] {strides = array<i32>} : memref<1024xf32, #tpu.memory_space<vmem>>, vector<16xf32>,
    %get3A_2996 = arith.constant 816 : index
    %get3A_2997 = tpu.vector_load %arg8[%get3A_2996] {strides = array<i32>} : memref<1024xf32, #tpu.memory_space<vmem>>, vector<16xf32>,
    %add3A_2998 = arith.constant 3.000000e+00 : f32
    %add3A_2999 = vector.broadcast %add3A_2998 : f32 to vector<16xf32>
    %add3A_3000 = arith.addf %get3A_2993, %add3A_2999 : vector<16xf32>
    %mul3A_3001 = arith.constant 4.000000e+00 : f32
    %mul3A_3002 = vector.broadcast %mul3A_3001 : f32 to vector<16xf32>
    %mul3A_3003 = arith.mulf %add3A_3000, %mul3A_3002 : vector<16xf32>
    %convert_element_type3A_3004 = arith.fptosi %mul3A_3003 : vector<16xf32> to vector<16xi32>
    %add3A_3005 = arith.constant 3.000000e+00 : f32
    %add3A_3006 = vector.broadcast %add3A_3005 : f32 to vector<16xf32>
    %add3A_3007 = arith.addf %get3A_2995, %add3A_3006 : vector<16xf32>
    %mul3A_3008 = arith.constant 4.000000e+00 : f32
    %mul3A_3009 = vector.broadcast %mul3A_3008 : f32 to vector<16xf32>
    %mul3A_3010 = arith.mulf %add3A_3007, %mul3A_3009 : vector<16xf32>
    %convert_element_type3A_3011 = arith.fptosi %mul3A_3010 : vector<16xf32> to vector<16xi32>
    %ge3A_3012 = arith.constant 0 : i32
    %ge3A_3013 = vector.broadcast %ge3A_3012 : i32 to vector<16xi32>
    %ge3A_3014 = arith.cmpi sge, %convert_element_type3A_3004, %ge3A_3013 : vector<16xi32>
    %lt3A_3015 = arith.constant 24 : i32
    %lt3A_3016 = vector.broadcast %lt3A_3015 : i32 to vector<16xi32>
    %lt3A_3017 = arith.cmpi slt, %convert_element_type3A_3004, %lt3A_3016 : vector<16xi32>
    %and3A_3018 = arith.andi %ge3A_3014, %lt3A_3017 : vector<16xi1>
    %ge3A_3019 = arith.constant 0 : i32
    %ge3A_3020 = vector.broadcast %ge3A_3019 : i32 to vector<16xi32>
    %ge3A_3021 = arith.cmpi sge, %convert_element_type3A_3011, %ge3A_3020 : vector<16xi32>
    %and3A_3022 = arith.andi %and3A_3018, %ge3A_3021 : vector<16xi1>
    %lt3A_3023 = arith.constant 24 : i32
    %lt3A_3024 = vector.broadcast %lt3A_3023 : i32 to vector<16xi32>
    %lt3A_3025 = arith.cmpi slt, %convert_element_type3A_3011, %lt3A_3024 : vector<16xi32>
    %and3A_3026 = arith.andi %and3A_3022, %lt3A_3025 : vector<16xi1>
    %lt3A_3027 = arith.constant 0.000000e+00 : f32
    %lt3A_3028 = vector.broadcast %lt3A_3027 : f32 to vector<16xf32>
    %lt3A_3029 = arith.cmpf olt, %get3A_2997, %lt3A_3028 : vector<16xf32>
    %jit3A_3030 = arith.constant 768 : i32
    %jit3A_3031 = arith.constant 0 : i32
    %broadcast_in_dim3A_3032 = vector.broadcast %jit3A_3030 : i32 to vector<16xi32>
    %broadcast_in_dim3A_3033 = vector.broadcast %jit3A_3031 : i32 to vector<16xi32>
    %select_n3A_3034 = arith.select %lt3A_3029, %broadcast_in_dim3A_3032, %broadcast_in_dim3A_3033 : vector<16xi1>, vector<16xi32>
    %mul3A_3035 = arith.constant 26 : i32
    %mul3A_3036 = vector.broadcast %mul3A_3035 : i32 to vector<16xi32>
    %mul3A_3037 = arith.muli %convert_element_type3A_3004, %mul3A_3036 : vector<16xi32>
    %add3A_3038 = arith.addi %mul3A_3037, %convert_element_type3A_3011 : vector<16xi32>
    %add3A_3039 = arith.constant 27 : i32
    %add3A_3040 = vector.broadcast %add3A_3039 : i32 to vector<16xi32>
    %add3A_3041 = arith.addi %add3A_3038, %add3A_3040 : vector<16xi32>
    %add3A_3042 = arith.addi %add3A_3041, %select_n3A_3034 : vector<16xi32>
    %jit3A_3043 = arith.constant 0 : i32
    %broadcast_in_dim3A_3044 = vector.broadcast %jit3A_3043 : i32 to vector<16xi32>
    %select_n3A_3045 = arith.select %and3A_3026, %add3A_3042, %broadcast_in_dim3A_3044 : vector<16xi1>, vector<16xi32>
    %abs3A_3046 = math.absf %get3A_2997 : vector<16xf32>
    tpu.vector_store_idx %arg9[%select_n3A_3045], %abs3A_3046 masked %and3A_3026 {add = true} : memref<1536xf32, #tpu.memory_space<vmem>>[vector<16xi32>], vector<16xf32>, vector<16xi1>
    %get3A_3047 = arith.constant 832 : index
    %get3A_3048 = tpu.vector_load %arg6[%get3A_3047] {strides = array<i32>} : memref<1024xf32, #tpu.memory_space<vmem>>, vector<16xf32>,
    %get3A_3049 = arith.constant 832 : index
    %get3A_3050 = tpu.vector_load %arg7[%get3A_3049] {strides = array<i32>} : memref<1024xf32, #tpu.memory_space<vmem>>, vector<16xf32>,
    %get3A_3051 = arith.constant 832 : index
    %get3A_3052 = tpu.vector_load %arg8[%get3A_3051] {strides = array<i32>} : memref<1024xf32, #tpu.memory_space<vmem>>, vector<16xf32>,
    %add3A_3053 = arith.constant 3.000000e+00 : f32
    %add3A_3054 = vector.broadcast %add3A_3053 : f32 to vector<16xf32>
    %add3A_3055 = arith.addf %get3A_3048, %add3A_3054 : vector<16xf32>
    %mul3A_3056 = arith.constant 4.000000e+00 : f32
    %mul3A_3057 = vector.broadcast %mul3A_3056 : f32 to vector<16xf32>
    %mul3A_3058 = arith.mulf %add3A_3055, %mul3A_3057 : vector<16xf32>
    %convert_element_type3A_3059 = arith.fptosi %mul3A_3058 : vector<16xf32> to vector<16xi32>
    %add3A_3060 = arith.constant 3.000000e+00 : f32
    %add3A_3061 = vector.broadcast %add3A_3060 : f32 to vector<16xf32>
    %add3A_3062 = arith.addf %get3A_3050, %add3A_3061 : vector<16xf32>
    %mul3A_3063 = arith.constant 4.000000e+00 : f32
    %mul3A_3064 = vector.broadcast %mul3A_3063 : f32 to vector<16xf32>
    %mul3A_3065 = arith.mulf %add3A_3062, %mul3A_3064 : vector<16xf32>
    %convert_element_type3A_3066 = arith.fptosi %mul3A_3065 : vector<16xf32> to vector<16xi32>
    %ge3A_3067 = arith.constant 0 : i32
    %ge3A_3068 = vector.broadcast %ge3A_3067 : i32 to vector<16xi32>
    %ge3A_3069 = arith.cmpi sge, %convert_element_type3A_3059, %ge3A_3068 : vector<16xi32>
    %lt3A_3070 = arith.constant 24 : i32
    %lt3A_3071 = vector.broadcast %lt3A_3070 : i32 to vector<16xi32>
    %lt3A_3072 = arith.cmpi slt, %convert_element_type3A_3059, %lt3A_3071 : vector<16xi32>
    %and3A_3073 = arith.andi %ge3A_3069, %lt3A_3072 : vector<16xi1>
    %ge3A_3074 = arith.constant 0 : i32
    %ge3A_3075 = vector.broadcast %ge3A_3074 : i32 to vector<16xi32>
    %ge3A_3076 = arith.cmpi sge, %convert_element_type3A_3066, %ge3A_3075 : vector<16xi32>
    %and3A_3077 = arith.andi %and3A_3073, %ge3A_3076 : vector<16xi1>
    %lt3A_3078 = arith.constant 24 : i32
    %lt3A_3079 = vector.broadcast %lt3A_3078 : i32 to vector<16xi32>
    %lt3A_3080 = arith.cmpi slt, %convert_element_type3A_3066, %lt3A_3079 : vector<16xi32>
    %and3A_3081 = arith.andi %and3A_3077, %lt3A_3080 : vector<16xi1>
    %lt3A_3082 = arith.constant 0.000000e+00 : f32
    %lt3A_3083 = vector.broadcast %lt3A_3082 : f32 to vector<16xf32>
    %lt3A_3084 = arith.cmpf olt, %get3A_3052, %lt3A_3083 : vector<16xf32>
    %jit3A_3085 = arith.constant 768 : i32
    %jit3A_3086 = arith.constant 0 : i32
    %broadcast_in_dim3A_3087 = vector.broadcast %jit3A_3085 : i32 to vector<16xi32>
    %broadcast_in_dim3A_3088 = vector.broadcast %jit3A_3086 : i32 to vector<16xi32>
    %select_n3A_3089 = arith.select %lt3A_3084, %broadcast_in_dim3A_3087, %broadcast_in_dim3A_3088 : vector<16xi1>, vector<16xi32>
    %mul3A_3090 = arith.constant 26 : i32
    %mul3A_3091 = vector.broadcast %mul3A_3090 : i32 to vector<16xi32>
    %mul3A_3092 = arith.muli %convert_element_type3A_3059, %mul3A_3091 : vector<16xi32>
    %add3A_3093 = arith.addi %mul3A_3092, %convert_element_type3A_3066 : vector<16xi32>
    %add3A_3094 = arith.constant 27 : i32
    %add3A_3095 = vector.broadcast %add3A_3094 : i32 to vector<16xi32>
    %add3A_3096 = arith.addi %add3A_3093, %add3A_3095 : vector<16xi32>
    %add3A_3097 = arith.addi %add3A_3096, %select_n3A_3089 : vector<16xi32>
    %jit3A_3098 = arith.constant 0 : i32
    %broadcast_in_dim3A_3099 = vector.broadcast %jit3A_3098 : i32 to vector<16xi32>
    %select_n3A_3100 = arith.select %and3A_3081, %add3A_3097, %broadcast_in_dim3A_3099 : vector<16xi1>, vector<16xi32>
    %abs3A_3101 = math.absf %get3A_3052 : vector<16xf32>
    tpu.vector_store_idx %arg9[%select_n3A_3100], %abs3A_3101 masked %and3A_3081 {add = true} : memref<1536xf32, #tpu.memory_space<vmem>>[vector<16xi32>], vector<16xf32>, vector<16xi1>
    %get3A_3102 = arith.constant 848 : index
    %get3A_3103 = tpu.vector_load %arg6[%get3A_3102] {strides = array<i32>} : memref<1024xf32, #tpu.memory_space<vmem>>, vector<16xf32>,
    %get3A_3104 = arith.constant 848 : index
    %get3A_3105 = tpu.vector_load %arg7[%get3A_3104] {strides = array<i32>} : memref<1024xf32, #tpu.memory_space<vmem>>, vector<16xf32>,
    %get3A_3106 = arith.constant 848 : index
    %get3A_3107 = tpu.vector_load %arg8[%get3A_3106] {strides = array<i32>} : memref<1024xf32, #tpu.memory_space<vmem>>, vector<16xf32>,
    %add3A_3108 = arith.constant 3.000000e+00 : f32
    %add3A_3109 = vector.broadcast %add3A_3108 : f32 to vector<16xf32>
    %add3A_3110 = arith.addf %get3A_3103, %add3A_3109 : vector<16xf32>
    %mul3A_3111 = arith.constant 4.000000e+00 : f32
    %mul3A_3112 = vector.broadcast %mul3A_3111 : f32 to vector<16xf32>
    %mul3A_3113 = arith.mulf %add3A_3110, %mul3A_3112 : vector<16xf32>
    %convert_element_type3A_3114 = arith.fptosi %mul3A_3113 : vector<16xf32> to vector<16xi32>
    %add3A_3115 = arith.constant 3.000000e+00 : f32
    %add3A_3116 = vector.broadcast %add3A_3115 : f32 to vector<16xf32>
    %add3A_3117 = arith.addf %get3A_3105, %add3A_3116 : vector<16xf32>
    %mul3A_3118 = arith.constant 4.000000e+00 : f32
    %mul3A_3119 = vector.broadcast %mul3A_3118 : f32 to vector<16xf32>
    %mul3A_3120 = arith.mulf %add3A_3117, %mul3A_3119 : vector<16xf32>
    %convert_element_type3A_3121 = arith.fptosi %mul3A_3120 : vector<16xf32> to vector<16xi32>
    %ge3A_3122 = arith.constant 0 : i32
    %ge3A_3123 = vector.broadcast %ge3A_3122 : i32 to vector<16xi32>
    %ge3A_3124 = arith.cmpi sge, %convert_element_type3A_3114, %ge3A_3123 : vector<16xi32>
    %lt3A_3125 = arith.constant 24 : i32
    %lt3A_3126 = vector.broadcast %lt3A_3125 : i32 to vector<16xi32>
    %lt3A_3127 = arith.cmpi slt, %convert_element_type3A_3114, %lt3A_3126 : vector<16xi32>
    %and3A_3128 = arith.andi %ge3A_3124, %lt3A_3127 : vector<16xi1>
    %ge3A_3129 = arith.constant 0 : i32
    %ge3A_3130 = vector.broadcast %ge3A_3129 : i32 to vector<16xi32>
    %ge3A_3131 = arith.cmpi sge, %convert_element_type3A_3121, %ge3A_3130 : vector<16xi32>
    %and3A_3132 = arith.andi %and3A_3128, %ge3A_3131 : vector<16xi1>
    %lt3A_3133 = arith.constant 24 : i32
    %lt3A_3134 = vector.broadcast %lt3A_3133 : i32 to vector<16xi32>
    %lt3A_3135 = arith.cmpi slt, %convert_element_type3A_3121, %lt3A_3134 : vector<16xi32>
    %and3A_3136 = arith.andi %and3A_3132, %lt3A_3135 : vector<16xi1>
    %lt3A_3137 = arith.constant 0.000000e+00 : f32
    %lt3A_3138 = vector.broadcast %lt3A_3137 : f32 to vector<16xf32>
    %lt3A_3139 = arith.cmpf olt, %get3A_3107, %lt3A_3138 : vector<16xf32>
    %jit3A_3140 = arith.constant 768 : i32
    %jit3A_3141 = arith.constant 0 : i32
    %broadcast_in_dim3A_3142 = vector.broadcast %jit3A_3140 : i32 to vector<16xi32>
    %broadcast_in_dim3A_3143 = vector.broadcast %jit3A_3141 : i32 to vector<16xi32>
    %select_n3A_3144 = arith.select %lt3A_3139, %broadcast_in_dim3A_3142, %broadcast_in_dim3A_3143 : vector<16xi1>, vector<16xi32>
    %mul3A_3145 = arith.constant 26 : i32
    %mul3A_3146 = vector.broadcast %mul3A_3145 : i32 to vector<16xi32>
    %mul3A_3147 = arith.muli %convert_element_type3A_3114, %mul3A_3146 : vector<16xi32>
    %add3A_3148 = arith.addi %mul3A_3147, %convert_element_type3A_3121 : vector<16xi32>
    %add3A_3149 = arith.constant 27 : i32
    %add3A_3150 = vector.broadcast %add3A_3149 : i32 to vector<16xi32>
    %add3A_3151 = arith.addi %add3A_3148, %add3A_3150 : vector<16xi32>
    %add3A_3152 = arith.addi %add3A_3151, %select_n3A_3144 : vector<16xi32>
    %jit3A_3153 = arith.constant 0 : i32
    %broadcast_in_dim3A_3154 = vector.broadcast %jit3A_3153 : i32 to vector<16xi32>
    %select_n3A_3155 = arith.select %and3A_3136, %add3A_3152, %broadcast_in_dim3A_3154 : vector<16xi1>, vector<16xi32>
    %abs3A_3156 = math.absf %get3A_3107 : vector<16xf32>
    tpu.vector_store_idx %arg9[%select_n3A_3155], %abs3A_3156 masked %and3A_3136 {add = true} : memref<1536xf32, #tpu.memory_space<vmem>>[vector<16xi32>], vector<16xf32>, vector<16xi1>
    %get3A_3157 = arith.constant 864 : index
    %get3A_3158 = tpu.vector_load %arg6[%get3A_3157] {strides = array<i32>} : memref<1024xf32, #tpu.memory_space<vmem>>, vector<16xf32>,
    %get3A_3159 = arith.constant 864 : index
    %get3A_3160 = tpu.vector_load %arg7[%get3A_3159] {strides = array<i32>} : memref<1024xf32, #tpu.memory_space<vmem>>, vector<16xf32>,
    %get3A_3161 = arith.constant 864 : index
    %get3A_3162 = tpu.vector_load %arg8[%get3A_3161] {strides = array<i32>} : memref<1024xf32, #tpu.memory_space<vmem>>, vector<16xf32>,
    %add3A_3163 = arith.constant 3.000000e+00 : f32
    %add3A_3164 = vector.broadcast %add3A_3163 : f32 to vector<16xf32>
    %add3A_3165 = arith.addf %get3A_3158, %add3A_3164 : vector<16xf32>
    %mul3A_3166 = arith.constant 4.000000e+00 : f32
    %mul3A_3167 = vector.broadcast %mul3A_3166 : f32 to vector<16xf32>
    %mul3A_3168 = arith.mulf %add3A_3165, %mul3A_3167 : vector<16xf32>
    %convert_element_type3A_3169 = arith.fptosi %mul3A_3168 : vector<16xf32> to vector<16xi32>
    %add3A_3170 = arith.constant 3.000000e+00 : f32
    %add3A_3171 = vector.broadcast %add3A_3170 : f32 to vector<16xf32>
    %add3A_3172 = arith.addf %get3A_3160, %add3A_3171 : vector<16xf32>
    %mul3A_3173 = arith.constant 4.000000e+00 : f32
    %mul3A_3174 = vector.broadcast %mul3A_3173 : f32 to vector<16xf32>
    %mul3A_3175 = arith.mulf %add3A_3172, %mul3A_3174 : vector<16xf32>
    %convert_element_type3A_3176 = arith.fptosi %mul3A_3175 : vector<16xf32> to vector<16xi32>
    %ge3A_3177 = arith.constant 0 : i32
    %ge3A_3178 = vector.broadcast %ge3A_3177 : i32 to vector<16xi32>
    %ge3A_3179 = arith.cmpi sge, %convert_element_type3A_3169, %ge3A_3178 : vector<16xi32>
    %lt3A_3180 = arith.constant 24 : i32
    %lt3A_3181 = vector.broadcast %lt3A_3180 : i32 to vector<16xi32>
    %lt3A_3182 = arith.cmpi slt, %convert_element_type3A_3169, %lt3A_3181 : vector<16xi32>
    %and3A_3183 = arith.andi %ge3A_3179, %lt3A_3182 : vector<16xi1>
    %ge3A_3184 = arith.constant 0 : i32
    %ge3A_3185 = vector.broadcast %ge3A_3184 : i32 to vector<16xi32>
    %ge3A_3186 = arith.cmpi sge, %convert_element_type3A_3176, %ge3A_3185 : vector<16xi32>
    %and3A_3187 = arith.andi %and3A_3183, %ge3A_3186 : vector<16xi1>
    %lt3A_3188 = arith.constant 24 : i32
    %lt3A_3189 = vector.broadcast %lt3A_3188 : i32 to vector<16xi32>
    %lt3A_3190 = arith.cmpi slt, %convert_element_type3A_3176, %lt3A_3189 : vector<16xi32>
    %and3A_3191 = arith.andi %and3A_3187, %lt3A_3190 : vector<16xi1>
    %lt3A_3192 = arith.constant 0.000000e+00 : f32
    %lt3A_3193 = vector.broadcast %lt3A_3192 : f32 to vector<16xf32>
    %lt3A_3194 = arith.cmpf olt, %get3A_3162, %lt3A_3193 : vector<16xf32>
    %jit3A_3195 = arith.constant 768 : i32
    %jit3A_3196 = arith.constant 0 : i32
    %broadcast_in_dim3A_3197 = vector.broadcast %jit3A_3195 : i32 to vector<16xi32>
    %broadcast_in_dim3A_3198 = vector.broadcast %jit3A_3196 : i32 to vector<16xi32>
    %select_n3A_3199 = arith.select %lt3A_3194, %broadcast_in_dim3A_3197, %broadcast_in_dim3A_3198 : vector<16xi1>, vector<16xi32>
    %mul3A_3200 = arith.constant 26 : i32
    %mul3A_3201 = vector.broadcast %mul3A_3200 : i32 to vector<16xi32>
    %mul3A_3202 = arith.muli %convert_element_type3A_3169, %mul3A_3201 : vector<16xi32>
    %add3A_3203 = arith.addi %mul3A_3202, %convert_element_type3A_3176 : vector<16xi32>
    %add3A_3204 = arith.constant 27 : i32
    %add3A_3205 = vector.broadcast %add3A_3204 : i32 to vector<16xi32>
    %add3A_3206 = arith.addi %add3A_3203, %add3A_3205 : vector<16xi32>
    %add3A_3207 = arith.addi %add3A_3206, %select_n3A_3199 : vector<16xi32>
    %jit3A_3208 = arith.constant 0 : i32
    %broadcast_in_dim3A_3209 = vector.broadcast %jit3A_3208 : i32 to vector<16xi32>
    %select_n3A_3210 = arith.select %and3A_3191, %add3A_3207, %broadcast_in_dim3A_3209 : vector<16xi1>, vector<16xi32>
    %abs3A_3211 = math.absf %get3A_3162 : vector<16xf32>
    tpu.vector_store_idx %arg9[%select_n3A_3210], %abs3A_3211 masked %and3A_3191 {add = true} : memref<1536xf32, #tpu.memory_space<vmem>>[vector<16xi32>], vector<16xf32>, vector<16xi1>
    %get3A_3212 = arith.constant 880 : index
    %get3A_3213 = tpu.vector_load %arg6[%get3A_3212] {strides = array<i32>} : memref<1024xf32, #tpu.memory_space<vmem>>, vector<16xf32>,
    %get3A_3214 = arith.constant 880 : index
    %get3A_3215 = tpu.vector_load %arg7[%get3A_3214] {strides = array<i32>} : memref<1024xf32, #tpu.memory_space<vmem>>, vector<16xf32>,
    %get3A_3216 = arith.constant 880 : index
    %get3A_3217 = tpu.vector_load %arg8[%get3A_3216] {strides = array<i32>} : memref<1024xf32, #tpu.memory_space<vmem>>, vector<16xf32>,
    %add3A_3218 = arith.constant 3.000000e+00 : f32
    %add3A_3219 = vector.broadcast %add3A_3218 : f32 to vector<16xf32>
    %add3A_3220 = arith.addf %get3A_3213, %add3A_3219 : vector<16xf32>
    %mul3A_3221 = arith.constant 4.000000e+00 : f32
    %mul3A_3222 = vector.broadcast %mul3A_3221 : f32 to vector<16xf32>
    %mul3A_3223 = arith.mulf %add3A_3220, %mul3A_3222 : vector<16xf32>
    %convert_element_type3A_3224 = arith.fptosi %mul3A_3223 : vector<16xf32> to vector<16xi32>
    %add3A_3225 = arith.constant 3.000000e+00 : f32
    %add3A_3226 = vector.broadcast %add3A_3225 : f32 to vector<16xf32>
    %add3A_3227 = arith.addf %get3A_3215, %add3A_3226 : vector<16xf32>
    %mul3A_3228 = arith.constant 4.000000e+00 : f32
    %mul3A_3229 = vector.broadcast %mul3A_3228 : f32 to vector<16xf32>
    %mul3A_3230 = arith.mulf %add3A_3227, %mul3A_3229 : vector<16xf32>
    %convert_element_type3A_3231 = arith.fptosi %mul3A_3230 : vector<16xf32> to vector<16xi32>
    %ge3A_3232 = arith.constant 0 : i32
    %ge3A_3233 = vector.broadcast %ge3A_3232 : i32 to vector<16xi32>
    %ge3A_3234 = arith.cmpi sge, %convert_element_type3A_3224, %ge3A_3233 : vector<16xi32>
    %lt3A_3235 = arith.constant 24 : i32
    %lt3A_3236 = vector.broadcast %lt3A_3235 : i32 to vector<16xi32>
    %lt3A_3237 = arith.cmpi slt, %convert_element_type3A_3224, %lt3A_3236 : vector<16xi32>
    %and3A_3238 = arith.andi %ge3A_3234, %lt3A_3237 : vector<16xi1>
    %ge3A_3239 = arith.constant 0 : i32
    %ge3A_3240 = vector.broadcast %ge3A_3239 : i32 to vector<16xi32>
    %ge3A_3241 = arith.cmpi sge, %convert_element_type3A_3231, %ge3A_3240 : vector<16xi32>
    %and3A_3242 = arith.andi %and3A_3238, %ge3A_3241 : vector<16xi1>
    %lt3A_3243 = arith.constant 24 : i32
    %lt3A_3244 = vector.broadcast %lt3A_3243 : i32 to vector<16xi32>
    %lt3A_3245 = arith.cmpi slt, %convert_element_type3A_3231, %lt3A_3244 : vector<16xi32>
    %and3A_3246 = arith.andi %and3A_3242, %lt3A_3245 : vector<16xi1>
    %lt3A_3247 = arith.constant 0.000000e+00 : f32
    %lt3A_3248 = vector.broadcast %lt3A_3247 : f32 to vector<16xf32>
    %lt3A_3249 = arith.cmpf olt, %get3A_3217, %lt3A_3248 : vector<16xf32>
    %jit3A_3250 = arith.constant 768 : i32
    %jit3A_3251 = arith.constant 0 : i32
    %broadcast_in_dim3A_3252 = vector.broadcast %jit3A_3250 : i32 to vector<16xi32>
    %broadcast_in_dim3A_3253 = vector.broadcast %jit3A_3251 : i32 to vector<16xi32>
    %select_n3A_3254 = arith.select %lt3A_3249, %broadcast_in_dim3A_3252, %broadcast_in_dim3A_3253 : vector<16xi1>, vector<16xi32>
    %mul3A_3255 = arith.constant 26 : i32
    %mul3A_3256 = vector.broadcast %mul3A_3255 : i32 to vector<16xi32>
    %mul3A_3257 = arith.muli %convert_element_type3A_3224, %mul3A_3256 : vector<16xi32>
    %add3A_3258 = arith.addi %mul3A_3257, %convert_element_type3A_3231 : vector<16xi32>
    %add3A_3259 = arith.constant 27 : i32
    %add3A_3260 = vector.broadcast %add3A_3259 : i32 to vector<16xi32>
    %add3A_3261 = arith.addi %add3A_3258, %add3A_3260 : vector<16xi32>
    %add3A_3262 = arith.addi %add3A_3261, %select_n3A_3254 : vector<16xi32>
    %jit3A_3263 = arith.constant 0 : i32
    %broadcast_in_dim3A_3264 = vector.broadcast %jit3A_3263 : i32 to vector<16xi32>
    %select_n3A_3265 = arith.select %and3A_3246, %add3A_3262, %broadcast_in_dim3A_3264 : vector<16xi1>, vector<16xi32>
    %abs3A_3266 = math.absf %get3A_3217 : vector<16xf32>
    tpu.vector_store_idx %arg9[%select_n3A_3265], %abs3A_3266 masked %and3A_3246 {add = true} : memref<1536xf32, #tpu.memory_space<vmem>>[vector<16xi32>], vector<16xf32>, vector<16xi1>
    %get3A_3267 = arith.constant 896 : index
    %get3A_3268 = tpu.vector_load %arg6[%get3A_3267] {strides = array<i32>} : memref<1024xf32, #tpu.memory_space<vmem>>, vector<16xf32>,
    %get3A_3269 = arith.constant 896 : index
    %get3A_3270 = tpu.vector_load %arg7[%get3A_3269] {strides = array<i32>} : memref<1024xf32, #tpu.memory_space<vmem>>, vector<16xf32>,
    %get3A_3271 = arith.constant 896 : index
    %get3A_3272 = tpu.vector_load %arg8[%get3A_3271] {strides = array<i32>} : memref<1024xf32, #tpu.memory_space<vmem>>, vector<16xf32>,
    %add3A_3273 = arith.constant 3.000000e+00 : f32
    %add3A_3274 = vector.broadcast %add3A_3273 : f32 to vector<16xf32>
    %add3A_3275 = arith.addf %get3A_3268, %add3A_3274 : vector<16xf32>
    %mul3A_3276 = arith.constant 4.000000e+00 : f32
    %mul3A_3277 = vector.broadcast %mul3A_3276 : f32 to vector<16xf32>
    %mul3A_3278 = arith.mulf %add3A_3275, %mul3A_3277 : vector<16xf32>
    %convert_element_type3A_3279 = arith.fptosi %mul3A_3278 : vector<16xf32> to vector<16xi32>
    %add3A_3280 = arith.constant 3.000000e+00 : f32
    %add3A_3281 = vector.broadcast %add3A_3280 : f32 to vector<16xf32>
    %add3A_3282 = arith.addf %get3A_3270, %add3A_3281 : vector<16xf32>
    %mul3A_3283 = arith.constant 4.000000e+00 : f32
    %mul3A_3284 = vector.broadcast %mul3A_3283 : f32 to vector<16xf32>
    %mul3A_3285 = arith.mulf %add3A_3282, %mul3A_3284 : vector<16xf32>
    %convert_element_type3A_3286 = arith.fptosi %mul3A_3285 : vector<16xf32> to vector<16xi32>
    %ge3A_3287 = arith.constant 0 : i32
    %ge3A_3288 = vector.broadcast %ge3A_3287 : i32 to vector<16xi32>
    %ge3A_3289 = arith.cmpi sge, %convert_element_type3A_3279, %ge3A_3288 : vector<16xi32>
    %lt3A_3290 = arith.constant 24 : i32
    %lt3A_3291 = vector.broadcast %lt3A_3290 : i32 to vector<16xi32>
    %lt3A_3292 = arith.cmpi slt, %convert_element_type3A_3279, %lt3A_3291 : vector<16xi32>
    %and3A_3293 = arith.andi %ge3A_3289, %lt3A_3292 : vector<16xi1>
    %ge3A_3294 = arith.constant 0 : i32
    %ge3A_3295 = vector.broadcast %ge3A_3294 : i32 to vector<16xi32>
    %ge3A_3296 = arith.cmpi sge, %convert_element_type3A_3286, %ge3A_3295 : vector<16xi32>
    %and3A_3297 = arith.andi %and3A_3293, %ge3A_3296 : vector<16xi1>
    %lt3A_3298 = arith.constant 24 : i32
    %lt3A_3299 = vector.broadcast %lt3A_3298 : i32 to vector<16xi32>
    %lt3A_3300 = arith.cmpi slt, %convert_element_type3A_3286, %lt3A_3299 : vector<16xi32>
    %and3A_3301 = arith.andi %and3A_3297, %lt3A_3300 : vector<16xi1>
    %lt3A_3302 = arith.constant 0.000000e+00 : f32
    %lt3A_3303 = vector.broadcast %lt3A_3302 : f32 to vector<16xf32>
    %lt3A_3304 = arith.cmpf olt, %get3A_3272, %lt3A_3303 : vector<16xf32>
    %jit3A_3305 = arith.constant 768 : i32
    %jit3A_3306 = arith.constant 0 : i32
    %broadcast_in_dim3A_3307 = vector.broadcast %jit3A_3305 : i32 to vector<16xi32>
    %broadcast_in_dim3A_3308 = vector.broadcast %jit3A_3306 : i32 to vector<16xi32>
    %select_n3A_3309 = arith.select %lt3A_3304, %broadcast_in_dim3A_3307, %broadcast_in_dim3A_3308 : vector<16xi1>, vector<16xi32>
    %mul3A_3310 = arith.constant 26 : i32
    %mul3A_3311 = vector.broadcast %mul3A_3310 : i32 to vector<16xi32>
    %mul3A_3312 = arith.muli %convert_element_type3A_3279, %mul3A_3311 : vector<16xi32>
    %add3A_3313 = arith.addi %mul3A_3312, %convert_element_type3A_3286 : vector<16xi32>
    %add3A_3314 = arith.constant 27 : i32
    %add3A_3315 = vector.broadcast %add3A_3314 : i32 to vector<16xi32>
    %add3A_3316 = arith.addi %add3A_3313, %add3A_3315 : vector<16xi32>
    %add3A_3317 = arith.addi %add3A_3316, %select_n3A_3309 : vector<16xi32>
    %jit3A_3318 = arith.constant 0 : i32
    %broadcast_in_dim3A_3319 = vector.broadcast %jit3A_3318 : i32 to vector<16xi32>
    %select_n3A_3320 = arith.select %and3A_3301, %add3A_3317, %broadcast_in_dim3A_3319 : vector<16xi1>, vector<16xi32>
    %abs3A_3321 = math.absf %get3A_3272 : vector<16xf32>
    tpu.vector_store_idx %arg9[%select_n3A_3320], %abs3A_3321 masked %and3A_3301 {add = true} : memref<1536xf32, #tpu.memory_space<vmem>>[vector<16xi32>], vector<16xf32>, vector<16xi1>
    %get3A_3322 = arith.constant 912 : index
    %get3A_3323 = tpu.vector_load %arg6[%get3A_3322] {strides = array<i32>} : memref<1024xf32, #tpu.memory_space<vmem>>, vector<16xf32>,
    %get3A_3324 = arith.constant 912 : index
    %get3A_3325 = tpu.vector_load %arg7[%get3A_3324] {strides = array<i32>} : memref<1024xf32, #tpu.memory_space<vmem>>, vector<16xf32>,
    %get3A_3326 = arith.constant 912 : index
    %get3A_3327 = tpu.vector_load %arg8[%get3A_3326] {strides = array<i32>} : memref<1024xf32, #tpu.memory_space<vmem>>, vector<16xf32>,
    %add3A_3328 = arith.constant 3.000000e+00 : f32
    %add3A_3329 = vector.broadcast %add3A_3328 : f32 to vector<16xf32>
    %add3A_3330 = arith.addf %get3A_3323, %add3A_3329 : vector<16xf32>
    %mul3A_3331 = arith.constant 4.000000e+00 : f32
    %mul3A_3332 = vector.broadcast %mul3A_3331 : f32 to vector<16xf32>
    %mul3A_3333 = arith.mulf %add3A_3330, %mul3A_3332 : vector<16xf32>
    %convert_element_type3A_3334 = arith.fptosi %mul3A_3333 : vector<16xf32> to vector<16xi32>
    %add3A_3335 = arith.constant 3.000000e+00 : f32
    %add3A_3336 = vector.broadcast %add3A_3335 : f32 to vector<16xf32>
    %add3A_3337 = arith.addf %get3A_3325, %add3A_3336 : vector<16xf32>
    %mul3A_3338 = arith.constant 4.000000e+00 : f32
    %mul3A_3339 = vector.broadcast %mul3A_3338 : f32 to vector<16xf32>
    %mul3A_3340 = arith.mulf %add3A_3337, %mul3A_3339 : vector<16xf32>
    %convert_element_type3A_3341 = arith.fptosi %mul3A_3340 : vector<16xf32> to vector<16xi32>
    %ge3A_3342 = arith.constant 0 : i32
    %ge3A_3343 = vector.broadcast %ge3A_3342 : i32 to vector<16xi32>
    %ge3A_3344 = arith.cmpi sge, %convert_element_type3A_3334, %ge3A_3343 : vector<16xi32>
    %lt3A_3345 = arith.constant 24 : i32
    %lt3A_3346 = vector.broadcast %lt3A_3345 : i32 to vector<16xi32>
    %lt3A_3347 = arith.cmpi slt, %convert_element_type3A_3334, %lt3A_3346 : vector<16xi32>
    %and3A_3348 = arith.andi %ge3A_3344, %lt3A_3347 : vector<16xi1>
    %ge3A_3349 = arith.constant 0 : i32
    %ge3A_3350 = vector.broadcast %ge3A_3349 : i32 to vector<16xi32>
    %ge3A_3351 = arith.cmpi sge, %convert_element_type3A_3341, %ge3A_3350 : vector<16xi32>
    %and3A_3352 = arith.andi %and3A_3348, %ge3A_3351 : vector<16xi1>
    %lt3A_3353 = arith.constant 24 : i32
    %lt3A_3354 = vector.broadcast %lt3A_3353 : i32 to vector<16xi32>
    %lt3A_3355 = arith.cmpi slt, %convert_element_type3A_3341, %lt3A_3354 : vector<16xi32>
    %and3A_3356 = arith.andi %and3A_3352, %lt3A_3355 : vector<16xi1>
    %lt3A_3357 = arith.constant 0.000000e+00 : f32
    %lt3A_3358 = vector.broadcast %lt3A_3357 : f32 to vector<16xf32>
    %lt3A_3359 = arith.cmpf olt, %get3A_3327, %lt3A_3358 : vector<16xf32>
    %jit3A_3360 = arith.constant 768 : i32
    %jit3A_3361 = arith.constant 0 : i32
    %broadcast_in_dim3A_3362 = vector.broadcast %jit3A_3360 : i32 to vector<16xi32>
    %broadcast_in_dim3A_3363 = vector.broadcast %jit3A_3361 : i32 to vector<16xi32>
    %select_n3A_3364 = arith.select %lt3A_3359, %broadcast_in_dim3A_3362, %broadcast_in_dim3A_3363 : vector<16xi1>, vector<16xi32>
    %mul3A_3365 = arith.constant 26 : i32
    %mul3A_3366 = vector.broadcast %mul3A_3365 : i32 to vector<16xi32>
    %mul3A_3367 = arith.muli %convert_element_type3A_3334, %mul3A_3366 : vector<16xi32>
    %add3A_3368 = arith.addi %mul3A_3367, %convert_element_type3A_3341 : vector<16xi32>
    %add3A_3369 = arith.constant 27 : i32
    %add3A_3370 = vector.broadcast %add3A_3369 : i32 to vector<16xi32>
    %add3A_3371 = arith.addi %add3A_3368, %add3A_3370 : vector<16xi32>
    %add3A_3372 = arith.addi %add3A_3371, %select_n3A_3364 : vector<16xi32>
    %jit3A_3373 = arith.constant 0 : i32
    %broadcast_in_dim3A_3374 = vector.broadcast %jit3A_3373 : i32 to vector<16xi32>
    %select_n3A_3375 = arith.select %and3A_3356, %add3A_3372, %broadcast_in_dim3A_3374 : vector<16xi1>, vector<16xi32>
    %abs3A_3376 = math.absf %get3A_3327 : vector<16xf32>
    tpu.vector_store_idx %arg9[%select_n3A_3375], %abs3A_3376 masked %and3A_3356 {add = true} : memref<1536xf32, #tpu.memory_space<vmem>>[vector<16xi32>], vector<16xf32>, vector<16xi1>
    %get3A_3377 = arith.constant 928 : index
    %get3A_3378 = tpu.vector_load %arg6[%get3A_3377] {strides = array<i32>} : memref<1024xf32, #tpu.memory_space<vmem>>, vector<16xf32>,
    %get3A_3379 = arith.constant 928 : index
    %get3A_3380 = tpu.vector_load %arg7[%get3A_3379] {strides = array<i32>} : memref<1024xf32, #tpu.memory_space<vmem>>, vector<16xf32>,
    %get3A_3381 = arith.constant 928 : index
    %get3A_3382 = tpu.vector_load %arg8[%get3A_3381] {strides = array<i32>} : memref<1024xf32, #tpu.memory_space<vmem>>, vector<16xf32>,
    %add3A_3383 = arith.constant 3.000000e+00 : f32
    %add3A_3384 = vector.broadcast %add3A_3383 : f32 to vector<16xf32>
    %add3A_3385 = arith.addf %get3A_3378, %add3A_3384 : vector<16xf32>
    %mul3A_3386 = arith.constant 4.000000e+00 : f32
    %mul3A_3387 = vector.broadcast %mul3A_3386 : f32 to vector<16xf32>
    %mul3A_3388 = arith.mulf %add3A_3385, %mul3A_3387 : vector<16xf32>
    %convert_element_type3A_3389 = arith.fptosi %mul3A_3388 : vector<16xf32> to vector<16xi32>
    %add3A_3390 = arith.constant 3.000000e+00 : f32
    %add3A_3391 = vector.broadcast %add3A_3390 : f32 to vector<16xf32>
    %add3A_3392 = arith.addf %get3A_3380, %add3A_3391 : vector<16xf32>
    %mul3A_3393 = arith.constant 4.000000e+00 : f32
    %mul3A_3394 = vector.broadcast %mul3A_3393 : f32 to vector<16xf32>
    %mul3A_3395 = arith.mulf %add3A_3392, %mul3A_3394 : vector<16xf32>
    %convert_element_type3A_3396 = arith.fptosi %mul3A_3395 : vector<16xf32> to vector<16xi32>
    %ge3A_3397 = arith.constant 0 : i32
    %ge3A_3398 = vector.broadcast %ge3A_3397 : i32 to vector<16xi32>
    %ge3A_3399 = arith.cmpi sge, %convert_element_type3A_3389, %ge3A_3398 : vector<16xi32>
    %lt3A_3400 = arith.constant 24 : i32
    %lt3A_3401 = vector.broadcast %lt3A_3400 : i32 to vector<16xi32>
    %lt3A_3402 = arith.cmpi slt, %convert_element_type3A_3389, %lt3A_3401 : vector<16xi32>
    %and3A_3403 = arith.andi %ge3A_3399, %lt3A_3402 : vector<16xi1>
    %ge3A_3404 = arith.constant 0 : i32
    %ge3A_3405 = vector.broadcast %ge3A_3404 : i32 to vector<16xi32>
    %ge3A_3406 = arith.cmpi sge, %convert_element_type3A_3396, %ge3A_3405 : vector<16xi32>
    %and3A_3407 = arith.andi %and3A_3403, %ge3A_3406 : vector<16xi1>
    %lt3A_3408 = arith.constant 24 : i32
    %lt3A_3409 = vector.broadcast %lt3A_3408 : i32 to vector<16xi32>
    %lt3A_3410 = arith.cmpi slt, %convert_element_type3A_3396, %lt3A_3409 : vector<16xi32>
    %and3A_3411 = arith.andi %and3A_3407, %lt3A_3410 : vector<16xi1>
    %lt3A_3412 = arith.constant 0.000000e+00 : f32
    %lt3A_3413 = vector.broadcast %lt3A_3412 : f32 to vector<16xf32>
    %lt3A_3414 = arith.cmpf olt, %get3A_3382, %lt3A_3413 : vector<16xf32>
    %jit3A_3415 = arith.constant 768 : i32
    %jit3A_3416 = arith.constant 0 : i32
    %broadcast_in_dim3A_3417 = vector.broadcast %jit3A_3415 : i32 to vector<16xi32>
    %broadcast_in_dim3A_3418 = vector.broadcast %jit3A_3416 : i32 to vector<16xi32>
    %select_n3A_3419 = arith.select %lt3A_3414, %broadcast_in_dim3A_3417, %broadcast_in_dim3A_3418 : vector<16xi1>, vector<16xi32>
    %mul3A_3420 = arith.constant 26 : i32
    %mul3A_3421 = vector.broadcast %mul3A_3420 : i32 to vector<16xi32>
    %mul3A_3422 = arith.muli %convert_element_type3A_3389, %mul3A_3421 : vector<16xi32>
    %add3A_3423 = arith.addi %mul3A_3422, %convert_element_type3A_3396 : vector<16xi32>
    %add3A_3424 = arith.constant 27 : i32
    %add3A_3425 = vector.broadcast %add3A_3424 : i32 to vector<16xi32>
    %add3A_3426 = arith.addi %add3A_3423, %add3A_3425 : vector<16xi32>
    %add3A_3427 = arith.addi %add3A_3426, %select_n3A_3419 : vector<16xi32>
    %jit3A_3428 = arith.constant 0 : i32
    %broadcast_in_dim3A_3429 = vector.broadcast %jit3A_3428 : i32 to vector<16xi32>
    %select_n3A_3430 = arith.select %and3A_3411, %add3A_3427, %broadcast_in_dim3A_3429 : vector<16xi1>, vector<16xi32>
    %abs3A_3431 = math.absf %get3A_3382 : vector<16xf32>
    tpu.vector_store_idx %arg9[%select_n3A_3430], %abs3A_3431 masked %and3A_3411 {add = true} : memref<1536xf32, #tpu.memory_space<vmem>>[vector<16xi32>], vector<16xf32>, vector<16xi1>
    %get3A_3432 = arith.constant 944 : index
    %get3A_3433 = tpu.vector_load %arg6[%get3A_3432] {strides = array<i32>} : memref<1024xf32, #tpu.memory_space<vmem>>, vector<16xf32>,
    %get3A_3434 = arith.constant 944 : index
    %get3A_3435 = tpu.vector_load %arg7[%get3A_3434] {strides = array<i32>} : memref<1024xf32, #tpu.memory_space<vmem>>, vector<16xf32>,
    %get3A_3436 = arith.constant 944 : index
    %get3A_3437 = tpu.vector_load %arg8[%get3A_3436] {strides = array<i32>} : memref<1024xf32, #tpu.memory_space<vmem>>, vector<16xf32>,
    %add3A_3438 = arith.constant 3.000000e+00 : f32
    %add3A_3439 = vector.broadcast %add3A_3438 : f32 to vector<16xf32>
    %add3A_3440 = arith.addf %get3A_3433, %add3A_3439 : vector<16xf32>
    %mul3A_3441 = arith.constant 4.000000e+00 : f32
    %mul3A_3442 = vector.broadcast %mul3A_3441 : f32 to vector<16xf32>
    %mul3A_3443 = arith.mulf %add3A_3440, %mul3A_3442 : vector<16xf32>
    %convert_element_type3A_3444 = arith.fptosi %mul3A_3443 : vector<16xf32> to vector<16xi32>
    %add3A_3445 = arith.constant 3.000000e+00 : f32
    %add3A_3446 = vector.broadcast %add3A_3445 : f32 to vector<16xf32>
    %add3A_3447 = arith.addf %get3A_3435, %add3A_3446 : vector<16xf32>
    %mul3A_3448 = arith.constant 4.000000e+00 : f32
    %mul3A_3449 = vector.broadcast %mul3A_3448 : f32 to vector<16xf32>
    %mul3A_3450 = arith.mulf %add3A_3447, %mul3A_3449 : vector<16xf32>
    %convert_element_type3A_3451 = arith.fptosi %mul3A_3450 : vector<16xf32> to vector<16xi32>
    %ge3A_3452 = arith.constant 0 : i32
    %ge3A_3453 = vector.broadcast %ge3A_3452 : i32 to vector<16xi32>
    %ge3A_3454 = arith.cmpi sge, %convert_element_type3A_3444, %ge3A_3453 : vector<16xi32>
    %lt3A_3455 = arith.constant 24 : i32
    %lt3A_3456 = vector.broadcast %lt3A_3455 : i32 to vector<16xi32>
    %lt3A_3457 = arith.cmpi slt, %convert_element_type3A_3444, %lt3A_3456 : vector<16xi32>
    %and3A_3458 = arith.andi %ge3A_3454, %lt3A_3457 : vector<16xi1>
    %ge3A_3459 = arith.constant 0 : i32
    %ge3A_3460 = vector.broadcast %ge3A_3459 : i32 to vector<16xi32>
    %ge3A_3461 = arith.cmpi sge, %convert_element_type3A_3451, %ge3A_3460 : vector<16xi32>
    %and3A_3462 = arith.andi %and3A_3458, %ge3A_3461 : vector<16xi1>
    %lt3A_3463 = arith.constant 24 : i32
    %lt3A_3464 = vector.broadcast %lt3A_3463 : i32 to vector<16xi32>
    %lt3A_3465 = arith.cmpi slt, %convert_element_type3A_3451, %lt3A_3464 : vector<16xi32>
    %and3A_3466 = arith.andi %and3A_3462, %lt3A_3465 : vector<16xi1>
    %lt3A_3467 = arith.constant 0.000000e+00 : f32
    %lt3A_3468 = vector.broadcast %lt3A_3467 : f32 to vector<16xf32>
    %lt3A_3469 = arith.cmpf olt, %get3A_3437, %lt3A_3468 : vector<16xf32>
    %jit3A_3470 = arith.constant 768 : i32
    %jit3A_3471 = arith.constant 0 : i32
    %broadcast_in_dim3A_3472 = vector.broadcast %jit3A_3470 : i32 to vector<16xi32>
    %broadcast_in_dim3A_3473 = vector.broadcast %jit3A_3471 : i32 to vector<16xi32>
    %select_n3A_3474 = arith.select %lt3A_3469, %broadcast_in_dim3A_3472, %broadcast_in_dim3A_3473 : vector<16xi1>, vector<16xi32>
    %mul3A_3475 = arith.constant 26 : i32
    %mul3A_3476 = vector.broadcast %mul3A_3475 : i32 to vector<16xi32>
    %mul3A_3477 = arith.muli %convert_element_type3A_3444, %mul3A_3476 : vector<16xi32>
    %add3A_3478 = arith.addi %mul3A_3477, %convert_element_type3A_3451 : vector<16xi32>
    %add3A_3479 = arith.constant 27 : i32
    %add3A_3480 = vector.broadcast %add3A_3479 : i32 to vector<16xi32>
    %add3A_3481 = arith.addi %add3A_3478, %add3A_3480 : vector<16xi32>
    %add3A_3482 = arith.addi %add3A_3481, %select_n3A_3474 : vector<16xi32>
    %jit3A_3483 = arith.constant 0 : i32
    %broadcast_in_dim3A_3484 = vector.broadcast %jit3A_3483 : i32 to vector<16xi32>
    %select_n3A_3485 = arith.select %and3A_3466, %add3A_3482, %broadcast_in_dim3A_3484 : vector<16xi1>, vector<16xi32>
    %abs3A_3486 = math.absf %get3A_3437 : vector<16xf32>
    tpu.vector_store_idx %arg9[%select_n3A_3485], %abs3A_3486 masked %and3A_3466 {add = true} : memref<1536xf32, #tpu.memory_space<vmem>>[vector<16xi32>], vector<16xf32>, vector<16xi1>
    %get3A_3487 = arith.constant 960 : index
    %get3A_3488 = tpu.vector_load %arg6[%get3A_3487] {strides = array<i32>} : memref<1024xf32, #tpu.memory_space<vmem>>, vector<16xf32>,
    %get3A_3489 = arith.constant 960 : index
    %get3A_3490 = tpu.vector_load %arg7[%get3A_3489] {strides = array<i32>} : memref<1024xf32, #tpu.memory_space<vmem>>, vector<16xf32>,
    %get3A_3491 = arith.constant 960 : index
    %get3A_3492 = tpu.vector_load %arg8[%get3A_3491] {strides = array<i32>} : memref<1024xf32, #tpu.memory_space<vmem>>, vector<16xf32>,
    %add3A_3493 = arith.constant 3.000000e+00 : f32
    %add3A_3494 = vector.broadcast %add3A_3493 : f32 to vector<16xf32>
    %add3A_3495 = arith.addf %get3A_3488, %add3A_3494 : vector<16xf32>
    %mul3A_3496 = arith.constant 4.000000e+00 : f32
    %mul3A_3497 = vector.broadcast %mul3A_3496 : f32 to vector<16xf32>
    %mul3A_3498 = arith.mulf %add3A_3495, %mul3A_3497 : vector<16xf32>
    %convert_element_type3A_3499 = arith.fptosi %mul3A_3498 : vector<16xf32> to vector<16xi32>
    %add3A_3500 = arith.constant 3.000000e+00 : f32
    %add3A_3501 = vector.broadcast %add3A_3500 : f32 to vector<16xf32>
    %add3A_3502 = arith.addf %get3A_3490, %add3A_3501 : vector<16xf32>
    %mul3A_3503 = arith.constant 4.000000e+00 : f32
    %mul3A_3504 = vector.broadcast %mul3A_3503 : f32 to vector<16xf32>
    %mul3A_3505 = arith.mulf %add3A_3502, %mul3A_3504 : vector<16xf32>
    %convert_element_type3A_3506 = arith.fptosi %mul3A_3505 : vector<16xf32> to vector<16xi32>
    %ge3A_3507 = arith.constant 0 : i32
    %ge3A_3508 = vector.broadcast %ge3A_3507 : i32 to vector<16xi32>
    %ge3A_3509 = arith.cmpi sge, %convert_element_type3A_3499, %ge3A_3508 : vector<16xi32>
    %lt3A_3510 = arith.constant 24 : i32
    %lt3A_3511 = vector.broadcast %lt3A_3510 : i32 to vector<16xi32>
    %lt3A_3512 = arith.cmpi slt, %convert_element_type3A_3499, %lt3A_3511 : vector<16xi32>
    %and3A_3513 = arith.andi %ge3A_3509, %lt3A_3512 : vector<16xi1>
    %ge3A_3514 = arith.constant 0 : i32
    %ge3A_3515 = vector.broadcast %ge3A_3514 : i32 to vector<16xi32>
    %ge3A_3516 = arith.cmpi sge, %convert_element_type3A_3506, %ge3A_3515 : vector<16xi32>
    %and3A_3517 = arith.andi %and3A_3513, %ge3A_3516 : vector<16xi1>
    %lt3A_3518 = arith.constant 24 : i32
    %lt3A_3519 = vector.broadcast %lt3A_3518 : i32 to vector<16xi32>
    %lt3A_3520 = arith.cmpi slt, %convert_element_type3A_3506, %lt3A_3519 : vector<16xi32>
    %and3A_3521 = arith.andi %and3A_3517, %lt3A_3520 : vector<16xi1>
    %lt3A_3522 = arith.constant 0.000000e+00 : f32
    %lt3A_3523 = vector.broadcast %lt3A_3522 : f32 to vector<16xf32>
    %lt3A_3524 = arith.cmpf olt, %get3A_3492, %lt3A_3523 : vector<16xf32>
    %jit3A_3525 = arith.constant 768 : i32
    %jit3A_3526 = arith.constant 0 : i32
    %broadcast_in_dim3A_3527 = vector.broadcast %jit3A_3525 : i32 to vector<16xi32>
    %broadcast_in_dim3A_3528 = vector.broadcast %jit3A_3526 : i32 to vector<16xi32>
    %select_n3A_3529 = arith.select %lt3A_3524, %broadcast_in_dim3A_3527, %broadcast_in_dim3A_3528 : vector<16xi1>, vector<16xi32>
    %mul3A_3530 = arith.constant 26 : i32
    %mul3A_3531 = vector.broadcast %mul3A_3530 : i32 to vector<16xi32>
    %mul3A_3532 = arith.muli %convert_element_type3A_3499, %mul3A_3531 : vector<16xi32>
    %add3A_3533 = arith.addi %mul3A_3532, %convert_element_type3A_3506 : vector<16xi32>
    %add3A_3534 = arith.constant 27 : i32
    %add3A_3535 = vector.broadcast %add3A_3534 : i32 to vector<16xi32>
    %add3A_3536 = arith.addi %add3A_3533, %add3A_3535 : vector<16xi32>
    %add3A_3537 = arith.addi %add3A_3536, %select_n3A_3529 : vector<16xi32>
    %jit3A_3538 = arith.constant 0 : i32
    %broadcast_in_dim3A_3539 = vector.broadcast %jit3A_3538 : i32 to vector<16xi32>
    %select_n3A_3540 = arith.select %and3A_3521, %add3A_3537, %broadcast_in_dim3A_3539 : vector<16xi1>, vector<16xi32>
    %abs3A_3541 = math.absf %get3A_3492 : vector<16xf32>
    tpu.vector_store_idx %arg9[%select_n3A_3540], %abs3A_3541 masked %and3A_3521 {add = true} : memref<1536xf32, #tpu.memory_space<vmem>>[vector<16xi32>], vector<16xf32>, vector<16xi1>
    %get3A_3542 = arith.constant 976 : index
    %get3A_3543 = tpu.vector_load %arg6[%get3A_3542] {strides = array<i32>} : memref<1024xf32, #tpu.memory_space<vmem>>, vector<16xf32>,
    %get3A_3544 = arith.constant 976 : index
    %get3A_3545 = tpu.vector_load %arg7[%get3A_3544] {strides = array<i32>} : memref<1024xf32, #tpu.memory_space<vmem>>, vector<16xf32>,
    %get3A_3546 = arith.constant 976 : index
    %get3A_3547 = tpu.vector_load %arg8[%get3A_3546] {strides = array<i32>} : memref<1024xf32, #tpu.memory_space<vmem>>, vector<16xf32>,
    %add3A_3548 = arith.constant 3.000000e+00 : f32
    %add3A_3549 = vector.broadcast %add3A_3548 : f32 to vector<16xf32>
    %add3A_3550 = arith.addf %get3A_3543, %add3A_3549 : vector<16xf32>
    %mul3A_3551 = arith.constant 4.000000e+00 : f32
    %mul3A_3552 = vector.broadcast %mul3A_3551 : f32 to vector<16xf32>
    %mul3A_3553 = arith.mulf %add3A_3550, %mul3A_3552 : vector<16xf32>
    %convert_element_type3A_3554 = arith.fptosi %mul3A_3553 : vector<16xf32> to vector<16xi32>
    %add3A_3555 = arith.constant 3.000000e+00 : f32
    %add3A_3556 = vector.broadcast %add3A_3555 : f32 to vector<16xf32>
    %add3A_3557 = arith.addf %get3A_3545, %add3A_3556 : vector<16xf32>
    %mul3A_3558 = arith.constant 4.000000e+00 : f32
    %mul3A_3559 = vector.broadcast %mul3A_3558 : f32 to vector<16xf32>
    %mul3A_3560 = arith.mulf %add3A_3557, %mul3A_3559 : vector<16xf32>
    %convert_element_type3A_3561 = arith.fptosi %mul3A_3560 : vector<16xf32> to vector<16xi32>
    %ge3A_3562 = arith.constant 0 : i32
    %ge3A_3563 = vector.broadcast %ge3A_3562 : i32 to vector<16xi32>
    %ge3A_3564 = arith.cmpi sge, %convert_element_type3A_3554, %ge3A_3563 : vector<16xi32>
    %lt3A_3565 = arith.constant 24 : i32
    %lt3A_3566 = vector.broadcast %lt3A_3565 : i32 to vector<16xi32>
    %lt3A_3567 = arith.cmpi slt, %convert_element_type3A_3554, %lt3A_3566 : vector<16xi32>
    %and3A_3568 = arith.andi %ge3A_3564, %lt3A_3567 : vector<16xi1>
    %ge3A_3569 = arith.constant 0 : i32
    %ge3A_3570 = vector.broadcast %ge3A_3569 : i32 to vector<16xi32>
    %ge3A_3571 = arith.cmpi sge, %convert_element_type3A_3561, %ge3A_3570 : vector<16xi32>
    %and3A_3572 = arith.andi %and3A_3568, %ge3A_3571 : vector<16xi1>
    %lt3A_3573 = arith.constant 24 : i32
    %lt3A_3574 = vector.broadcast %lt3A_3573 : i32 to vector<16xi32>
    %lt3A_3575 = arith.cmpi slt, %convert_element_type3A_3561, %lt3A_3574 : vector<16xi32>
    %and3A_3576 = arith.andi %and3A_3572, %lt3A_3575 : vector<16xi1>
    %lt3A_3577 = arith.constant 0.000000e+00 : f32
    %lt3A_3578 = vector.broadcast %lt3A_3577 : f32 to vector<16xf32>
    %lt3A_3579 = arith.cmpf olt, %get3A_3547, %lt3A_3578 : vector<16xf32>
    %jit3A_3580 = arith.constant 768 : i32
    %jit3A_3581 = arith.constant 0 : i32
    %broadcast_in_dim3A_3582 = vector.broadcast %jit3A_3580 : i32 to vector<16xi32>
    %broadcast_in_dim3A_3583 = vector.broadcast %jit3A_3581 : i32 to vector<16xi32>
    %select_n3A_3584 = arith.select %lt3A_3579, %broadcast_in_dim3A_3582, %broadcast_in_dim3A_3583 : vector<16xi1>, vector<16xi32>
    %mul3A_3585 = arith.constant 26 : i32
    %mul3A_3586 = vector.broadcast %mul3A_3585 : i32 to vector<16xi32>
    %mul3A_3587 = arith.muli %convert_element_type3A_3554, %mul3A_3586 : vector<16xi32>
    %add3A_3588 = arith.addi %mul3A_3587, %convert_element_type3A_3561 : vector<16xi32>
    %add3A_3589 = arith.constant 27 : i32
    %add3A_3590 = vector.broadcast %add3A_3589 : i32 to vector<16xi32>
    %add3A_3591 = arith.addi %add3A_3588, %add3A_3590 : vector<16xi32>
    %add3A_3592 = arith.addi %add3A_3591, %select_n3A_3584 : vector<16xi32>
    %jit3A_3593 = arith.constant 0 : i32
    %broadcast_in_dim3A_3594 = vector.broadcast %jit3A_3593 : i32 to vector<16xi32>
    %select_n3A_3595 = arith.select %and3A_3576, %add3A_3592, %broadcast_in_dim3A_3594 : vector<16xi1>, vector<16xi32>
    %abs3A_3596 = math.absf %get3A_3547 : vector<16xf32>
    tpu.vector_store_idx %arg9[%select_n3A_3595], %abs3A_3596 masked %and3A_3576 {add = true} : memref<1536xf32, #tpu.memory_space<vmem>>[vector<16xi32>], vector<16xf32>, vector<16xi1>
    %get3A_3597 = arith.constant 992 : index
    %get3A_3598 = tpu.vector_load %arg6[%get3A_3597] {strides = array<i32>} : memref<1024xf32, #tpu.memory_space<vmem>>, vector<16xf32>,
    %get3A_3599 = arith.constant 992 : index
    %get3A_3600 = tpu.vector_load %arg7[%get3A_3599] {strides = array<i32>} : memref<1024xf32, #tpu.memory_space<vmem>>, vector<16xf32>,
    %get3A_3601 = arith.constant 992 : index
    %get3A_3602 = tpu.vector_load %arg8[%get3A_3601] {strides = array<i32>} : memref<1024xf32, #tpu.memory_space<vmem>>, vector<16xf32>,
    %add3A_3603 = arith.constant 3.000000e+00 : f32
    %add3A_3604 = vector.broadcast %add3A_3603 : f32 to vector<16xf32>
    %add3A_3605 = arith.addf %get3A_3598, %add3A_3604 : vector<16xf32>
    %mul3A_3606 = arith.constant 4.000000e+00 : f32
    %mul3A_3607 = vector.broadcast %mul3A_3606 : f32 to vector<16xf32>
    %mul3A_3608 = arith.mulf %add3A_3605, %mul3A_3607 : vector<16xf32>
    %convert_element_type3A_3609 = arith.fptosi %mul3A_3608 : vector<16xf32> to vector<16xi32>
    %add3A_3610 = arith.constant 3.000000e+00 : f32
    %add3A_3611 = vector.broadcast %add3A_3610 : f32 to vector<16xf32>
    %add3A_3612 = arith.addf %get3A_3600, %add3A_3611 : vector<16xf32>
    %mul3A_3613 = arith.constant 4.000000e+00 : f32
    %mul3A_3614 = vector.broadcast %mul3A_3613 : f32 to vector<16xf32>
    %mul3A_3615 = arith.mulf %add3A_3612, %mul3A_3614 : vector<16xf32>
    %convert_element_type3A_3616 = arith.fptosi %mul3A_3615 : vector<16xf32> to vector<16xi32>
    %ge3A_3617 = arith.constant 0 : i32
    %ge3A_3618 = vector.broadcast %ge3A_3617 : i32 to vector<16xi32>
    %ge3A_3619 = arith.cmpi sge, %convert_element_type3A_3609, %ge3A_3618 : vector<16xi32>
    %lt3A_3620 = arith.constant 24 : i32
    %lt3A_3621 = vector.broadcast %lt3A_3620 : i32 to vector<16xi32>
    %lt3A_3622 = arith.cmpi slt, %convert_element_type3A_3609, %lt3A_3621 : vector<16xi32>
    %and3A_3623 = arith.andi %ge3A_3619, %lt3A_3622 : vector<16xi1>
    %ge3A_3624 = arith.constant 0 : i32
    %ge3A_3625 = vector.broadcast %ge3A_3624 : i32 to vector<16xi32>
    %ge3A_3626 = arith.cmpi sge, %convert_element_type3A_3616, %ge3A_3625 : vector<16xi32>
    %and3A_3627 = arith.andi %and3A_3623, %ge3A_3626 : vector<16xi1>
    %lt3A_3628 = arith.constant 24 : i32
    %lt3A_3629 = vector.broadcast %lt3A_3628 : i32 to vector<16xi32>
    %lt3A_3630 = arith.cmpi slt, %convert_element_type3A_3616, %lt3A_3629 : vector<16xi32>
    %and3A_3631 = arith.andi %and3A_3627, %lt3A_3630 : vector<16xi1>
    %lt3A_3632 = arith.constant 0.000000e+00 : f32
    %lt3A_3633 = vector.broadcast %lt3A_3632 : f32 to vector<16xf32>
    %lt3A_3634 = arith.cmpf olt, %get3A_3602, %lt3A_3633 : vector<16xf32>
    %jit3A_3635 = arith.constant 768 : i32
    %jit3A_3636 = arith.constant 0 : i32
    %broadcast_in_dim3A_3637 = vector.broadcast %jit3A_3635 : i32 to vector<16xi32>
    %broadcast_in_dim3A_3638 = vector.broadcast %jit3A_3636 : i32 to vector<16xi32>
    %select_n3A_3639 = arith.select %lt3A_3634, %broadcast_in_dim3A_3637, %broadcast_in_dim3A_3638 : vector<16xi1>, vector<16xi32>
    %mul3A_3640 = arith.constant 26 : i32
    %mul3A_3641 = vector.broadcast %mul3A_3640 : i32 to vector<16xi32>
    %mul3A_3642 = arith.muli %convert_element_type3A_3609, %mul3A_3641 : vector<16xi32>
    %add3A_3643 = arith.addi %mul3A_3642, %convert_element_type3A_3616 : vector<16xi32>
    %add3A_3644 = arith.constant 27 : i32
    %add3A_3645 = vector.broadcast %add3A_3644 : i32 to vector<16xi32>
    %add3A_3646 = arith.addi %add3A_3643, %add3A_3645 : vector<16xi32>
    %add3A_3647 = arith.addi %add3A_3646, %select_n3A_3639 : vector<16xi32>
    %jit3A_3648 = arith.constant 0 : i32
    %broadcast_in_dim3A_3649 = vector.broadcast %jit3A_3648 : i32 to vector<16xi32>
    %select_n3A_3650 = arith.select %and3A_3631, %add3A_3647, %broadcast_in_dim3A_3649 : vector<16xi1>, vector<16xi32>
    %abs3A_3651 = math.absf %get3A_3602 : vector<16xf32>
    tpu.vector_store_idx %arg9[%select_n3A_3650], %abs3A_3651 masked %and3A_3631 {add = true} : memref<1536xf32, #tpu.memory_space<vmem>>[vector<16xi32>], vector<16xf32>, vector<16xi1>
    %get3A_3652 = arith.constant 1008 : index
    %get3A_3653 = tpu.vector_load %arg6[%get3A_3652] {strides = array<i32>} : memref<1024xf32, #tpu.memory_space<vmem>>, vector<16xf32>,
    %get3A_3654 = arith.constant 1008 : index
    %get3A_3655 = tpu.vector_load %arg7[%get3A_3654] {strides = array<i32>} : memref<1024xf32, #tpu.memory_space<vmem>>, vector<16xf32>,
    %get3A_3656 = arith.constant 1008 : index
    %get3A_3657 = tpu.vector_load %arg8[%get3A_3656] {strides = array<i32>} : memref<1024xf32, #tpu.memory_space<vmem>>, vector<16xf32>,
    %add3A_3658 = arith.constant 3.000000e+00 : f32
    %add3A_3659 = vector.broadcast %add3A_3658 : f32 to vector<16xf32>
    %add3A_3660 = arith.addf %get3A_3653, %add3A_3659 : vector<16xf32>
    %mul3A_3661 = arith.constant 4.000000e+00 : f32
    %mul3A_3662 = vector.broadcast %mul3A_3661 : f32 to vector<16xf32>
    %mul3A_3663 = arith.mulf %add3A_3660, %mul3A_3662 : vector<16xf32>
    %convert_element_type3A_3664 = arith.fptosi %mul3A_3663 : vector<16xf32> to vector<16xi32>
    %add3A_3665 = arith.constant 3.000000e+00 : f32
    %add3A_3666 = vector.broadcast %add3A_3665 : f32 to vector<16xf32>
    %add3A_3667 = arith.addf %get3A_3655, %add3A_3666 : vector<16xf32>
    %mul3A_3668 = arith.constant 4.000000e+00 : f32
    %mul3A_3669 = vector.broadcast %mul3A_3668 : f32 to vector<16xf32>
    %mul3A_3670 = arith.mulf %add3A_3667, %mul3A_3669 : vector<16xf32>
    %convert_element_type3A_3671 = arith.fptosi %mul3A_3670 : vector<16xf32> to vector<16xi32>
    %ge3A_3672 = arith.constant 0 : i32
    %ge3A_3673 = vector.broadcast %ge3A_3672 : i32 to vector<16xi32>
    %ge3A_3674 = arith.cmpi sge, %convert_element_type3A_3664, %ge3A_3673 : vector<16xi32>
    %lt3A_3675 = arith.constant 24 : i32
    %lt3A_3676 = vector.broadcast %lt3A_3675 : i32 to vector<16xi32>
    %lt3A_3677 = arith.cmpi slt, %convert_element_type3A_3664, %lt3A_3676 : vector<16xi32>
    %and3A_3678 = arith.andi %ge3A_3674, %lt3A_3677 : vector<16xi1>
    %ge3A_3679 = arith.constant 0 : i32
    %ge3A_3680 = vector.broadcast %ge3A_3679 : i32 to vector<16xi32>
    %ge3A_3681 = arith.cmpi sge, %convert_element_type3A_3671, %ge3A_3680 : vector<16xi32>
    %and3A_3682 = arith.andi %and3A_3678, %ge3A_3681 : vector<16xi1>
    %lt3A_3683 = arith.constant 24 : i32
    %lt3A_3684 = vector.broadcast %lt3A_3683 : i32 to vector<16xi32>
    %lt3A_3685 = arith.cmpi slt, %convert_element_type3A_3671, %lt3A_3684 : vector<16xi32>
    %and3A_3686 = arith.andi %and3A_3682, %lt3A_3685 : vector<16xi1>
    %lt3A_3687 = arith.constant 0.000000e+00 : f32
    %lt3A_3688 = vector.broadcast %lt3A_3687 : f32 to vector<16xf32>
    %lt3A_3689 = arith.cmpf olt, %get3A_3657, %lt3A_3688 : vector<16xf32>
    %jit3A_3690 = arith.constant 768 : i32
    %jit3A_3691 = arith.constant 0 : i32
    %broadcast_in_dim3A_3692 = vector.broadcast %jit3A_3690 : i32 to vector<16xi32>
    %broadcast_in_dim3A_3693 = vector.broadcast %jit3A_3691 : i32 to vector<16xi32>
    %select_n3A_3694 = arith.select %lt3A_3689, %broadcast_in_dim3A_3692, %broadcast_in_dim3A_3693 : vector<16xi1>, vector<16xi32>
    %mul3A_3695 = arith.constant 26 : i32
    %mul3A_3696 = vector.broadcast %mul3A_3695 : i32 to vector<16xi32>
    %mul3A_3697 = arith.muli %convert_element_type3A_3664, %mul3A_3696 : vector<16xi32>
    %add3A_3698 = arith.addi %mul3A_3697, %convert_element_type3A_3671 : vector<16xi32>
    %add3A_3699 = arith.constant 27 : i32
    %add3A_3700 = vector.broadcast %add3A_3699 : i32 to vector<16xi32>
    %add3A_3701 = arith.addi %add3A_3698, %add3A_3700 : vector<16xi32>
    %add3A_3702 = arith.addi %add3A_3701, %select_n3A_3694 : vector<16xi32>
    %jit3A_3703 = arith.constant 0 : i32
    %broadcast_in_dim3A_3704 = vector.broadcast %jit3A_3703 : i32 to vector<16xi32>
    %select_n3A_3705 = arith.select %and3A_3686, %add3A_3702, %broadcast_in_dim3A_3704 : vector<16xi1>, vector<16xi32>
    %abs3A_3706 = math.absf %get3A_3657 : vector<16xf32>
    tpu.vector_store_idx %arg9[%select_n3A_3705], %abs3A_3706 masked %and3A_3686 {add = true} : memref<1536xf32, #tpu.memory_space<vmem>>[vector<16xi32>], vector<16xf32>, vector<16xi1>
    "tpu.region"() ({
      %run_scoped3A = tpu.sem_alloc : memref<!tpu.dma_semaphore, #tpu.memory_space<semaphore_mem>>
      %dma_start3A = arith.constant 0 : i32
      %dma_start3A_3707 = tpu.memref_slice %arg5[%add3A, %dma_start3A] : memref<32x1536xf32, #tpu.memory_space<hbm>> -> memref<1x1536xf32, #tpu.memory_space<hbm>>
      %dma_start3A_3708 = tpu.memref_squeeze %dma_start3A_3707 : memref<1x1536xf32, #tpu.memory_space<hbm>> -> memref<1536xf32, #tpu.memory_space<hbm>>
      %dma_start3A_3709 = arith.constant 0 : i32
      %dma_start3A_3710 = tpu.memref_slice %arg5[%add3A, %dma_start3A_3709] : memref<32x1536xf32, #tpu.memory_space<hbm>> -> memref<1x1536xf32, #tpu.memory_space<hbm>>
      %dma_start3A_3711 = tpu.memref_squeeze %dma_start3A_3710 : memref<1x1536xf32, #tpu.memory_space<hbm>> -> memref<1536xf32, #tpu.memory_space<hbm>>
      tpu.enqueue_dma source(%arg9 : memref<1536xf32, #tpu.memory_space<vmem>>) target(%dma_start3A_3711 : memref<1536xf32, #tpu.memory_space<hbm>>) target_semaphore(%run_scoped3A : memref<!tpu.dma_semaphore, #tpu.memory_space<semaphore_mem>>)
      %dma_wait3A = arith.constant 0 : i32
      %dma_wait3A_3712 = tpu.memref_slice %arg5[%add3A, %dma_wait3A] : memref<32x1536xf32, #tpu.memory_space<hbm>> -> memref<1x1536xf32, #tpu.memory_space<hbm>>
      %dma_wait3A_3713 = tpu.memref_squeeze %dma_wait3A_3712 : memref<1x1536xf32, #tpu.memory_space<hbm>> -> memref<1536xf32, #tpu.memory_space<hbm>>
      %dma_wait3A_3714 = arith.constant 0 : i32
      %dma_wait3A_3715 = tpu.memref_slice %arg5[%add3A, %dma_wait3A_3714] : memref<32x1536xf32, #tpu.memory_space<hbm>> -> memref<1x1536xf32, #tpu.memory_space<hbm>>
      %dma_wait3A_3716 = tpu.memref_squeeze %dma_wait3A_3715 : memref<1x1536xf32, #tpu.memory_space<hbm>> -> memref<1536xf32, #tpu.memory_space<hbm>>
      tpu.wait_dma2 semaphore(%run_scoped3A : memref<!tpu.dma_semaphore, #tpu.memory_space<semaphore_mem>>) src(%arg9 : memref<1536xf32, #tpu.memory_space<vmem>>) dst(%dma_wait3A_3716 : memref<1536xf32, #tpu.memory_space<hbm>>)
      tpu.yield
    }) : () -> ()
    return
  }
}

module attributes {stable_mosaic.version = 14 : i64} {
  func.func @_dense_body(%arg0: memref<32x1536xf32, #tpu.memory_space<vmem>>, %arg1: memref<128x1xf32, #tpu.memory_space<vmem>>, %arg2: memref<9x64x128xf32, #tpu.memory_space<vmem>>, %arg3: memref<64x1xf32, #tpu.memory_space<vmem>>, %arg4: memref<9x32x64xf32, #tpu.memory_space<vmem>>, %arg5: memref<32x1xf32, #tpu.memory_space<vmem>>, %arg6: memref<4x1152x128xf32, #tpu.memory_space<vmem>>, %arg7: memref<4x1x128xf32, #tpu.memory_space<vmem>>, %arg8: memref<4x128x32xf32, #tpu.memory_space<vmem>>, %arg9: memref<4x1x32xf32, #tpu.memory_space<vmem>>, %arg10: memref<4x32x128xf32, #tpu.memory_space<vmem>>, %arg11: memref<1x128xf32, #tpu.memory_space<vmem>>, %arg12: memref<1x128xf32, #tpu.memory_space<vmem>>) attributes {dimension_semantics = [], scalar_prefetch = 0 : i64, scratch_operands = 0 : i64, tpu.core_type = #tpu.core_type<tc>} {
    %get3A = arith.constant 0 : index
    %get3A_0 = arith.constant 0 : index
    %get3A_1 = vector.load %arg0[%get3A, %get3A_0] : memref<32x1536xf32, #tpu.memory_space<vmem>>, vector<32x1536xf32>
    %reduce_sum3A = arith.constant dense<0.000000e+00> : vector<1536xf32>
    %reduce_sum3A_2 = vector.multi_reduction <add>, %get3A_1, %reduce_sum3A [0] : vector<32x1536xf32> to vector<1536xf32>
    %broadcast_in_dim3A = vector.shape_cast %reduce_sum3A_2 : vector<1536xf32> to vector<1x1536xf32>
    %slice3A = vector.extract_strided_slice %broadcast_in_dim3A {offsets = [0, 0], sizes = [1, 768], strides = [1, 1]} : vector<1x1536xf32> to vector<1x768xf32>
    %slice3A_3 = vector.extract_strided_slice %broadcast_in_dim3A {offsets = [0, 768], sizes = [1, 768], strides = [1, 1]} : vector<1x1536xf32> to vector<1x768xf32>
    %get3A_4 = arith.constant 0 : index
    %get3A_5 = arith.constant 0 : index
    %get3A_6 = vector.load %arg1[%get3A_4, %get3A_5] : memref<128x1xf32, #tpu.memory_space<vmem>>, vector<128x1xf32>
    %max3A = arith.constant 0.000000e+00 : f32
    %max3A_7 = vector.broadcast %max3A : f32 to vector<128x1xf32>
    %max3A_8 = arith.maximumf %get3A_6, %max3A_7 : vector<128x1xf32>
    %mul3A = vector.broadcast %max3A_8 : vector<128x1xf32> to vector<128x768xf32>
    %mul3A_9 = vector.broadcast %slice3A : vector<1x768xf32> to vector<128x768xf32>
    %mul3A_10 = arith.mulf %mul3A, %mul3A_9 : vector<128x768xf32>
    %neg3A = arith.constant 0.000000e+00 : f32
    %neg3A_11 = vector.broadcast %neg3A : f32 to vector<128x1xf32>
    %neg3A_12 = arith.subf %neg3A_11, %get3A_6 : vector<128x1xf32>
    %max3A_13 = arith.constant 0.000000e+00 : f32
    %max3A_14 = vector.broadcast %max3A_13 : f32 to vector<128x1xf32>
    %max3A_15 = arith.maximumf %neg3A_12, %max3A_14 : vector<128x1xf32>
    %mul3A_16 = vector.broadcast %max3A_15 : vector<128x1xf32> to vector<128x768xf32>
    %mul3A_17 = vector.broadcast %slice3A_3 : vector<1x768xf32> to vector<128x768xf32>
    %mul3A_18 = arith.mulf %mul3A_16, %mul3A_17 : vector<128x768xf32>
    %add3A = arith.addf %mul3A_10, %mul3A_18 : vector<128x768xf32>
    %broadcast_in_dim3A_19 = arith.constant 0.000000e+00 : f32
    %broadcast_in_dim3A_20 = vector.broadcast %broadcast_in_dim3A_19 : f32 to vector<64x704xf32>
    %get3A_21 = arith.constant 0 : index
    %get3A_22 = arith.constant 0 : index
    %get3A_23 = arith.constant 0 : index
    %get3A_24 = vector.load %arg2[%get3A_21, %get3A_22, %get3A_23] : memref<9x64x128xf32, #tpu.memory_space<vmem>>, vector<1x64x128xf32>
    %get3A_25 = vector.shape_cast %get3A_24 : vector<1x64x128xf32> to vector<64x128xf32>
    %slice3A_26 = vector.extract_strided_slice %add3A {offsets = [0, 0], sizes = [128, 704], strides = [1, 1]} : vector<128x768xf32> to vector<128x704xf32>
    %dot_general3A = arith.constant dense<0.000000e+00> : vector<64x704xf32>
    %dot_general3A_27 = tpu.matmul %get3A_25, %slice3A_26, %dot_general3A {dimension_numbers = #tpu.dot_dimension_numbers<[1], [0], [0], [1], [0, 0, 1, 1], [], []>, transpose_lhs_hint = false} : vector<64x128xf32>, vector<128x704xf32>, vector<64x704xf32> -> vector<64x704xf32>
    %add3A_28 = arith.addf %broadcast_in_dim3A_20, %dot_general3A_27 : vector<64x704xf32>
    %get3A_29 = arith.constant 1 : index
    %get3A_30 = arith.constant 0 : index
    %get3A_31 = arith.constant 0 : index
    %get3A_32 = vector.load %arg2[%get3A_29, %get3A_30, %get3A_31] : memref<9x64x128xf32, #tpu.memory_space<vmem>>, vector<1x64x128xf32>
    %get3A_33 = vector.shape_cast %get3A_32 : vector<1x64x128xf32> to vector<64x128xf32>
    %slice3A_34 = vector.extract_strided_slice %add3A {offsets = [0, 1], sizes = [128, 704], strides = [1, 1]} : vector<128x768xf32> to vector<128x704xf32>
    %dot_general3A_35 = arith.constant dense<0.000000e+00> : vector<64x704xf32>
    %dot_general3A_36 = tpu.matmul %get3A_33, %slice3A_34, %dot_general3A_35 {dimension_numbers = #tpu.dot_dimension_numbers<[1], [0], [0], [1], [0, 0, 1, 1], [], []>, transpose_lhs_hint = false} : vector<64x128xf32>, vector<128x704xf32>, vector<64x704xf32> -> vector<64x704xf32>
    %add3A_37 = arith.addf %add3A_28, %dot_general3A_36 : vector<64x704xf32>
    %get3A_38 = arith.constant 2 : index
    %get3A_39 = arith.constant 0 : index
    %get3A_40 = arith.constant 0 : index
    %get3A_41 = vector.load %arg2[%get3A_38, %get3A_39, %get3A_40] : memref<9x64x128xf32, #tpu.memory_space<vmem>>, vector<1x64x128xf32>
    %get3A_42 = vector.shape_cast %get3A_41 : vector<1x64x128xf32> to vector<64x128xf32>
    %slice3A_43 = vector.extract_strided_slice %add3A {offsets = [0, 2], sizes = [128, 704], strides = [1, 1]} : vector<128x768xf32> to vector<128x704xf32>
    %dot_general3A_44 = arith.constant dense<0.000000e+00> : vector<64x704xf32>
    %dot_general3A_45 = tpu.matmul %get3A_42, %slice3A_43, %dot_general3A_44 {dimension_numbers = #tpu.dot_dimension_numbers<[1], [0], [0], [1], [0, 0, 1, 1], [], []>, transpose_lhs_hint = false} : vector<64x128xf32>, vector<128x704xf32>, vector<64x704xf32> -> vector<64x704xf32>
    %add3A_46 = arith.addf %add3A_37, %dot_general3A_45 : vector<64x704xf32>
    %get3A_47 = arith.constant 3 : index
    %get3A_48 = arith.constant 0 : index
    %get3A_49 = arith.constant 0 : index
    %get3A_50 = vector.load %arg2[%get3A_47, %get3A_48, %get3A_49] : memref<9x64x128xf32, #tpu.memory_space<vmem>>, vector<1x64x128xf32>
    %get3A_51 = vector.shape_cast %get3A_50 : vector<1x64x128xf32> to vector<64x128xf32>
    %slice3A_52 = vector.extract_strided_slice %add3A {offsets = [0, 26], sizes = [128, 704], strides = [1, 1]} : vector<128x768xf32> to vector<128x704xf32>
    %dot_general3A_53 = arith.constant dense<0.000000e+00> : vector<64x704xf32>
    %dot_general3A_54 = tpu.matmul %get3A_51, %slice3A_52, %dot_general3A_53 {dimension_numbers = #tpu.dot_dimension_numbers<[1], [0], [0], [1], [0, 0, 1, 1], [], []>, transpose_lhs_hint = false} : vector<64x128xf32>, vector<128x704xf32>, vector<64x704xf32> -> vector<64x704xf32>
    %add3A_55 = arith.addf %add3A_46, %dot_general3A_54 : vector<64x704xf32>
    %get3A_56 = arith.constant 4 : index
    %get3A_57 = arith.constant 0 : index
    %get3A_58 = arith.constant 0 : index
    %get3A_59 = vector.load %arg2[%get3A_56, %get3A_57, %get3A_58] : memref<9x64x128xf32, #tpu.memory_space<vmem>>, vector<1x64x128xf32>
    %get3A_60 = vector.shape_cast %get3A_59 : vector<1x64x128xf32> to vector<64x128xf32>
    %slice3A_61 = vector.extract_strided_slice %add3A {offsets = [0, 27], sizes = [128, 704], strides = [1, 1]} : vector<128x768xf32> to vector<128x704xf32>
    %dot_general3A_62 = arith.constant dense<0.000000e+00> : vector<64x704xf32>
    %dot_general3A_63 = tpu.matmul %get3A_60, %slice3A_61, %dot_general3A_62 {dimension_numbers = #tpu.dot_dimension_numbers<[1], [0], [0], [1], [0, 0, 1, 1], [], []>, transpose_lhs_hint = false} : vector<64x128xf32>, vector<128x704xf32>, vector<64x704xf32> -> vector<64x704xf32>
    %add3A_64 = arith.addf %add3A_55, %dot_general3A_63 : vector<64x704xf32>
    %get3A_65 = arith.constant 5 : index
    %get3A_66 = arith.constant 0 : index
    %get3A_67 = arith.constant 0 : index
    %get3A_68 = vector.load %arg2[%get3A_65, %get3A_66, %get3A_67] : memref<9x64x128xf32, #tpu.memory_space<vmem>>, vector<1x64x128xf32>
    %get3A_69 = vector.shape_cast %get3A_68 : vector<1x64x128xf32> to vector<64x128xf32>
    %slice3A_70 = vector.extract_strided_slice %add3A {offsets = [0, 28], sizes = [128, 704], strides = [1, 1]} : vector<128x768xf32> to vector<128x704xf32>
    %dot_general3A_71 = arith.constant dense<0.000000e+00> : vector<64x704xf32>
    %dot_general3A_72 = tpu.matmul %get3A_69, %slice3A_70, %dot_general3A_71 {dimension_numbers = #tpu.dot_dimension_numbers<[1], [0], [0], [1], [0, 0, 1, 1], [], []>, transpose_lhs_hint = false} : vector<64x128xf32>, vector<128x704xf32>, vector<64x704xf32> -> vector<64x704xf32>
    %add3A_73 = arith.addf %add3A_64, %dot_general3A_72 : vector<64x704xf32>
    %get3A_74 = arith.constant 6 : index
    %get3A_75 = arith.constant 0 : index
    %get3A_76 = arith.constant 0 : index
    %get3A_77 = vector.load %arg2[%get3A_74, %get3A_75, %get3A_76] : memref<9x64x128xf32, #tpu.memory_space<vmem>>, vector<1x64x128xf32>
    %get3A_78 = vector.shape_cast %get3A_77 : vector<1x64x128xf32> to vector<64x128xf32>
    %slice3A_79 = vector.extract_strided_slice %add3A {offsets = [0, 52], sizes = [128, 704], strides = [1, 1]} : vector<128x768xf32> to vector<128x704xf32>
    %dot_general3A_80 = arith.constant dense<0.000000e+00> : vector<64x704xf32>
    %dot_general3A_81 = tpu.matmul %get3A_78, %slice3A_79, %dot_general3A_80 {dimension_numbers = #tpu.dot_dimension_numbers<[1], [0], [0], [1], [0, 0, 1, 1], [], []>, transpose_lhs_hint = false} : vector<64x128xf32>, vector<128x704xf32>, vector<64x704xf32> -> vector<64x704xf32>
    %add3A_82 = arith.addf %add3A_73, %dot_general3A_81 : vector<64x704xf32>
    %get3A_83 = arith.constant 7 : index
    %get3A_84 = arith.constant 0 : index
    %get3A_85 = arith.constant 0 : index
    %get3A_86 = vector.load %arg2[%get3A_83, %get3A_84, %get3A_85] : memref<9x64x128xf32, #tpu.memory_space<vmem>>, vector<1x64x128xf32>
    %get3A_87 = vector.shape_cast %get3A_86 : vector<1x64x128xf32> to vector<64x128xf32>
    %slice3A_88 = vector.extract_strided_slice %add3A {offsets = [0, 53], sizes = [128, 704], strides = [1, 1]} : vector<128x768xf32> to vector<128x704xf32>
    %dot_general3A_89 = arith.constant dense<0.000000e+00> : vector<64x704xf32>
    %dot_general3A_90 = tpu.matmul %get3A_87, %slice3A_88, %dot_general3A_89 {dimension_numbers = #tpu.dot_dimension_numbers<[1], [0], [0], [1], [0, 0, 1, 1], [], []>, transpose_lhs_hint = false} : vector<64x128xf32>, vector<128x704xf32>, vector<64x704xf32> -> vector<64x704xf32>
    %add3A_91 = arith.addf %add3A_82, %dot_general3A_90 : vector<64x704xf32>
    %get3A_92 = arith.constant 8 : index
    %get3A_93 = arith.constant 0 : index
    %get3A_94 = arith.constant 0 : index
    %get3A_95 = vector.load %arg2[%get3A_92, %get3A_93, %get3A_94] : memref<9x64x128xf32, #tpu.memory_space<vmem>>, vector<1x64x128xf32>
    %get3A_96 = vector.shape_cast %get3A_95 : vector<1x64x128xf32> to vector<64x128xf32>
    %slice3A_97 = vector.extract_strided_slice %add3A {offsets = [0, 54], sizes = [128, 704], strides = [1, 1]} : vector<128x768xf32> to vector<128x704xf32>
    %dot_general3A_98 = arith.constant dense<0.000000e+00> : vector<64x704xf32>
    %dot_general3A_99 = tpu.matmul %get3A_96, %slice3A_97, %dot_general3A_98 {dimension_numbers = #tpu.dot_dimension_numbers<[1], [0], [0], [1], [0, 0, 1, 1], [], []>, transpose_lhs_hint = false} : vector<64x128xf32>, vector<128x704xf32>, vector<64x704xf32> -> vector<64x704xf32>
    %add3A_100 = arith.addf %add3A_91, %dot_general3A_99 : vector<64x704xf32>
    %iota3A = tpu.iota {dimensions = array<i32: 1>} : vector<1x704xi32>
    %jit3A = arith.constant 26 : i32
    %eq3A = arith.constant 0 : i32
    %eq3A_101 = arith.cmpi eq, %jit3A, %eq3A : i32
    %jit3A_102 = arith.constant 1 : i32
    %select_n3A = arith.select %eq3A_101, %jit3A_102, %jit3A : i32
    %rem3A = vector.broadcast %select_n3A : i32 to vector<1x704xi32>
    %rem3A_103 = arith.remsi %iota3A, %rem3A : vector<1x704xi32>
    %ne3A = arith.constant 0 : i32
    %ne3A_104 = vector.broadcast %ne3A : i32 to vector<1x704xi32>
    %ne3A_105 = arith.cmpi ne, %rem3A_103, %ne3A_104 : vector<1x704xi32>
    %lt3A = arith.constant 0 : i32
    %lt3A_106 = vector.broadcast %lt3A : i32 to vector<1x704xi32>
    %lt3A_107 = arith.cmpi slt, %rem3A_103, %lt3A_106 : vector<1x704xi32>
    %lt3A_108 = arith.constant 0 : i32
    %lt3A_109 = arith.cmpi slt, %select_n3A, %lt3A_108 : i32
    %ne3A_110 = vector.broadcast %lt3A_109 : i1 to vector<1x704xi1>
    %ne3A_111 = vector.broadcast %ne3A_110 : vector<1x704xi1> to vector<1x704xi1>
    %ne3A_112 = arith.xori %lt3A_107, %ne3A_111 : vector<1x704xi1>
    %and3A = arith.andi %ne3A_112, %ne3A_105 : vector<1x704xi1>
    %add3A_113 = vector.broadcast %select_n3A : i32 to vector<1x704xi32>
    %add3A_114 = arith.addi %rem3A_103, %add3A_113 : vector<1x704xi32>
    %select_n3A_115 = arith.select %and3A, %add3A_114, %rem3A_103 : vector<1x704xi1>, vector<1x704xi32>
    %lt3A_116 = arith.constant 24 : i32
    %lt3A_117 = vector.broadcast %lt3A_116 : i32 to vector<1x704xi32>
    %lt3A_118 = arith.cmpi slt, %select_n3A_115, %lt3A_117 : vector<1x704xi32>
    %lt3A_119 = arith.constant 624 : i32
    %lt3A_120 = vector.broadcast %lt3A_119 : i32 to vector<1x704xi32>
    %lt3A_121 = arith.cmpi slt, %iota3A, %lt3A_120 : vector<1x704xi32>
    %and3A_122 = arith.andi %lt3A_118, %lt3A_121 : vector<1x704xi1>
    %convert_element_type3A = arith.extui %and3A_122 : vector<1x704xi1> to vector<1x704xi32>
    %convert_element_type3A_123 = arith.sitofp %convert_element_type3A : vector<1x704xi32> to vector<1x704xf32>
    %get3A_124 = arith.constant 0 : index
    %get3A_125 = arith.constant 0 : index
    %get3A_126 = vector.load %arg3[%get3A_124, %get3A_125] : memref<64x1xf32, #tpu.memory_space<vmem>>, vector<64x1xf32>
    %add3A_127 = vector.broadcast %get3A_126 : vector<64x1xf32> to vector<64x704xf32>
    %add3A_128 = arith.addf %add3A_100, %add3A_127 : vector<64x704xf32>
    %max3A_129 = arith.constant 0.000000e+00 : f32
    %max3A_130 = vector.broadcast %max3A_129 : f32 to vector<64x704xf32>
    %max3A_131 = arith.maximumf %add3A_128, %max3A_130 : vector<64x704xf32>
    %mul3A_132 = vector.broadcast %convert_element_type3A_123 : vector<1x704xf32> to vector<64x704xf32>
    %mul3A_133 = arith.mulf %max3A_131, %mul3A_132 : vector<64x704xf32>
    %broadcast_in_dim3A_134 = arith.constant 0.000000e+00 : f32
    %broadcast_in_dim3A_135 = vector.broadcast %broadcast_in_dim3A_134 : f32 to vector<64x27xf32>
    %broadcast_in_dim3A_136 = arith.constant 0.000000e+00 : f32
    %broadcast_in_dim3A_137 = vector.broadcast %broadcast_in_dim3A_136 : f32 to vector<64x37xf32>
    %concatenate3A = tpu.concatenate %broadcast_in_dim3A_135, %mul3A_133, %broadcast_in_dim3A_137 in 1 : vector<64x27xf32>, vector<64x704xf32>, vector<64x37xf32> -> vector<64x768xf32>
    %broadcast_in_dim3A_138 = arith.constant 0.000000e+00 : f32
    %broadcast_in_dim3A_139 = vector.broadcast %broadcast_in_dim3A_138 : f32 to vector<32x704xf32>
    %get3A_140 = arith.constant 0 : index
    %get3A_141 = arith.constant 0 : index
    %get3A_142 = arith.constant 0 : index
    %get3A_143 = vector.load %arg4[%get3A_140, %get3A_141, %get3A_142] : memref<9x32x64xf32, #tpu.memory_space<vmem>>, vector<1x32x64xf32>
    %get3A_144 = vector.shape_cast %get3A_143 : vector<1x32x64xf32> to vector<32x64xf32>
    %slice3A_145 = vector.extract_strided_slice %concatenate3A {offsets = [0, 0], sizes = [64, 704], strides = [1, 1]} : vector<64x768xf32> to vector<64x704xf32>
    %dot_general3A_146 = arith.constant dense<0.000000e+00> : vector<32x704xf32>
    %dot_general3A_147 = tpu.matmul %get3A_144, %slice3A_145, %dot_general3A_146 {dimension_numbers = #tpu.dot_dimension_numbers<[1], [0], [0], [1], [0, 0, 1, 1], [], []>, transpose_lhs_hint = false} : vector<32x64xf32>, vector<64x704xf32>, vector<32x704xf32> -> vector<32x704xf32>
    %add3A_148 = arith.addf %broadcast_in_dim3A_139, %dot_general3A_147 : vector<32x704xf32>
    %get3A_149 = arith.constant 1 : index
    %get3A_150 = arith.constant 0 : index
    %get3A_151 = arith.constant 0 : index
    %get3A_152 = vector.load %arg4[%get3A_149, %get3A_150, %get3A_151] : memref<9x32x64xf32, #tpu.memory_space<vmem>>, vector<1x32x64xf32>
    %get3A_153 = vector.shape_cast %get3A_152 : vector<1x32x64xf32> to vector<32x64xf32>
    %slice3A_154 = vector.extract_strided_slice %concatenate3A {offsets = [0, 1], sizes = [64, 704], strides = [1, 1]} : vector<64x768xf32> to vector<64x704xf32>
    %dot_general3A_155 = arith.constant dense<0.000000e+00> : vector<32x704xf32>
    %dot_general3A_156 = tpu.matmul %get3A_153, %slice3A_154, %dot_general3A_155 {dimension_numbers = #tpu.dot_dimension_numbers<[1], [0], [0], [1], [0, 0, 1, 1], [], []>, transpose_lhs_hint = false} : vector<32x64xf32>, vector<64x704xf32>, vector<32x704xf32> -> vector<32x704xf32>
    %add3A_157 = arith.addf %add3A_148, %dot_general3A_156 : vector<32x704xf32>
    %get3A_158 = arith.constant 2 : index
    %get3A_159 = arith.constant 0 : index
    %get3A_160 = arith.constant 0 : index
    %get3A_161 = vector.load %arg4[%get3A_158, %get3A_159, %get3A_160] : memref<9x32x64xf32, #tpu.memory_space<vmem>>, vector<1x32x64xf32>
    %get3A_162 = vector.shape_cast %get3A_161 : vector<1x32x64xf32> to vector<32x64xf32>
    %slice3A_163 = vector.extract_strided_slice %concatenate3A {offsets = [0, 2], sizes = [64, 704], strides = [1, 1]} : vector<64x768xf32> to vector<64x704xf32>
    %dot_general3A_164 = arith.constant dense<0.000000e+00> : vector<32x704xf32>
    %dot_general3A_165 = tpu.matmul %get3A_162, %slice3A_163, %dot_general3A_164 {dimension_numbers = #tpu.dot_dimension_numbers<[1], [0], [0], [1], [0, 0, 1, 1], [], []>, transpose_lhs_hint = false} : vector<32x64xf32>, vector<64x704xf32>, vector<32x704xf32> -> vector<32x704xf32>
    %add3A_166 = arith.addf %add3A_157, %dot_general3A_165 : vector<32x704xf32>
    %get3A_167 = arith.constant 3 : index
    %get3A_168 = arith.constant 0 : index
    %get3A_169 = arith.constant 0 : index
    %get3A_170 = vector.load %arg4[%get3A_167, %get3A_168, %get3A_169] : memref<9x32x64xf32, #tpu.memory_space<vmem>>, vector<1x32x64xf32>
    %get3A_171 = vector.shape_cast %get3A_170 : vector<1x32x64xf32> to vector<32x64xf32>
    %slice3A_172 = vector.extract_strided_slice %concatenate3A {offsets = [0, 26], sizes = [64, 704], strides = [1, 1]} : vector<64x768xf32> to vector<64x704xf32>
    %dot_general3A_173 = arith.constant dense<0.000000e+00> : vector<32x704xf32>
    %dot_general3A_174 = tpu.matmul %get3A_171, %slice3A_172, %dot_general3A_173 {dimension_numbers = #tpu.dot_dimension_numbers<[1], [0], [0], [1], [0, 0, 1, 1], [], []>, transpose_lhs_hint = false} : vector<32x64xf32>, vector<64x704xf32>, vector<32x704xf32> -> vector<32x704xf32>
    %add3A_175 = arith.addf %add3A_166, %dot_general3A_174 : vector<32x704xf32>
    %get3A_176 = arith.constant 4 : index
    %get3A_177 = arith.constant 0 : index
    %get3A_178 = arith.constant 0 : index
    %get3A_179 = vector.load %arg4[%get3A_176, %get3A_177, %get3A_178] : memref<9x32x64xf32, #tpu.memory_space<vmem>>, vector<1x32x64xf32>
    %get3A_180 = vector.shape_cast %get3A_179 : vector<1x32x64xf32> to vector<32x64xf32>
    %slice3A_181 = vector.extract_strided_slice %concatenate3A {offsets = [0, 27], sizes = [64, 704], strides = [1, 1]} : vector<64x768xf32> to vector<64x704xf32>
    %dot_general3A_182 = arith.constant dense<0.000000e+00> : vector<32x704xf32>
    %dot_general3A_183 = tpu.matmul %get3A_180, %slice3A_181, %dot_general3A_182 {dimension_numbers = #tpu.dot_dimension_numbers<[1], [0], [0], [1], [0, 0, 1, 1], [], []>, transpose_lhs_hint = false} : vector<32x64xf32>, vector<64x704xf32>, vector<32x704xf32> -> vector<32x704xf32>
    %add3A_184 = arith.addf %add3A_175, %dot_general3A_183 : vector<32x704xf32>
    %get3A_185 = arith.constant 5 : index
    %get3A_186 = arith.constant 0 : index
    %get3A_187 = arith.constant 0 : index
    %get3A_188 = vector.load %arg4[%get3A_185, %get3A_186, %get3A_187] : memref<9x32x64xf32, #tpu.memory_space<vmem>>, vector<1x32x64xf32>
    %get3A_189 = vector.shape_cast %get3A_188 : vector<1x32x64xf32> to vector<32x64xf32>
    %slice3A_190 = vector.extract_strided_slice %concatenate3A {offsets = [0, 28], sizes = [64, 704], strides = [1, 1]} : vector<64x768xf32> to vector<64x704xf32>
    %dot_general3A_191 = arith.constant dense<0.000000e+00> : vector<32x704xf32>
    %dot_general3A_192 = tpu.matmul %get3A_189, %slice3A_190, %dot_general3A_191 {dimension_numbers = #tpu.dot_dimension_numbers<[1], [0], [0], [1], [0, 0, 1, 1], [], []>, transpose_lhs_hint = false} : vector<32x64xf32>, vector<64x704xf32>, vector<32x704xf32> -> vector<32x704xf32>
    %add3A_193 = arith.addf %add3A_184, %dot_general3A_192 : vector<32x704xf32>
    %get3A_194 = arith.constant 6 : index
    %get3A_195 = arith.constant 0 : index
    %get3A_196 = arith.constant 0 : index
    %get3A_197 = vector.load %arg4[%get3A_194, %get3A_195, %get3A_196] : memref<9x32x64xf32, #tpu.memory_space<vmem>>, vector<1x32x64xf32>
    %get3A_198 = vector.shape_cast %get3A_197 : vector<1x32x64xf32> to vector<32x64xf32>
    %slice3A_199 = vector.extract_strided_slice %concatenate3A {offsets = [0, 52], sizes = [64, 704], strides = [1, 1]} : vector<64x768xf32> to vector<64x704xf32>
    %dot_general3A_200 = arith.constant dense<0.000000e+00> : vector<32x704xf32>
    %dot_general3A_201 = tpu.matmul %get3A_198, %slice3A_199, %dot_general3A_200 {dimension_numbers = #tpu.dot_dimension_numbers<[1], [0], [0], [1], [0, 0, 1, 1], [], []>, transpose_lhs_hint = false} : vector<32x64xf32>, vector<64x704xf32>, vector<32x704xf32> -> vector<32x704xf32>
    %add3A_202 = arith.addf %add3A_193, %dot_general3A_201 : vector<32x704xf32>
    %get3A_203 = arith.constant 7 : index
    %get3A_204 = arith.constant 0 : index
    %get3A_205 = arith.constant 0 : index
    %get3A_206 = vector.load %arg4[%get3A_203, %get3A_204, %get3A_205] : memref<9x32x64xf32, #tpu.memory_space<vmem>>, vector<1x32x64xf32>
    %get3A_207 = vector.shape_cast %get3A_206 : vector<1x32x64xf32> to vector<32x64xf32>
    %slice3A_208 = vector.extract_strided_slice %concatenate3A {offsets = [0, 53], sizes = [64, 704], strides = [1, 1]} : vector<64x768xf32> to vector<64x704xf32>
    %dot_general3A_209 = arith.constant dense<0.000000e+00> : vector<32x704xf32>
    %dot_general3A_210 = tpu.matmul %get3A_207, %slice3A_208, %dot_general3A_209 {dimension_numbers = #tpu.dot_dimension_numbers<[1], [0], [0], [1], [0, 0, 1, 1], [], []>, transpose_lhs_hint = false} : vector<32x64xf32>, vector<64x704xf32>, vector<32x704xf32> -> vector<32x704xf32>
    %add3A_211 = arith.addf %add3A_202, %dot_general3A_210 : vector<32x704xf32>
    %get3A_212 = arith.constant 8 : index
    %get3A_213 = arith.constant 0 : index
    %get3A_214 = arith.constant 0 : index
    %get3A_215 = vector.load %arg4[%get3A_212, %get3A_213, %get3A_214] : memref<9x32x64xf32, #tpu.memory_space<vmem>>, vector<1x32x64xf32>
    %get3A_216 = vector.shape_cast %get3A_215 : vector<1x32x64xf32> to vector<32x64xf32>
    %slice3A_217 = vector.extract_strided_slice %concatenate3A {offsets = [0, 54], sizes = [64, 704], strides = [1, 1]} : vector<64x768xf32> to vector<64x704xf32>
    %dot_general3A_218 = arith.constant dense<0.000000e+00> : vector<32x704xf32>
    %dot_general3A_219 = tpu.matmul %get3A_216, %slice3A_217, %dot_general3A_218 {dimension_numbers = #tpu.dot_dimension_numbers<[1], [0], [0], [1], [0, 0, 1, 1], [], []>, transpose_lhs_hint = false} : vector<32x64xf32>, vector<64x704xf32>, vector<32x704xf32> -> vector<32x704xf32>
    %add3A_220 = arith.addf %add3A_211, %dot_general3A_219 : vector<32x704xf32>
    %get3A_221 = arith.constant 0 : index
    %get3A_222 = arith.constant 0 : index
    %get3A_223 = vector.load %arg5[%get3A_221, %get3A_222] : memref<32x1xf32, #tpu.memory_space<vmem>>, vector<32x1xf32>
    %add3A_224 = vector.broadcast %get3A_223 : vector<32x1xf32> to vector<32x704xf32>
    %add3A_225 = arith.addf %add3A_220, %add3A_224 : vector<32x704xf32>
    %max3A_226 = arith.constant 0.000000e+00 : f32
    %max3A_227 = vector.broadcast %max3A_226 : f32 to vector<32x704xf32>
    %max3A_228 = arith.maximumf %add3A_225, %max3A_227 : vector<32x704xf32>
    %mul3A_229 = vector.broadcast %convert_element_type3A_123 : vector<1x704xf32> to vector<32x704xf32>
    %mul3A_230 = arith.mulf %max3A_228, %mul3A_229 : vector<32x704xf32>
    %iota3A_231 = tpu.iota {dimensions = array<i32: 0>} : vector<704x36xi32>
    %iota3A_232 = tpu.iota {dimensions = array<i32: 1>} : vector<704x36xi32>
    %jit3A_233 = arith.constant 104 : i32
    %div3A = vector.broadcast %jit3A_233 : i32 to vector<704x36xi32>
    %div3A_234 = arith.divsi %iota3A_231, %div3A : vector<704x36xi32>
    %sign3A = arith.constant 0 : i32
    %sign3A_235 = vector.broadcast %sign3A : i32 to vector<704x36xi32>
    %sign3A_236 = arith.cmpi sgt, %iota3A_231, %sign3A_235 : vector<704x36xi32>
    %sign3A_237 = arith.extui %sign3A_236 : vector<704x36xi1> to vector<704x36xi32>
    %sign3A_238 = arith.constant 0 : i32
    %sign3A_239 = vector.broadcast %sign3A_238 : i32 to vector<704x36xi32>
    %sign3A_240 = arith.cmpi slt, %iota3A_231, %sign3A_239 : vector<704x36xi32>
    %sign3A_241 = arith.extui %sign3A_240 : vector<704x36xi1> to vector<704x36xi32>
    %sign3A_242 = arith.subi %sign3A_237, %sign3A_241 : vector<704x36xi32>
    %sign3A_243 = arith.constant 0 : i32
    %sign3A_244 = arith.cmpi sgt, %jit3A_233, %sign3A_243 : i32
    %sign3A_245 = arith.extui %sign3A_244 : i1 to i32
    %sign3A_246 = arith.constant 0 : i32
    %sign3A_247 = arith.cmpi slt, %jit3A_233, %sign3A_246 : i32
    %sign3A_248 = arith.extui %sign3A_247 : i1 to i32
    %sign3A_249 = arith.subi %sign3A_245, %sign3A_248 : i32
    %ne3A_250 = vector.broadcast %sign3A_249 : i32 to vector<704x36xi32>
    %ne3A_251 = arith.cmpi ne, %sign3A_242, %ne3A_250 : vector<704x36xi32>
    %rem3A_252 = vector.broadcast %jit3A_233 : i32 to vector<704x36xi32>
    %rem3A_253 = arith.remsi %iota3A_231, %rem3A_252 : vector<704x36xi32>
    %ne3A_254 = arith.constant 0 : i32
    %ne3A_255 = vector.broadcast %ne3A_254 : i32 to vector<704x36xi32>
    %ne3A_256 = arith.cmpi ne, %rem3A_253, %ne3A_255 : vector<704x36xi32>
    %and3A_257 = arith.andi %ne3A_251, %ne3A_256 : vector<704x36xi1>
    %sub3A = arith.constant 1 : i32
    %sub3A_258 = vector.broadcast %sub3A : i32 to vector<704x36xi32>
    %sub3A_259 = arith.subi %div3A_234, %sub3A_258 : vector<704x36xi32>
    %select_n3A_260 = arith.select %and3A_257, %sub3A_259, %div3A_234 : vector<704x36xi1>, vector<704x36xi32>
    %mul3A_261 = arith.constant 6 : i32
    %mul3A_262 = vector.broadcast %mul3A_261 : i32 to vector<704x36xi32>
    %mul3A_263 = arith.muli %select_n3A_260, %mul3A_262 : vector<704x36xi32>
    %jit3A_264 = arith.constant 26 : i32
    %eq3A_265 = arith.constant 0 : i32
    %eq3A_266 = arith.cmpi eq, %jit3A_264, %eq3A_265 : i32
    %jit3A_267 = arith.constant 1 : i32
    %select_n3A_268 = arith.select %eq3A_266, %jit3A_267, %jit3A_264 : i32
    %rem3A_269 = vector.broadcast %select_n3A_268 : i32 to vector<704x36xi32>
    %rem3A_270 = arith.remsi %iota3A_231, %rem3A_269 : vector<704x36xi32>
    %ne3A_271 = arith.constant 0 : i32
    %ne3A_272 = vector.broadcast %ne3A_271 : i32 to vector<704x36xi32>
    %ne3A_273 = arith.cmpi ne, %rem3A_270, %ne3A_272 : vector<704x36xi32>
    %lt3A_274 = arith.constant 0 : i32
    %lt3A_275 = vector.broadcast %lt3A_274 : i32 to vector<704x36xi32>
    %lt3A_276 = arith.cmpi slt, %rem3A_270, %lt3A_275 : vector<704x36xi32>
    %lt3A_277 = arith.constant 0 : i32
    %lt3A_278 = arith.cmpi slt, %select_n3A_268, %lt3A_277 : i32
    %ne3A_279 = vector.broadcast %lt3A_278 : i1 to vector<704x36xi1>
    %ne3A_280 = vector.broadcast %ne3A_279 : vector<704x36xi1> to vector<704x36xi1>
    %ne3A_281 = arith.xori %lt3A_276, %ne3A_280 : vector<704x36xi1>
    %and3A_282 = arith.andi %ne3A_281, %ne3A_273 : vector<704x36xi1>
    %add3A_283 = vector.broadcast %select_n3A_268 : i32 to vector<704x36xi32>
    %add3A_284 = arith.addi %rem3A_270, %add3A_283 : vector<704x36xi32>
    %select_n3A_285 = arith.select %and3A_282, %add3A_284, %rem3A_270 : vector<704x36xi1>, vector<704x36xi32>
    %jit3A_286 = arith.constant 4 : i32
    %div3A_287 = vector.broadcast %jit3A_286 : i32 to vector<704x36xi32>
    %div3A_288 = arith.divsi %select_n3A_285, %div3A_287 : vector<704x36xi32>
    %sign3A_289 = arith.constant 0 : i32
    %sign3A_290 = vector.broadcast %sign3A_289 : i32 to vector<704x36xi32>
    %sign3A_291 = arith.cmpi sgt, %select_n3A_285, %sign3A_290 : vector<704x36xi32>
    %sign3A_292 = arith.extui %sign3A_291 : vector<704x36xi1> to vector<704x36xi32>
    %sign3A_293 = arith.constant 0 : i32
    %sign3A_294 = vector.broadcast %sign3A_293 : i32 to vector<704x36xi32>
    %sign3A_295 = arith.cmpi slt, %select_n3A_285, %sign3A_294 : vector<704x36xi32>
    %sign3A_296 = arith.extui %sign3A_295 : vector<704x36xi1> to vector<704x36xi32>
    %sign3A_297 = arith.subi %sign3A_292, %sign3A_296 : vector<704x36xi32>
    %sign3A_298 = arith.constant 0 : i32
    %sign3A_299 = arith.cmpi sgt, %jit3A_286, %sign3A_298 : i32
    %sign3A_300 = arith.extui %sign3A_299 : i1 to i32
    %sign3A_301 = arith.constant 0 : i32
    %sign3A_302 = arith.cmpi slt, %jit3A_286, %sign3A_301 : i32
    %sign3A_303 = arith.extui %sign3A_302 : i1 to i32
    %sign3A_304 = arith.subi %sign3A_300, %sign3A_303 : i32
    %ne3A_305 = vector.broadcast %sign3A_304 : i32 to vector<704x36xi32>
    %ne3A_306 = arith.cmpi ne, %sign3A_297, %ne3A_305 : vector<704x36xi32>
    %rem3A_307 = vector.broadcast %jit3A_286 : i32 to vector<704x36xi32>
    %rem3A_308 = arith.remsi %select_n3A_285, %rem3A_307 : vector<704x36xi32>
    %ne3A_309 = arith.constant 0 : i32
    %ne3A_310 = vector.broadcast %ne3A_309 : i32 to vector<704x36xi32>
    %ne3A_311 = arith.cmpi ne, %rem3A_308, %ne3A_310 : vector<704x36xi32>
    %and3A_312 = arith.andi %ne3A_306, %ne3A_311 : vector<704x36xi1>
    %sub3A_313 = arith.constant 1 : i32
    %sub3A_314 = vector.broadcast %sub3A_313 : i32 to vector<704x36xi32>
    %sub3A_315 = arith.subi %div3A_288, %sub3A_314 : vector<704x36xi32>
    %select_n3A_316 = arith.select %and3A_312, %sub3A_315, %div3A_288 : vector<704x36xi1>, vector<704x36xi32>
    %add3A_317 = arith.addi %mul3A_263, %select_n3A_316 : vector<704x36xi32>
    %eq3A_318 = arith.cmpi eq, %add3A_317, %iota3A_232 : vector<704x36xi32>
    %jit3A_319 = arith.constant 26 : i32
    %eq3A_320 = arith.constant 0 : i32
    %eq3A_321 = arith.cmpi eq, %jit3A_319, %eq3A_320 : i32
    %jit3A_322 = arith.constant 1 : i32
    %select_n3A_323 = arith.select %eq3A_321, %jit3A_322, %jit3A_319 : i32
    %rem3A_324 = vector.broadcast %select_n3A_323 : i32 to vector<704x36xi32>
    %rem3A_325 = arith.remsi %iota3A_231, %rem3A_324 : vector<704x36xi32>
    %ne3A_326 = arith.constant 0 : i32
    %ne3A_327 = vector.broadcast %ne3A_326 : i32 to vector<704x36xi32>
    %ne3A_328 = arith.cmpi ne, %rem3A_325, %ne3A_327 : vector<704x36xi32>
    %lt3A_329 = arith.constant 0 : i32
    %lt3A_330 = vector.broadcast %lt3A_329 : i32 to vector<704x36xi32>
    %lt3A_331 = arith.cmpi slt, %rem3A_325, %lt3A_330 : vector<704x36xi32>
    %lt3A_332 = arith.constant 0 : i32
    %lt3A_333 = arith.cmpi slt, %select_n3A_323, %lt3A_332 : i32
    %ne3A_334 = vector.broadcast %lt3A_333 : i1 to vector<704x36xi1>
    %ne3A_335 = vector.broadcast %ne3A_334 : vector<704x36xi1> to vector<704x36xi1>
    %ne3A_336 = arith.xori %lt3A_331, %ne3A_335 : vector<704x36xi1>
    %and3A_337 = arith.andi %ne3A_336, %ne3A_328 : vector<704x36xi1>
    %add3A_338 = vector.broadcast %select_n3A_323 : i32 to vector<704x36xi32>
    %add3A_339 = arith.addi %rem3A_325, %add3A_338 : vector<704x36xi32>
    %select_n3A_340 = arith.select %and3A_337, %add3A_339, %rem3A_325 : vector<704x36xi1>, vector<704x36xi32>
    %lt3A_341 = arith.constant 24 : i32
    %lt3A_342 = vector.broadcast %lt3A_341 : i32 to vector<704x36xi32>
    %lt3A_343 = arith.cmpi slt, %select_n3A_340, %lt3A_342 : vector<704x36xi32>
    %and3A_344 = arith.andi %eq3A_318, %lt3A_343 : vector<704x36xi1>
    %jit3A_345 = arith.constant 6.250000e-02 : f32
    %jit3A_346 = arith.constant 0.000000e+00 : f32
    %broadcast_in_dim3A_347 = vector.broadcast %jit3A_345 : f32 to vector<704x36xf32>
    %broadcast_in_dim3A_348 = vector.broadcast %jit3A_346 : f32 to vector<704x36xf32>
    %select_n3A_349 = arith.select %and3A_344, %broadcast_in_dim3A_347, %broadcast_in_dim3A_348 : vector<704x36xi1>, vector<704x36xf32>
    %dot_general3A_350 = arith.constant dense<0.000000e+00> : vector<32x36xf32>
    %dot_general3A_351 = tpu.matmul %mul3A_230, %select_n3A_349, %dot_general3A_350 {dimension_numbers = #tpu.dot_dimension_numbers<[1], [0], [0], [1], [0, 0, 1, 1], [], []>, precision = #tpu.contract_precision<fp32>, transpose_lhs_hint = false} : vector<32x704xf32>, vector<704x36xf32>, vector<32x36xf32> -> vector<32x36xf32>
    %slice3A_352 = vector.extract_strided_slice %dot_general3A_351 {offsets = [0, 0], sizes = [1, 36], strides = [1, 1]} : vector<32x36xf32> to vector<1x36xf32>
    %slice3A_353 = vector.extract_strided_slice %dot_general3A_351 {offsets = [1, 0], sizes = [1, 36], strides = [1, 1]} : vector<32x36xf32> to vector<1x36xf32>
    %slice3A_354 = vector.extract_strided_slice %dot_general3A_351 {offsets = [2, 0], sizes = [1, 36], strides = [1, 1]} : vector<32x36xf32> to vector<1x36xf32>
    %slice3A_355 = vector.extract_strided_slice %dot_general3A_351 {offsets = [3, 0], sizes = [1, 36], strides = [1, 1]} : vector<32x36xf32> to vector<1x36xf32>
    %slice3A_356 = vector.extract_strided_slice %dot_general3A_351 {offsets = [4, 0], sizes = [1, 36], strides = [1, 1]} : vector<32x36xf32> to vector<1x36xf32>
    %slice3A_357 = vector.extract_strided_slice %dot_general3A_351 {offsets = [5, 0], sizes = [1, 36], strides = [1, 1]} : vector<32x36xf32> to vector<1x36xf32>
    %slice3A_358 = vector.extract_strided_slice %dot_general3A_351 {offsets = [6, 0], sizes = [1, 36], strides = [1, 1]} : vector<32x36xf32> to vector<1x36xf32>
    %slice3A_359 = vector.extract_strided_slice %dot_general3A_351 {offsets = [7, 0], sizes = [1, 36], strides = [1, 1]} : vector<32x36xf32> to vector<1x36xf32>
    %slice3A_360 = vector.extract_strided_slice %dot_general3A_351 {offsets = [8, 0], sizes = [1, 36], strides = [1, 1]} : vector<32x36xf32> to vector<1x36xf32>
    %slice3A_361 = vector.extract_strided_slice %dot_general3A_351 {offsets = [9, 0], sizes = [1, 36], strides = [1, 1]} : vector<32x36xf32> to vector<1x36xf32>
    %slice3A_362 = vector.extract_strided_slice %dot_general3A_351 {offsets = [10, 0], sizes = [1, 36], strides = [1, 1]} : vector<32x36xf32> to vector<1x36xf32>
    %slice3A_363 = vector.extract_strided_slice %dot_general3A_351 {offsets = [11, 0], sizes = [1, 36], strides = [1, 1]} : vector<32x36xf32> to vector<1x36xf32>
    %slice3A_364 = vector.extract_strided_slice %dot_general3A_351 {offsets = [12, 0], sizes = [1, 36], strides = [1, 1]} : vector<32x36xf32> to vector<1x36xf32>
    %slice3A_365 = vector.extract_strided_slice %dot_general3A_351 {offsets = [13, 0], sizes = [1, 36], strides = [1, 1]} : vector<32x36xf32> to vector<1x36xf32>
    %slice3A_366 = vector.extract_strided_slice %dot_general3A_351 {offsets = [14, 0], sizes = [1, 36], strides = [1, 1]} : vector<32x36xf32> to vector<1x36xf32>
    %slice3A_367 = vector.extract_strided_slice %dot_general3A_351 {offsets = [15, 0], sizes = [1, 36], strides = [1, 1]} : vector<32x36xf32> to vector<1x36xf32>
    %slice3A_368 = vector.extract_strided_slice %dot_general3A_351 {offsets = [16, 0], sizes = [1, 36], strides = [1, 1]} : vector<32x36xf32> to vector<1x36xf32>
    %slice3A_369 = vector.extract_strided_slice %dot_general3A_351 {offsets = [17, 0], sizes = [1, 36], strides = [1, 1]} : vector<32x36xf32> to vector<1x36xf32>
    %slice3A_370 = vector.extract_strided_slice %dot_general3A_351 {offsets = [18, 0], sizes = [1, 36], strides = [1, 1]} : vector<32x36xf32> to vector<1x36xf32>
    %slice3A_371 = vector.extract_strided_slice %dot_general3A_351 {offsets = [19, 0], sizes = [1, 36], strides = [1, 1]} : vector<32x36xf32> to vector<1x36xf32>
    %slice3A_372 = vector.extract_strided_slice %dot_general3A_351 {offsets = [20, 0], sizes = [1, 36], strides = [1, 1]} : vector<32x36xf32> to vector<1x36xf32>
    %slice3A_373 = vector.extract_strided_slice %dot_general3A_351 {offsets = [21, 0], sizes = [1, 36], strides = [1, 1]} : vector<32x36xf32> to vector<1x36xf32>
    %slice3A_374 = vector.extract_strided_slice %dot_general3A_351 {offsets = [22, 0], sizes = [1, 36], strides = [1, 1]} : vector<32x36xf32> to vector<1x36xf32>
    %slice3A_375 = vector.extract_strided_slice %dot_general3A_351 {offsets = [23, 0], sizes = [1, 36], strides = [1, 1]} : vector<32x36xf32> to vector<1x36xf32>
    %slice3A_376 = vector.extract_strided_slice %dot_general3A_351 {offsets = [24, 0], sizes = [1, 36], strides = [1, 1]} : vector<32x36xf32> to vector<1x36xf32>
    %slice3A_377 = vector.extract_strided_slice %dot_general3A_351 {offsets = [25, 0], sizes = [1, 36], strides = [1, 1]} : vector<32x36xf32> to vector<1x36xf32>
    %slice3A_378 = vector.extract_strided_slice %dot_general3A_351 {offsets = [26, 0], sizes = [1, 36], strides = [1, 1]} : vector<32x36xf32> to vector<1x36xf32>
    %slice3A_379 = vector.extract_strided_slice %dot_general3A_351 {offsets = [27, 0], sizes = [1, 36], strides = [1, 1]} : vector<32x36xf32> to vector<1x36xf32>
    %slice3A_380 = vector.extract_strided_slice %dot_general3A_351 {offsets = [28, 0], sizes = [1, 36], strides = [1, 1]} : vector<32x36xf32> to vector<1x36xf32>
    %slice3A_381 = vector.extract_strided_slice %dot_general3A_351 {offsets = [29, 0], sizes = [1, 36], strides = [1, 1]} : vector<32x36xf32> to vector<1x36xf32>
    %slice3A_382 = vector.extract_strided_slice %dot_general3A_351 {offsets = [30, 0], sizes = [1, 36], strides = [1, 1]} : vector<32x36xf32> to vector<1x36xf32>
    %slice3A_383 = vector.extract_strided_slice %dot_general3A_351 {offsets = [31, 0], sizes = [1, 36], strides = [1, 1]} : vector<32x36xf32> to vector<1x36xf32>
    %concatenate3A_384 = tpu.concatenate %slice3A_352, %slice3A_353, %slice3A_354, %slice3A_355, %slice3A_356, %slice3A_357, %slice3A_358, %slice3A_359, %slice3A_360, %slice3A_361, %slice3A_362, %slice3A_363, %slice3A_364, %slice3A_365, %slice3A_366, %slice3A_367, %slice3A_368, %slice3A_369, %slice3A_370, %slice3A_371, %slice3A_372, %slice3A_373, %slice3A_374, %slice3A_375, %slice3A_376, %slice3A_377, %slice3A_378, %slice3A_379, %slice3A_380, %slice3A_381, %slice3A_382, %slice3A_383 in 1 : vector<1x36xf32>, vector<1x36xf32>, vector<1x36xf32>, vector<1x36xf32>, vector<1x36xf32>, vector<1x36xf32>, vector<1x36xf32>, vector<1x36xf32>, vector<1x36xf32>, vector<1x36xf32>, vector<1x36xf32>, vector<1x36xf32>, vector<1x36xf32>, vector<1x36xf32>, vector<1x36xf32>, vector<1x36xf32>, vector<1x36xf32>, vector<1x36xf32>, vector<1x36xf32>, vector<1x36xf32>, vector<1x36xf32>, vector<1x36xf32>, vector<1x36xf32>, vector<1x36xf32>, vector<1x36xf32>, vector<1x36xf32>, vector<1x36xf32>, vector<1x36xf32>, vector<1x36xf32>, vector<1x36xf32>, vector<1x36xf32>, vector<1x36xf32> -> vector<1x1152xf32>
    %get3A_385 = arith.constant 0 : index
    %get3A_386 = arith.constant 0 : index
    %get3A_387 = vector.load %arg11[%get3A_385, %get3A_386] : memref<1x128xf32, #tpu.memory_space<vmem>>, vector<1x128xf32>
    %get3A_388 = arith.constant 0 : index
    %get3A_389 = arith.constant 0 : index
    %get3A_390 = arith.constant 0 : index
    %get3A_391 = vector.load %arg6[%get3A_388, %get3A_389, %get3A_390] : memref<4x1152x128xf32, #tpu.memory_space<vmem>>, vector<1x1152x128xf32>
    %get3A_392 = vector.shape_cast %get3A_391 : vector<1x1152x128xf32> to vector<1152x128xf32>
    %dot_general3A_393 = arith.constant dense<0.000000e+00> : vector<1x128xf32>
    %dot_general3A_394 = tpu.matmul %concatenate3A_384, %get3A_392, %dot_general3A_393 {dimension_numbers = #tpu.dot_dimension_numbers<[1], [0], [0], [1], [0, 0, 1, 1], [], []>, transpose_lhs_hint = false} : vector<1x1152xf32>, vector<1152x128xf32>, vector<1x128xf32> -> vector<1x128xf32>
    %get3A_395 = arith.constant 0 : index
    %get3A_396 = arith.constant 0 : index
    %get3A_397 = arith.constant 0 : index
    %get3A_398 = vector.load %arg7[%get3A_395, %get3A_396, %get3A_397] : memref<4x1x128xf32, #tpu.memory_space<vmem>>, vector<1x1x128xf32>
    %get3A_399 = vector.shape_cast %get3A_398 : vector<1x1x128xf32> to vector<1x128xf32>
    %add3A_400 = arith.addf %dot_general3A_394, %get3A_399 : vector<1x128xf32>
    %max3A_401 = arith.constant 0.000000e+00 : f32
    %max3A_402 = vector.broadcast %max3A_401 : f32 to vector<1x128xf32>
    %max3A_403 = arith.maximumf %add3A_400, %max3A_402 : vector<1x128xf32>
    %get3A_404 = arith.constant 0 : index
    %get3A_405 = arith.constant 0 : index
    %get3A_406 = arith.constant 0 : index
    %get3A_407 = vector.load %arg8[%get3A_404, %get3A_405, %get3A_406] : memref<4x128x32xf32, #tpu.memory_space<vmem>>, vector<1x128x32xf32>
    %get3A_408 = vector.shape_cast %get3A_407 : vector<1x128x32xf32> to vector<128x32xf32>
    %dot_general3A_409 = arith.constant dense<0.000000e+00> : vector<1x32xf32>
    %dot_general3A_410 = tpu.matmul %max3A_403, %get3A_408, %dot_general3A_409 {dimension_numbers = #tpu.dot_dimension_numbers<[1], [0], [0], [1], [0, 0, 1, 1], [], []>, transpose_lhs_hint = false} : vector<1x128xf32>, vector<128x32xf32>, vector<1x32xf32> -> vector<1x32xf32>
    %get3A_411 = arith.constant 0 : index
    %get3A_412 = arith.constant 0 : index
    %get3A_413 = arith.constant 0 : index
    %get3A_414 = vector.load %arg9[%get3A_411, %get3A_412, %get3A_413] : memref<4x1x32xf32, #tpu.memory_space<vmem>>, vector<1x1x32xf32>
    %get3A_415 = vector.shape_cast %get3A_414 : vector<1x1x32xf32> to vector<1x32xf32>
    %add3A_416 = arith.addf %dot_general3A_410, %get3A_415 : vector<1x32xf32>
    %max3A_417 = arith.constant 0.000000e+00 : f32
    %max3A_418 = vector.broadcast %max3A_417 : f32 to vector<1x32xf32>
    %max3A_419 = arith.maximumf %add3A_416, %max3A_418 : vector<1x32xf32>
    %get3A_420 = arith.constant 0 : index
    %get3A_421 = arith.constant 0 : index
    %get3A_422 = arith.constant 0 : index
    %get3A_423 = vector.load %arg10[%get3A_420, %get3A_421, %get3A_422] : memref<4x32x128xf32, #tpu.memory_space<vmem>>, vector<1x32x128xf32>
    %get3A_424 = vector.shape_cast %get3A_423 : vector<1x32x128xf32> to vector<32x128xf32>
    %dot_general3A_425 = arith.constant dense<0.000000e+00> : vector<1x128xf32>
    %dot_general3A_426 = tpu.matmul %max3A_419, %get3A_424, %dot_general3A_425 {dimension_numbers = #tpu.dot_dimension_numbers<[1], [0], [0], [1], [0, 0, 1, 1], [], []>, transpose_lhs_hint = false} : vector<1x32xf32>, vector<32x128xf32>, vector<1x128xf32> -> vector<1x128xf32>
    %add3A_427 = arith.addf %get3A_387, %dot_general3A_426 : vector<1x128xf32>
    %get3A_428 = arith.constant 1 : index
    %get3A_429 = arith.constant 0 : index
    %get3A_430 = arith.constant 0 : index
    %get3A_431 = vector.load %arg6[%get3A_428, %get3A_429, %get3A_430] : memref<4x1152x128xf32, #tpu.memory_space<vmem>>, vector<1x1152x128xf32>
    %get3A_432 = vector.shape_cast %get3A_431 : vector<1x1152x128xf32> to vector<1152x128xf32>
    %dot_general3A_433 = arith.constant dense<0.000000e+00> : vector<1x128xf32>
    %dot_general3A_434 = tpu.matmul %concatenate3A_384, %get3A_432, %dot_general3A_433 {dimension_numbers = #tpu.dot_dimension_numbers<[1], [0], [0], [1], [0, 0, 1, 1], [], []>, transpose_lhs_hint = false} : vector<1x1152xf32>, vector<1152x128xf32>, vector<1x128xf32> -> vector<1x128xf32>
    %get3A_435 = arith.constant 1 : index
    %get3A_436 = arith.constant 0 : index
    %get3A_437 = arith.constant 0 : index
    %get3A_438 = vector.load %arg7[%get3A_435, %get3A_436, %get3A_437] : memref<4x1x128xf32, #tpu.memory_space<vmem>>, vector<1x1x128xf32>
    %get3A_439 = vector.shape_cast %get3A_438 : vector<1x1x128xf32> to vector<1x128xf32>
    %add3A_440 = arith.addf %dot_general3A_434, %get3A_439 : vector<1x128xf32>
    %max3A_441 = arith.constant 0.000000e+00 : f32
    %max3A_442 = vector.broadcast %max3A_441 : f32 to vector<1x128xf32>
    %max3A_443 = arith.maximumf %add3A_440, %max3A_442 : vector<1x128xf32>
    %get3A_444 = arith.constant 1 : index
    %get3A_445 = arith.constant 0 : index
    %get3A_446 = arith.constant 0 : index
    %get3A_447 = vector.load %arg8[%get3A_444, %get3A_445, %get3A_446] : memref<4x128x32xf32, #tpu.memory_space<vmem>>, vector<1x128x32xf32>
    %get3A_448 = vector.shape_cast %get3A_447 : vector<1x128x32xf32> to vector<128x32xf32>
    %dot_general3A_449 = arith.constant dense<0.000000e+00> : vector<1x32xf32>
    %dot_general3A_450 = tpu.matmul %max3A_443, %get3A_448, %dot_general3A_449 {dimension_numbers = #tpu.dot_dimension_numbers<[1], [0], [0], [1], [0, 0, 1, 1], [], []>, transpose_lhs_hint = false} : vector<1x128xf32>, vector<128x32xf32>, vector<1x32xf32> -> vector<1x32xf32>
    %get3A_451 = arith.constant 1 : index
    %get3A_452 = arith.constant 0 : index
    %get3A_453 = arith.constant 0 : index
    %get3A_454 = vector.load %arg9[%get3A_451, %get3A_452, %get3A_453] : memref<4x1x32xf32, #tpu.memory_space<vmem>>, vector<1x1x32xf32>
    %get3A_455 = vector.shape_cast %get3A_454 : vector<1x1x32xf32> to vector<1x32xf32>
    %add3A_456 = arith.addf %dot_general3A_450, %get3A_455 : vector<1x32xf32>
    %max3A_457 = arith.constant 0.000000e+00 : f32
    %max3A_458 = vector.broadcast %max3A_457 : f32 to vector<1x32xf32>
    %max3A_459 = arith.maximumf %add3A_456, %max3A_458 : vector<1x32xf32>
    %get3A_460 = arith.constant 1 : index
    %get3A_461 = arith.constant 0 : index
    %get3A_462 = arith.constant 0 : index
    %get3A_463 = vector.load %arg10[%get3A_460, %get3A_461, %get3A_462] : memref<4x32x128xf32, #tpu.memory_space<vmem>>, vector<1x32x128xf32>
    %get3A_464 = vector.shape_cast %get3A_463 : vector<1x32x128xf32> to vector<32x128xf32>
    %dot_general3A_465 = arith.constant dense<0.000000e+00> : vector<1x128xf32>
    %dot_general3A_466 = tpu.matmul %max3A_459, %get3A_464, %dot_general3A_465 {dimension_numbers = #tpu.dot_dimension_numbers<[1], [0], [0], [1], [0, 0, 1, 1], [], []>, transpose_lhs_hint = false} : vector<1x32xf32>, vector<32x128xf32>, vector<1x128xf32> -> vector<1x128xf32>
    %add3A_467 = arith.addf %add3A_427, %dot_general3A_466 : vector<1x128xf32>
    %get3A_468 = arith.constant 2 : index
    %get3A_469 = arith.constant 0 : index
    %get3A_470 = arith.constant 0 : index
    %get3A_471 = vector.load %arg6[%get3A_468, %get3A_469, %get3A_470] : memref<4x1152x128xf32, #tpu.memory_space<vmem>>, vector<1x1152x128xf32>
    %get3A_472 = vector.shape_cast %get3A_471 : vector<1x1152x128xf32> to vector<1152x128xf32>
    %dot_general3A_473 = arith.constant dense<0.000000e+00> : vector<1x128xf32>
    %dot_general3A_474 = tpu.matmul %concatenate3A_384, %get3A_472, %dot_general3A_473 {dimension_numbers = #tpu.dot_dimension_numbers<[1], [0], [0], [1], [0, 0, 1, 1], [], []>, transpose_lhs_hint = false} : vector<1x1152xf32>, vector<1152x128xf32>, vector<1x128xf32> -> vector<1x128xf32>
    %get3A_475 = arith.constant 2 : index
    %get3A_476 = arith.constant 0 : index
    %get3A_477 = arith.constant 0 : index
    %get3A_478 = vector.load %arg7[%get3A_475, %get3A_476, %get3A_477] : memref<4x1x128xf32, #tpu.memory_space<vmem>>, vector<1x1x128xf32>
    %get3A_479 = vector.shape_cast %get3A_478 : vector<1x1x128xf32> to vector<1x128xf32>
    %add3A_480 = arith.addf %dot_general3A_474, %get3A_479 : vector<1x128xf32>
    %max3A_481 = arith.constant 0.000000e+00 : f32
    %max3A_482 = vector.broadcast %max3A_481 : f32 to vector<1x128xf32>
    %max3A_483 = arith.maximumf %add3A_480, %max3A_482 : vector<1x128xf32>
    %get3A_484 = arith.constant 2 : index
    %get3A_485 = arith.constant 0 : index
    %get3A_486 = arith.constant 0 : index
    %get3A_487 = vector.load %arg8[%get3A_484, %get3A_485, %get3A_486] : memref<4x128x32xf32, #tpu.memory_space<vmem>>, vector<1x128x32xf32>
    %get3A_488 = vector.shape_cast %get3A_487 : vector<1x128x32xf32> to vector<128x32xf32>
    %dot_general3A_489 = arith.constant dense<0.000000e+00> : vector<1x32xf32>
    %dot_general3A_490 = tpu.matmul %max3A_483, %get3A_488, %dot_general3A_489 {dimension_numbers = #tpu.dot_dimension_numbers<[1], [0], [0], [1], [0, 0, 1, 1], [], []>, transpose_lhs_hint = false} : vector<1x128xf32>, vector<128x32xf32>, vector<1x32xf32> -> vector<1x32xf32>
    %get3A_491 = arith.constant 2 : index
    %get3A_492 = arith.constant 0 : index
    %get3A_493 = arith.constant 0 : index
    %get3A_494 = vector.load %arg9[%get3A_491, %get3A_492, %get3A_493] : memref<4x1x32xf32, #tpu.memory_space<vmem>>, vector<1x1x32xf32>
    %get3A_495 = vector.shape_cast %get3A_494 : vector<1x1x32xf32> to vector<1x32xf32>
    %add3A_496 = arith.addf %dot_general3A_490, %get3A_495 : vector<1x32xf32>
    %max3A_497 = arith.constant 0.000000e+00 : f32
    %max3A_498 = vector.broadcast %max3A_497 : f32 to vector<1x32xf32>
    %max3A_499 = arith.maximumf %add3A_496, %max3A_498 : vector<1x32xf32>
    %get3A_500 = arith.constant 2 : index
    %get3A_501 = arith.constant 0 : index
    %get3A_502 = arith.constant 0 : index
    %get3A_503 = vector.load %arg10[%get3A_500, %get3A_501, %get3A_502] : memref<4x32x128xf32, #tpu.memory_space<vmem>>, vector<1x32x128xf32>
    %get3A_504 = vector.shape_cast %get3A_503 : vector<1x32x128xf32> to vector<32x128xf32>
    %dot_general3A_505 = arith.constant dense<0.000000e+00> : vector<1x128xf32>
    %dot_general3A_506 = tpu.matmul %max3A_499, %get3A_504, %dot_general3A_505 {dimension_numbers = #tpu.dot_dimension_numbers<[1], [0], [0], [1], [0, 0, 1, 1], [], []>, transpose_lhs_hint = false} : vector<1x32xf32>, vector<32x128xf32>, vector<1x128xf32> -> vector<1x128xf32>
    %add3A_507 = arith.addf %add3A_467, %dot_general3A_506 : vector<1x128xf32>
    %get3A_508 = arith.constant 3 : index
    %get3A_509 = arith.constant 0 : index
    %get3A_510 = arith.constant 0 : index
    %get3A_511 = vector.load %arg6[%get3A_508, %get3A_509, %get3A_510] : memref<4x1152x128xf32, #tpu.memory_space<vmem>>, vector<1x1152x128xf32>
    %get3A_512 = vector.shape_cast %get3A_511 : vector<1x1152x128xf32> to vector<1152x128xf32>
    %dot_general3A_513 = arith.constant dense<0.000000e+00> : vector<1x128xf32>
    %dot_general3A_514 = tpu.matmul %concatenate3A_384, %get3A_512, %dot_general3A_513 {dimension_numbers = #tpu.dot_dimension_numbers<[1], [0], [0], [1], [0, 0, 1, 1], [], []>, transpose_lhs_hint = false} : vector<1x1152xf32>, vector<1152x128xf32>, vector<1x128xf32> -> vector<1x128xf32>
    %get3A_515 = arith.constant 3 : index
    %get3A_516 = arith.constant 0 : index
    %get3A_517 = arith.constant 0 : index
    %get3A_518 = vector.load %arg7[%get3A_515, %get3A_516, %get3A_517] : memref<4x1x128xf32, #tpu.memory_space<vmem>>, vector<1x1x128xf32>
    %get3A_519 = vector.shape_cast %get3A_518 : vector<1x1x128xf32> to vector<1x128xf32>
    %add3A_520 = arith.addf %dot_general3A_514, %get3A_519 : vector<1x128xf32>
    %max3A_521 = arith.constant 0.000000e+00 : f32
    %max3A_522 = vector.broadcast %max3A_521 : f32 to vector<1x128xf32>
    %max3A_523 = arith.maximumf %add3A_520, %max3A_522 : vector<1x128xf32>
    %get3A_524 = arith.constant 3 : index
    %get3A_525 = arith.constant 0 : index
    %get3A_526 = arith.constant 0 : index
    %get3A_527 = vector.load %arg8[%get3A_524, %get3A_525, %get3A_526] : memref<4x128x32xf32, #tpu.memory_space<vmem>>, vector<1x128x32xf32>
    %get3A_528 = vector.shape_cast %get3A_527 : vector<1x128x32xf32> to vector<128x32xf32>
    %dot_general3A_529 = arith.constant dense<0.000000e+00> : vector<1x32xf32>
    %dot_general3A_530 = tpu.matmul %max3A_523, %get3A_528, %dot_general3A_529 {dimension_numbers = #tpu.dot_dimension_numbers<[1], [0], [0], [1], [0, 0, 1, 1], [], []>, transpose_lhs_hint = false} : vector<1x128xf32>, vector<128x32xf32>, vector<1x32xf32> -> vector<1x32xf32>
    %get3A_531 = arith.constant 3 : index
    %get3A_532 = arith.constant 0 : index
    %get3A_533 = arith.constant 0 : index
    %get3A_534 = vector.load %arg9[%get3A_531, %get3A_532, %get3A_533] : memref<4x1x32xf32, #tpu.memory_space<vmem>>, vector<1x1x32xf32>
    %get3A_535 = vector.shape_cast %get3A_534 : vector<1x1x32xf32> to vector<1x32xf32>
    %add3A_536 = arith.addf %dot_general3A_530, %get3A_535 : vector<1x32xf32>
    %max3A_537 = arith.constant 0.000000e+00 : f32
    %max3A_538 = vector.broadcast %max3A_537 : f32 to vector<1x32xf32>
    %max3A_539 = arith.maximumf %add3A_536, %max3A_538 : vector<1x32xf32>
    %get3A_540 = arith.constant 3 : index
    %get3A_541 = arith.constant 0 : index
    %get3A_542 = arith.constant 0 : index
    %get3A_543 = vector.load %arg10[%get3A_540, %get3A_541, %get3A_542] : memref<4x32x128xf32, #tpu.memory_space<vmem>>, vector<1x32x128xf32>
    %get3A_544 = vector.shape_cast %get3A_543 : vector<1x32x128xf32> to vector<32x128xf32>
    %dot_general3A_545 = arith.constant dense<0.000000e+00> : vector<1x128xf32>
    %dot_general3A_546 = tpu.matmul %max3A_539, %get3A_544, %dot_general3A_545 {dimension_numbers = #tpu.dot_dimension_numbers<[1], [0], [0], [1], [0, 0, 1, 1], [], []>, transpose_lhs_hint = false} : vector<1x32xf32>, vector<32x128xf32>, vector<1x128xf32> -> vector<1x128xf32>
    %add3A_547 = arith.addf %add3A_507, %dot_general3A_546 : vector<1x128xf32>
    %iota3A_548 = tpu.iota {dimensions = array<i32: 1>} : vector<1x128xi32>
    %ge3A = arith.constant 14 : i32
    %ge3A_549 = vector.broadcast %ge3A : i32 to vector<1x128xi32>
    %ge3A_550 = arith.cmpi sge, %iota3A_548, %ge3A_549 : vector<1x128xi32>
    %lt3A_551 = arith.constant 16 : i32
    %lt3A_552 = vector.broadcast %lt3A_551 : i32 to vector<1x128xi32>
    %lt3A_553 = arith.cmpi slt, %iota3A_548, %lt3A_552 : vector<1x128xi32>
    %and3A_554 = arith.andi %ge3A_550, %lt3A_553 : vector<1x128xi1>
    %tanh3A = math.tanh %add3A_547 : vector<1x128xf32>
    %select_n3A_555 = arith.select %and3A_554, %tanh3A, %add3A_547 : vector<1x128xi1>, vector<1x128xf32>
    %swap3A = arith.constant 0 : index
    %swap3A_556 = arith.constant 0 : index
    %swap3A_557 = vector.load %arg12[%swap3A, %swap3A_556] : memref<1x128xf32, #tpu.memory_space<vmem>>, vector<1x128xf32>
    tpu.vector_store %arg12[%swap3A, %swap3A_556], %select_n3A_555 {strides = array<i32>} : memref<1x128xf32, #tpu.memory_space<vmem>>, vector<1x128xf32>,
    return
  }
}

</mosaic_0001>

<sc_bundles>
// kernel: kernel.4.cloned.1.call-start
scs
__scs_entry_jumppad:
0x0: {  	(pc) =	sbr.rel $0x88, $3  }
0x1: {  	(tag) =	ssettag $0x0;
	lr =	simm.s32 $0x1  }
0x2: {  	[smem:$0x3F83] =	sst lr;
	_ =	strace $0xD0000000  }
0x3: {  	_ = 	snop  }
0x4: {  	_ = 	snop  }
0x5: {  	_ = 	snop  }
0x6: {  	_ = 	snop  }
0x7: {  	_ = 	snop  }
__scs_overlays_trampoline_lowered:
0x8: {  	[smem:$0x3F92] =	sst s0  }
0x9: {  	[smem:$0x3F93] =	sst s1  }
0xa: {  	[smem:$0x3F94] =	sst s2  }
0xb: {  	[smem:$0x3F95] =	sst s3  }
0xc: {  	[smem:$0x3F96] =	sst s4  }
0xd: {  	[smem:$0x3F97] =	sst s5  }
0xe: {  	[smem:$0x3F98] =	sst s6  }
0xf: {  	[smem:$0x3F99] =	sst s7  }
0x10: {  	[smem:$0x3F9A] =	sst s8  }
0x11: {  	[smem:$0x3F9B] =	sst s9;
	s0 =	simm.s32 @!p0 $0x0  }
0x12: {  	s1 =	sld [smem:$0x3F81];
	s0 =	simm.s32 @p0 $0x1  }
0x13: {  	[smem:$0x3F9C] =	sst s0;
	s0 =	simm.s32 @!p1 $0x0  }
0x14: {  	s2 =	sld [smem:$0x3F80];
	s0 =	simm.s32 @p1 $0x1  }
0x15: {  	[smem:$0x3F9D] =	sst s0;
	s0 =	simm.s32 @!p2 $0x0  }
0x16: {  	s3 =	sld [smem:$0x3FDB];
	s0 =	simm.s32 @p2 $0x1  }
0x17: {  	s4 =	simm.s32 $0x1BF5;
	[smem:$0x3F9F] =	sst s0  }
0x18: {  	s0 =	sld [smem:$0x3F82];
	_ =	swait.ge [sflag:s4], $0x0  }
0x19: {  	s7 =	sld [smem:$0x3F83]  }
0x1a: {  	s8 =	sadd.s32 $0xFFFFE003, lr  }
0x1b: {  	s9 =	sadd.s32 $0xFFFFFEF7, lr;
	s5 =	simm.s32 $0xFFFFFFFF;
	p2 =	slt.u32 s8, $0xFFFFF086  }
0x1c: {  	p1 =	slt.u32 s9, $0xF7A;
	s5 =	simm.s32 @!p2 $0x0  }
0x1d: {  	s5 =	simm.s32 @p1 $0x1;
	p0 =	seq.s32 s7, s2  }
0x1e: {  	s7 =	smul.u32 @!p0 $0xF7A, s2;
	p2 =	seq.s32 @!p0 s5, $0x0  }
0x1f: {  	s9 =	smul.u32 $0xF7A, s1;
	s8 =	simm.s32 @!p0 $0x1BF5;
	p2 =	por !p2, p0  }
0x20: {  	[sflag:s8] =	ssyncset.s32 @!p0 $0xFFFFF086;
	s6 =	sadd.s32 @!p0 s3, s7;
	s7 =	simm.s32 @!p0 $0x108  }
0x21: {  	s3 =	sadd.s32 s3, s9;
	s6 =	sadd.s32 @!p0 $0x88, s6;
	s7 =	simm.s32 @p2 $0x1082  }
0x22: {  	[simem:s7], [sflag:s8] =	dma.local @!p0 [hbm:s6], $0xF7A  }
0x23: {  	s9 =	sor.u32 $0xD0000000, s2;
	s6 =	simm.s32 $0x108;
	_ =	swait.ge @!p0 [sflag:s8], $0x0  }
0x24: {  	s3 =	sadd.s32 $0x88, s3;
	s6 =	simm.s32 @!p1 $0x1082;
	[sflag:s4] =	ssyncset.s32 $0xFFFFF086  }
0x25: {  	[simem:s6], [sflag:s4] =	dma.local [hbm:s3], $0xF7A  }
0x26: {  	[smem:$0x3F83] =	sst s1;
	(tag) =	ssettag s2;
	_ =	strace s9  }
0x27: {  	s1 =	sld [smem:$0x3F93]  }
0x28: {  	s2 =	sld [smem:$0x3F94]  }
0x29: {  	s4 =	sld [smem:$0x3F96]  }
0x2a: {  	p0 =	seq.s32 s5, $0x0;
	s5 =	sld [smem:$0x3F97]  }
0x2b: {  	s6 =	sld [smem:$0x3F98]  }
0x2c: {  	s7 =	sld [smem:$0x3F99]  }
0x2d: {  	s3 =	simm.s32 $0x108;
	s8 =	sld [smem:$0x3F9A]  }
0x2e: {  	s3 =	simm.s32 @!p0 $0x1082;
	s9 =	sld [smem:$0x3F9B]  }
0x2f: {  	lr =	sadd.s32 s0, s3;
	s0 =	sld [smem:$0x3F92]  }
0x30: {  	s3 =	sld [smem:$0x3F95]  }
0x31: {  	[smem:$0x3F9E] =	sst s10  }
0x32: {  	s10 =	sld [smem:$0x3F9C];
	_ =	sdelay $0x3  }
0x33: {  	p0 =	seq.s32 s10, $0x1;
	s10 =	sld [smem:$0x3F9E];
	_ =	sdelay $0x3  }
0x34: {  	[smem:$0x3F9E] =	sst s10  }
0x35: {  	s10 =	sld [smem:$0x3F9D];
	_ =	sdelay $0x3  }
0x36: {  	p1 =	seq.s32 s10, $0x1;
	s10 =	sld [smem:$0x3F9E];
	_ =	sdelay $0x3  }
0x37: {  	[smem:$0x3F9E] =	sst s10  }
0x38: {  	s10 =	sld [smem:$0x3F9F]  }
0x39: {  	_ = 	snop;
	(pc) =	sbr.ind lr, $3  }
0x3a: {  	_ = 	snop  }
0x3b: {  	_ = 	snop  }
0x3c: {  	p2 =	seq.s32 s10, $0x1;
	s10 =	sld [smem:$0x3F9E]  }
0x3d: {  	_ =	shalt  }
0x3e: {  	_ =	shalt  }
0x3f: {  	_ =	shalt  }
0x40: {  	_ =	shalt  }
0x41: {  	_ =	shalt  }
0x42: {  	_ =	shalt  }
0x43: {  	_ =	shalt  }
0x44: {  	_ =	shalt  }
0x45: {  	_ =	shalt  }
0x46: {  	_ =	shalt  }
0x47: {  	_ =	shalt  }
0x48: {  	_ =	shalt  }
0x49: {  	_ =	shalt  }
0x4a: {  	_ =	shalt  }
0x4b: {  	_ =	shalt  }
0x4c: {  	_ =	shalt  }
0x4d: {  	_ =	shalt  }
0x4e: {  	_ =	shalt  }
0x4f: {  	_ =	shalt  }
0x50: {  	_ =	shalt  }
0x51: {  	_ =	shalt  }
0x52: {  	_ =	shalt  }
0x53: {  	_ =	shalt  }
0x54: {  	_ =	shalt  }
0x55: {  	_ =	shalt  }
0x56: {  	_ =	shalt  }
0x57: {  	_ =	shalt  }
0x58: {  	_ =	shalt  }
0x59: {  	_ =	shalt  }
0x5a: {  	_ =	shalt  }
0x5b: {  	_ =	shalt  }
0x5c: {  	_ =	shalt  }
0x5d: {  	_ =	shalt  }
0x5e: {  	_ =	shalt  }
0x5f: {  	_ =	shalt  }
0x60: {  	_ =	shalt  }
0x61: {  	_ =	shalt  }
0x62: {  	_ =	shalt  }
0x63: {  	_ =	shalt  }
0x64: {  	_ =	shalt  }
0x65: {  	_ =	shalt  }
0x66: {  	_ =	shalt  }
0x67: {  	_ =	shalt  }
0x68: {  	_ =	shalt  }
0x69: {  	_ =	shalt  }
0x6a: {  	_ =	shalt  }
0x6b: {  	_ =	shalt  }
0x6c: {  	_ =	shalt  }
0x6d: {  	_ =	shalt  }
0x6e: {  	_ =	shalt  }
0x6f: {  	_ =	shalt  }
0x70: {  	_ =	shalt  }
0x71: {  	_ =	shalt  }
0x72: {  	_ =	shalt  }
0x73: {  	_ =	shalt  }
0x74: {  	_ =	shalt  }
0x75: {  	_ =	shalt  }
0x76: {  	_ =	shalt  }
0x77: {  	_ =	shalt  }
0x78: {  	_ =	shalt  }
0x79: {  	_ =	shalt  }
0x7a: {  	_ =	shalt  }
0x7b: {  	_ =	shalt  }
0x7c: {  	_ =	shalt  }
0x7d: {  	_ =	shalt  }
0x7e: {  	_ =	shalt  }
0x7f: {  	_ =	shalt  }
0x80: {  	_ =	shalt  }
0x81: {  	_ =	shalt  }
0x82: {  	_ =	shalt  }
0x83: {  	_ =	shalt  }
0x84: {  	_ =	shalt  }
0x85: {  	_ =	shalt  }
0x86: {  	_ =	shalt  }
0x87: {  	_ =	shalt  }
.Lfunc_end0:
.L_simem_size_0:
called_computation_lowered:
.L_overlay_start_0:
0x88: {  	s2 =	sld [smem:$0x3FD9]  }
0x89: {  	s3 =	sld [smem:$0x3FFE];
	_ =	sdelay $0x1  }
0x8a: {  	s1 =	srdreg.scid  }
0x8b: {  	s0 =	sand.u32 $0x1, s1  }
0x8c: {  	s16 =	sshll.u32 s0, $0xA;
	s2 =	sadd.s32 s3, s2  }
0x8d: {  	s2 =	sadd.s32 s2, s16  }
0x8e: {  	[smem:$0x3FAA] =	sst s2  }
0x8f: {  	_ = 	snop  }
0x90: {  	(tm) =	ssettm $0x1  }
0x91: {  	s17 =	sld [smem:$0x3FFB];
	_ =	sdelay $0x3  }
0x92: {  	_ =	strace s17  }
0x93: {  	s2 =	sld [smem:$0x3FFC];
	_ =	sdelay $0x3  }
0x94: {  	_ =	strace s2  }
0x95: {  	s2 =	sld [smem:$0x3FFD];
	_ =	sdelay $0x3  }
0x96: {  	_ =	strace s2  }
0x97: {  	_ =	strace $0x8FFFFFFF  }
0x98: {  	s18 =	sld [smem:$0x3FDB];
	_ =	sdelay $0x1  }
0x99: {  	s19 =	simm.s32 $_scs_section_size  }
0x9a: {  	s4 =	simm.s32 $_size__tile_overlayer_lowered;
	s5 =	simm.s32 $_tile_overlayer_lowered  }
0x9b: {  	s22 =	simm.s32 $0x1BFF;
	s21 =	sshll.u32 s5, $0x1;
	s2 =	sadd.s32 s19, s18  }
0x9c: {  	s6 =	simm.s32 $0x0;
	s20 =	sshll.u32 s4, $0x1;
	s4 =	sadd.s32 s21, s2  }
0x9d: {  	[timem:s6], [sflag:s22] =	dma.local [hbm:s4], s20  }
0x9e: {  	_ =	swait.ge [sflag:s22], s20  }
0x9f: {  	s3 =	ssub.s32 $0x0, s20;
	[sflag:s22] =	ssyncset.done $0x0  }
0xa0: {  	[sflag:s22] =	ssyncadd.s32 s3;
	_ =	sdelay $0x1  }
0xa1: {  	s23 =	simm.s32 $0x1B8B  }
0xa2: {  	_ =	swait.ge [sflag:s23], $0x1  }
0xa3: {  	[sflag:s23] =	ssyncset.done $0x0  }
0xa4: {  	s25 =	simm.s32 $0x1B8E;
	s24 =	sld [smem:$0x3FFE];
	[sflag:s23] =	ssyncadd.s32 $0xFFFFFFFF  }
0xa5: {  	s26 =	simm.s32 $execute0_lowered;
	[smem:$0x3FD2] =	sst s25  }
0xa6: {  	s4 =	sshll.u32 s26, $0x1;
	_ =	strace $0x80000046;
	[dreg:$0x1] =	wrdreg $0xFFFFFFFF  }
0xa7: {  	s28 =	simm.s32 $_size_execute0_lowered;
	s2 =	sadd.s32 s2, s4;
	[dreg:$0x0] =	wrdreg $0x0  }
0xa8: {  	s4 =	sshll.u32 s28, $0x1;
	[dreg:$0x2] =	wrdreg s2  }
0xa9: {  	[dreg:$0x3] =	wrdreg s4  }
0xaa: {  	[dreg:$0x4] =	wrdreg $0xC0  }
0xab: {  	_ =	task [dreg:s6], $0x5FFFF  }
0xac: {  	[dreg:$0x1] =	wrdreg $0xFFFFFFFF  }
0xad: {  	[dreg:$0x0] =	wrdreg $0x60  }
0xae: {  	[dreg:$0x2] =	wrdreg s24  }
0xaf: {  	[dreg:$0x3] =	wrdreg $0x9  }
0xb0: {  	_ =	task.clear_ibuf [dreg:s6], $0x4FFFF;
	_ =	strace $0x90000046  }
0xb1: {  	s29 =	simm.s32 $0x9;
	_ =	strace $0x80000048  }
0xb2: {  	_ =	swait.ge [sflag:s29], $0x1  }
0xb3: {  	[sflag:s29] =	ssyncadd.s32 $0xFFFFFFFF  }
0xb4: {  	_ =	strace $0x90000048  }
0xb5: {  	_ =	sfence  }
0xb6: {  	s30 =	sld [smem:$0x0];
	_ =	sdelay $0x2  }
0xb7: {  	s31 =	sshll.u32 s1, $0xD;
	s1 =	sshrl.u32 s1, $0x2  }
0xb8: {  	s3 =	sand.u32 $0x4000, s31;
	s1 =	sadd.s32 s1, s30  }
0xb9: {  	s0 =	sor.u32 s3, s0;
	s1 =	sshll.u32 s1, $0x11  }
0xba: {  	s0 =	sor.u32 s1, s0  }
0xbb: {  	s0 =	sadd.s32 $0x8F2B, s0  }
0xbc: {  	[sflag:s0] =	ssyncadd.remote.s32 $0x1  }
0xbd: {  	_ =	sfence.sel $0xFFFF  }
0xbe: {  	[dreg:$0x0] =	wrdreg $0xFFFFFFFF;
	(pc) =	sbr.abs _section_cstart, $3  }
0xbf: {  	[dreg:$0x1] =	wrdreg $0xFFFFFFFF  }
0xc0: {  	_ =	task.clear_ibuf [dreg:s6], $0x2FFFF;
	_ =	strace $0x9FFFFFFF  }
0xc1: {  	(tm) =	ssettm $0x7FFFFFFF  }
tec
execute0_lowered:
.L_overlay_start_1:
0x0: {  	(tag) =	ssettag $0x1  }
0x1: {  	s3 =	rddreg [dreg:$0x0];
	s2 =	srdreg.scid  }
0x2: {  	s0 =	rddreg [dreg:$0x1];
	s1 =	stileid.u32  }
0x3: {  	s8 =	simm.s32 $0x1;
	s9 =	simm.s32 $0x400;
	s10 =	simm.s32 $0x800  }
0x4: {  	s11 =	simm.s32 $0xC00;
	s12 =	simm.s32 $0x80;
	s4 =	sand.u32 $0x1, s2  }
0x5: {  	s5 =	sshll.u32 s1, $0x8;
	s7 =	sshrl.u32 s1, $0x2;
	s6 =	sshll.u32 s4, $0x7  }
0x6: {  	s2 =	simm.s32 $0x0;
	s29 =	smul.u32 $0x3000, s7;
	s5 =	sor.u32 s6, s5  }
0x7: {  	[smem:$0x7FF] =	sst s2;
	s4 =	ssub.s32 $0x2, s4;
	s30 =	sand.u32 $0x380, s5  }
0x8: {  	_ =	strace $0x80000047;
	s31 =	sshrl.u32 s4, $0x1;
	s6 =	sor.u32 s29, s30  }
0x9: {  	s5 =	sadd.s32 s5, s3;
	s7 =	ssub.s32 s4, s31;
	s6 =	sshrl.u32 s6, $0x3  }
0xa: {  	s4 =	sadd.s32 $0x3200, s5;
	s7 =	smax.u32 s7, $0x1;
	s6 =	sadd.s32 s6, s3  }
0xb: {  	v0 =	vimm.f32 $0.0e+00;
	v1 =	vimm.s32 $0x0;
	s3 =	sadd.s32 $0x4200, s5;
	s5 =	sadd.s32 $0x2200, s5;
	s6 =	sadd.s32 $0x5200, s6  }
.LBB2_1:
0xc: {  	[tilespmem:s2], [sflag:$0x1] =	stream.linear.gather [hbm4b:s3+s2], $0x400, $0x38;
	[tilespmem:$0x1200] =	vst v63  }
0xd: {  	_ =	swait.ge [sflag:s8], $0x400  }
0xe: {  	[sflag:s8] =	ssyncset.done $0x0  }
0xf: {  	[sflag:s8] =	ssyncadd.s32 $0xFFFFFC00  }
0x10: {  	[tilespmem:s9], [sflag:$0x1] =	stream.linear.gather [hbm4b:s4+s2], $0x400, $0x38;
	[tilespmem:$0x1200] =	vst v63  }
0x11: {  	_ =	swait.ge [sflag:s8], $0x400  }
0x12: {  	[sflag:s8] =	ssyncset.done $0x0  }
0x13: {  	[sflag:s8] =	ssyncadd.s32 $0xFFFFFC00  }
0x14: {  	[tilespmem:s10], [sflag:$0x1] =	stream.linear.gather [hbm4b:s5+s2], $0x400, $0x38;
	[tilespmem:$0x1200] =	vst v63  }
0x15: {  	_ =	swait.ge [sflag:s8], $0x400  }
0x16: {  	[sflag:s8] =	ssyncset.done $0x0  }
0x17: {  	[sflag:s8] =	ssyncadd.s32 $0xFFFFFC00  }
0x18: {  	[tilespmem:$0xC00] =	vst v0  }
0x19: {  	[tilespmem:$0xC10] =	vst v0  }
0x1a: {  	[tilespmem:$0xC20] =	vst v0  }
0x1b: {  	[tilespmem:$0xC30] =	vst v0  }
0x1c: {  	[tilespmem:$0xC40] =	vst v0  }
0x1d: {  	[tilespmem:$0xC50] =	vst v0  }
0x1e: {  	[tilespmem:$0xC60] =	vst v0  }
0x1f: {  	[tilespmem:$0xC70] =	vst v0  }
0x20: {  	[tilespmem:$0xC80] =	vst v0  }
0x21: {  	[tilespmem:$0xC90] =	vst v0  }
0x22: {  	[tilespmem:$0xCA0] =	vst v0  }
0x23: {  	[tilespmem:$0xCB0] =	vst v0  }
0x24: {  	[tilespmem:$0xCC0] =	vst v0  }
0x25: {  	[tilespmem:$0xCD0] =	vst v0  }
0x26: {  	[tilespmem:$0xCE0] =	vst v0  }
0x27: {  	[tilespmem:$0xCF0] =	vst v0  }
0x28: {  	[tilespmem:$0xD00] =	vst v0  }
0x29: {  	[tilespmem:$0xD10] =	vst v0  }
0x2a: {  	[tilespmem:$0xD20] =	vst v0  }
0x2b: {  	[tilespmem:$0xD30] =	vst v0  }
0x2c: {  	[tilespmem:$0xD40] =	vst v0  }
0x2d: {  	[tilespmem:$0xD50] =	vst v0  }
0x2e: {  	[tilespmem:$0xD60] =	vst v0  }
0x2f: {  	[tilespmem:$0xD70] =	vst v0  }
0x30: {  	[tilespmem:$0xD80] =	vst v0  }
0x31: {  	[tilespmem:$0xD90] =	vst v0  }
0x32: {  	[tilespmem:$0xDA0] =	vst v0  }
0x33: {  	[tilespmem:$0xDB0] =	vst v0  }
0x34: {  	[tilespmem:$0xDC0] =	vst v0  }
0x35: {  	[tilespmem:$0xDD0] =	vst v0  }
0x36: {  	[tilespmem:$0xDE0] =	vst v0  }
0x37: {  	[tilespmem:$0xDF0] =	vst v0  }
0x38: {  	[tilespmem:$0xE00] =	vst v0  }
0x39: {  	[tilespmem:$0xE10] =	vst v0  }
0x3a: {  	[tilespmem:$0xE20] =	vst v0  }
0x3b: {  	[tilespmem:$0xE30] =	vst v0  }
0x3c: {  	[tilespmem:$0xE40] =	vst v0  }
0x3d: {  	[tilespmem:$0xE50] =	vst v0  }
0x3e: {  	[tilespmem:$0xE60] =	vst v0  }
0x3f: {  	[tilespmem:$0xE70] =	vst v0  }
0x40: {  	[tilespmem:$0xE80] =	vst v0  }
0x41: {  	[tilespmem:$0xE90] =	vst v0  }
0x42: {  	[tilespmem:$0xEA0] =	vst v0  }
0x43: {  	[tilespmem:$0xEB0] =	vst v0  }
0x44: {  	[tilespmem:$0xEC0] =	vst v0  }
0x45: {  	[tilespmem:$0xED0] =	vst v0  }
0x46: {  	[tilespmem:$0xEE0] =	vst v0  }
0x47: {  	[tilespmem:$0xEF0] =	vst v0  }
0x48: {  	[tilespmem:$0xF00] =	vst v0  }
0x49: {  	[tilespmem:$0xF10] =	vst v0  }
0x4a: {  	[tilespmem:$0xF20] =	vst v0  }
0x4b: {  	[tilespmem:$0xF30] =	vst v0  }
0x4c: {  	[tilespmem:$0xF40] =	vst v0  }
0x4d: {  	[tilespmem:$0xF50] =	vst v0  }
0x4e: {  	[tilespmem:$0xF60] =	vst v0  }
0x4f: {  	[tilespmem:$0xF70] =	vst v0  }
0x50: {  	[tilespmem:$0xF80] =	vst v0  }
0x51: {  	[tilespmem:$0xF90] =	vst v0  }
0x52: {  	[tilespmem:$0xFA0] =	vst v0  }
0x53: {  	[tilespmem:$0xFB0] =	vst v0  }
0x54: {  	[tilespmem:$0xFC0] =	vst v0  }
0x55: {  	[tilespmem:$0xFD0] =	vst v0  }
0x56: {  	[tilespmem:$0xFE0] =	vst v0  }
0x57: {  	[tilespmem:$0xFF0] =	vst v0  }
0x58: {  	[tilespmem:$0x1000] =	vst v0  }
0x59: {  	[tilespmem:$0x1010] =	vst v0  }
0x5a: {  	[tilespmem:$0x1020] =	vst v0  }
0x5b: {  	[tilespmem:$0x1030] =	vst v0  }
0x5c: {  	[tilespmem:$0x1040] =	vst v0  }
0x5d: {  	[tilespmem:$0x1050] =	vst v0  }
0x5e: {  	[tilespmem:$0x1060] =	vst v0  }
0x5f: {  	[tilespmem:$0x1070] =	vst v0  }
0x60: {  	[tilespmem:$0x1080] =	vst v0  }
0x61: {  	[tilespmem:$0x1090] =	vst v0  }
0x62: {  	[tilespmem:$0x10A0] =	vst v0;
	v2 =	vld [tilespmem:$0x0]  }
0x63: {  	[tilespmem:$0x10B0] =	vst v0  }
0x64: {  	[tilespmem:$0x10C0] =	vst v0;
	v3 =	vld [tilespmem:$0x400]  }
0x65: {  	[tilespmem:$0x10D0] =	vst v0  }
0x66: {  	[tilespmem:$0x10E0] =	vst v0  }
0x67: {  	[tilespmem:$0x10F0] =	vst v0;
	v2 =	vadd.f32 $3.000000000e+00, v2  }
0x68: {  	[tilespmem:$0x1100] =	vst v0  }
0x69: {  	[tilespmem:$0x1110] =	vst v0;
	v3 =	vadd.f32 $3.000000000e+00, v3;
	v2 =	vmul.f32 $4.000000000e+00, v2  }
0x6a: {  	[tilespmem:$0x1120] =	vst v0;
	v4 =	vld [tilespmem:$0x800]  }
0x6b: {  	[tilespmem:$0x1130] =	vst v0;
	v3 =	vmul.f32 $4.000000000e+00, v3;
	v2 =	vtrunc.f32 v2  }
0x6c: {  	[tilespmem:$0x1140] =	vst v0;
	v2 =	vcvt.f32.s32 v2  }
0x6d: {  	[tilespmem:$0x1150] =	vst v0;
	v3 =	vtrunc.f32 v3  }
0x6e: {  	[tilespmem:$0x1160] =	vst v0;
	v3 =	vcvt.f32.s32 v3;
	v5 =	vmul.u32 $0x1A, v2  }
0x6f: {  	[tilespmem:$0x1170] =	vst v0;
	vm0 =	vlt.f32 v4, $0.0e+00  }
0x70: {  	[tilespmem:$0x1180] =	vst v0;
	v6 =	vsel vm0, $0x300, v1;
	v5 =	vadd.s32 v5, v3  }
0x71: {  	[tilespmem:$0x1190] =	vst v0;
	vm6 =	vlt.u32 v2, $0x18;
	vm1 =	vlt.u32 v3, $0x18;
	v2 =	vadd.s32 v6, v5  }
0x72: {  	[tilespmem:$0x11A0] =	vst v0;
	vm0 =	vmand vm6, vm1;
	v2 =	vadd.s32 $0x1B, v2  }
0x73: {  	[tilespmem:$0x11B0] =	vst v0;
	v2 =	vnsel vm0, $0x0, v2  }
0x74: {  	[tilespmem:$0x11C0] =	vst v0  }
0x75: {  	[tilespmem:$0x11D0] =	vst v0  }
0x76: {  	[tilespmem:$0x11E0] =	vst v0  }
0x77: {  	[tilespmem:$0x11F0] =	vst v0;
	v3 =	vand.u32 $0x7FFFFFFF, v4  }
0x78: {  	[tilespmem:v2+s11+$0x0] =	vst.idx.add.f32.msk vm0, v3  }
0x79: {  	v2 =	vld [tilespmem:$0x10];
	_ =	sdelay $0x1  }
0x7a: {  	v3 =	vld [tilespmem:$0x410];
	_ =	sdelay $0x2  }
0x7b: {  	v2 =	vadd.f32 $3.000000000e+00, v2;
	_ =	sdelay $0x1  }
0x7c: {  	v3 =	vadd.f32 $3.000000000e+00, v3;
	v2 =	vmul.f32 $4.000000000e+00, v2  }
0x7d: {  	v40 =	vld [tilespmem:$0x810]  }
0x7e: {  	v3 =	vmul.f32 $4.000000000e+00, v3;
	v2 =	vtrunc.f32 v2  }
0x7f: {  	v2 =	vcvt.f32.s32 v2  }
0x80: {  	v3 =	vtrunc.f32 v3  }
0x81: {  	v3 =	vcvt.f32.s32 v3;
	v41 =	vmul.u32 $0x1A, v2  }
0x82: {  	vm7 =	vlt.f32 v40, $0.0e+00  }
0x83: {  	v42 =	vsel vm7, $0x300, v1;
	v5 =	vadd.s32 v41, v3  }
0x84: {  	vm8 =	vlt.u32 v2, $0x18;
	vm9 =	vlt.u32 v3, $0x18;
	v2 =	vadd.s32 v42, v5  }
0x85: {  	vm0 =	vmand vm8, vm9;
	v2 =	vadd.s32 $0x1B, v2  }
0x86: {  	v2 =	vnsel vm0, $0x0, v2;
	_ =	sdelay $0x3  }
0x87: {  	v3 =	vand.u32 $0x7FFFFFFF, v40  }
0x88: {  	[tilespmem:v2+s11+$0x0] =	vst.idx.add.f32.msk vm0, v3  }
0x89: {  	v2 =	vld [tilespmem:$0x20];
	_ =	sdelay $0x1  }
0x8a: {  	v3 =	vld [tilespmem:$0x420];
	_ =	sdelay $0x2  }
0x8b: {  	v2 =	vadd.f32 $3.000000000e+00, v2;
	_ =	sdelay $0x1  }
0x8c: {  	v3 =	vadd.f32 $3.000000000e+00, v3;
	v2 =	vmul.f32 $4.000000000e+00, v2  }
0x8d: {  	v43 =	vld [tilespmem:$0x820]  }
0x8e: {  	v3 =	vmul.f32 $4.000000000e+00, v3;
	v2 =	vtrunc.f32 v2  }
0x8f: {  	v2 =	vcvt.f32.s32 v2  }
0x90: {  	v3 =	vtrunc.f32 v3  }
0x91: {  	v3 =	vcvt.f32.s32 v3;
	v44 =	vmul.u32 $0x1A, v2  }
0x92: {  	vm10 =	vlt.f32 v43, $0.0e+00  }
0x93: {  	v45 =	vsel vm10, $0x300, v1;
	v5 =	vadd.s32 v44, v3  }
0x94: {  	vm11 =	vlt.u32 v2, $0x18;
	vm12 =	vlt.u32 v3, $0x18;
	v2 =	vadd.s32 v45, v5  }
0x95: {  	vm0 =	vmand vm11, vm12;
	v2 =	vadd.s32 $0x1B, v2  }
0x96: {  	v2 =	vnsel vm0, $0x0, v2;
	_ =	sdelay $0x3  }
0x97: {  	v3 =	vand.u32 $0x7FFFFFFF, v43  }
0x98: {  	[tilespmem:v2+s11+$0x0] =	vst.idx.add.f32.msk vm0, v3  }
0x99: {  	v2 =	vld [tilespmem:$0x30];
	_ =	sdelay $0x1  }
0x9a: {  	v3 =	vld [tilespmem:$0x430];
	_ =	sdelay $0x2  }
0x9b: {  	v2 =	vadd.f32 $3.000000000e+00, v2;
	_ =	sdelay $0x1  }
0x9c: {  	v3 =	vadd.f32 $3.000000000e+00, v3;
	v2 =	vmul.f32 $4.000000000e+00, v2  }
0x9d: {  	v46 =	vld [tilespmem:$0x830]  }
0x9e: {  	v3 =	vmul.f32 $4.000000000e+00, v3;
	v2 =	vtrunc.f32 v2  }
0x9f: {  	v2 =	vcvt.f32.s32 v2  }
0xa0: {  	v3 =	vtrunc.f32 v3  }
0xa1: {  	v3 =	vcvt.f32.s32 v3;
	v47 =	vmul.u32 $0x1A, v2  }
0xa2: {  	vm13 =	vlt.f32 v46, $0.0e+00  }
0xa3: {  	v48 =	vsel vm13, $0x300, v1;
	v5 =	vadd.s32 v47, v3  }
0xa4: {  	vm14 =	vlt.u32 v2, $0x18;
	vm15 =	vlt.u32 v3, $0x18;
	v2 =	vadd.s32 v48, v5  }
0xa5: {  	vm0 =	vmand vm14, vm15;
	v2 =	vadd.s32 $0x1B, v2  }
0xa6: {  	v2 =	vnsel vm0, $0x0, v2;
	_ =	sdelay $0x3  }
0xa7: {  	v3 =	vand.u32 $0x7FFFFFFF, v46  }
0xa8: {  	[tilespmem:v2+s11+$0x0] =	vst.idx.add.f32.msk vm0, v3  }
0xa9: {  	v2 =	vld [tilespmem:$0x40];
	_ =	sdelay $0x1  }
0xaa: {  	v3 =	vld [tilespmem:$0x440];
	_ =	sdelay $0x2  }
0xab: {  	v2 =	vadd.f32 $3.000000000e+00, v2;
	_ =	sdelay $0x1  }
0xac: {  	v3 =	vadd.f32 $3.000000000e+00, v3;
	v2 =	vmul.f32 $4.000000000e+00, v2  }
0xad: {  	v49 =	vld [tilespmem:$0x840]  }
0xae: {  	v3 =	vmul.f32 $4.000000000e+00, v3;
	v2 =	vtrunc.f32 v2  }
0xaf: {  	v2 =	vcvt.f32.s32 v2  }
0xb0: {  	v3 =	vtrunc.f32 v3  }
0xb1: {  	v3 =	vcvt.f32.s32 v3;
	v50 =	vmul.u32 $0x1A, v2  }
0xb2: {  	vm4 =	vlt.f32 v49, $0.0e+00  }
0xb3: {  	v51 =	vsel vm4, $0x300, v1;
	v5 =	vadd.s32 v50, v3  }
0xb4: {  	vm5 =	vlt.u32 v2, $0x18;
	vm6 =	vlt.u32 v3, $0x18;
	v2 =	vadd.s32 v51, v5  }
0xb5: {  	vm0 =	vmand vm5, vm6;
	v2 =	vadd.s32 $0x1B, v2  }
0xb6: {  	v2 =	vnsel vm0, $0x0, v2;
	_ =	sdelay $0x3  }
0xb7: {  	v3 =	vand.u32 $0x7FFFFFFF, v49  }
0xb8: {  	[tilespmem:v2+s11+$0x0] =	vst.idx.add.f32.msk vm0, v3  }
0xb9: {  	v2 =	vld [tilespmem:$0x50];
	_ =	sdelay $0x1  }
0xba: {  	v3 =	vld [tilespmem:$0x450];
	_ =	sdelay $0x2  }
0xbb: {  	v2 =	vadd.f32 $3.000000000e+00, v2;
	_ =	sdelay $0x1  }
0xbc: {  	v3 =	vadd.f32 $3.000000000e+00, v3;
	v2 =	vmul.f32 $4.000000000e+00, v2  }
0xbd: {  	v52 =	vld [tilespmem:$0x850]  }
0xbe: {  	v3 =	vmul.f32 $4.000000000e+00, v3;
	v2 =	vtrunc.f32 v2  }
0xbf: {  	v2 =	vcvt.f32.s32 v2  }
0xc0: {  	v3 =	vtrunc.f32 v3  }
0xc1: {  	v3 =	vcvt.f32.s32 v3;
	v53 =	vmul.u32 $0x1A, v2  }
0xc2: {  	vm7 =	vlt.f32 v52, $0.0e+00  }
0xc3: {  	v54 =	vsel vm7, $0x300, v1;
	v5 =	vadd.s32 v53, v3  }
0xc4: {  	vm8 =	vlt.u32 v2, $0x18;
	vm9 =	vlt.u32 v3, $0x18;
	v2 =	vadd.s32 v54, v5  }
0xc5: {  	vm0 =	vmand vm8, vm9;
	v2 =	vadd.s32 $0x1B, v2  }
0xc6: {  	v2 =	vnsel vm0, $0x0, v2;
	_ =	sdelay $0x3  }
0xc7: {  	v3 =	vand.u32 $0x7FFFFFFF, v52  }
0xc8: {  	[tilespmem:v2+s11+$0x0] =	vst.idx.add.f32.msk vm0, v3  }
0xc9: {  	v2 =	vld [tilespmem:$0x60];
	_ =	sdelay $0x1  }
0xca: {  	v3 =	vld [tilespmem:$0x460];
	_ =	sdelay $0x2  }
0xcb: {  	v2 =	vadd.f32 $3.000000000e+00, v2;
	_ =	sdelay $0x1  }
0xcc: {  	v3 =	vadd.f32 $3.000000000e+00, v3;
	v2 =	vmul.f32 $4.000000000e+00, v2  }
0xcd: {  	v55 =	vld [tilespmem:$0x860]  }
0xce: {  	v3 =	vmul.f32 $4.000000000e+00, v3;
	v2 =	vtrunc.f32 v2  }
0xcf: {  	v2 =	vcvt.f32.s32 v2  }
0xd0: {  	v3 =	vtrunc.f32 v3  }
0xd1: {  	v3 =	vcvt.f32.s32 v3;
	v56 =	vmul.u32 $0x1A, v2  }
0xd2: {  	vm10 =	vlt.f32 v55, $0.0e+00  }
0xd3: {  	v57 =	vsel vm10, $0x300, v1;
	v5 =	vadd.s32 v56, v3  }
0xd4: {  	vm11 =	vlt.u32 v2, $0x18;
	vm12 =	vlt.u32 v3, $0x18;
	v2 =	vadd.s32 v57, v5  }
0xd5: {  	vm0 =	vmand vm11, vm12;
	v2 =	vadd.s32 $0x1B, v2  }
0xd6: {  	v2 =	vnsel vm0, $0x0, v2;
	_ =	sdelay $0x3  }
0xd7: {  	v3 =	vand.u32 $0x7FFFFFFF, v55  }
0xd8: {  	[tilespmem:v2+s11+$0x0] =	vst.idx.add.f32.msk vm0, v3  }
0xd9: {  	v2 =	vld [tilespmem:$0x70];
	_ =	sdelay $0x1  }
0xda: {  	v3 =	vld [tilespmem:$0x470];
	_ =	sdelay $0x2  }
0xdb: {  	v2 =	vadd.f32 $3.000000000e+00, v2;
	_ =	sdelay $0x1  }
0xdc: {  	v3 =	vadd.f32 $3.000000000e+00, v3;
	v2 =	vmul.f32 $4.000000000e+00, v2  }
0xdd: {  	v58 =	vld [tilespmem:$0x870]  }
0xde: {  	v3 =	vmul.f32 $4.000000000e+00, v3;
	v2 =	vtrunc.f32 v2  }
0xdf: {  	v2 =	vcvt.f32.s32 v2  }
0xe0: {  	v3 =	vtrunc.f32 v3  }
0xe1: {  	v3 =	vcvt.f32.s32 v3;
	v59 =	vmul.u32 $0x1A, v2  }
0xe2: {  	vm13 =	vlt.f32 v58, $0.0e+00  }
0xe3: {  	v60 =	vsel vm13, $0x300, v1;
	v5 =	vadd.s32 v59, v3  }
0xe4: {  	vm14 =	vlt.u32 v2, $0x18;
	vm15 =	vlt.u32 v3, $0x18;
	v2 =	vadd.s32 v60, v5  }
0xe5: {  	vm0 =	vmand vm14, vm15;
	v2 =	vadd.s32 $0x1B, v2  }
0xe6: {  	v2 =	vnsel vm0, $0x0, v2;
	_ =	sdelay $0x3  }
0xe7: {  	v3 =	vand.u32 $0x7FFFFFFF, v58  }
0xe8: {  	[tilespmem:v2+s11+$0x0] =	vst.idx.add.f32.msk vm0, v3  }
0xe9: {  	v2 =	vld [tilespmem:$0x80];
	_ =	sdelay $0x1  }
0xea: {  	v3 =	vld [tilespmem:$0x480];
	_ =	sdelay $0x2  }
0xeb: {  	v2 =	vadd.f32 $3.000000000e+00, v2;
	_ =	sdelay $0x1  }
0xec: {  	v3 =	vadd.f32 $3.000000000e+00, v3;
	v2 =	vmul.f32 $4.000000000e+00, v2  }
0xed: {  	v61 =	vld [tilespmem:$0x880]  }
0xee: {  	v3 =	vmul.f32 $4.000000000e+00, v3;
	v2 =	vtrunc.f32 v2  }
0xef: {  	v2 =	vcvt.f32.s32 v2  }
0xf0: {  	v3 =	vtrunc.f32 v3  }
0xf1: {  	v3 =	vcvt.f32.s32 v3;
	v62 =	vmul.u32 $0x1A, v2  }
0xf2: {  	vm4 =	vlt.f32 v61, $0.0e+00  }
0xf3: {  	v63 =	vsel vm4, $0x300, v1;
	v5 =	vadd.s32 v62, v3  }
0xf4: {  	vm5 =	vlt.u32 v2, $0x18;
	vm6 =	vlt.u32 v3, $0x18;
	v2 =	vadd.s32 v63, v5  }
0xf5: {  	vm0 =	vmand vm5, vm6;
	v2 =	vadd.s32 $0x1B, v2  }
0xf6: {  	v2 =	vnsel vm0, $0x0, v2;
	_ =	sdelay $0x3  }
0xf7: {  	v3 =	vand.u32 $0x7FFFFFFF, v61  }
0xf8: {  	[tilespmem:v2+s11+$0x0] =	vst.idx.add.f32.msk vm0, v3  }
0xf9: {  	v2 =	vld [tilespmem:$0x90];
	_ =	sdelay $0x1  }
0xfa: {  	v3 =	vld [tilespmem:$0x490];
	_ =	sdelay $0x2  }
0xfb: {  	v2 =	vadd.f32 $3.000000000e+00, v2;
	_ =	sdelay $0x1  }
0xfc: {  	v3 =	vadd.f32 $3.000000000e+00, v3;
	v2 =	vmul.f32 $4.000000000e+00, v2  }
0xfd: {  	v9 =	vld [tilespmem:$0x890]  }
0xfe: {  	v3 =	vmul.f32 $4.000000000e+00, v3;
	v2 =	vtrunc.f32 v2  }
0xff: {  	v2 =	vcvt.f32.s32 v2  }
0x100: {  	v3 =	vtrunc.f32 v3  }
0x101: {  	v3 =	vcvt.f32.s32 v3;
	v10 =	vmul.u32 $0x1A, v2  }
0x102: {  	vm7 =	vlt.f32 v9, $0.0e+00  }
0x103: {  	v11 =	vsel vm7, $0x300, v1;
	v5 =	vadd.s32 v10, v3  }
0x104: {  	vm8 =	vlt.u32 v2, $0x18;
	vm9 =	vlt.u32 v3, $0x18;
	v2 =	vadd.s32 v11, v5  }
0x105: {  	vm0 =	vmand vm8, vm9;
	v2 =	vadd.s32 $0x1B, v2  }
0x106: {  	v2 =	vnsel vm0, $0x0, v2;
	_ =	sdelay $0x3  }
0x107: {  	v3 =	vand.u32 $0x7FFFFFFF, v9  }
0x108: {  	[tilespmem:v2+s11+$0x0] =	vst.idx.add.f32.msk vm0, v3  }
0x109: {  	v2 =	vld [tilespmem:$0xA0];
	_ =	sdelay $0x1  }
0x10a: {  	v3 =	vld [tilespmem:$0x4A0];
	_ =	sdelay $0x2  }
0x10b: {  	v2 =	vadd.f32 $3.000000000e+00, v2;
	_ =	sdelay $0x1  }
0x10c: {  	v3 =	vadd.f32 $3.000000000e+00, v3;
	v2 =	vmul.f32 $4.000000000e+00, v2  }
0x10d: {  	v12 =	vld [tilespmem:$0x8A0]  }
0x10e: {  	v3 =	vmul.f32 $4.000000000e+00, v3;
	v2 =	vtrunc.f32 v2  }
0x10f: {  	v2 =	vcvt.f32.s32 v2  }
0x110: {  	v3 =	vtrunc.f32 v3  }
0x111: {  	v3 =	vcvt.f32.s32 v3;
	v13 =	vmul.u32 $0x1A, v2  }
0x112: {  	vm10 =	vlt.f32 v12, $0.0e+00  }
0x113: {  	v14 =	vsel vm10, $0x300, v1;
	v5 =	vadd.s32 v13, v3  }
0x114: {  	vm11 =	vlt.u32 v2, $0x18;
	vm12 =	vlt.u32 v3, $0x18;
	v2 =	vadd.s32 v14, v5  }
0x115: {  	vm0 =	vmand vm11, vm12;
	v2 =	vadd.s32 $0x1B, v2  }
0x116: {  	v2 =	vnsel vm0, $0x0, v2;
	_ =	sdelay $0x3  }
0x117: {  	v3 =	vand.u32 $0x7FFFFFFF, v12  }
0x118: {  	[tilespmem:v2+s11+$0x0] =	vst.idx.add.f32.msk vm0, v3  }
0x119: {  	v2 =	vld [tilespmem:$0xB0];
	_ =	sdelay $0x1  }
0x11a: {  	v3 =	vld [tilespmem:$0x4B0];
	_ =	sdelay $0x2  }
0x11b: {  	v2 =	vadd.f32 $3.000000000e+00, v2;
	_ =	sdelay $0x1  }
0x11c: {  	v3 =	vadd.f32 $3.000000000e+00, v3;
	v2 =	vmul.f32 $4.000000000e+00, v2  }
0x11d: {  	v15 =	vld [tilespmem:$0x8B0]  }
0x11e: {  	v3 =	vmul.f32 $4.000000000e+00, v3;
	v2 =	vtrunc.f32 v2  }
0x11f: {  	v2 =	vcvt.f32.s32 v2  }
0x120: {  	v3 =	vtrunc.f32 v3  }
0x121: {  	v3 =	vcvt.f32.s32 v3;
	v16 =	vmul.u32 $0x1A, v2  }
0x122: {  	vm13 =	vlt.f32 v15, $0.0e+00  }
0x123: {  	v17 =	vsel vm13, $0x300, v1;
	v5 =	vadd.s32 v16, v3  }
0x124: {  	vm14 =	vlt.u32 v2, $0x18;
	vm15 =	vlt.u32 v3, $0x18;
	v2 =	vadd.s32 v17, v5  }
0x125: {  	vm0 =	vmand vm14, vm15;
	v2 =	vadd.s32 $0x1B, v2  }
0x126: {  	v2 =	vnsel vm0, $0x0, v2;
	_ =	sdelay $0x3  }
0x127: {  	v3 =	vand.u32 $0x7FFFFFFF, v15  }
0x128: {  	[tilespmem:v2+s11+$0x0] =	vst.idx.add.f32.msk vm0, v3  }
0x129: {  	v2 =	vld [tilespmem:$0xC0];
	_ =	sdelay $0x1  }
0x12a: {  	v3 =	vld [tilespmem:$0x4C0];
	_ =	sdelay $0x2  }
0x12b: {  	v2 =	vadd.f32 $3.000000000e+00, v2;
	_ =	sdelay $0x1  }
0x12c: {  	v3 =	vadd.f32 $3.000000000e+00, v3;
	v2 =	vmul.f32 $4.000000000e+00, v2  }
0x12d: {  	v18 =	vld [tilespmem:$0x8C0]  }
0x12e: {  	v3 =	vmul.f32 $4.000000000e+00, v3;
	v2 =	vtrunc.f32 v2  }
0x12f: {  	v2 =	vcvt.f32.s32 v2  }
0x130: {  	v3 =	vtrunc.f32 v3  }
0x131: {  	v3 =	vcvt.f32.s32 v3;
	v19 =	vmul.u32 $0x1A, v2  }
0x132: {  	vm4 =	vlt.f32 v18, $0.0e+00  }
0x133: {  	v20 =	vsel vm4, $0x300, v1;
	v5 =	vadd.s32 v19, v3  }
0x134: {  	vm5 =	vlt.u32 v2, $0x18;
	vm6 =	vlt.u32 v3, $0x18;
	v2 =	vadd.s32 v20, v5  }
0x135: {  	vm0 =	vmand vm5, vm6;
	v2 =	vadd.s32 $0x1B, v2  }
0x136: {  	v2 =	vnsel vm0, $0x0, v2;
	_ =	sdelay $0x3  }
0x137: {  	v3 =	vand.u32 $0x7FFFFFFF, v18  }
0x138: {  	[tilespmem:v2+s11+$0x0] =	vst.idx.add.f32.msk vm0, v3  }
0x139: {  	v2 =	vld [tilespmem:$0xD0];
	_ =	sdelay $0x1  }
0x13a: {  	v3 =	vld [tilespmem:$0x4D0];
	_ =	sdelay $0x2  }
0x13b: {  	v2 =	vadd.f32 $3.000000000e+00, v2;
	_ =	sdelay $0x1  }
0x13c: {  	v3 =	vadd.f32 $3.000000000e+00, v3;
	v2 =	vmul.f32 $4.000000000e+00, v2  }
0x13d: {  	v21 =	vld [tilespmem:$0x8D0]  }
0x13e: {  	v3 =	vmul.f32 $4.000000000e+00, v3;
	v2 =	vtrunc.f32 v2  }
0x13f: {  	v2 =	vcvt.f32.s32 v2  }
0x140: {  	v3 =	vtrunc.f32 v3  }
0x141: {  	v3 =	vcvt.f32.s32 v3;
	v22 =	vmul.u32 $0x1A, v2  }
0x142: {  	vm7 =	vlt.f32 v21, $0.0e+00  }
0x143: {  	v23 =	vsel vm7, $0x300, v1;
	v5 =	vadd.s32 v22, v3  }
0x144: {  	vm8 =	vlt.u32 v2, $0x18;
	vm9 =	vlt.u32 v3, $0x18;
	v2 =	vadd.s32 v23, v5  }
0x145: {  	vm0 =	vmand vm8, vm9;
	v2 =	vadd.s32 $0x1B, v2  }
0x146: {  	v2 =	vnsel vm0, $0x0, v2;
	_ =	sdelay $0x3  }
0x147: {  	v3 =	vand.u32 $0x7FFFFFFF, v21  }
0x148: {  	[tilespmem:v2+s11+$0x0] =	vst.idx.add.f32.msk vm0, v3  }
0x149: {  	v2 =	vld [tilespmem:$0xE0];
	_ =	sdelay $0x1  }
0x14a: {  	v3 =	vld [tilespmem:$0x4E0];
	_ =	sdelay $0x2  }
0x14b: {  	v2 =	vadd.f32 $3.000000000e+00, v2;
	_ =	sdelay $0x1  }
0x14c: {  	v3 =	vadd.f32 $3.000000000e+00, v3;
	v2 =	vmul.f32 $4.000000000e+00, v2  }
0x14d: {  	v24 =	vld [tilespmem:$0x8E0]  }
0x14e: {  	v3 =	vmul.f32 $4.000000000e+00, v3;
	v2 =	vtrunc.f32 v2  }
0x14f: {  	v2 =	vcvt.f32.s32 v2  }
0x150: {  	v3 =	vtrunc.f32 v3  }
0x151: {  	v3 =	vcvt.f32.s32 v3;
	v25 =	vmul.u32 $0x1A, v2  }
0x152: {  	vm10 =	vlt.f32 v24, $0.0e+00  }
0x153: {  	v26 =	vsel vm10, $0x300, v1;
	v5 =	vadd.s32 v25, v3  }
0x154: {  	vm11 =	vlt.u32 v2, $0x18;
	vm12 =	vlt.u32 v3, $0x18;
	v2 =	vadd.s32 v26, v5  }
0x155: {  	vm0 =	vmand vm11, vm12;
	v2 =	vadd.s32 $0x1B, v2  }
0x156: {  	v2 =	vnsel vm0, $0x0, v2;
	_ =	sdelay $0x3  }
0x157: {  	v3 =	vand.u32 $0x7FFFFFFF, v24  }
0x158: {  	[tilespmem:v2+s11+$0x0] =	vst.idx.add.f32.msk vm0, v3  }
0x159: {  	v2 =	vld [tilespmem:$0xF0];
	_ =	sdelay $0x1  }
0x15a: {  	v3 =	vld [tilespmem:$0x4F0];
	_ =	sdelay $0x2  }
0x15b: {  	v2 =	vadd.f32 $3.000000000e+00, v2;
	_ =	sdelay $0x1  }
0x15c: {  	v3 =	vadd.f32 $3.000000000e+00, v3;
	v2 =	vmul.f32 $4.000000000e+00, v2  }
0x15d: {  	v27 =	vld [tilespmem:$0x8F0]  }
0x15e: {  	v3 =	vmul.f32 $4.000000000e+00, v3;
	v2 =	vtrunc.f32 v2  }
0x15f: {  	v2 =	vcvt.f32.s32 v2  }
0x160: {  	v3 =	vtrunc.f32 v3  }
0x161: {  	v3 =	vcvt.f32.s32 v3;
	v28 =	vmul.u32 $0x1A, v2  }
0x162: {  	vm13 =	vlt.f32 v27, $0.0e+00  }
0x163: {  	v29 =	vsel vm13, $0x300, v1;
	v5 =	vadd.s32 v28, v3  }
0x164: {  	vm14 =	vlt.u32 v2, $0x18;
	vm15 =	vlt.u32 v3, $0x18;
	v2 =	vadd.s32 v29, v5  }
0x165: {  	vm0 =	vmand vm14, vm15;
	v2 =	vadd.s32 $0x1B, v2  }
0x166: {  	v2 =	vnsel vm0, $0x0, v2;
	_ =	sdelay $0x3  }
0x167: {  	v3 =	vand.u32 $0x7FFFFFFF, v27  }
0x168: {  	[tilespmem:v2+s11+$0x0] =	vst.idx.add.f32.msk vm0, v3  }
0x169: {  	v2 =	vld [tilespmem:$0x100];
	_ =	sdelay $0x1  }
0x16a: {  	v3 =	vld [tilespmem:$0x500];
	_ =	sdelay $0x2  }
0x16b: {  	v2 =	vadd.f32 $3.000000000e+00, v2;
	_ =	sdelay $0x1  }
0x16c: {  	v3 =	vadd.f32 $3.000000000e+00, v3;
	v2 =	vmul.f32 $4.000000000e+00, v2  }
0x16d: {  	v30 =	vld [tilespmem:$0x900]  }
0x16e: {  	v3 =	vmul.f32 $4.000000000e+00, v3;
	v2 =	vtrunc.f32 v2  }
0x16f: {  	v2 =	vcvt.f32.s32 v2  }
0x170: {  	v3 =	vtrunc.f32 v3  }
0x171: {  	v3 =	vcvt.f32.s32 v3;
	v31 =	vmul.u32 $0x1A, v2  }
0x172: {  	vm4 =	vlt.f32 v30, $0.0e+00  }
0x173: {  	v32 =	vsel vm4, $0x300, v1;
	v5 =	vadd.s32 v31, v3  }
0x174: {  	vm5 =	vlt.u32 v2, $0x18;
	vm6 =	vlt.u32 v3, $0x18;
	v2 =	vadd.s32 v32, v5  }
0x175: {  	vm0 =	vmand vm5, vm6;
	v2 =	vadd.s32 $0x1B, v2  }
0x176: {  	v2 =	vnsel vm0, $0x0, v2;
	_ =	sdelay $0x3  }
0x177: {  	v3 =	vand.u32 $0x7FFFFFFF, v30  }
0x178: {  	[tilespmem:v2+s11+$0x0] =	vst.idx.add.f32.msk vm0, v3  }
0x179: {  	v2 =	vld [tilespmem:$0x110];
	_ =	sdelay $0x1  }
0x17a: {  	v3 =	vld [tilespmem:$0x510];
	_ =	sdelay $0x2  }
0x17b: {  	v2 =	vadd.f32 $3.000000000e+00, v2;
	_ =	sdelay $0x1  }
0x17c: {  	v3 =	vadd.f32 $3.000000000e+00, v3;
	v2 =	vmul.f32 $4.000000000e+00, v2  }
0x17d: {  	v33 =	vld [tilespmem:$0x910]  }
0x17e: {  	v3 =	vmul.f32 $4.000000000e+00, v3;
	v2 =	vtrunc.f32 v2  }
0x17f: {  	v2 =	vcvt.f32.s32 v2  }
0x180: {  	v3 =	vtrunc.f32 v3  }
0x181: {  	v3 =	vcvt.f32.s32 v3;
	v34 =	vmul.u32 $0x1A, v2  }
0x182: {  	vm7 =	vlt.f32 v33, $0.0e+00  }
0x183: {  	v35 =	vsel vm7, $0x300, v1;
	v5 =	vadd.s32 v34, v3  }
0x184: {  	vm8 =	vlt.u32 v2, $0x18;
	vm9 =	vlt.u32 v3, $0x18;
	v2 =	vadd.s32 v35, v5  }
0x185: {  	vm0 =	vmand vm8, vm9;
	v2 =	vadd.s32 $0x1B, v2  }
0x186: {  	v2 =	vnsel vm0, $0x0, v2;
	_ =	sdelay $0x3  }
0x187: {  	v3 =	vand.u32 $0x7FFFFFFF, v33  }
0x188: {  	[tilespmem:v2+s11+$0x0] =	vst.idx.add.f32.msk vm0, v3  }
0x189: {  	v2 =	vld [tilespmem:$0x120];
	_ =	sdelay $0x1  }
0x18a: {  	v3 =	vld [tilespmem:$0x520];
	_ =	sdelay $0x2  }
0x18b: {  	v2 =	vadd.f32 $3.000000000e+00, v2;
	_ =	sdelay $0x1  }
0x18c: {  	v3 =	vadd.f32 $3.000000000e+00, v3;
	v2 =	vmul.f32 $4.000000000e+00, v2  }
0x18d: {  	v36 =	vld [tilespmem:$0x920]  }
0x18e: {  	v3 =	vmul.f32 $4.000000000e+00, v3;
	v2 =	vtrunc.f32 v2  }
0x18f: {  	v2 =	vcvt.f32.s32 v2  }
0x190: {  	v3 =	vtrunc.f32 v3  }
0x191: {  	v3 =	vcvt.f32.s32 v3;
	v37 =	vmul.u32 $0x1A, v2  }
0x192: {  	vm10 =	vlt.f32 v36, $0.0e+00  }
0x193: {  	v38 =	vsel vm10, $0x300, v1;
	v5 =	vadd.s32 v37, v3  }
0x194: {  	vm11 =	vlt.u32 v2, $0x18;
	vm12 =	vlt.u32 v3, $0x18;
	v2 =	vadd.s32 v38, v5  }
0x195: {  	vm0 =	vmand vm11, vm12;
	v2 =	vadd.s32 $0x1B, v2  }
0x196: {  	v2 =	vnsel vm0, $0x0, v2;
	_ =	sdelay $0x3  }
0x197: {  	v3 =	vand.u32 $0x7FFFFFFF, v36  }
0x198: {  	[tilespmem:v2+s11+$0x0] =	vst.idx.add.f32.msk vm0, v3  }
0x199: {  	v2 =	vld [tilespmem:$0x130];
	_ =	sdelay $0x1  }
0x19a: {  	v3 =	vld [tilespmem:$0x530];
	_ =	sdelay $0x2  }
0x19b: {  	v2 =	vadd.f32 $3.000000000e+00, v2;
	_ =	sdelay $0x1  }
0x19c: {  	v3 =	vadd.f32 $3.000000000e+00, v3;
	v2 =	vmul.f32 $4.000000000e+00, v2  }
0x19d: {  	v39 =	vld [tilespmem:$0x930]  }
0x19e: {  	v3 =	vmul.f32 $4.000000000e+00, v3;
	v2 =	vtrunc.f32 v2  }
0x19f: {  	v2 =	vcvt.f32.s32 v2  }
0x1a0: {  	v3 =	vtrunc.f32 v3  }
0x1a1: {  	v3 =	vcvt.f32.s32 v3;
	v40 =	vmul.u32 $0x1A, v2  }
0x1a2: {  	vm13 =	vlt.f32 v39, $0.0e+00  }
0x1a3: {  	v41 =	vsel vm13, $0x300, v1;
	v5 =	vadd.s32 v40, v3  }
0x1a4: {  	vm14 =	vlt.u32 v2, $0x18;
	vm15 =	vlt.u32 v3, $0x18;
	v2 =	vadd.s32 v41, v5  }
0x1a5: {  	vm0 =	vmand vm14, vm15;
	v2 =	vadd.s32 $0x1B, v2  }
0x1a6: {  	v2 =	vnsel vm0, $0x0, v2;
	_ =	sdelay $0x3  }
0x1a7: {  	v3 =	vand.u32 $0x7FFFFFFF, v39  }
0x1a8: {  	[tilespmem:v2+s11+$0x0] =	vst.idx.add.f32.msk vm0, v3  }
0x1a9: {  	v2 =	vld [tilespmem:$0x140];
	_ =	sdelay $0x1  }
0x1aa: {  	v3 =	vld [tilespmem:$0x540];
	_ =	sdelay $0x2  }
0x1ab: {  	v2 =	vadd.f32 $3.000000000e+00, v2;
	_ =	sdelay $0x1  }
0x1ac: {  	v3 =	vadd.f32 $3.000000000e+00, v3;
	v2 =	vmul.f32 $4.000000000e+00, v2  }
0x1ad: {  	v42 =	vld [tilespmem:$0x940]  }
0x1ae: {  	v3 =	vmul.f32 $4.000000000e+00, v3;
	v2 =	vtrunc.f32 v2  }
0x1af: {  	v2 =	vcvt.f32.s32 v2  }
0x1b0: {  	v3 =	vtrunc.f32 v3  }
0x1b1: {  	v3 =	vcvt.f32.s32 v3;
	v43 =	vmul.u32 $0x1A, v2  }
0x1b2: {  	vm4 =	vlt.f32 v42, $0.0e+00  }
0x1b3: {  	v44 =	vsel vm4, $0x300, v1;
	v5 =	vadd.s32 v43, v3  }
0x1b4: {  	vm5 =	vlt.u32 v2, $0x18;
	vm6 =	vlt.u32 v3, $0x18;
	v2 =	vadd.s32 v44, v5  }
0x1b5: {  	vm0 =	vmand vm5, vm6;
	v2 =	vadd.s32 $0x1B, v2  }
0x1b6: {  	v2 =	vnsel vm0, $0x0, v2;
	_ =	sdelay $0x3  }
0x1b7: {  	v3 =	vand.u32 $0x7FFFFFFF, v42  }
0x1b8: {  	[tilespmem:v2+s11+$0x0] =	vst.idx.add.f32.msk vm0, v3  }
0x1b9: {  	v2 =	vld [tilespmem:$0x150];
	_ =	sdelay $0x1  }
0x1ba: {  	v3 =	vld [tilespmem:$0x550];
	_ =	sdelay $0x2  }
0x1bb: {  	v2 =	vadd.f32 $3.000000000e+00, v2;
	_ =	sdelay $0x1  }
0x1bc: {  	v3 =	vadd.f32 $3.000000000e+00, v3;
	v2 =	vmul.f32 $4.000000000e+00, v2  }
0x1bd: {  	v45 =	vld [tilespmem:$0x950]  }
0x1be: {  	v3 =	vmul.f32 $4.000000000e+00, v3;
	v2 =	vtrunc.f32 v2  }
0x1bf: {  	v2 =	vcvt.f32.s32 v2  }
0x1c0: {  	v3 =	vtrunc.f32 v3  }
0x1c1: {  	v3 =	vcvt.f32.s32 v3;
	v46 =	vmul.u32 $0x1A, v2  }
0x1c2: {  	vm7 =	vlt.f32 v45, $0.0e+00  }
0x1c3: {  	v47 =	vsel vm7, $0x300, v1;
	v5 =	vadd.s32 v46, v3  }
0x1c4: {  	vm8 =	vlt.u32 v2, $0x18;
	vm9 =	vlt.u32 v3, $0x18;
	v2 =	vadd.s32 v47, v5  }
0x1c5: {  	vm0 =	vmand vm8, vm9;
	v2 =	vadd.s32 $0x1B, v2  }
0x1c6: {  	v2 =	vnsel vm0, $0x0, v2;
	_ =	sdelay $0x3  }
0x1c7: {  	v3 =	vand.u32 $0x7FFFFFFF, v45  }
0x1c8: {  	[tilespmem:v2+s11+$0x0] =	vst.idx.add.f32.msk vm0, v3  }
0x1c9: {  	v2 =	vld [tilespmem:$0x160];
	_ =	sdelay $0x1  }
0x1ca: {  	v3 =	vld [tilespmem:$0x560];
	_ =	sdelay $0x2  }
0x1cb: {  	v2 =	vadd.f32 $3.000000000e+00, v2;
	_ =	sdelay $0x1  }
0x1cc: {  	v3 =	vadd.f32 $3.000000000e+00, v3;
	v2 =	vmul.f32 $4.000000000e+00, v2  }
0x1cd: {  	v48 =	vld [tilespmem:$0x960]  }
0x1ce: {  	v3 =	vmul.f32 $4.000000000e+00, v3;
	v2 =	vtrunc.f32 v2  }
0x1cf: {  	v2 =	vcvt.f32.s32 v2  }
0x1d0: {  	v3 =	vtrunc.f32 v3  }
0x1d1: {  	v3 =	vcvt.f32.s32 v3;
	v49 =	vmul.u32 $0x1A, v2  }
0x1d2: {  	vm10 =	vlt.f32 v48, $0.0e+00  }
0x1d3: {  	v50 =	vsel vm10, $0x300, v1;
	v5 =	vadd.s32 v49, v3  }
0x1d4: {  	vm11 =	vlt.u32 v2, $0x18;
	vm12 =	vlt.u32 v3, $0x18;
	v2 =	vadd.s32 v50, v5  }
0x1d5: {  	vm0 =	vmand vm11, vm12;
	v2 =	vadd.s32 $0x1B, v2  }
0x1d6: {  	v2 =	vnsel vm0, $0x0, v2;
	_ =	sdelay $0x3  }
0x1d7: {  	v3 =	vand.u32 $0x7FFFFFFF, v48  }
0x1d8: {  	[tilespmem:v2+s11+$0x0] =	vst.idx.add.f32.msk vm0, v3  }
0x1d9: {  	v2 =	vld [tilespmem:$0x170];
	_ =	sdelay $0x1  }
0x1da: {  	v3 =	vld [tilespmem:$0x570];
	_ =	sdelay $0x2  }
0x1db: {  	v2 =	vadd.f32 $3.000000000e+00, v2;
	_ =	sdelay $0x1  }
0x1dc: {  	v3 =	vadd.f32 $3.000000000e+00, v3;
	v2 =	vmul.f32 $4.000000000e+00, v2  }
0x1dd: {  	v51 =	vld [tilespmem:$0x970]  }
0x1de: {  	v3 =	vmul.f32 $4.000000000e+00, v3;
	v2 =	vtrunc.f32 v2  }
0x1df: {  	v2 =	vcvt.f32.s32 v2  }
0x1e0: {  	v3 =	vtrunc.f32 v3  }
0x1e1: {  	v3 =	vcvt.f32.s32 v3;
	v52 =	vmul.u32 $0x1A, v2  }
0x1e2: {  	vm13 =	vlt.f32 v51, $0.0e+00  }
0x1e3: {  	v53 =	vsel vm13, $0x300, v1;
	v5 =	vadd.s32 v52, v3  }
0x1e4: {  	vm14 =	vlt.u32 v2, $0x18;
	vm15 =	vlt.u32 v3, $0x18;
	v2 =	vadd.s32 v53, v5  }
0x1e5: {  	vm0 =	vmand vm14, vm15;
	v2 =	vadd.s32 $0x1B, v2  }
0x1e6: {  	v2 =	vnsel vm0, $0x0, v2;
	_ =	sdelay $0x3  }
0x1e7: {  	v3 =	vand.u32 $0x7FFFFFFF, v51  }
0x1e8: {  	[tilespmem:v2+s11+$0x0] =	vst.idx.add.f32.msk vm0, v3  }
0x1e9: {  	v2 =	vld [tilespmem:$0x180];
	_ =	sdelay $0x1  }
0x1ea: {  	v3 =	vld [tilespmem:$0x580];
	_ =	sdelay $0x2  }
0x1eb: {  	v2 =	vadd.f32 $3.000000000e+00, v2;
	_ =	sdelay $0x1  }
0x1ec: {  	v3 =	vadd.f32 $3.000000000e+00, v3;
	v2 =	vmul.f32 $4.000000000e+00, v2  }
0x1ed: {  	v54 =	vld [tilespmem:$0x980]  }
0x1ee: {  	v3 =	vmul.f32 $4.000000000e+00, v3;
	v2 =	vtrunc.f32 v2  }
0x1ef: {  	v2 =	vcvt.f32.s32 v2  }
0x1f0: {  	v3 =	vtrunc.f32 v3  }
0x1f1: {  	v3 =	vcvt.f32.s32 v3;
	v55 =	vmul.u32 $0x1A, v2  }
0x1f2: {  	vm4 =	vlt.f32 v54, $0.0e+00  }
0x1f3: {  	v56 =	vsel vm4, $0x300, v1;
	v5 =	vadd.s32 v55, v3  }
0x1f4: {  	vm5 =	vlt.u32 v2, $0x18;
	vm6 =	vlt.u32 v3, $0x18;
	v2 =	vadd.s32 v56, v5  }
0x1f5: {  	vm0 =	vmand vm5, vm6;
	v2 =	vadd.s32 $0x1B, v2  }
0x1f6: {  	v2 =	vnsel vm0, $0x0, v2;
	_ =	sdelay $0x3  }
0x1f7: {  	v3 =	vand.u32 $0x7FFFFFFF, v54  }
0x1f8: {  	[tilespmem:v2+s11+$0x0] =	vst.idx.add.f32.msk vm0, v3  }
0x1f9: {  	v2 =	vld [tilespmem:$0x190];
	_ =	sdelay $0x1  }
0x1fa: {  	v3 =	vld [tilespmem:$0x590];
	_ =	sdelay $0x2  }
0x1fb: {  	v2 =	vadd.f32 $3.000000000e+00, v2;
	_ =	sdelay $0x1  }
0x1fc: {  	v3 =	vadd.f32 $3.000000000e+00, v3;
	v2 =	vmul.f32 $4.000000000e+00, v2  }
0x1fd: {  	v57 =	vld [tilespmem:$0x990]  }
0x1fe: {  	v3 =	vmul.f32 $4.000000000e+00, v3;
	v2 =	vtrunc.f32 v2  }
0x1ff: {  	v2 =	vcvt.f32.s32 v2  }
0x200: {  	v3 =	vtrunc.f32 v3  }
0x201: {  	v3 =	vcvt.f32.s32 v3;
	v58 =	vmul.u32 $0x1A, v2  }
0x202: {  	vm7 =	vlt.f32 v57, $0.0e+00  }
0x203: {  	v59 =	vsel vm7, $0x300, v1;
	v5 =	vadd.s32 v58, v3  }
0x204: {  	vm8 =	vlt.u32 v2, $0x18;
	vm9 =	vlt.u32 v3, $0x18;
	v2 =	vadd.s32 v59, v5  }
0x205: {  	vm0 =	vmand vm8, vm9;
	v2 =	vadd.s32 $0x1B, v2  }
0x206: {  	v2 =	vnsel vm0, $0x0, v2;
	_ =	sdelay $0x3  }
0x207: {  	v3 =	vand.u32 $0x7FFFFFFF, v57  }
0x208: {  	[tilespmem:v2+s11+$0x0] =	vst.idx.add.f32.msk vm0, v3  }
0x209: {  	v2 =	vld [tilespmem:$0x1A0];
	_ =	sdelay $0x1  }
0x20a: {  	v3 =	vld [tilespmem:$0x5A0];
	_ =	sdelay $0x2  }
0x20b: {  	v2 =	vadd.f32 $3.000000000e+00, v2;
	_ =	sdelay $0x1  }
0x20c: {  	v3 =	vadd.f32 $3.000000000e+00, v3;
	v2 =	vmul.f32 $4.000000000e+00, v2  }
0x20d: {  	v60 =	vld [tilespmem:$0x9A0]  }
0x20e: {  	v3 =	vmul.f32 $4.000000000e+00, v3;
	v2 =	vtrunc.f32 v2  }
0x20f: {  	v2 =	vcvt.f32.s32 v2  }
0x210: {  	v3 =	vtrunc.f32 v3  }
0x211: {  	v3 =	vcvt.f32.s32 v3;
	v61 =	vmul.u32 $0x1A, v2  }
0x212: {  	vm10 =	vlt.f32 v60, $0.0e+00  }
0x213: {  	v62 =	vsel vm10, $0x300, v1;
	v5 =	vadd.s32 v61, v3  }
0x214: {  	vm11 =	vlt.u32 v2, $0x18;
	vm12 =	vlt.u32 v3, $0x18;
	v2 =	vadd.s32 v62, v5  }
0x215: {  	vm0 =	vmand vm11, vm12;
	v2 =	vadd.s32 $0x1B, v2  }
0x216: {  	v2 =	vnsel vm0, $0x0, v2;
	_ =	sdelay $0x3  }
0x217: {  	v3 =	vand.u32 $0x7FFFFFFF, v60  }
0x218: {  	[tilespmem:v2+s11+$0x0] =	vst.idx.add.f32.msk vm0, v3  }
0x219: {  	v2 =	vld [tilespmem:$0x1B0];
	_ =	sdelay $0x1  }
0x21a: {  	v3 =	vld [tilespmem:$0x5B0];
	_ =	sdelay $0x2  }
0x21b: {  	v2 =	vadd.f32 $3.000000000e+00, v2;
	_ =	sdelay $0x1  }
0x21c: {  	v3 =	vadd.f32 $3.000000000e+00, v3;
	v2 =	vmul.f32 $4.000000000e+00, v2  }
0x21d: {  	v63 =	vld [tilespmem:$0x9B0]  }
0x21e: {  	v3 =	vmul.f32 $4.000000000e+00, v3;
	v2 =	vtrunc.f32 v2  }
0x21f: {  	v2 =	vcvt.f32.s32 v2  }
0x220: {  	v3 =	vtrunc.f32 v3  }
0x221: {  	v3 =	vcvt.f32.s32 v3;
	v9 =	vmul.u32 $0x1A, v2  }
0x222: {  	vm13 =	vlt.f32 v63, $0.0e+00  }
0x223: {  	v10 =	vsel vm13, $0x300, v1;
	v5 =	vadd.s32 v9, v3  }
0x224: {  	vm14 =	vlt.u32 v2, $0x18;
	vm15 =	vlt.u32 v3, $0x18;
	v2 =	vadd.s32 v10, v5  }
0x225: {  	vm0 =	vmand vm14, vm15;
	v2 =	vadd.s32 $0x1B, v2  }
0x226: {  	v2 =	vnsel vm0, $0x0, v2;
	_ =	sdelay $0x3  }
0x227: {  	v3 =	vand.u32 $0x7FFFFFFF, v63  }
0x228: {  	[tilespmem:v2+s11+$0x0] =	vst.idx.add.f32.msk vm0, v3  }
0x229: {  	v2 =	vld [tilespmem:$0x1C0];
	_ =	sdelay $0x1  }
0x22a: {  	v3 =	vld [tilespmem:$0x5C0];
	_ =	sdelay $0x2  }
0x22b: {  	v2 =	vadd.f32 $3.000000000e+00, v2;
	_ =	sdelay $0x1  }
0x22c: {  	v3 =	vadd.f32 $3.000000000e+00, v3;
	v2 =	vmul.f32 $4.000000000e+00, v2  }
0x22d: {  	v11 =	vld [tilespmem:$0x9C0]  }
0x22e: {  	v3 =	vmul.f32 $4.000000000e+00, v3;
	v2 =	vtrunc.f32 v2  }
0x22f: {  	v2 =	vcvt.f32.s32 v2  }
0x230: {  	v3 =	vtrunc.f32 v3  }
0x231: {  	v3 =	vcvt.f32.s32 v3;
	v12 =	vmul.u32 $0x1A, v2  }
0x232: {  	vm4 =	vlt.f32 v11, $0.0e+00  }
0x233: {  	v13 =	vsel vm4, $0x300, v1;
	v5 =	vadd.s32 v12, v3  }
0x234: {  	vm5 =	vlt.u32 v2, $0x18;
	vm6 =	vlt.u32 v3, $0x18;
	v2 =	vadd.s32 v13, v5  }
0x235: {  	vm0 =	vmand vm5, vm6;
	v2 =	vadd.s32 $0x1B, v2  }
0x236: {  	v2 =	vnsel vm0, $0x0, v2;
	_ =	sdelay $0x3  }
0x237: {  	v3 =	vand.u32 $0x7FFFFFFF, v11  }
0x238: {  	[tilespmem:v2+s11+$0x0] =	vst.idx.add.f32.msk vm0, v3  }
0x239: {  	v2 =	vld [tilespmem:$0x1D0];
	_ =	sdelay $0x1  }
0x23a: {  	v3 =	vld [tilespmem:$0x5D0];
	_ =	sdelay $0x2  }
0x23b: {  	v2 =	vadd.f32 $3.000000000e+00, v2;
	_ =	sdelay $0x1  }
0x23c: {  	v3 =	vadd.f32 $3.000000000e+00, v3;
	v2 =	vmul.f32 $4.000000000e+00, v2  }
0x23d: {  	v14 =	vld [tilespmem:$0x9D0]  }
0x23e: {  	v3 =	vmul.f32 $4.000000000e+00, v3;
	v2 =	vtrunc.f32 v2  }
0x23f: {  	v2 =	vcvt.f32.s32 v2  }
0x240: {  	v3 =	vtrunc.f32 v3  }
0x241: {  	v3 =	vcvt.f32.s32 v3;
	v15 =	vmul.u32 $0x1A, v2  }
0x242: {  	vm7 =	vlt.f32 v14, $0.0e+00  }
0x243: {  	v16 =	vsel vm7, $0x300, v1;
	v5 =	vadd.s32 v15, v3  }
0x244: {  	vm8 =	vlt.u32 v2, $0x18;
	vm9 =	vlt.u32 v3, $0x18;
	v2 =	vadd.s32 v16, v5  }
0x245: {  	vm0 =	vmand vm8, vm9;
	v2 =	vadd.s32 $0x1B, v2  }
0x246: {  	v2 =	vnsel vm0, $0x0, v2;
	_ =	sdelay $0x3  }
0x247: {  	v3 =	vand.u32 $0x7FFFFFFF, v14  }
0x248: {  	[tilespmem:v2+s11+$0x0] =	vst.idx.add.f32.msk vm0, v3  }
0x249: {  	v2 =	vld [tilespmem:$0x1E0];
	_ =	sdelay $0x1  }
0x24a: {  	v3 =	vld [tilespmem:$0x5E0];
	_ =	sdelay $0x2  }
0x24b: {  	v2 =	vadd.f32 $3.000000000e+00, v2;
	_ =	sdelay $0x1  }
0x24c: {  	v3 =	vadd.f32 $3.000000000e+00, v3;
	v2 =	vmul.f32 $4.000000000e+00, v2  }
0x24d: {  	v17 =	vld [tilespmem:$0x9E0]  }
0x24e: {  	v3 =	vmul.f32 $4.000000000e+00, v3;
	v2 =	vtrunc.f32 v2  }
0x24f: {  	v2 =	vcvt.f32.s32 v2  }
0x250: {  	v3 =	vtrunc.f32 v3  }
0x251: {  	v3 =	vcvt.f32.s32 v3;
	v18 =	vmul.u32 $0x1A, v2  }
0x252: {  	vm10 =	vlt.f32 v17, $0.0e+00  }
0x253: {  	v19 =	vsel vm10, $0x300, v1;
	v5 =	vadd.s32 v18, v3  }
0x254: {  	vm11 =	vlt.u32 v2, $0x18;
	vm12 =	vlt.u32 v3, $0x18;
	v2 =	vadd.s32 v19, v5  }
0x255: {  	vm0 =	vmand vm11, vm12;
	v2 =	vadd.s32 $0x1B, v2  }
0x256: {  	v2 =	vnsel vm0, $0x0, v2;
	_ =	sdelay $0x3  }
0x257: {  	v3 =	vand.u32 $0x7FFFFFFF, v17  }
0x258: {  	[tilespmem:v2+s11+$0x0] =	vst.idx.add.f32.msk vm0, v3  }
0x259: {  	v2 =	vld [tilespmem:$0x1F0];
	_ =	sdelay $0x1  }
0x25a: {  	v3 =	vld [tilespmem:$0x5F0];
	_ =	sdelay $0x2  }
0x25b: {  	v2 =	vadd.f32 $3.000000000e+00, v2;
	_ =	sdelay $0x1  }
0x25c: {  	v3 =	vadd.f32 $3.000000000e+00, v3;
	v2 =	vmul.f32 $4.000000000e+00, v2  }
0x25d: {  	v20 =	vld [tilespmem:$0x9F0]  }
0x25e: {  	v3 =	vmul.f32 $4.000000000e+00, v3;
	v2 =	vtrunc.f32 v2  }
0x25f: {  	v2 =	vcvt.f32.s32 v2  }
0x260: {  	v3 =	vtrunc.f32 v3  }
0x261: {  	v3 =	vcvt.f32.s32 v3;
	v21 =	vmul.u32 $0x1A, v2  }
0x262: {  	vm13 =	vlt.f32 v20, $0.0e+00  }
0x263: {  	v22 =	vsel vm13, $0x300, v1;
	v5 =	vadd.s32 v21, v3  }
0x264: {  	vm14 =	vlt.u32 v2, $0x18;
	vm15 =	vlt.u32 v3, $0x18;
	v2 =	vadd.s32 v22, v5  }
0x265: {  	vm0 =	vmand vm14, vm15;
	v2 =	vadd.s32 $0x1B, v2  }
0x266: {  	v2 =	vnsel vm0, $0x0, v2;
	_ =	sdelay $0x3  }
0x267: {  	v3 =	vand.u32 $0x7FFFFFFF, v20  }
0x268: {  	[tilespmem:v2+s11+$0x0] =	vst.idx.add.f32.msk vm0, v3  }
0x269: {  	v2 =	vld [tilespmem:$0x200];
	_ =	sdelay $0x1  }
0x26a: {  	v3 =	vld [tilespmem:$0x600];
	_ =	sdelay $0x2  }
0x26b: {  	v2 =	vadd.f32 $3.000000000e+00, v2;
	_ =	sdelay $0x1  }
0x26c: {  	v3 =	vadd.f32 $3.000000000e+00, v3;
	v2 =	vmul.f32 $4.000000000e+00, v2  }
0x26d: {  	v23 =	vld [tilespmem:$0xA00]  }
0x26e: {  	v3 =	vmul.f32 $4.000000000e+00, v3;
	v2 =	vtrunc.f32 v2  }
0x26f: {  	v2 =	vcvt.f32.s32 v2  }
0x270: {  	v3 =	vtrunc.f32 v3  }
0x271: {  	v3 =	vcvt.f32.s32 v3;
	v24 =	vmul.u32 $0x1A, v2  }
0x272: {  	vm4 =	vlt.f32 v23, $0.0e+00  }
0x273: {  	v25 =	vsel vm4, $0x300, v1;
	v5 =	vadd.s32 v24, v3  }
0x274: {  	vm5 =	vlt.u32 v2, $0x18;
	vm6 =	vlt.u32 v3, $0x18;
	v2 =	vadd.s32 v25, v5  }
0x275: {  	vm0 =	vmand vm5, vm6;
	v2 =	vadd.s32 $0x1B, v2  }
0x276: {  	v2 =	vnsel vm0, $0x0, v2;
	_ =	sdelay $0x3  }
0x277: {  	v3 =	vand.u32 $0x7FFFFFFF, v23  }
0x278: {  	[tilespmem:v2+s11+$0x0] =	vst.idx.add.f32.msk vm0, v3  }
0x279: {  	v2 =	vld [tilespmem:$0x210];
	_ =	sdelay $0x1  }
0x27a: {  	v3 =	vld [tilespmem:$0x610];
	_ =	sdelay $0x2  }
0x27b: {  	v2 =	vadd.f32 $3.000000000e+00, v2;
	_ =	sdelay $0x1  }
0x27c: {  	v3 =	vadd.f32 $3.000000000e+00, v3;
	v2 =	vmul.f32 $4.000000000e+00, v2  }
0x27d: {  	v26 =	vld [tilespmem:$0xA10]  }
0x27e: {  	v3 =	vmul.f32 $4.000000000e+00, v3;
	v2 =	vtrunc.f32 v2  }
0x27f: {  	v2 =	vcvt.f32.s32 v2  }
0x280: {  	v3 =	vtrunc.f32 v3  }
0x281: {  	v3 =	vcvt.f32.s32 v3;
	v27 =	vmul.u32 $0x1A, v2  }
0x282: {  	vm7 =	vlt.f32 v26, $0.0e+00  }
0x283: {  	v28 =	vsel vm7, $0x300, v1;
	v5 =	vadd.s32 v27, v3  }
0x284: {  	vm8 =	vlt.u32 v2, $0x18;
	vm9 =	vlt.u32 v3, $0x18;
	v2 =	vadd.s32 v28, v5  }
0x285: {  	vm0 =	vmand vm8, vm9;
	v2 =	vadd.s32 $0x1B, v2  }
0x286: {  	v2 =	vnsel vm0, $0x0, v2;
	_ =	sdelay $0x3  }
0x287: {  	v3 =	vand.u32 $0x7FFFFFFF, v26  }
0x288: {  	[tilespmem:v2+s11+$0x0] =	vst.idx.add.f32.msk vm0, v3  }
0x289: {  	v2 =	vld [tilespmem:$0x220];
	_ =	sdelay $0x1  }
0x28a: {  	v3 =	vld [tilespmem:$0x620];
	_ =	sdelay $0x2  }
0x28b: {  	v2 =	vadd.f32 $3.000000000e+00, v2;
	_ =	sdelay $0x1  }
0x28c: {  	v3 =	vadd.f32 $3.000000000e+00, v3;
	v2 =	vmul.f32 $4.000000000e+00, v2  }
0x28d: {  	v29 =	vld [tilespmem:$0xA20]  }
0x28e: {  	v3 =	vmul.f32 $4.000000000e+00, v3;
	v2 =	vtrunc.f32 v2  }
0x28f: {  	v2 =	vcvt.f32.s32 v2  }
0x290: {  	v3 =	vtrunc.f32 v3  }
0x291: {  	v3 =	vcvt.f32.s32 v3;
	v30 =	vmul.u32 $0x1A, v2  }
0x292: {  	vm10 =	vlt.f32 v29, $0.0e+00  }
0x293: {  	v31 =	vsel vm10, $0x300, v1;
	v5 =	vadd.s32 v30, v3  }
0x294: {  	vm11 =	vlt.u32 v2, $0x18;
	vm12 =	vlt.u32 v3, $0x18;
	v2 =	vadd.s32 v31, v5  }
0x295: {  	vm0 =	vmand vm11, vm12;
	v2 =	vadd.s32 $0x1B, v2  }
0x296: {  	v2 =	vnsel vm0, $0x0, v2;
	_ =	sdelay $0x3  }
0x297: {  	v3 =	vand.u32 $0x7FFFFFFF, v29  }
0x298: {  	[tilespmem:v2+s11+$0x0] =	vst.idx.add.f32.msk vm0, v3  }
0x299: {  	v2 =	vld [tilespmem:$0x230];
	_ =	sdelay $0x1  }
0x29a: {  	v3 =	vld [tilespmem:$0x630];
	_ =	sdelay $0x2  }
0x29b: {  	v2 =	vadd.f32 $3.000000000e+00, v2;
	_ =	sdelay $0x1  }
0x29c: {  	v3 =	vadd.f32 $3.000000000e+00, v3;
	v2 =	vmul.f32 $4.000000000e+00, v2  }
0x29d: {  	v32 =	vld [tilespmem:$0xA30]  }
0x29e: {  	v3 =	vmul.f32 $4.000000000e+00, v3;
	v2 =	vtrunc.f32 v2  }
0x29f: {  	v2 =	vcvt.f32.s32 v2  }
0x2a0: {  	v3 =	vtrunc.f32 v3  }
0x2a1: {  	v3 =	vcvt.f32.s32 v3;
	v33 =	vmul.u32 $0x1A, v2  }
0x2a2: {  	vm13 =	vlt.f32 v32, $0.0e+00  }
0x2a3: {  	v34 =	vsel vm13, $0x300, v1;
	v5 =	vadd.s32 v33, v3  }
0x2a4: {  	vm14 =	vlt.u32 v2, $0x18;
	vm15 =	vlt.u32 v3, $0x18;
	v2 =	vadd.s32 v34, v5  }
0x2a5: {  	vm0 =	vmand vm14, vm15;
	v2 =	vadd.s32 $0x1B, v2  }
0x2a6: {  	v2 =	vnsel vm0, $0x0, v2;
	_ =	sdelay $0x3  }
0x2a7: {  	v3 =	vand.u32 $0x7FFFFFFF, v32  }
0x2a8: {  	[tilespmem:v2+s11+$0x0] =	vst.idx.add.f32.msk vm0, v3  }
0x2a9: {  	v2 =	vld [tilespmem:$0x240];
	_ =	sdelay $0x1  }
0x2aa: {  	v3 =	vld [tilespmem:$0x640];
	_ =	sdelay $0x2  }
0x2ab: {  	v2 =	vadd.f32 $3.000000000e+00, v2;
	_ =	sdelay $0x1  }
0x2ac: {  	v3 =	vadd.f32 $3.000000000e+00, v3;
	v2 =	vmul.f32 $4.000000000e+00, v2  }
0x2ad: {  	v35 =	vld [tilespmem:$0xA40]  }
0x2ae: {  	v3 =	vmul.f32 $4.000000000e+00, v3;
	v2 =	vtrunc.f32 v2  }
0x2af: {  	v2 =	vcvt.f32.s32 v2  }
0x2b0: {  	v3 =	vtrunc.f32 v3  }
0x2b1: {  	v3 =	vcvt.f32.s32 v3;
	v36 =	vmul.u32 $0x1A, v2  }
0x2b2: {  	vm4 =	vlt.f32 v35, $0.0e+00  }
0x2b3: {  	v37 =	vsel vm4, $0x300, v1;
	v5 =	vadd.s32 v36, v3  }
0x2b4: {  	vm5 =	vlt.u32 v2, $0x18;
	vm6 =	vlt.u32 v3, $0x18;
	v2 =	vadd.s32 v37, v5  }
0x2b5: {  	vm0 =	vmand vm5, vm6;
	v2 =	vadd.s32 $0x1B, v2  }
0x2b6: {  	v2 =	vnsel vm0, $0x0, v2;
	_ =	sdelay $0x3  }
0x2b7: {  	v3 =	vand.u32 $0x7FFFFFFF, v35  }
0x2b8: {  	[tilespmem:v2+s11+$0x0] =	vst.idx.add.f32.msk vm0, v3  }
0x2b9: {  	v2 =	vld [tilespmem:$0x250];
	_ =	sdelay $0x1  }
0x2ba: {  	v3 =	vld [tilespmem:$0x650];
	_ =	sdelay $0x2  }
0x2bb: {  	v2 =	vadd.f32 $3.000000000e+00, v2;
	_ =	sdelay $0x1  }
0x2bc: {  	v3 =	vadd.f32 $3.000000000e+00, v3;
	v2 =	vmul.f32 $4.000000000e+00, v2  }
0x2bd: {  	v38 =	vld [tilespmem:$0xA50]  }
0x2be: {  	v3 =	vmul.f32 $4.000000000e+00, v3;
	v2 =	vtrunc.f32 v2  }
0x2bf: {  	v2 =	vcvt.f32.s32 v2  }
0x2c0: {  	v3 =	vtrunc.f32 v3  }
0x2c1: {  	v3 =	vcvt.f32.s32 v3;
	v39 =	vmul.u32 $0x1A, v2  }
0x2c2: {  	vm7 =	vlt.f32 v38, $0.0e+00  }
0x2c3: {  	v40 =	vsel vm7, $0x300, v1;
	v5 =	vadd.s32 v39, v3  }
0x2c4: {  	vm8 =	vlt.u32 v2, $0x18;
	vm9 =	vlt.u32 v3, $0x18;
	v2 =	vadd.s32 v40, v5  }
0x2c5: {  	vm0 =	vmand vm8, vm9;
	v2 =	vadd.s32 $0x1B, v2  }
0x2c6: {  	v2 =	vnsel vm0, $0x0, v2;
	_ =	sdelay $0x3  }
0x2c7: {  	v3 =	vand.u32 $0x7FFFFFFF, v38  }
0x2c8: {  	[tilespmem:v2+s11+$0x0] =	vst.idx.add.f32.msk vm0, v3  }
0x2c9: {  	v2 =	vld [tilespmem:$0x260];
	_ =	sdelay $0x1  }
0x2ca: {  	v3 =	vld [tilespmem:$0x660];
	_ =	sdelay $0x2  }
0x2cb: {  	v2 =	vadd.f32 $3.000000000e+00, v2;
	_ =	sdelay $0x1  }
0x2cc: {  	v3 =	vadd.f32 $3.000000000e+00, v3;
	v2 =	vmul.f32 $4.000000000e+00, v2  }
0x2cd: {  	v41 =	vld [tilespmem:$0xA60]  }
0x2ce: {  	v3 =	vmul.f32 $4.000000000e+00, v3;
	v2 =	vtrunc.f32 v2  }
0x2cf: {  	v2 =	vcvt.f32.s32 v2  }
0x2d0: {  	v3 =	vtrunc.f32 v3  }
0x2d1: {  	v3 =	vcvt.f32.s32 v3;
	v42 =	vmul.u32 $0x1A, v2  }
0x2d2: {  	vm10 =	vlt.f32 v41, $0.0e+00  }
0x2d3: {  	v43 =	vsel vm10, $0x300, v1;
	v5 =	vadd.s32 v42, v3  }
0x2d4: {  	vm11 =	vlt.u32 v2, $0x18;
	vm12 =	vlt.u32 v3, $0x18;
	v2 =	vadd.s32 v43, v5  }
0x2d5: {  	vm0 =	vmand vm11, vm12;
	v2 =	vadd.s32 $0x1B, v2  }
0x2d6: {  	v2 =	vnsel vm0, $0x0, v2;
	_ =	sdelay $0x3  }
0x2d7: {  	v3 =	vand.u32 $0x7FFFFFFF, v41  }
0x2d8: {  	[tilespmem:v2+s11+$0x0] =	vst.idx.add.f32.msk vm0, v3  }
0x2d9: {  	v2 =	vld [tilespmem:$0x270];
	_ =	sdelay $0x1  }
0x2da: {  	v3 =	vld [tilespmem:$0x670];
	_ =	sdelay $0x2  }
0x2db: {  	v2 =	vadd.f32 $3.000000000e+00, v2;
	_ =	sdelay $0x1  }
0x2dc: {  	v3 =	vadd.f32 $3.000000000e+00, v3;
	v2 =	vmul.f32 $4.000000000e+00, v2  }
0x2dd: {  	v44 =	vld [tilespmem:$0xA70]  }
0x2de: {  	v3 =	vmul.f32 $4.000000000e+00, v3;
	v2 =	vtrunc.f32 v2  }
0x2df: {  	v2 =	vcvt.f32.s32 v2  }
0x2e0: {  	v3 =	vtrunc.f32 v3  }
0x2e1: {  	v3 =	vcvt.f32.s32 v3;
	v45 =	vmul.u32 $0x1A, v2  }
0x2e2: {  	vm13 =	vlt.f32 v44, $0.0e+00  }
0x2e3: {  	v46 =	vsel vm13, $0x300, v1;
	v5 =	vadd.s32 v45, v3  }
0x2e4: {  	vm14 =	vlt.u32 v2, $0x18;
	vm15 =	vlt.u32 v3, $0x18;
	v2 =	vadd.s32 v46, v5  }
0x2e5: {  	vm0 =	vmand vm14, vm15;
	v2 =	vadd.s32 $0x1B, v2  }
0x2e6: {  	v2 =	vnsel vm0, $0x0, v2;
	_ =	sdelay $0x3  }
0x2e7: {  	v3 =	vand.u32 $0x7FFFFFFF, v44  }
0x2e8: {  	[tilespmem:v2+s11+$0x0] =	vst.idx.add.f32.msk vm0, v3  }
0x2e9: {  	v2 =	vld [tilespmem:$0x280];
	_ =	sdelay $0x1  }
0x2ea: {  	v3 =	vld [tilespmem:$0x680];
	_ =	sdelay $0x2  }
0x2eb: {  	v2 =	vadd.f32 $3.000000000e+00, v2;
	_ =	sdelay $0x1  }
0x2ec: {  	v3 =	vadd.f32 $3.000000000e+00, v3;
	v2 =	vmul.f32 $4.000000000e+00, v2  }
0x2ed: {  	v47 =	vld [tilespmem:$0xA80]  }
0x2ee: {  	v3 =	vmul.f32 $4.000000000e+00, v3;
	v2 =	vtrunc.f32 v2  }
0x2ef: {  	v2 =	vcvt.f32.s32 v2  }
0x2f0: {  	v3 =	vtrunc.f32 v3  }
0x2f1: {  	v3 =	vcvt.f32.s32 v3;
	v48 =	vmul.u32 $0x1A, v2  }
0x2f2: {  	vm4 =	vlt.f32 v47, $0.0e+00  }
0x2f3: {  	v49 =	vsel vm4, $0x300, v1;
	v5 =	vadd.s32 v48, v3  }
0x2f4: {  	vm5 =	vlt.u32 v2, $0x18;
	vm6 =	vlt.u32 v3, $0x18;
	v2 =	vadd.s32 v49, v5  }
0x2f5: {  	vm0 =	vmand vm5, vm6;
	v2 =	vadd.s32 $0x1B, v2  }
0x2f6: {  	v2 =	vnsel vm0, $0x0, v2;
	_ =	sdelay $0x3  }
0x2f7: {  	v3 =	vand.u32 $0x7FFFFFFF, v47  }
0x2f8: {  	[tilespmem:v2+s11+$0x0] =	vst.idx.add.f32.msk vm0, v3  }
0x2f9: {  	v2 =	vld [tilespmem:$0x290];
	_ =	sdelay $0x1  }
0x2fa: {  	v3 =	vld [tilespmem:$0x690];
	_ =	sdelay $0x2  }
0x2fb: {  	v2 =	vadd.f32 $3.000000000e+00, v2;
	_ =	sdelay $0x1  }
0x2fc: {  	v3 =	vadd.f32 $3.000000000e+00, v3;
	v2 =	vmul.f32 $4.000000000e+00, v2  }
0x2fd: {  	v50 =	vld [tilespmem:$0xA90]  }
0x2fe: {  	v3 =	vmul.f32 $4.000000000e+00, v3;
	v2 =	vtrunc.f32 v2  }
0x2ff: {  	v2 =	vcvt.f32.s32 v2  }
0x300: {  	v3 =	vtrunc.f32 v3  }
0x301: {  	v3 =	vcvt.f32.s32 v3;
	v51 =	vmul.u32 $0x1A, v2  }
0x302: {  	vm7 =	vlt.f32 v50, $0.0e+00  }
0x303: {  	v52 =	vsel vm7, $0x300, v1;
	v5 =	vadd.s32 v51, v3  }
0x304: {  	vm8 =	vlt.u32 v2, $0x18;
	vm9 =	vlt.u32 v3, $0x18;
	v2 =	vadd.s32 v52, v5  }
0x305: {  	vm0 =	vmand vm8, vm9;
	v2 =	vadd.s32 $0x1B, v2  }
0x306: {  	v2 =	vnsel vm0, $0x0, v2;
	_ =	sdelay $0x3  }
0x307: {  	v3 =	vand.u32 $0x7FFFFFFF, v50  }
0x308: {  	[tilespmem:v2+s11+$0x0] =	vst.idx.add.f32.msk vm0, v3  }
0x309: {  	v2 =	vld [tilespmem:$0x2A0];
	_ =	sdelay $0x1  }
0x30a: {  	v3 =	vld [tilespmem:$0x6A0];
	_ =	sdelay $0x2  }
0x30b: {  	v2 =	vadd.f32 $3.000000000e+00, v2;
	_ =	sdelay $0x1  }
0x30c: {  	v3 =	vadd.f32 $3.000000000e+00, v3;
	v2 =	vmul.f32 $4.000000000e+00, v2  }
0x30d: {  	v53 =	vld [tilespmem:$0xAA0]  }
0x30e: {  	v3 =	vmul.f32 $4.000000000e+00, v3;
	v2 =	vtrunc.f32 v2  }
0x30f: {  	v2 =	vcvt.f32.s32 v2  }
0x310: {  	v3 =	vtrunc.f32 v3  }
0x311: {  	v3 =	vcvt.f32.s32 v3;
	v54 =	vmul.u32 $0x1A, v2  }
0x312: {  	vm10 =	vlt.f32 v53, $0.0e+00  }
0x313: {  	v55 =	vsel vm10, $0x300, v1;
	v5 =	vadd.s32 v54, v3  }
0x314: {  	vm11 =	vlt.u32 v2, $0x18;
	vm12 =	vlt.u32 v3, $0x18;
	v2 =	vadd.s32 v55, v5  }
0x315: {  	vm0 =	vmand vm11, vm12;
	v2 =	vadd.s32 $0x1B, v2  }
0x316: {  	v2 =	vnsel vm0, $0x0, v2;
	_ =	sdelay $0x3  }
0x317: {  	v3 =	vand.u32 $0x7FFFFFFF, v53  }
0x318: {  	[tilespmem:v2+s11+$0x0] =	vst.idx.add.f32.msk vm0, v3  }
0x319: {  	v2 =	vld [tilespmem:$0x2B0];
	_ =	sdelay $0x1  }
0x31a: {  	v3 =	vld [tilespmem:$0x6B0];
	_ =	sdelay $0x2  }
0x31b: {  	v2 =	vadd.f32 $3.000000000e+00, v2;
	_ =	sdelay $0x1  }
0x31c: {  	v3 =	vadd.f32 $3.000000000e+00, v3;
	v2 =	vmul.f32 $4.000000000e+00, v2  }
0x31d: {  	v56 =	vld [tilespmem:$0xAB0]  }
0x31e: {  	v3 =	vmul.f32 $4.000000000e+00, v3;
	v2 =	vtrunc.f32 v2  }
0x31f: {  	v2 =	vcvt.f32.s32 v2  }
0x320: {  	v3 =	vtrunc.f32 v3  }
0x321: {  	v3 =	vcvt.f32.s32 v3;
	v57 =	vmul.u32 $0x1A, v2  }
0x322: {  	vm13 =	vlt.f32 v56, $0.0e+00  }
0x323: {  	v58 =	vsel vm13, $0x300, v1;
	v5 =	vadd.s32 v57, v3  }
0x324: {  	vm14 =	vlt.u32 v2, $0x18;
	vm15 =	vlt.u32 v3, $0x18;
	v2 =	vadd.s32 v58, v5  }
0x325: {  	vm0 =	vmand vm14, vm15;
	v2 =	vadd.s32 $0x1B, v2  }
0x326: {  	v2 =	vnsel vm0, $0x0, v2;
	_ =	sdelay $0x3  }
0x327: {  	v3 =	vand.u32 $0x7FFFFFFF, v56  }
0x328: {  	[tilespmem:v2+s11+$0x0] =	vst.idx.add.f32.msk vm0, v3  }
0x329: {  	v2 =	vld [tilespmem:$0x2C0];
	_ =	sdelay $0x1  }
0x32a: {  	v3 =	vld [tilespmem:$0x6C0];
	_ =	sdelay $0x2  }
0x32b: {  	v2 =	vadd.f32 $3.000000000e+00, v2;
	_ =	sdelay $0x1  }
0x32c: {  	v3 =	vadd.f32 $3.000000000e+00, v3;
	v2 =	vmul.f32 $4.000000000e+00, v2  }
0x32d: {  	v59 =	vld [tilespmem:$0xAC0]  }
0x32e: {  	v3 =	vmul.f32 $4.000000000e+00, v3;
	v2 =	vtrunc.f32 v2  }
0x32f: {  	v2 =	vcvt.f32.s32 v2  }
0x330: {  	v3 =	vtrunc.f32 v3  }
0x331: {  	v3 =	vcvt.f32.s32 v3;
	v60 =	vmul.u32 $0x1A, v2  }
0x332: {  	vm4 =	vlt.f32 v59, $0.0e+00  }
0x333: {  	v61 =	vsel vm4, $0x300, v1;
	v5 =	vadd.s32 v60, v3  }
0x334: {  	vm5 =	vlt.u32 v2, $0x18;
	vm6 =	vlt.u32 v3, $0x18;
	v2 =	vadd.s32 v61, v5  }
0x335: {  	vm0 =	vmand vm5, vm6;
	v2 =	vadd.s32 $0x1B, v2  }
0x336: {  	v2 =	vnsel vm0, $0x0, v2;
	_ =	sdelay $0x3  }
0x337: {  	v3 =	vand.u32 $0x7FFFFFFF, v59  }
0x338: {  	[tilespmem:v2+s11+$0x0] =	vst.idx.add.f32.msk vm0, v3  }
0x339: {  	v2 =	vld [tilespmem:$0x2D0];
	_ =	sdelay $0x1  }
0x33a: {  	v3 =	vld [tilespmem:$0x6D0];
	_ =	sdelay $0x2  }
0x33b: {  	v2 =	vadd.f32 $3.000000000e+00, v2;
	_ =	sdelay $0x1  }
0x33c: {  	v3 =	vadd.f32 $3.000000000e+00, v3;
	v2 =	vmul.f32 $4.000000000e+00, v2  }
0x33d: {  	v62 =	vld [tilespmem:$0xAD0]  }
0x33e: {  	v3 =	vmul.f32 $4.000000000e+00, v3;
	v2 =	vtrunc.f32 v2  }
0x33f: {  	v2 =	vcvt.f32.s32 v2  }
0x340: {  	v3 =	vtrunc.f32 v3  }
0x341: {  	v3 =	vcvt.f32.s32 v3;
	v63 =	vmul.u32 $0x1A, v2  }
0x342: {  	vm7 =	vlt.f32 v62, $0.0e+00  }
0x343: {  	v9 =	vsel vm7, $0x300, v1;
	v5 =	vadd.s32 v63, v3  }
0x344: {  	vm8 =	vlt.u32 v2, $0x18;
	vm9 =	vlt.u32 v3, $0x18;
	v2 =	vadd.s32 v9, v5  }
0x345: {  	vm0 =	vmand vm8, vm9;
	v2 =	vadd.s32 $0x1B, v2  }
0x346: {  	v2 =	vnsel vm0, $0x0, v2;
	_ =	sdelay $0x3  }
0x347: {  	v3 =	vand.u32 $0x7FFFFFFF, v62  }
0x348: {  	[tilespmem:v2+s11+$0x0] =	vst.idx.add.f32.msk vm0, v3  }
0x349: {  	v2 =	vld [tilespmem:$0x2E0];
	_ =	sdelay $0x1  }
0x34a: {  	v3 =	vld [tilespmem:$0x6E0];
	_ =	sdelay $0x2  }
0x34b: {  	v2 =	vadd.f32 $3.000000000e+00, v2;
	_ =	sdelay $0x1  }
0x34c: {  	v3 =	vadd.f32 $3.000000000e+00, v3;
	v2 =	vmul.f32 $4.000000000e+00, v2  }
0x34d: {  	v10 =	vld [tilespmem:$0xAE0]  }
0x34e: {  	v3 =	vmul.f32 $4.000000000e+00, v3;
	v2 =	vtrunc.f32 v2  }
0x34f: {  	v2 =	vcvt.f32.s32 v2  }
0x350: {  	v3 =	vtrunc.f32 v3  }
0x351: {  	v3 =	vcvt.f32.s32 v3;
	v11 =	vmul.u32 $0x1A, v2  }
0x352: {  	vm10 =	vlt.f32 v10, $0.0e+00  }
0x353: {  	v12 =	vsel vm10, $0x300, v1;
	v5 =	vadd.s32 v11, v3  }
0x354: {  	vm11 =	vlt.u32 v2, $0x18;
	vm12 =	vlt.u32 v3, $0x18;
	v2 =	vadd.s32 v12, v5  }
0x355: {  	vm0 =	vmand vm11, vm12;
	v2 =	vadd.s32 $0x1B, v2  }
0x356: {  	v2 =	vnsel vm0, $0x0, v2;
	_ =	sdelay $0x3  }
0x357: {  	v3 =	vand.u32 $0x7FFFFFFF, v10  }
0x358: {  	[tilespmem:v2+s11+$0x0] =	vst.idx.add.f32.msk vm0, v3  }
0x359: {  	v2 =	vld [tilespmem:$0x2F0];
	_ =	sdelay $0x1  }
0x35a: {  	v3 =	vld [tilespmem:$0x6F0];
	_ =	sdelay $0x2  }
0x35b: {  	v2 =	vadd.f32 $3.000000000e+00, v2;
	_ =	sdelay $0x1  }
0x35c: {  	v3 =	vadd.f32 $3.000000000e+00, v3;
	v2 =	vmul.f32 $4.000000000e+00, v2  }
0x35d: {  	v13 =	vld [tilespmem:$0xAF0]  }
0x35e: {  	v3 =	vmul.f32 $4.000000000e+00, v3;
	v2 =	vtrunc.f32 v2  }
0x35f: {  	v2 =	vcvt.f32.s32 v2  }
0x360: {  	v3 =	vtrunc.f32 v3  }
0x361: {  	v3 =	vcvt.f32.s32 v3;
	v14 =	vmul.u32 $0x1A, v2  }
0x362: {  	vm13 =	vlt.f32 v13, $0.0e+00  }
0x363: {  	v15 =	vsel vm13, $0x300, v1;
	v5 =	vadd.s32 v14, v3  }
0x364: {  	vm14 =	vlt.u32 v2, $0x18;
	vm15 =	vlt.u32 v3, $0x18;
	v2 =	vadd.s32 v15, v5  }
0x365: {  	vm0 =	vmand vm14, vm15;
	v2 =	vadd.s32 $0x1B, v2  }
0x366: {  	v2 =	vnsel vm0, $0x0, v2;
	_ =	sdelay $0x3  }
0x367: {  	v3 =	vand.u32 $0x7FFFFFFF, v13  }
0x368: {  	[tilespmem:v2+s11+$0x0] =	vst.idx.add.f32.msk vm0, v3  }
0x369: {  	v2 =	vld [tilespmem:$0x300];
	_ =	sdelay $0x1  }
0x36a: {  	v3 =	vld [tilespmem:$0x700];
	_ =	sdelay $0x2  }
0x36b: {  	v2 =	vadd.f32 $3.000000000e+00, v2;
	_ =	sdelay $0x1  }
0x36c: {  	v3 =	vadd.f32 $3.000000000e+00, v3;
	v2 =	vmul.f32 $4.000000000e+00, v2  }
0x36d: {  	v16 =	vld [tilespmem:$0xB00]  }
0x36e: {  	v3 =	vmul.f32 $4.000000000e+00, v3;
	v2 =	vtrunc.f32 v2  }
0x36f: {  	v2 =	vcvt.f32.s32 v2  }
0x370: {  	v3 =	vtrunc.f32 v3  }
0x371: {  	v3 =	vcvt.f32.s32 v3;
	v17 =	vmul.u32 $0x1A, v2  }
0x372: {  	vm4 =	vlt.f32 v16, $0.0e+00  }
0x373: {  	v18 =	vsel vm4, $0x300, v1;
	v5 =	vadd.s32 v17, v3  }
0x374: {  	vm5 =	vlt.u32 v2, $0x18;
	vm6 =	vlt.u32 v3, $0x18;
	v2 =	vadd.s32 v18, v5  }
0x375: {  	vm0 =	vmand vm5, vm6;
	v2 =	vadd.s32 $0x1B, v2  }
0x376: {  	v2 =	vnsel vm0, $0x0, v2;
	_ =	sdelay $0x3  }
0x377: {  	v3 =	vand.u32 $0x7FFFFFFF, v16  }
0x378: {  	[tilespmem:v2+s11+$0x0] =	vst.idx.add.f32.msk vm0, v3  }
0x379: {  	v2 =	vld [tilespmem:$0x310];
	_ =	sdelay $0x1  }
0x37a: {  	v3 =	vld [tilespmem:$0x710];
	_ =	sdelay $0x2  }
0x37b: {  	v2 =	vadd.f32 $3.000000000e+00, v2;
	_ =	sdelay $0x1  }
0x37c: {  	v3 =	vadd.f32 $3.000000000e+00, v3;
	v2 =	vmul.f32 $4.000000000e+00, v2  }
0x37d: {  	v19 =	vld [tilespmem:$0xB10]  }
0x37e: {  	v3 =	vmul.f32 $4.000000000e+00, v3;
	v2 =	vtrunc.f32 v2  }
0x37f: {  	v2 =	vcvt.f32.s32 v2  }
0x380: {  	v3 =	vtrunc.f32 v3  }
0x381: {  	v3 =	vcvt.f32.s32 v3;
	v20 =	vmul.u32 $0x1A, v2  }
0x382: {  	vm7 =	vlt.f32 v19, $0.0e+00  }
0x383: {  	v21 =	vsel vm7, $0x300, v1;
	v5 =	vadd.s32 v20, v3  }
0x384: {  	vm8 =	vlt.u32 v2, $0x18;
	vm9 =	vlt.u32 v3, $0x18;
	v2 =	vadd.s32 v21, v5  }
0x385: {  	vm0 =	vmand vm8, vm9;
	v2 =	vadd.s32 $0x1B, v2  }
0x386: {  	v2 =	vnsel vm0, $0x0, v2;
	_ =	sdelay $0x3  }
0x387: {  	v3 =	vand.u32 $0x7FFFFFFF, v19  }
0x388: {  	[tilespmem:v2+s11+$0x0] =	vst.idx.add.f32.msk vm0, v3  }
0x389: {  	v2 =	vld [tilespmem:$0x320];
	_ =	sdelay $0x1  }
0x38a: {  	v3 =	vld [tilespmem:$0x720];
	_ =	sdelay $0x2  }
0x38b: {  	v2 =	vadd.f32 $3.000000000e+00, v2;
	_ =	sdelay $0x1  }
0x38c: {  	v3 =	vadd.f32 $3.000000000e+00, v3;
	v2 =	vmul.f32 $4.000000000e+00, v2  }
0x38d: {  	v22 =	vld [tilespmem:$0xB20]  }
0x38e: {  	v3 =	vmul.f32 $4.000000000e+00, v3;
	v2 =	vtrunc.f32 v2  }
0x38f: {  	v2 =	vcvt.f32.s32 v2  }
0x390: {  	v3 =	vtrunc.f32 v3  }
0x391: {  	v3 =	vcvt.f32.s32 v3;
	v23 =	vmul.u32 $0x1A, v2  }
0x392: {  	vm10 =	vlt.f32 v22, $0.0e+00  }
0x393: {  	v24 =	vsel vm10, $0x300, v1;
	v5 =	vadd.s32 v23, v3  }
0x394: {  	vm11 =	vlt.u32 v2, $0x18;
	vm12 =	vlt.u32 v3, $0x18;
	v2 =	vadd.s32 v24, v5  }
0x395: {  	vm0 =	vmand vm11, vm12;
	v2 =	vadd.s32 $0x1B, v2  }
0x396: {  	v2 =	vnsel vm0, $0x0, v2;
	_ =	sdelay $0x3  }
0x397: {  	v3 =	vand.u32 $0x7FFFFFFF, v22  }
0x398: {  	[tilespmem:v2+s11+$0x0] =	vst.idx.add.f32.msk vm0, v3  }
0x399: {  	v2 =	vld [tilespmem:$0x330];
	_ =	sdelay $0x1  }
0x39a: {  	v3 =	vld [tilespmem:$0x730];
	_ =	sdelay $0x2  }
0x39b: {  	v2 =	vadd.f32 $3.000000000e+00, v2;
	_ =	sdelay $0x1  }
0x39c: {  	v3 =	vadd.f32 $3.000000000e+00, v3;
	v2 =	vmul.f32 $4.000000000e+00, v2  }
0x39d: {  	v25 =	vld [tilespmem:$0xB30]  }
0x39e: {  	v3 =	vmul.f32 $4.000000000e+00, v3;
	v2 =	vtrunc.f32 v2  }
0x39f: {  	v2 =	vcvt.f32.s32 v2  }
0x3a0: {  	v3 =	vtrunc.f32 v3  }
0x3a1: {  	v3 =	vcvt.f32.s32 v3;
	v26 =	vmul.u32 $0x1A, v2  }
0x3a2: {  	vm13 =	vlt.f32 v25, $0.0e+00  }
0x3a3: {  	v27 =	vsel vm13, $0x300, v1;
	v5 =	vadd.s32 v26, v3  }
0x3a4: {  	vm14 =	vlt.u32 v2, $0x18;
	vm15 =	vlt.u32 v3, $0x18;
	v2 =	vadd.s32 v27, v5  }
0x3a5: {  	vm0 =	vmand vm14, vm15;
	v2 =	vadd.s32 $0x1B, v2  }
0x3a6: {  	v2 =	vnsel vm0, $0x0, v2;
	_ =	sdelay $0x3  }
0x3a7: {  	v3 =	vand.u32 $0x7FFFFFFF, v25  }
0x3a8: {  	[tilespmem:v2+s11+$0x0] =	vst.idx.add.f32.msk vm0, v3  }
0x3a9: {  	v2 =	vld [tilespmem:$0x340];
	_ =	sdelay $0x1  }
0x3aa: {  	v3 =	vld [tilespmem:$0x740];
	_ =	sdelay $0x2  }
0x3ab: {  	v2 =	vadd.f32 $3.000000000e+00, v2;
	_ =	sdelay $0x1  }
0x3ac: {  	v3 =	vadd.f32 $3.000000000e+00, v3;
	v2 =	vmul.f32 $4.000000000e+00, v2  }
0x3ad: {  	v28 =	vld [tilespmem:$0xB40]  }
0x3ae: {  	v3 =	vmul.f32 $4.000000000e+00, v3;
	v2 =	vtrunc.f32 v2  }
0x3af: {  	v2 =	vcvt.f32.s32 v2  }
0x3b0: {  	v3 =	vtrunc.f32 v3  }
0x3b1: {  	v3 =	vcvt.f32.s32 v3;
	v29 =	vmul.u32 $0x1A, v2  }
0x3b2: {  	vm4 =	vlt.f32 v28, $0.0e+00  }
0x3b3: {  	v30 =	vsel vm4, $0x300, v1;
	v5 =	vadd.s32 v29, v3  }
0x3b4: {  	vm5 =	vlt.u32 v2, $0x18;
	vm6 =	vlt.u32 v3, $0x18;
	v2 =	vadd.s32 v30, v5  }
0x3b5: {  	vm0 =	vmand vm5, vm6;
	v2 =	vadd.s32 $0x1B, v2  }
0x3b6: {  	v2 =	vnsel vm0, $0x0, v2;
	_ =	sdelay $0x3  }
0x3b7: {  	v3 =	vand.u32 $0x7FFFFFFF, v28  }
0x3b8: {  	[tilespmem:v2+s11+$0x0] =	vst.idx.add.f32.msk vm0, v3  }
0x3b9: {  	v2 =	vld [tilespmem:$0x350];
	_ =	sdelay $0x1  }
0x3ba: {  	v3 =	vld [tilespmem:$0x750];
	_ =	sdelay $0x2  }
0x3bb: {  	v2 =	vadd.f32 $3.000000000e+00, v2;
	_ =	sdelay $0x1  }
0x3bc: {  	v3 =	vadd.f32 $3.000000000e+00, v3;
	v2 =	vmul.f32 $4.000000000e+00, v2  }
0x3bd: {  	v31 =	vld [tilespmem:$0xB50]  }
0x3be: {  	v3 =	vmul.f32 $4.000000000e+00, v3;
	v2 =	vtrunc.f32 v2  }
0x3bf: {  	v2 =	vcvt.f32.s32 v2  }
0x3c0: {  	v3 =	vtrunc.f32 v3  }
0x3c1: {  	v3 =	vcvt.f32.s32 v3;
	v32 =	vmul.u32 $0x1A, v2  }
0x3c2: {  	vm7 =	vlt.f32 v31, $0.0e+00  }
0x3c3: {  	v33 =	vsel vm7, $0x300, v1;
	v5 =	vadd.s32 v32, v3  }
0x3c4: {  	vm8 =	vlt.u32 v2, $0x18;
	vm9 =	vlt.u32 v3, $0x18;
	v2 =	vadd.s32 v33, v5  }
0x3c5: {  	vm0 =	vmand vm8, vm9;
	v2 =	vadd.s32 $0x1B, v2  }
0x3c6: {  	v2 =	vnsel vm0, $0x0, v2;
	_ =	sdelay $0x3  }
0x3c7: {  	v3 =	vand.u32 $0x7FFFFFFF, v31  }
0x3c8: {  	[tilespmem:v2+s11+$0x0] =	vst.idx.add.f32.msk vm0, v3  }
0x3c9: {  	v2 =	vld [tilespmem:$0x360];
	_ =	sdelay $0x1  }
0x3ca: {  	v3 =	vld [tilespmem:$0x760];
	_ =	sdelay $0x2  }
0x3cb: {  	v2 =	vadd.f32 $3.000000000e+00, v2;
	_ =	sdelay $0x1  }
0x3cc: {  	v3 =	vadd.f32 $3.000000000e+00, v3;
	v2 =	vmul.f32 $4.000000000e+00, v2  }
0x3cd: {  	v34 =	vld [tilespmem:$0xB60]  }
0x3ce: {  	v3 =	vmul.f32 $4.000000000e+00, v3;
	v2 =	vtrunc.f32 v2  }
0x3cf: {  	v2 =	vcvt.f32.s32 v2  }
0x3d0: {  	v3 =	vtrunc.f32 v3  }
0x3d1: {  	v3 =	vcvt.f32.s32 v3;
	v35 =	vmul.u32 $0x1A, v2  }
0x3d2: {  	vm10 =	vlt.f32 v34, $0.0e+00  }
0x3d3: {  	v36 =	vsel vm10, $0x300, v1;
	v5 =	vadd.s32 v35, v3  }
0x3d4: {  	vm11 =	vlt.u32 v2, $0x18;
	vm12 =	vlt.u32 v3, $0x18;
	v2 =	vadd.s32 v36, v5  }
0x3d5: {  	vm0 =	vmand vm11, vm12;
	v2 =	vadd.s32 $0x1B, v2  }
0x3d6: {  	v2 =	vnsel vm0, $0x0, v2;
	_ =	sdelay $0x3  }
0x3d7: {  	v3 =	vand.u32 $0x7FFFFFFF, v34  }
0x3d8: {  	[tilespmem:v2+s11+$0x0] =	vst.idx.add.f32.msk vm0, v3  }
0x3d9: {  	v2 =	vld [tilespmem:$0x370];
	_ =	sdelay $0x1  }
0x3da: {  	v3 =	vld [tilespmem:$0x770];
	_ =	sdelay $0x2  }
0x3db: {  	v2 =	vadd.f32 $3.000000000e+00, v2;
	_ =	sdelay $0x1  }
0x3dc: {  	v3 =	vadd.f32 $3.000000000e+00, v3;
	v2 =	vmul.f32 $4.000000000e+00, v2  }
0x3dd: {  	v37 =	vld [tilespmem:$0xB70]  }
0x3de: {  	v3 =	vmul.f32 $4.000000000e+00, v3;
	v2 =	vtrunc.f32 v2  }
0x3df: {  	v2 =	vcvt.f32.s32 v2  }
0x3e0: {  	v3 =	vtrunc.f32 v3  }
0x3e1: {  	v3 =	vcvt.f32.s32 v3;
	v38 =	vmul.u32 $0x1A, v2  }
0x3e2: {  	vm13 =	vlt.f32 v37, $0.0e+00  }
0x3e3: {  	v39 =	vsel vm13, $0x300, v1;
	v5 =	vadd.s32 v38, v3  }
0x3e4: {  	vm14 =	vlt.u32 v2, $0x18;
	vm15 =	vlt.u32 v3, $0x18;
	v2 =	vadd.s32 v39, v5  }
0x3e5: {  	vm0 =	vmand vm14, vm15;
	v2 =	vadd.s32 $0x1B, v2  }
0x3e6: {  	v2 =	vnsel vm0, $0x0, v2;
	_ =	sdelay $0x3  }
0x3e7: {  	v3 =	vand.u32 $0x7FFFFFFF, v37  }
0x3e8: {  	[tilespmem:v2+s11+$0x0] =	vst.idx.add.f32.msk vm0, v3  }
0x3e9: {  	v2 =	vld [tilespmem:$0x380];
	_ =	sdelay $0x1  }
0x3ea: {  	v3 =	vld [tilespmem:$0x780];
	_ =	sdelay $0x2  }
0x3eb: {  	v2 =	vadd.f32 $3.000000000e+00, v2;
	_ =	sdelay $0x1  }
0x3ec: {  	v3 =	vadd.f32 $3.000000000e+00, v3;
	v2 =	vmul.f32 $4.000000000e+00, v2  }
0x3ed: {  	v40 =	vld [tilespmem:$0xB80]  }
0x3ee: {  	v3 =	vmul.f32 $4.000000000e+00, v3;
	v2 =	vtrunc.f32 v2  }
0x3ef: {  	v2 =	vcvt.f32.s32 v2  }
0x3f0: {  	v3 =	vtrunc.f32 v3  }
0x3f1: {  	v3 =	vcvt.f32.s32 v3;
	v41 =	vmul.u32 $0x1A, v2  }
0x3f2: {  	vm4 =	vlt.f32 v40, $0.0e+00  }
0x3f3: {  	v42 =	vsel vm4, $0x300, v1;
	v5 =	vadd.s32 v41, v3  }
0x3f4: {  	vm5 =	vlt.u32 v2, $0x18;
	vm6 =	vlt.u32 v3, $0x18;
	v2 =	vadd.s32 v42, v5  }
0x3f5: {  	vm0 =	vmand vm5, vm6;
	v2 =	vadd.s32 $0x1B, v2  }
0x3f6: {  	v2 =	vnsel vm0, $0x0, v2;
	_ =	sdelay $0x3  }
0x3f7: {  	v3 =	vand.u32 $0x7FFFFFFF, v40  }
0x3f8: {  	[tilespmem:v2+s11+$0x0] =	vst.idx.add.f32.msk vm0, v3  }
0x3f9: {  	v2 =	vld [tilespmem:$0x390];
	_ =	sdelay $0x1  }
0x3fa: {  	v3 =	vld [tilespmem:$0x790];
	_ =	sdelay $0x2  }
0x3fb: {  	v2 =	vadd.f32 $3.000000000e+00, v2;
	_ =	sdelay $0x1  }
0x3fc: {  	v3 =	vadd.f32 $3.000000000e+00, v3;
	v2 =	vmul.f32 $4.000000000e+00, v2  }
0x3fd: {  	v43 =	vld [tilespmem:$0xB90]  }
0x3fe: {  	v3 =	vmul.f32 $4.000000000e+00, v3;
	v2 =	vtrunc.f32 v2  }
0x3ff: {  	v2 =	vcvt.f32.s32 v2  }
0x400: {  	v3 =	vtrunc.f32 v3  }
0x401: {  	v3 =	vcvt.f32.s32 v3;
	v44 =	vmul.u32 $0x1A, v2  }
0x402: {  	vm7 =	vlt.f32 v43, $0.0e+00  }
0x403: {  	v45 =	vsel vm7, $0x300, v1;
	v5 =	vadd.s32 v44, v3  }
0x404: {  	vm8 =	vlt.u32 v2, $0x18;
	vm9 =	vlt.u32 v3, $0x18;
	v2 =	vadd.s32 v45, v5  }
0x405: {  	vm0 =	vmand vm8, vm9;
	v2 =	vadd.s32 $0x1B, v2  }
0x406: {  	v2 =	vnsel vm0, $0x0, v2;
	_ =	sdelay $0x3  }
0x407: {  	v3 =	vand.u32 $0x7FFFFFFF, v43  }
0x408: {  	[tilespmem:v2+s11+$0x0] =	vst.idx.add.f32.msk vm0, v3  }
0x409: {  	v2 =	vld [tilespmem:$0x3A0];
	_ =	sdelay $0x1  }
0x40a: {  	v3 =	vld [tilespmem:$0x7A0];
	_ =	sdelay $0x2  }
0x40b: {  	v2 =	vadd.f32 $3.000000000e+00, v2;
	_ =	sdelay $0x1  }
0x40c: {  	v3 =	vadd.f32 $3.000000000e+00, v3;
	v2 =	vmul.f32 $4.000000000e+00, v2  }
0x40d: {  	v46 =	vld [tilespmem:$0xBA0]  }
0x40e: {  	v3 =	vmul.f32 $4.000000000e+00, v3;
	v2 =	vtrunc.f32 v2  }
0x40f: {  	v2 =	vcvt.f32.s32 v2  }
0x410: {  	v3 =	vtrunc.f32 v3  }
0x411: {  	v3 =	vcvt.f32.s32 v3;
	v47 =	vmul.u32 $0x1A, v2  }
0x412: {  	vm10 =	vlt.f32 v46, $0.0e+00  }
0x413: {  	v48 =	vsel vm10, $0x300, v1;
	v5 =	vadd.s32 v47, v3  }
0x414: {  	vm11 =	vlt.u32 v2, $0x18;
	vm12 =	vlt.u32 v3, $0x18;
	v2 =	vadd.s32 v48, v5  }
0x415: {  	vm0 =	vmand vm11, vm12;
	v2 =	vadd.s32 $0x1B, v2  }
0x416: {  	v2 =	vnsel vm0, $0x0, v2;
	_ =	sdelay $0x3  }
0x417: {  	v3 =	vand.u32 $0x7FFFFFFF, v46  }
0x418: {  	[tilespmem:v2+s11+$0x0] =	vst.idx.add.f32.msk vm0, v3  }
0x419: {  	v2 =	vld [tilespmem:$0x3B0];
	_ =	sdelay $0x1  }
0x41a: {  	v3 =	vld [tilespmem:$0x7B0];
	_ =	sdelay $0x2  }
0x41b: {  	v2 =	vadd.f32 $3.000000000e+00, v2;
	_ =	sdelay $0x1  }
0x41c: {  	v3 =	vadd.f32 $3.000000000e+00, v3;
	v2 =	vmul.f32 $4.000000000e+00, v2  }
0x41d: {  	v49 =	vld [tilespmem:$0xBB0]  }
0x41e: {  	v3 =	vmul.f32 $4.000000000e+00, v3;
	v2 =	vtrunc.f32 v2  }
0x41f: {  	v2 =	vcvt.f32.s32 v2  }
0x420: {  	v3 =	vtrunc.f32 v3  }
0x421: {  	v3 =	vcvt.f32.s32 v3;
	v50 =	vmul.u32 $0x1A, v2  }
0x422: {  	vm13 =	vlt.f32 v49, $0.0e+00  }
0x423: {  	v51 =	vsel vm13, $0x300, v1;
	v5 =	vadd.s32 v50, v3  }
0x424: {  	vm14 =	vlt.u32 v2, $0x18;
	vm15 =	vlt.u32 v3, $0x18;
	v2 =	vadd.s32 v51, v5  }
0x425: {  	vm0 =	vmand vm14, vm15;
	v2 =	vadd.s32 $0x1B, v2  }
0x426: {  	v2 =	vnsel vm0, $0x0, v2;
	_ =	sdelay $0x3  }
0x427: {  	v3 =	vand.u32 $0x7FFFFFFF, v49  }
0x428: {  	[tilespmem:v2+s11+$0x0] =	vst.idx.add.f32.msk vm0, v3  }
0x429: {  	v2 =	vld [tilespmem:$0x3C0];
	_ =	sdelay $0x1  }
0x42a: {  	v3 =	vld [tilespmem:$0x7C0];
	_ =	sdelay $0x2  }
0x42b: {  	v2 =	vadd.f32 $3.000000000e+00, v2;
	_ =	sdelay $0x1  }
0x42c: {  	v3 =	vadd.f32 $3.000000000e+00, v3;
	v2 =	vmul.f32 $4.000000000e+00, v2  }
0x42d: {  	v52 =	vld [tilespmem:$0xBC0]  }
0x42e: {  	v3 =	vmul.f32 $4.000000000e+00, v3;
	v2 =	vtrunc.f32 v2  }
0x42f: {  	v2 =	vcvt.f32.s32 v2  }
0x430: {  	v3 =	vtrunc.f32 v3  }
0x431: {  	v3 =	vcvt.f32.s32 v3;
	v53 =	vmul.u32 $0x1A, v2  }
0x432: {  	vm4 =	vlt.f32 v52, $0.0e+00  }
0x433: {  	v54 =	vsel vm4, $0x300, v1;
	v5 =	vadd.s32 v53, v3  }
0x434: {  	vm5 =	vlt.u32 v2, $0x18;
	vm6 =	vlt.u32 v3, $0x18;
	v2 =	vadd.s32 v54, v5  }
0x435: {  	vm0 =	vmand vm5, vm6;
	v2 =	vadd.s32 $0x1B, v2  }
0x436: {  	v2 =	vnsel vm0, $0x0, v2;
	_ =	sdelay $0x3  }
0x437: {  	v3 =	vand.u32 $0x7FFFFFFF, v52  }
0x438: {  	[tilespmem:v2+s11+$0x0] =	vst.idx.add.f32.msk vm0, v3  }
0x439: {  	v2 =	vld [tilespmem:$0x3D0];
	_ =	sdelay $0x1  }
0x43a: {  	v3 =	vld [tilespmem:$0x7D0];
	_ =	sdelay $0x2  }
0x43b: {  	v2 =	vadd.f32 $3.000000000e+00, v2;
	_ =	sdelay $0x1  }
0x43c: {  	v3 =	vadd.f32 $3.000000000e+00, v3;
	v2 =	vmul.f32 $4.000000000e+00, v2  }
0x43d: {  	v55 =	vld [tilespmem:$0xBD0]  }
0x43e: {  	v3 =	vmul.f32 $4.000000000e+00, v3;
	v2 =	vtrunc.f32 v2  }
0x43f: {  	v2 =	vcvt.f32.s32 v2  }
0x440: {  	v3 =	vtrunc.f32 v3  }
0x441: {  	v3 =	vcvt.f32.s32 v3;
	v56 =	vmul.u32 $0x1A, v2  }
0x442: {  	vm7 =	vlt.f32 v55, $0.0e+00  }
0x443: {  	v57 =	vsel vm7, $0x300, v1;
	v5 =	vadd.s32 v56, v3  }
0x444: {  	vm8 =	vlt.u32 v2, $0x18;
	vm9 =	vlt.u32 v3, $0x18;
	v2 =	vadd.s32 v57, v5  }
0x445: {  	vm0 =	vmand vm8, vm9;
	v2 =	vadd.s32 $0x1B, v2  }
0x446: {  	v2 =	vnsel vm0, $0x0, v2;
	_ =	sdelay $0x3  }
0x447: {  	v3 =	vand.u32 $0x7FFFFFFF, v55  }
0x448: {  	[tilespmem:v2+s11+$0x0] =	vst.idx.add.f32.msk vm0, v3  }
0x449: {  	v2 =	vld [tilespmem:$0x3E0];
	_ =	sdelay $0x1  }
0x44a: {  	v3 =	vld [tilespmem:$0x7E0];
	_ =	sdelay $0x2  }
0x44b: {  	v2 =	vadd.f32 $3.000000000e+00, v2;
	_ =	sdelay $0x1  }
0x44c: {  	v3 =	vadd.f32 $3.000000000e+00, v3;
	v2 =	vmul.f32 $4.000000000e+00, v2  }
0x44d: {  	v58 =	vld [tilespmem:$0xBE0]  }
0x44e: {  	v3 =	vmul.f32 $4.000000000e+00, v3;
	v2 =	vtrunc.f32 v2  }
0x44f: {  	v2 =	vcvt.f32.s32 v2  }
0x450: {  	v3 =	vtrunc.f32 v3  }
0x451: {  	v3 =	vcvt.f32.s32 v3;
	v59 =	vmul.u32 $0x1A, v2  }
0x452: {  	vm10 =	vlt.f32 v58, $0.0e+00  }
0x453: {  	v60 =	vsel vm10, $0x300, v1;
	v5 =	vadd.s32 v59, v3  }
0x454: {  	vm11 =	vlt.u32 v2, $0x18;
	vm12 =	vlt.u32 v3, $0x18;
	v2 =	vadd.s32 v60, v5  }
0x455: {  	vm0 =	vmand vm11, vm12;
	v2 =	vadd.s32 $0x1B, v2  }
0x456: {  	v2 =	vnsel vm0, $0x0, v2;
	_ =	sdelay $0x3  }
0x457: {  	v3 =	vand.u32 $0x7FFFFFFF, v58  }
0x458: {  	[tilespmem:v2+s11+$0x0] =	vst.idx.add.f32.msk vm0, v3  }
0x459: {  	v2 =	vld [tilespmem:$0x3F0];
	_ =	sdelay $0x1  }
0x45a: {  	v3 =	vld [tilespmem:$0x7F0];
	_ =	sdelay $0x2  }
0x45b: {  	v2 =	vadd.f32 $3.000000000e+00, v2;
	_ =	sdelay $0x1  }
0x45c: {  	v3 =	vadd.f32 $3.000000000e+00, v3;
	v2 =	vmul.f32 $4.000000000e+00, v2  }
0x45d: {  	v61 =	vld [tilespmem:$0xBF0]  }
0x45e: {  	v3 =	vmul.f32 $4.000000000e+00, v3;
	v2 =	vtrunc.f32 v2  }
0x45f: {  	v2 =	vcvt.f32.s32 v2  }
0x460: {  	v3 =	vtrunc.f32 v3  }
0x461: {  	v3 =	vcvt.f32.s32 v3;
	v62 =	vmul.u32 $0x1A, v2  }
0x462: {  	vm13 =	vlt.f32 v61, $0.0e+00  }
0x463: {  	v63 =	vsel vm13, $0x300, v1;
	v5 =	vadd.s32 v62, v3  }
0x464: {  	vm14 =	vlt.u32 v2, $0x18;
	vm15 =	vlt.u32 v3, $0x18;
	v2 =	vadd.s32 v63, v5  }
0x465: {  	vm0 =	vmand vm14, vm15;
	v2 =	vadd.s32 $0x1B, v2  }
0x466: {  	v2 =	vnsel vm0, $0x0, v2;
	_ =	sdelay $0x3  }
0x467: {  	p0 =	sne.s32 s7, $0x1;
	v3 =	vand.u32 $0x7FFFFFFF, v61  }
.Ltmp0:
0x468: {  	[tilespmem:v2+s11+$0x0] =	vst.idx.add.f32.msk vm0, v3;
	(pc) =	sbr.rel @p0 .LBB2_1-.Ltmp0, $4  }
0x469: {  	[hbm4b:s6+s12] =	stream.strided.scatter [tilespmem:s11], [sflag:$0x1], $0x600, s9, s12, $0x38;
	[tilespmem:$0x1200] =	vst v63  }
0x46a: {  	_ =	swait.ge [sflag:s8], $0x600  }
0x46b: {  	[sflag:s8] =	ssyncset.done $0x0  }
0x46c: {  	s7 =	sadd.s32 $0xFFFFFFFF, s7;
	[sflag:s8] =	ssyncadd.s32 $0xFFFFFA00  }
0x46d: {  	_ =	sfence.sel $0x180000  }
0x46e: {  	[bflag:$0x0] =	sbarrier.arrive $0xFFFF  }
0x46f: {  	p0 =	sne.s32 s1, $0x0;
	_ =	strace $0x90000047  }
0x470: {  	s0 =	sadd.s32 @!p0 $0x100000, s0;
	[bflag:$0x2] =	sbarrier.arrive $0xFFFF  }
0x471: {  	[sflag:s0] =	ssyncadd.tile.s32 @!p0 $0x1;
	_ =	shalt  }
.Lfunc_end2:
_tile_overlayer_lowered:
.L_overlay_start_2:
0x472: {  	(tag) =	ssettag $0x2  }
0x473: {  	s0 =	rddreg [dreg:$0x0];
	s2 =	stileid.u32  }
0x474: {  	s1 =	rddreg [dreg:$0x1];
	p0 =	sne.s32 s2, $0x0  }
0x475: {  	s3 =	rddreg [dreg:$0x2];
	[bflag:$0x3] =	sbarrier.arrive $0xFFFF;
	s2 =	simm.s32 @!p0 $0x1C01  }
0x476: {  	[timem:s3], [sflag:s2] =	dma.local @!p0 [hbm:s0], s1  }
0x477: {  	s0 =	simm.s32 @!p0 $0x1  }
0x478: {  	_ =	swait.ge @!p0 [sflag:s0], s1  }
0x479: {  	s1 =	ssub.s32 @!p0 $0x0, s1;
	[sflag:s0] =	ssyncset.done @!p0 $0x0  }
0x47a: {  	[sflag:s0] =	ssyncadd.s32 @!p0 s1  }
0x47b: {  	[bflag:$0x3] =	sbarrier.arrive $0xFFFF  }
0x47c: {  	_ =	shalt  }

</sc_bundles>
